<compile_context>
chip_gen: v7x
topology: tpu7x:2x2x1
jax: 0.10.2.dev20260603
libtpu: 0.0.44.dev20260713+nightly
codegen_flags: <defaults>
</compile_context>

<pallas_src>
import functools

import jax
import jax.numpy as jnp
from jax import lax
from jax.experimental import pallas as pl
from jax.experimental.pallas import tpu as pltpu
from jax.experimental.pallas import tpu_sc as plsc

NC = 2
NS = 16
NW = NC * NS


def _wid():
    return lax.axis_index("s") * NC + lax.axis_index("c")


_SC_PARAMS = pltpu.CompilerParams(needs_layout_passes=False,
                                  use_tc_tiling_on_sc=False)


def _hist_call(cols, zeros_n):
    (E,) = cols.shape
    (N,) = zeros_n.shape
    ep = E // NW
    mesh = plsc.VectorSubcoreMesh(core_axis_name="c", subcore_axis_name="s")

    @functools.partial(
        pl.kernel, mesh=mesh, compiler_params=_SC_PARAMS,
        out_type=jax.ShapeDtypeStruct((NW, N), jnp.float32),
        scratch_types=[
            pltpu.VMEM((ep,), jnp.int32),
            pltpu.VMEM((N,), jnp.float32),
        ],
    )
    def k(cols_hbm, zeros_hbm, out_hbm, cidx_v, hist_v):
        w = _wid()
        pltpu.sync_copy(cols_hbm.at[pl.ds(w * ep, ep)], cidx_v)
        pltpu.sync_copy(zeros_hbm, hist_v)
        ones = jnp.ones((16,), jnp.float32)

        def body(i, c):
            idx = cidx_v[pl.ds(i * 16, 16)]
            plsc.addupdate_scatter(hist_v, [idx], ones)
            return c

        lax.fori_loop(0, ep // 16, body, 0, unroll=4)
        pltpu.sync_copy(hist_v, out_hbm.at[w])

    return k(cols, zeros_n)


def _scatter_call(rows, cols, y, zeros_nh, C):
    (E,) = rows.shape
    N, H = y.shape
    ep = E // NW
    CH = ep // C
    NB = 5
    mesh = plsc.VectorSubcoreMesh(core_axis_name="c", subcore_axis_name="s")

    @functools.partial(
        pl.kernel, mesh=mesh, compiler_params=_SC_PARAMS,
        out_type=jax.ShapeDtypeStruct((NC, N, H), jnp.float32),
        scratch_types=[
            pltpu.VMEM((ep,), jnp.int32),
            pltpu.VMEM((ep,), jnp.int32),
            pltpu.VMEM((NB, C, H), jnp.float32),
            pltpu.VMEM_SHARED((N, H), jnp.float32),
        ] + [pltpu.SemaphoreType.DMA] * NB,
    )
    def k(rows_hbm, cols_hbm, y_hbm, zeros_hbm, out_hbm,
          ridx_v, cidx_v, yg_v, acc_sh, *sems):
        cid = lax.axis_index("c")
        sid = lax.axis_index("s")
        w = sid * NC + cid
        pltpu.sync_copy(rows_hbm.at[pl.ds(w * ep, ep)], ridx_v)
        pltpu.sync_copy(cols_hbm.at[pl.ds(w * ep, ep)], cidx_v)

        @pl.when(sid == 0)
        def _():
            pltpu.sync_copy(zeros_hbm, acc_sh)

        plsc.subcore_barrier()

        def start(j, b):
            pltpu.async_copy(
                y_hbm.at[ridx_v.at[pl.ds(j * C, C)]], yg_v.at[b], sems[b])

        for b in range(NB):
            start(b, b)

        @pl.loop(0, CH, step=NB)
        def _outer(i):
            for b in range(NB):
                j = i + b
                pltpu.make_async_copy(
                    y_hbm.at[ridx_v.at[pl.ds(j * C, C)]], yg_v.at[b],
                    sems[b]).wait()
                pltpu.sync_copy(
                    yg_v.at[b], acc_sh.at[cidx_v.at[pl.ds(j * C, C)]],
                    add=True)

                @pl.when(j + NB < CH)
                def _():
                    start(j + NB, b)

        plsc.subcore_barrier()

        @pl.when(sid == 0)
        def _():
            pltpu.sync_copy(acc_sh, out_hbm.at[cid])

    return k(rows, cols, y, zeros_nh)


def _decoder_call(rows, cols, A2, B2, sgn, nl, b16, C):
    (E,) = rows.shape
    N, K = A2.shape
    ep = E // NW
    CH = ep // C
    G = C // 16
    NB = 5
    mesh = plsc.VectorSubcoreMesh(core_axis_name="c", subcore_axis_name="s")

    @functools.partial(
        pl.kernel, mesh=mesh, compiler_params=_SC_PARAMS,
        out_type=jax.ShapeDtypeStruct((E,), jnp.float32),
        scratch_types=[
            pltpu.VMEM((ep,), jnp.int32),
            pltpu.VMEM((ep,), jnp.int32),
            pltpu.VMEM((NB, C, K), jnp.float32),
            pltpu.VMEM((NB, C, K), jnp.float32),
            pltpu.VMEM((K,), jnp.float32),
            pltpu.VMEM((ep,), jnp.float32),
            pltpu.VMEM((ep,), jnp.float32),
            pltpu.VMEM((16,), jnp.float32),
        ] + [pltpu.SemaphoreType.DMA] * (2 * NB),
    )
    def k(rows_hbm, cols_hbm, a_hbm, b_hbm, sgn_hbm, nl_hbm, b16_hbm,
          out_hbm, ridx_v, cidx_v, ar_v, bc_v, sgn_v, nl_v, ob_v, b16_v,
          *sems):
        sems_a = sems[:NB]
        sems_b = sems[NB:]
        w = _wid()
        pltpu.sync_copy(rows_hbm.at[pl.ds(w * ep, ep)], ridx_v)
        pltpu.sync_copy(cols_hbm.at[pl.ds(w * ep, ep)], cidx_v)
        pltpu.sync_copy(nl_hbm.at[pl.ds(w * ep, ep)], nl_v)
        pltpu.sync_copy(sgn_hbm, sgn_v)
        pltpu.sync_copy(b16_hbm, b16_v)
        bval = b16_v[...]
        lanes = jnp.arange(16, dtype=jnp.int32)

        def start(j, b):
            pltpu.async_copy(a_hbm.at[ridx_v.at[pl.ds(j * C, C)]],
                             ar_v.at[b], sems_a[b])
            pltpu.async_copy(b_hbm.at[cidx_v.at[pl.ds(j * C, C)]],
                             bc_v.at[b], sems_b[b])

        for b in range(NB):
            start(b, b)

        @pl.loop(0, CH, step=NB)
        def _outer(i):
            for b in range(NB):
                j = i + b
                pltpu.make_async_copy(
                    a_hbm.at[ridx_v.at[pl.ds(j * C, C)]], ar_v.at[b],
                    sems_a[b]).wait()
                pltpu.make_async_copy(
                    b_hbm.at[cidx_v.at[pl.ds(j * C, C)]], bc_v.at[b],
                    sems_b[b]).wait()
                base = j * C
                bsp = jnp.zeros((16,), jnp.int32) + b

                def kbody(kk, accs):
                    kidx = (lanes + kk) & (K - 1)
                    sgn_r = plsc.load_gather(sgn_v, [kidx])
                    out = []
                    for g in range(G):
                        r = lanes + (g * 16)
                        a = plsc.load_gather(ar_v, [bsp, r, kidx])
                        bb = plsc.load_gather(bc_v, [bsp, r, kidx])
                        u = jnp.maximum(a + bb, 0.0)
                        out.append(accs[g] + u * sgn_r)
                    return tuple(out)

                accs = lax.fori_loop(
                    0, K, kbody,
                    tuple(jnp.zeros((16,), jnp.float32) for _ in range(G)),
                    unroll=4)
                for g in range(G):
                    o = accs[g] + bval + nl_v[pl.ds(base + g * 16, 16)]
                    ob_v[pl.ds(base + g * 16, 16)] = \
                        1.0 / (1.0 + jnp.exp(-o))

                @pl.when(j + NB < CH)
                def _():
                    start(j + NB, b)

        pltpu.sync_copy(ob_v, out_hbm.at[pl.ds(w * ep, ep)])

    return k(rows, cols, A2, B2, sgn, nl, b16)


HP = 32


def _extract_call(edge_index):
    E = edge_index.shape[1]
    R = E // 128

    def body(ei_ref, rows_ref, cols_ref):
        rows_ref[...] = ei_ref[0, :].reshape(R, 128)
        cols_ref[...] = ei_ref[1, :].reshape(R, 128)

    rows2, cols2 = pl.pallas_call(
        body,
        out_shape=(jax.ShapeDtypeStruct((R, 128), jnp.int32),
                   jax.ShapeDtypeStruct((R, 128), jnp.int32)),
    )(edge_index)
    return rows2.reshape(E), cols2.reshape(E)


def _tc_pre_call(x, W_gcn, hist_t):
    N, D = x.shape
    H = W_gcn.shape[1]

    def body(x_ref, w_ref, h_ref, y_ref, dis_ref):
        deg_l = jnp.sum(h_ref[...], axis=0, keepdims=True) + 1.0
        deg = jnp.transpose(deg_l)
        dis = lax.rsqrt(deg)
        xw = jnp.dot(x_ref[...], w_ref[...],
                     preferred_element_type=jnp.float32)
        yv = xw * dis
        y_ref[...] = jnp.concatenate(
            [yv, jnp.zeros((N, HP - H), jnp.float32)], axis=1)
        dis_ref[...] = dis

    return pl.pallas_call(
        body,
        out_shape=(jax.ShapeDtypeStruct((N, HP), jnp.float32),
                   jax.ShapeDtypeStruct((N, 1), jnp.float32)),
    )(x, W_gcn, hist_t)


def _tc_tables_call(y, dis, acc_parts, bg, W1, b1, w2r, nid):
    N = y.shape[0]
    H = bg.shape[1]
    K = W1.shape[1]

    def body(y_ref, dis_ref, acc_ref, bg_ref, w1_ref, b1_ref, w2_ref,
             nid_ref, a_ref, b_ref, sgn_ref, enc_ref):
        acc = acc_ref[0, :, 0:H] + acc_ref[1, :, 0:H]
        enc = jnp.maximum(
            dis_ref[...] * (acc + y_ref[:, 0:H]) + bg_ref[...], 0.0)
        enc_ref[...] = enc
        nid = nid_ref[0]
        erow = enc_ref[pl.ds(nid, 1), :]
        w1a = w1_ref[0:H, :]
        w1b = w1_ref[H:2 * H, :]
        w1c = w1_ref[2 * H:3 * H, :]
        cvec = jnp.dot(erow, w1c, preferred_element_type=jnp.float32) \
            + b1_ref[...]
        aw2 = jnp.abs(w2_ref[...])
        a_ref[...] = (jnp.dot(enc, w1a, preferred_element_type=jnp.float32)
                      + cvec) * aw2
        b_ref[...] = jnp.dot(enc, w1b,
                             preferred_element_type=jnp.float32) * aw2
        sgn_ref[...] = jnp.sign(w2_ref[...])

    vm = pl.BlockSpec(memory_space=pltpu.VMEM)
    return pl.pallas_call(
        body,
        in_specs=[vm, vm, vm, vm, vm, vm, vm,
                  pl.BlockSpec(memory_space=pltpu.SMEM)],
        out_specs=(vm, vm, vm),
        out_shape=(jax.ShapeDtypeStruct((N, K), jnp.float32),
                   jax.ShapeDtypeStruct((N, K), jnp.float32),
                   jax.ShapeDtypeStruct((1, K), jnp.float32)),
        scratch_shapes=[pltpu.VMEM((N, H), jnp.float32)],
    )(y, dis, acc_parts, bg, W1, b1, w2r, nid)


def kernel(x, edge_index, node_id, W_gcn, b_gcn, W1, b1, W2, b2):
    N, D = x.shape
    H = W_gcn.shape[1]
    E = edge_index.shape[1]
    K = W1.shape[1]

    rows, cols = _extract_call(edge_index)

    bias = 0.0 + 0.0001
    eps = (bias - (1.0 - bias)) * jax.random.uniform(
        jax.random.key(42), (E,), dtype=jnp.float32) + (1.0 - bias)
    nl = jnp.log(eps) - jnp.log(1.0 - eps)
    b16 = jnp.broadcast_to(b2, (16,))

    zeros_n = jnp.zeros((N,), jnp.float32)
    zeros_nh = jnp.zeros((N, HP), jnp.float32)

    C = 80

    hist_parts = _hist_call(cols, zeros_n)
    y, dis = _tc_pre_call(x, W_gcn, hist_parts)
    acc_parts = _scatter_call(rows, cols, y, zeros_nh, C)
    a2, b2t, sgn = _tc_tables_call(
        y, dis, acc_parts, b_gcn.reshape(1, H), W1, b1.reshape(1, K),
        W2.reshape(1, K), jnp.asarray(node_id, jnp.int32).reshape(1))
    out = _decoder_call(rows, cols, a2, b2t, sgn.reshape(K), nl, b16, C)
    return out.reshape(E, 1)

# --- scband reference (transcript-rebuilt; emitter-appended) ---
"""Pipeline reference for scband-cfpgv2-expl-module-51548197487191 (READ-ONLY COPY).

The authoritative reference and input builder live on the scoring server;
editing this copy changes nothing except your own understanding.
"""

import jax, jax.numpy as jnp
import numpy as np

N = 10000
E = 320000
D = 128
H = 20
DEC = 64


def setup_inputs(seed: int = 0) -> dict:
    key = jax.random.key(seed)
    ks = jax.random.split(key, 10)
    x = jax.random.normal(ks[0], (N, D), dtype=jnp.float32)
    edge_index = jax.random.randint(ks[1], (2, E), 0, N, dtype=jnp.int32)
    node_id = 1234
    # GCNConv params (weight [in, out] + bias)
    W_gcn = jax.random.normal(ks[2], (D, H), dtype=jnp.float32) * (1.0 / np.sqrt(D))
    b_gcn = jnp.zeros((H,), dtype=jnp.float32)
    # decoder: Linear(3*H, DEC) -> ReLU -> Linear(DEC, 1)
    W1 = jax.random.normal(ks[3], (3 * H, DEC), dtype=jnp.float32) * (1.0 / np.sqrt(3 * H))
    b1 = jnp.zeros((DEC,), dtype=jnp.float32)
    W2 = jax.random.normal(ks[4], (DEC, 1), dtype=jnp.float32) * (1.0 / np.sqrt(DEC))
    b2 = jnp.zeros((1,), dtype=jnp.float32)
    return {"x": x, "edge_index": edge_index, "node_id": node_id,
            "W_gcn": W_gcn, "b_gcn": b_gcn, "W1": W1, "b1": b1, "W2": W2, "b2": b2}


def _gcn_conv(x, edge_index, W, b):
    n = x.shape[0]
    row = edge_index[0]
    col = edge_index[1]
    loops = jnp.arange(n, dtype=row.dtype)
    row_sl = jnp.concatenate([row, loops])
    col_sl = jnp.concatenate([col, loops])
    xw = x @ W
    deg = jax.ops.segment_sum(jnp.ones(row_sl.shape[0], dtype=xw.dtype), col_sl, num_segments=n)
    dis = jnp.where(deg > 0, deg ** -0.5, 0.0)
    norm = dis[row_sl] * dis[col_sl]
    msg = xw[row_sl] * norm[:, None]
    out = jax.ops.segment_sum(msg, col_sl, num_segments=n)
    return out + b


def reference(x, edge_index, node_id, W_gcn, b_gcn, W1, b1, W2, b2):
    # encoder: GCNConv + ReLU
    x1 = _gcn_conv(x, edge_index, W_gcn, b_gcn)
    out_enc = jax.nn.relu(x1)
    # edge representation: concat(src_embed, dst_embed, node_id embed)
    rows = edge_index[0]
    cols = edge_index[1]
    row_embeds = out_enc[rows]
    col_embeds = out_enc[cols]
    node_embed = jnp.broadcast_to(out_enc[node_id], (rows.shape[0], out_enc.shape[1]))
    z = jnp.concatenate([row_embeds, col_embeds, node_embed], axis=1)
    # decoder MLP
    d1 = jax.nn.relu(z @ W1 + b1)
    out_dec = d1 @ W2 + b2
    # _sample_graph with training=True, bias=0.0, temperature=1.0
    bias = 0.0 + 0.0001
    eps = (bias - (1.0 - bias)) * jax.random.uniform(jax.random.key(42), out_dec.shape, dtype=out_dec.dtype) + (1.0 - bias)
    gate_inputs = (jnp.log(eps) - jnp.log(1.0 - eps) + out_dec) / 1.0
    graph = jax.nn.sigmoid(gate_inputs)
    return graph

if __name__ == "__main__":
    import jax
    _d = setup_inputs()
    print(jax.jit(kernel)(*tuple(_d.values())))

</pallas_src>

<mosaic_0001>
#map = affine_map<(d0, d1) -> (0)>
#map1 = affine_map<(d0, d1) -> (0, 0)>
module attributes {stable_mosaic.version = 14 : i64} {
  func.func @k(%arg0: i32, %arg1: i32, %arg2: memref<320000xi32, #tpu.memory_space<hbm>>, %arg3: memref<10000xf32, #tpu.memory_space<hbm>>, %arg4: memref<32x10000xf32, #tpu.memory_space<hbm>>, %arg5: memref<10000xi32, #tpu.memory_space<vmem>>, %arg6: memref<10000xf32, #tpu.memory_space<vmem>>) attributes {dimension_semantics = [#tpu.dimension_semantics<core_parallel>, #tpu.dimension_semantics<subcore_parallel>], iteration_bounds = array<i64: 2, 16>, scalar_prefetch = 0 : i64, scratch_operands = 2 : i64, tpu.core_type = #tpu.core_type<sc_vector_subcore>, window_params = [{transform_indices = #map}, {transform_indices = #map}, {transform_indices = #map1}]} {
    %mul3A = arith.constant 2 : i32
    %mul3A_0 = arith.muli %arg1, %mul3A : i32
    %add3A = arith.addi %mul3A_0, %arg0 : i32
    %mul3A_1 = arith.constant 10000 : i32
    %mul3A_2 = arith.muli %add3A, %mul3A_1 : i32
    "tpu.region"() ({
      %run_scoped3A = tpu.sem_alloc : memref<!tpu.dma_semaphore, #tpu.memory_space<semaphore_mem>>
      %dma_start3A = tpu.memref_slice %arg2[%mul3A_2] : memref<320000xi32, #tpu.memory_space<hbm>> -> memref<10000xi32, #tpu.memory_space<hbm>>
      %dma_start3A_14 = tpu.memref_slice %arg2[%mul3A_2] : memref<320000xi32, #tpu.memory_space<hbm>> -> memref<10000xi32, #tpu.memory_space<hbm>>
      tpu.enqueue_dma source(%dma_start3A_14 : memref<10000xi32, #tpu.memory_space<hbm>>) target(%arg5 : memref<10000xi32, #tpu.memory_space<vmem>>) target_semaphore(%run_scoped3A : memref<!tpu.dma_semaphore, #tpu.memory_space<semaphore_mem>>)
      %dma_wait3A = tpu.memref_slice %arg2[%mul3A_2] : memref<320000xi32, #tpu.memory_space<hbm>> -> memref<10000xi32, #tpu.memory_space<hbm>>
      %dma_wait3A_15 = tpu.memref_slice %arg2[%mul3A_2] : memref<320000xi32, #tpu.memory_space<hbm>> -> memref<10000xi32, #tpu.memory_space<hbm>>
      tpu.wait_dma2 semaphore(%run_scoped3A : memref<!tpu.dma_semaphore, #tpu.memory_space<semaphore_mem>>) src(%dma_wait3A_15 : memref<10000xi32, #tpu.memory_space<hbm>>) dst(%arg5 : memref<10000xi32, #tpu.memory_space<vmem>>)
      tpu.yield
    }) : () -> ()
    "tpu.region"() ({
      %run_scoped3A = tpu.sem_alloc : memref<!tpu.dma_semaphore, #tpu.memory_space<semaphore_mem>>
      tpu.enqueue_dma source(%arg3 : memref<10000xf32, #tpu.memory_space<hbm>>) target(%arg6 : memref<10000xf32, #tpu.memory_space<vmem>>) target_semaphore(%run_scoped3A : memref<!tpu.dma_semaphore, #tpu.memory_space<semaphore_mem>>)
      tpu.wait_dma2 semaphore(%run_scoped3A : memref<!tpu.dma_semaphore, #tpu.memory_space<semaphore_mem>>) src(%arg3 : memref<10000xf32, #tpu.memory_space<hbm>>) dst(%arg6 : memref<10000xf32, #tpu.memory_space<vmem>>)
      tpu.yield
    }) : () -> ()
    %broadcast_in_dim3A = arith.constant 1.000000e+00 : f32
    %broadcast_in_dim3A_3 = vector.broadcast %broadcast_in_dim3A : f32 to vector<16xf32>
    %scan3A = arith.constant 0 : i32
    %scan3A_4 = arith.constant 0 : i32
    %scan3A_5 = arith.constant 624 : i32
    %scan3A_6 = arith.addi %scan3A_4, %scan3A_5 : i32
    %scan3A_7 = arith.constant 4 : i32
    scf.for %scan3A_14 = %scan3A_4 to %scan3A_6 step %scan3A_7  : i32 {
      %mul3A_15 = arith.constant 16 : i32
      %mul3A_16 = arith.muli %scan3A_14, %mul3A_15 : i32
      %get3A_17 = arith.index_cast %mul3A_16 : i32 to index
      %get3A_18 = tpu.vector_load %arg5[%get3A_17] {strides = array<i32>} : memref<10000xi32, #tpu.memory_space<vmem>>, vector<16xi32>,
      tpu.vector_store_idx %arg6[%get3A_18], %broadcast_in_dim3A_3 {add = true} : memref<10000xf32, #tpu.memory_space<vmem>>[vector<16xi32>], vector<16xf32>,
      %scan3A_19 = arith.constant 1 : i32
      %scan3A_20 = arith.addi %scan3A_14, %scan3A_19 : i32
      %mul3A_21 = arith.constant 16 : i32
      %mul3A_22 = arith.muli %scan3A_20, %mul3A_21 : i32
      %get3A_23 = arith.index_cast %mul3A_22 : i32 to index
      %get3A_24 = tpu.vector_load %arg5[%get3A_23] {strides = array<i32>} : memref<10000xi32, #tpu.memory_space<vmem>>, vector<16xi32>,
      tpu.vector_store_idx %arg6[%get3A_24], %broadcast_in_dim3A_3 {add = true} : memref<10000xf32, #tpu.memory_space<vmem>>[vector<16xi32>], vector<16xf32>,
      %scan3A_25 = arith.constant 2 : i32
      %scan3A_26 = arith.addi %scan3A_14, %scan3A_25 : i32
      %mul3A_27 = arith.constant 16 : i32
      %mul3A_28 = arith.muli %scan3A_26, %mul3A_27 : i32
      %get3A_29 = arith.index_cast %mul3A_28 : i32 to index
      %get3A_30 = tpu.vector_load %arg5[%get3A_29] {strides = array<i32>} : memref<10000xi32, #tpu.memory_space<vmem>>, vector<16xi32>,
      tpu.vector_store_idx %arg6[%get3A_30], %broadcast_in_dim3A_3 {add = true} : memref<10000xf32, #tpu.memory_space<vmem>>[vector<16xi32>], vector<16xf32>,
      %scan3A_31 = arith.constant 3 : i32
      %scan3A_32 = arith.addi %scan3A_14, %scan3A_31 : i32
      %mul3A_33 = arith.constant 16 : i32
      %mul3A_34 = arith.muli %scan3A_32, %mul3A_33 : i32
      %get3A_35 = arith.index_cast %mul3A_34 : i32 to index
      %get3A_36 = tpu.vector_load %arg5[%get3A_35] {strides = array<i32>} : memref<10000xi32, #tpu.memory_space<vmem>>, vector<16xi32>,
      tpu.vector_store_idx %arg6[%get3A_36], %broadcast_in_dim3A_3 {add = true} : memref<10000xf32, #tpu.memory_space<vmem>>[vector<16xi32>], vector<16xf32>,
    }
    %scan3A_8 = arith.constant 624 : i32
    %scan3A_9 = arith.addi %scan3A_4, %scan3A_8 : i32
    %mul3A_10 = arith.constant 16 : i32
    %mul3A_11 = arith.muli %scan3A_9, %mul3A_10 : i32
    %get3A = arith.index_cast %mul3A_11 : i32 to index
    %get3A_12 = tpu.vector_load %arg5[%get3A] {strides = array<i32>} : memref<10000xi32, #tpu.memory_space<vmem>>, vector<16xi32>,
    tpu.vector_store_idx %arg6[%get3A_12], %broadcast_in_dim3A_3 {add = true} : memref<10000xf32, #tpu.memory_space<vmem>>[vector<16xi32>], vector<16xf32>,
    %scan3A_13 = arith.constant 625 : i32
    "tpu.region"() ({
      %run_scoped3A = tpu.sem_alloc : memref<!tpu.dma_semaphore, #tpu.memory_space<semaphore_mem>>
      %dma_start3A = arith.constant 0 : i32
      %dma_start3A_14 = tpu.memref_slice %arg4[%add3A, %dma_start3A] : memref<32x10000xf32, #tpu.memory_space<hbm>> -> memref<1x10000xf32, #tpu.memory_space<hbm>>
      %dma_start3A_15 = tpu.memref_squeeze %dma_start3A_14 : memref<1x10000xf32, #tpu.memory_space<hbm>> -> memref<10000xf32, #tpu.memory_space<hbm>>
      %dma_start3A_16 = arith.constant 0 : i32
      %dma_start3A_17 = tpu.memref_slice %arg4[%add3A, %dma_start3A_16] : memref<32x10000xf32, #tpu.memory_space<hbm>> -> memref<1x10000xf32, #tpu.memory_space<hbm>>
      %dma_start3A_18 = tpu.memref_squeeze %dma_start3A_17 : memref<1x10000xf32, #tpu.memory_space<hbm>> -> memref<10000xf32, #tpu.memory_space<hbm>>
      tpu.enqueue_dma source(%arg6 : memref<10000xf32, #tpu.memory_space<vmem>>) target(%dma_start3A_18 : memref<10000xf32, #tpu.memory_space<hbm>>) target_semaphore(%run_scoped3A : memref<!tpu.dma_semaphore, #tpu.memory_space<semaphore_mem>>)
      %dma_wait3A = arith.constant 0 : i32
      %dma_wait3A_19 = tpu.memref_slice %arg4[%add3A, %dma_wait3A] : memref<32x10000xf32, #tpu.memory_space<hbm>> -> memref<1x10000xf32, #tpu.memory_space<hbm>>
      %dma_wait3A_20 = tpu.memref_squeeze %dma_wait3A_19 : memref<1x10000xf32, #tpu.memory_space<hbm>> -> memref<10000xf32, #tpu.memory_space<hbm>>
      %dma_wait3A_21 = arith.constant 0 : i32
      %dma_wait3A_22 = tpu.memref_slice %arg4[%add3A, %dma_wait3A_21] : memref<32x10000xf32, #tpu.memory_space<hbm>> -> memref<1x10000xf32, #tpu.memory_space<hbm>>
      %dma_wait3A_23 = tpu.memref_squeeze %dma_wait3A_22 : memref<1x10000xf32, #tpu.memory_space<hbm>> -> memref<10000xf32, #tpu.memory_space<hbm>>
      tpu.wait_dma2 semaphore(%run_scoped3A : memref<!tpu.dma_semaphore, #tpu.memory_space<semaphore_mem>>) src(%arg6 : memref<10000xf32, #tpu.memory_space<vmem>>) dst(%dma_wait3A_23 : memref<10000xf32, #tpu.memory_space<hbm>>)
      tpu.yield
    }) : () -> ()
    return
  }
}

#map = affine_map<(d0, d1) -> (0)>
#map1 = affine_map<(d0, d1) -> (0, 0)>
module attributes {stable_mosaic.version = 14 : i64} {
  func.func @k(%arg0: i32, %arg1: i32, %arg2: memref<320000xi32, #tpu.memory_space<hbm>>, %arg3: memref<320000xi32, #tpu.memory_space<hbm>>, %arg4: memref<10000x64xf32, #tpu.memory_space<hbm>>, %arg5: memref<10000x64xf32, #tpu.memory_space<hbm>>, %arg6: memref<64xf32, #tpu.memory_space<hbm>>, %arg7: memref<320000xf32, #tpu.memory_space<hbm>>, %arg8: memref<16xf32, #tpu.memory_space<hbm>>, %arg9: memref<320000xf32, #tpu.memory_space<hbm>>, %arg10: memref<10000xi32, #tpu.memory_space<vmem>>, %arg11: memref<10000xi32, #tpu.memory_space<vmem>>, %arg12: memref<5x80x64xf32, #tpu.memory_space<vmem>>, %arg13: memref<5x80x64xf32, #tpu.memory_space<vmem>>, %arg14: memref<64xf32, #tpu.memory_space<vmem>>, %arg15: memref<10000xf32, #tpu.memory_space<vmem>>, %arg16: memref<10000xf32, #tpu.memory_space<vmem>>, %arg17: memref<16xf32, #tpu.memory_space<vmem>>, %arg18: memref<!tpu.dma_semaphore, #tpu.memory_space<semaphore_mem>>, %arg19: memref<!tpu.dma_semaphore, #tpu.memory_space<semaphore_mem>>, %arg20: memref<!tpu.dma_semaphore, #tpu.memory_space<semaphore_mem>>, %arg21: memref<!tpu.dma_semaphore, #tpu.memory_space<semaphore_mem>>, %arg22: memref<!tpu.dma_semaphore, #tpu.memory_space<semaphore_mem>>, %arg23: memref<!tpu.dma_semaphore, #tpu.memory_space<semaphore_mem>>, %arg24: memref<!tpu.dma_semaphore, #tpu.memory_space<semaphore_mem>>, %arg25: memref<!tpu.dma_semaphore, #tpu.memory_space<semaphore_mem>>, %arg26: memref<!tpu.dma_semaphore, #tpu.memory_space<semaphore_mem>>, %arg27: memref<!tpu.dma_semaphore, #tpu.memory_space<semaphore_mem>>) attributes {dimension_semantics = [#tpu.dimension_semantics<core_parallel>, #tpu.dimension_semantics<subcore_parallel>], iteration_bounds = array<i64: 2, 16>, scalar_prefetch = 0 : i64, scratch_operands = 18 : i64, tpu.core_type = #tpu.core_type<sc_vector_subcore>, window_params = [{transform_indices = #map}, {transform_indices = #map}, {transform_indices = #map1}, {transform_indices = #map1}, {transform_indices = #map}, {transform_indices = #map}, {transform_indices = #map}, {transform_indices = #map}]} {
    %mul3A = arith.constant 2 : i32
    %mul3A_0 = arith.muli %arg1, %mul3A : i32
    %add3A = arith.addi %mul3A_0, %arg0 : i32
    %mul3A_1 = arith.constant 10000 : i32
    %mul3A_2 = arith.muli %add3A, %mul3A_1 : i32
    "tpu.region"() ({
      %run_scoped3A = tpu.sem_alloc : memref<!tpu.dma_semaphore, #tpu.memory_space<semaphore_mem>>
      %dma_start3A_113 = tpu.memref_slice %arg2[%mul3A_2] : memref<320000xi32, #tpu.memory_space<hbm>> -> memref<10000xi32, #tpu.memory_space<hbm>>
      %dma_start3A_114 = tpu.memref_slice %arg2[%mul3A_2] : memref<320000xi32, #tpu.memory_space<hbm>> -> memref<10000xi32, #tpu.memory_space<hbm>>
      tpu.enqueue_dma source(%dma_start3A_114 : memref<10000xi32, #tpu.memory_space<hbm>>) target(%arg10 : memref<10000xi32, #tpu.memory_space<vmem>>) target_semaphore(%run_scoped3A : memref<!tpu.dma_semaphore, #tpu.memory_space<semaphore_mem>>)
      %dma_wait3A = tpu.memref_slice %arg2[%mul3A_2] : memref<320000xi32, #tpu.memory_space<hbm>> -> memref<10000xi32, #tpu.memory_space<hbm>>
      %dma_wait3A_115 = tpu.memref_slice %arg2[%mul3A_2] : memref<320000xi32, #tpu.memory_space<hbm>> -> memref<10000xi32, #tpu.memory_space<hbm>>
      tpu.wait_dma2 semaphore(%run_scoped3A : memref<!tpu.dma_semaphore, #tpu.memory_space<semaphore_mem>>) src(%dma_wait3A_115 : memref<10000xi32, #tpu.memory_space<hbm>>) dst(%arg10 : memref<10000xi32, #tpu.memory_space<vmem>>)
      tpu.yield
    }) : () -> ()
    %mul3A_3 = arith.constant 10000 : i32
    %mul3A_4 = arith.muli %add3A, %mul3A_3 : i32
    "tpu.region"() ({
      %run_scoped3A = tpu.sem_alloc : memref<!tpu.dma_semaphore, #tpu.memory_space<semaphore_mem>>
      %dma_start3A_113 = tpu.memref_slice %arg3[%mul3A_4] : memref<320000xi32, #tpu.memory_space<hbm>> -> memref<10000xi32, #tpu.memory_space<hbm>>
      %dma_start3A_114 = tpu.memref_slice %arg3[%mul3A_4] : memref<320000xi32, #tpu.memory_space<hbm>> -> memref<10000xi32, #tpu.memory_space<hbm>>
      tpu.enqueue_dma source(%dma_start3A_114 : memref<10000xi32, #tpu.memory_space<hbm>>) target(%arg11 : memref<10000xi32, #tpu.memory_space<vmem>>) target_semaphore(%run_scoped3A : memref<!tpu.dma_semaphore, #tpu.memory_space<semaphore_mem>>)
      %dma_wait3A = tpu.memref_slice %arg3[%mul3A_4] : memref<320000xi32, #tpu.memory_space<hbm>> -> memref<10000xi32, #tpu.memory_space<hbm>>
      %dma_wait3A_115 = tpu.memref_slice %arg3[%mul3A_4] : memref<320000xi32, #tpu.memory_space<hbm>> -> memref<10000xi32, #tpu.memory_space<hbm>>
      tpu.wait_dma2 semaphore(%run_scoped3A : memref<!tpu.dma_semaphore, #tpu.memory_space<semaphore_mem>>) src(%dma_wait3A_115 : memref<10000xi32, #tpu.memory_space<hbm>>) dst(%arg11 : memref<10000xi32, #tpu.memory_space<vmem>>)
      tpu.yield
    }) : () -> ()
    %mul3A_5 = arith.constant 10000 : i32
    %mul3A_6 = arith.muli %add3A, %mul3A_5 : i32
    "tpu.region"() ({
      %run_scoped3A = tpu.sem_alloc : memref<!tpu.dma_semaphore, #tpu.memory_space<semaphore_mem>>
      %dma_start3A_113 = tpu.memref_slice %arg7[%mul3A_6] : memref<320000xf32, #tpu.memory_space<hbm>> -> memref<10000xf32, #tpu.memory_space<hbm>>
      %dma_start3A_114 = tpu.memref_slice %arg7[%mul3A_6] : memref<320000xf32, #tpu.memory_space<hbm>> -> memref<10000xf32, #tpu.memory_space<hbm>>
      tpu.enqueue_dma source(%dma_start3A_114 : memref<10000xf32, #tpu.memory_space<hbm>>) target(%arg15 : memref<10000xf32, #tpu.memory_space<vmem>>) target_semaphore(%run_scoped3A : memref<!tpu.dma_semaphore, #tpu.memory_space<semaphore_mem>>)
      %dma_wait3A = tpu.memref_slice %arg7[%mul3A_6] : memref<320000xf32, #tpu.memory_space<hbm>> -> memref<10000xf32, #tpu.memory_space<hbm>>
      %dma_wait3A_115 = tpu.memref_slice %arg7[%mul3A_6] : memref<320000xf32, #tpu.memory_space<hbm>> -> memref<10000xf32, #tpu.memory_space<hbm>>
      tpu.wait_dma2 semaphore(%run_scoped3A : memref<!tpu.dma_semaphore, #tpu.memory_space<semaphore_mem>>) src(%dma_wait3A_115 : memref<10000xf32, #tpu.memory_space<hbm>>) dst(%arg15 : memref<10000xf32, #tpu.memory_space<vmem>>)
      tpu.yield
    }) : () -> ()
    "tpu.region"() ({
      %run_scoped3A = tpu.sem_alloc : memref<!tpu.dma_semaphore, #tpu.memory_space<semaphore_mem>>
      tpu.enqueue_dma source(%arg6 : memref<64xf32, #tpu.memory_space<hbm>>) target(%arg14 : memref<64xf32, #tpu.memory_space<vmem>>) target_semaphore(%run_scoped3A : memref<!tpu.dma_semaphore, #tpu.memory_space<semaphore_mem>>)
      tpu.wait_dma2 semaphore(%run_scoped3A : memref<!tpu.dma_semaphore, #tpu.memory_space<semaphore_mem>>) src(%arg6 : memref<64xf32, #tpu.memory_space<hbm>>) dst(%arg14 : memref<64xf32, #tpu.memory_space<vmem>>)
      tpu.yield
    }) : () -> ()
    "tpu.region"() ({
      %run_scoped3A = tpu.sem_alloc : memref<!tpu.dma_semaphore, #tpu.memory_space<semaphore_mem>>
      tpu.enqueue_dma source(%arg8 : memref<16xf32, #tpu.memory_space<hbm>>) target(%arg17 : memref<16xf32, #tpu.memory_space<vmem>>) target_semaphore(%run_scoped3A : memref<!tpu.dma_semaphore, #tpu.memory_space<semaphore_mem>>)
      tpu.wait_dma2 semaphore(%run_scoped3A : memref<!tpu.dma_semaphore, #tpu.memory_space<semaphore_mem>>) src(%arg8 : memref<16xf32, #tpu.memory_space<hbm>>) dst(%arg17 : memref<16xf32, #tpu.memory_space<vmem>>)
      tpu.yield
    }) : () -> ()
    %get3A = arith.constant 0 : index
    %get3A_7 = tpu.vector_load %arg17[%get3A] {strides = array<i32>} : memref<16xf32, #tpu.memory_space<vmem>>, vector<16xf32>,
    %iota3A = tpu.iota {dimensions = array<i32: 0>} : vector<16xi32>
    %dma_start3A = arith.constant 0 : i32
    %dma_start3A_8 = arith.constant 0 : i32
    %dma_start3A_9 = arith.constant 0 : i32
    %dma_start3A_10 = tpu.memref_slice %arg12[%dma_start3A, %dma_start3A_8, %dma_start3A_9] : memref<5x80x64xf32, #tpu.memory_space<vmem>> -> memref<1x80x64xf32, #tpu.memory_space<vmem>>
    %dma_start3A_11 = tpu.memref_squeeze %dma_start3A_10 : memref<1x80x64xf32, #tpu.memory_space<vmem>> -> memref<80x64xf32, #tpu.memory_space<vmem>>
    %dma_start3A_12 = arith.constant 0 : i32
    %dma_start3A_13 = tpu.memref_slice %arg10[%dma_start3A_12] : memref<10000xi32, #tpu.memory_space<vmem>> -> memref<80xi32, #tpu.memory_space<vmem>>
    %dma_start3A_14 = arith.constant 0 : i32
    %dma_start3A_15 = arith.constant 0 : i32
    %dma_start3A_16 = tpu.memref_slice %arg4[%dma_start3A_14, %dma_start3A_15] : memref<10000x64xf32, #tpu.memory_space<hbm>> -> memref<10000x64xf32, #tpu.memory_space<hbm>>
    tpu.enqueue_indirect_dma source(%dma_start3A_16 : memref<10000x64xf32, #tpu.memory_space<hbm>>) target(%dma_start3A_11 : memref<80x64xf32, #tpu.memory_space<vmem>>) offsets(%dma_start3A_13 : memref<80xi32, #tpu.memory_space<vmem>>) semaphore(%arg18 : memref<!tpu.dma_semaphore, #tpu.memory_space<semaphore_mem>>)
    %dma_start3A_17 = arith.constant 0 : i32
    %dma_start3A_18 = arith.constant 0 : i32
    %dma_start3A_19 = arith.constant 0 : i32
    %dma_start3A_20 = tpu.memref_slice %arg13[%dma_start3A_17, %dma_start3A_18, %dma_start3A_19] : memref<5x80x64xf32, #tpu.memory_space<vmem>> -> memref<1x80x64xf32, #tpu.memory_space<vmem>>
    %dma_start3A_21 = tpu.memref_squeeze %dma_start3A_20 : memref<1x80x64xf32, #tpu.memory_space<vmem>> -> memref<80x64xf32, #tpu.memory_space<vmem>>
    %dma_start3A_22 = arith.constant 0 : i32
    %dma_start3A_23 = tpu.memref_slice %arg11[%dma_start3A_22] : memref<10000xi32, #tpu.memory_space<vmem>> -> memref<80xi32, #tpu.memory_space<vmem>>
    %dma_start3A_24 = arith.constant 0 : i32
    %dma_start3A_25 = arith.constant 0 : i32
    %dma_start3A_26 = tpu.memref_slice %arg5[%dma_start3A_24, %dma_start3A_25] : memref<10000x64xf32, #tpu.memory_space<hbm>> -> memref<10000x64xf32, #tpu.memory_space<hbm>>
    tpu.enqueue_indirect_dma source(%dma_start3A_26 : memref<10000x64xf32, #tpu.memory_space<hbm>>) target(%dma_start3A_21 : memref<80x64xf32, #tpu.memory_space<vmem>>) offsets(%dma_start3A_23 : memref<80xi32, #tpu.memory_space<vmem>>) semaphore(%arg23 : memref<!tpu.dma_semaphore, #tpu.memory_space<semaphore_mem>>)
    %dma_start3A_27 = arith.constant 1 : i32
    %dma_start3A_28 = arith.constant 0 : i32
    %dma_start3A_29 = arith.constant 0 : i32
    %dma_start3A_30 = tpu.memref_slice %arg12[%dma_start3A_27, %dma_start3A_28, %dma_start3A_29] : memref<5x80x64xf32, #tpu.memory_space<vmem>> -> memref<1x80x64xf32, #tpu.memory_space<vmem>>
    %dma_start3A_31 = tpu.memref_squeeze %dma_start3A_30 : memref<1x80x64xf32, #tpu.memory_space<vmem>> -> memref<80x64xf32, #tpu.memory_space<vmem>>
    %dma_start3A_32 = arith.constant 80 : i32
    %dma_start3A_33 = tpu.memref_slice %arg10[%dma_start3A_32] : memref<10000xi32, #tpu.memory_space<vmem>> -> memref<80xi32, #tpu.memory_space<vmem>>
    %dma_start3A_34 = arith.constant 0 : i32
    %dma_start3A_35 = arith.constant 0 : i32
    %dma_start3A_36 = tpu.memref_slice %arg4[%dma_start3A_34, %dma_start3A_35] : memref<10000x64xf32, #tpu.memory_space<hbm>> -> memref<10000x64xf32, #tpu.memory_space<hbm>>
    tpu.enqueue_indirect_dma source(%dma_start3A_36 : memref<10000x64xf32, #tpu.memory_space<hbm>>) target(%dma_start3A_31 : memref<80x64xf32, #tpu.memory_space<vmem>>) offsets(%dma_start3A_33 : memref<80xi32, #tpu.memory_space<vmem>>) semaphore(%arg19 : memref<!tpu.dma_semaphore, #tpu.memory_space<semaphore_mem>>)
    %dma_start3A_37 = arith.constant 1 : i32
    %dma_start3A_38 = arith.constant 0 : i32
    %dma_start3A_39 = arith.constant 0 : i32
    %dma_start3A_40 = tpu.memref_slice %arg13[%dma_start3A_37, %dma_start3A_38, %dma_start3A_39] : memref<5x80x64xf32, #tpu.memory_space<vmem>> -> memref<1x80x64xf32, #tpu.memory_space<vmem>>
    %dma_start3A_41 = tpu.memref_squeeze %dma_start3A_40 : memref<1x80x64xf32, #tpu.memory_space<vmem>> -> memref<80x64xf32, #tpu.memory_space<vmem>>
    %dma_start3A_42 = arith.constant 80 : i32
    %dma_start3A_43 = tpu.memref_slice %arg11[%dma_start3A_42] : memref<10000xi32, #tpu.memory_space<vmem>> -> memref<80xi32, #tpu.memory_space<vmem>>
    %dma_start3A_44 = arith.constant 0 : i32
    %dma_start3A_45 = arith.constant 0 : i32
    %dma_start3A_46 = tpu.memref_slice %arg5[%dma_start3A_44, %dma_start3A_45] : memref<10000x64xf32, #tpu.memory_space<hbm>> -> memref<10000x64xf32, #tpu.memory_space<hbm>>
    tpu.enqueue_indirect_dma source(%dma_start3A_46 : memref<10000x64xf32, #tpu.memory_space<hbm>>) target(%dma_start3A_41 : memref<80x64xf32, #tpu.memory_space<vmem>>) offsets(%dma_start3A_43 : memref<80xi32, #tpu.memory_space<vmem>>) semaphore(%arg24 : memref<!tpu.dma_semaphore, #tpu.memory_space<semaphore_mem>>)
    %dma_start3A_47 = arith.constant 2 : i32
    %dma_start3A_48 = arith.constant 0 : i32
    %dma_start3A_49 = arith.constant 0 : i32
    %dma_start3A_50 = tpu.memref_slice %arg12[%dma_start3A_47, %dma_start3A_48, %dma_start3A_49] : memref<5x80x64xf32, #tpu.memory_space<vmem>> -> memref<1x80x64xf32, #tpu.memory_space<vmem>>
    %dma_start3A_51 = tpu.memref_squeeze %dma_start3A_50 : memref<1x80x64xf32, #tpu.memory_space<vmem>> -> memref<80x64xf32, #tpu.memory_space<vmem>>
    %dma_start3A_52 = arith.constant 160 : i32
    %dma_start3A_53 = tpu.memref_slice %arg10[%dma_start3A_52] : memref<10000xi32, #tpu.memory_space<vmem>> -> memref<80xi32, #tpu.memory_space<vmem>>
    %dma_start3A_54 = arith.constant 0 : i32
    %dma_start3A_55 = arith.constant 0 : i32
    %dma_start3A_56 = tpu.memref_slice %arg4[%dma_start3A_54, %dma_start3A_55] : memref<10000x64xf32, #tpu.memory_space<hbm>> -> memref<10000x64xf32, #tpu.memory_space<hbm>>
    tpu.enqueue_indirect_dma source(%dma_start3A_56 : memref<10000x64xf32, #tpu.memory_space<hbm>>) target(%dma_start3A_51 : memref<80x64xf32, #tpu.memory_space<vmem>>) offsets(%dma_start3A_53 : memref<80xi32, #tpu.memory_space<vmem>>) semaphore(%arg20 : memref<!tpu.dma_semaphore, #tpu.memory_space<semaphore_mem>>)
    %dma_start3A_57 = arith.constant 2 : i32
    %dma_start3A_58 = arith.constant 0 : i32
    %dma_start3A_59 = arith.constant 0 : i32
    %dma_start3A_60 = tpu.memref_slice %arg13[%dma_start3A_57, %dma_start3A_58, %dma_start3A_59] : memref<5x80x64xf32, #tpu.memory_space<vmem>> -> memref<1x80x64xf32, #tpu.memory_space<vmem>>
    %dma_start3A_61 = tpu.memref_squeeze %dma_start3A_60 : memref<1x80x64xf32, #tpu.memory_space<vmem>> -> memref<80x64xf32, #tpu.memory_space<vmem>>
    %dma_start3A_62 = arith.constant 160 : i32
    %dma_start3A_63 = tpu.memref_slice %arg11[%dma_start3A_62] : memref<10000xi32, #tpu.memory_space<vmem>> -> memref<80xi32, #tpu.memory_space<vmem>>
    %dma_start3A_64 = arith.constant 0 : i32
    %dma_start3A_65 = arith.constant 0 : i32
    %dma_start3A_66 = tpu.memref_slice %arg5[%dma_start3A_64, %dma_start3A_65] : memref<10000x64xf32, #tpu.memory_space<hbm>> -> memref<10000x64xf32, #tpu.memory_space<hbm>>
    tpu.enqueue_indirect_dma source(%dma_start3A_66 : memref<10000x64xf32, #tpu.memory_space<hbm>>) target(%dma_start3A_61 : memref<80x64xf32, #tpu.memory_space<vmem>>) offsets(%dma_start3A_63 : memref<80xi32, #tpu.memory_space<vmem>>) semaphore(%arg25 : memref<!tpu.dma_semaphore, #tpu.memory_space<semaphore_mem>>)
    %dma_start3A_67 = arith.constant 3 : i32
    %dma_start3A_68 = arith.constant 0 : i32
    %dma_start3A_69 = arith.constant 0 : i32
    %dma_start3A_70 = tpu.memref_slice %arg12[%dma_start3A_67, %dma_start3A_68, %dma_start3A_69] : memref<5x80x64xf32, #tpu.memory_space<vmem>> -> memref<1x80x64xf32, #tpu.memory_space<vmem>>
    %dma_start3A_71 = tpu.memref_squeeze %dma_start3A_70 : memref<1x80x64xf32, #tpu.memory_space<vmem>> -> memref<80x64xf32, #tpu.memory_space<vmem>>
    %dma_start3A_72 = arith.constant 240 : i32
    %dma_start3A_73 = tpu.memref_slice %arg10[%dma_start3A_72] : memref<10000xi32, #tpu.memory_space<vmem>> -> memref<80xi32, #tpu.memory_space<vmem>>
    %dma_start3A_74 = arith.constant 0 : i32
    %dma_start3A_75 = arith.constant 0 : i32
    %dma_start3A_76 = tpu.memref_slice %arg4[%dma_start3A_74, %dma_start3A_75] : memref<10000x64xf32, #tpu.memory_space<hbm>> -> memref<10000x64xf32, #tpu.memory_space<hbm>>
    tpu.enqueue_indirect_dma source(%dma_start3A_76 : memref<10000x64xf32, #tpu.memory_space<hbm>>) target(%dma_start3A_71 : memref<80x64xf32, #tpu.memory_space<vmem>>) offsets(%dma_start3A_73 : memref<80xi32, #tpu.memory_space<vmem>>) semaphore(%arg21 : memref<!tpu.dma_semaphore, #tpu.memory_space<semaphore_mem>>)
    %dma_start3A_77 = arith.constant 3 : i32
    %dma_start3A_78 = arith.constant 0 : i32
    %dma_start3A_79 = arith.constant 0 : i32
    %dma_start3A_80 = tpu.memref_slice %arg13[%dma_start3A_77, %dma_start3A_78, %dma_start3A_79] : memref<5x80x64xf32, #tpu.memory_space<vmem>> -> memref<1x80x64xf32, #tpu.memory_space<vmem>>
    %dma_start3A_81 = tpu.memref_squeeze %dma_start3A_80 : memref<1x80x64xf32, #tpu.memory_space<vmem>> -> memref<80x64xf32, #tpu.memory_space<vmem>>
    %dma_start3A_82 = arith.constant 240 : i32
    %dma_start3A_83 = tpu.memref_slice %arg11[%dma_start3A_82] : memref<10000xi32, #tpu.memory_space<vmem>> -> memref<80xi32, #tpu.memory_space<vmem>>
    %dma_start3A_84 = arith.constant 0 : i32
    %dma_start3A_85 = arith.constant 0 : i32
    %dma_start3A_86 = tpu.memref_slice %arg5[%dma_start3A_84, %dma_start3A_85] : memref<10000x64xf32, #tpu.memory_space<hbm>> -> memref<10000x64xf32, #tpu.memory_space<hbm>>
    tpu.enqueue_indirect_dma source(%dma_start3A_86 : memref<10000x64xf32, #tpu.memory_space<hbm>>) target(%dma_start3A_81 : memref<80x64xf32, #tpu.memory_space<vmem>>) offsets(%dma_start3A_83 : memref<80xi32, #tpu.memory_space<vmem>>) semaphore(%arg26 : memref<!tpu.dma_semaphore, #tpu.memory_space<semaphore_mem>>)
    %dma_start3A_87 = arith.constant 4 : i32
    %dma_start3A_88 = arith.constant 0 : i32
    %dma_start3A_89 = arith.constant 0 : i32
    %dma_start3A_90 = tpu.memref_slice %arg12[%dma_start3A_87, %dma_start3A_88, %dma_start3A_89] : memref<5x80x64xf32, #tpu.memory_space<vmem>> -> memref<1x80x64xf32, #tpu.memory_space<vmem>>
    %dma_start3A_91 = tpu.memref_squeeze %dma_start3A_90 : memref<1x80x64xf32, #tpu.memory_space<vmem>> -> memref<80x64xf32, #tpu.memory_space<vmem>>
    %dma_start3A_92 = arith.constant 320 : i32
    %dma_start3A_93 = tpu.memref_slice %arg10[%dma_start3A_92] : memref<10000xi32, #tpu.memory_space<vmem>> -> memref<80xi32, #tpu.memory_space<vmem>>
    %dma_start3A_94 = arith.constant 0 : i32
    %dma_start3A_95 = arith.constant 0 : i32
    %dma_start3A_96 = tpu.memref_slice %arg4[%dma_start3A_94, %dma_start3A_95] : memref<10000x64xf32, #tpu.memory_space<hbm>> -> memref<10000x64xf32, #tpu.memory_space<hbm>>
    tpu.enqueue_indirect_dma source(%dma_start3A_96 : memref<10000x64xf32, #tpu.memory_space<hbm>>) target(%dma_start3A_91 : memref<80x64xf32, #tpu.memory_space<vmem>>) offsets(%dma_start3A_93 : memref<80xi32, #tpu.memory_space<vmem>>) semaphore(%arg22 : memref<!tpu.dma_semaphore, #tpu.memory_space<semaphore_mem>>)
    %dma_start3A_97 = arith.constant 4 : i32
    %dma_start3A_98 = arith.constant 0 : i32
    %dma_start3A_99 = arith.constant 0 : i32
    %dma_start3A_100 = tpu.memref_slice %arg13[%dma_start3A_97, %dma_start3A_98, %dma_start3A_99] : memref<5x80x64xf32, #tpu.memory_space<vmem>> -> memref<1x80x64xf32, #tpu.memory_space<vmem>>
    %dma_start3A_101 = tpu.memref_squeeze %dma_start3A_100 : memref<1x80x64xf32, #tpu.memory_space<vmem>> -> memref<80x64xf32, #tpu.memory_space<vmem>>
    %dma_start3A_102 = arith.constant 320 : i32
    %dma_start3A_103 = tpu.memref_slice %arg11[%dma_start3A_102] : memref<10000xi32, #tpu.memory_space<vmem>> -> memref<80xi32, #tpu.memory_space<vmem>>
    %dma_start3A_104 = arith.constant 0 : i32
    %dma_start3A_105 = arith.constant 0 : i32
    %dma_start3A_106 = tpu.memref_slice %arg5[%dma_start3A_104, %dma_start3A_105] : memref<10000x64xf32, #tpu.memory_space<hbm>> -> memref<10000x64xf32, #tpu.memory_space<hbm>>
    tpu.enqueue_indirect_dma source(%dma_start3A_106 : memref<10000x64xf32, #tpu.memory_space<hbm>>) target(%dma_start3A_101 : memref<80x64xf32, #tpu.memory_space<vmem>>) offsets(%dma_start3A_103 : memref<80xi32, #tpu.memory_space<vmem>>) semaphore(%arg27 : memref<!tpu.dma_semaphore, #tpu.memory_space<semaphore_mem>>)
    %scan3A = arith.constant 0 : i32
    %scan3A_107 = arith.constant 25 : i32
    %scan3A_108 = arith.addi %scan3A, %scan3A_107 : i32
    %scan3A_109 = arith.constant 1 : i32
    scf.for %scan3A_113 = %scan3A to %scan3A_108 step %scan3A_109  : i32 {
      %mul3A_114 = arith.constant 5 : i32
      %mul3A_115 = arith.muli %scan3A_113, %mul3A_114 : i32
      %add3A_116 = arith.constant 0 : i32
      %add3A_117 = arith.addi %add3A_116, %mul3A_115 : i32
      %add3A_118 = arith.constant 0 : i32
      %add3A_119 = arith.addi %add3A_117, %add3A_118 : i32
      %mul3A_120 = arith.constant 80 : i32
      %mul3A_121 = arith.muli %add3A_119, %mul3A_120 : i32
      %dma_wait3A = arith.constant 0 : i32
      %dma_wait3A_122 = arith.constant 0 : i32
      %dma_wait3A_123 = arith.constant 0 : i32
      %dma_wait3A_124 = tpu.memref_slice %arg12[%dma_wait3A, %dma_wait3A_122, %dma_wait3A_123] : memref<5x80x64xf32, #tpu.memory_space<vmem>> -> memref<1x80x64xf32, #tpu.memory_space<vmem>>
      %dma_wait3A_125 = tpu.memref_squeeze %dma_wait3A_124 : memref<1x80x64xf32, #tpu.memory_space<vmem>> -> memref<80x64xf32, #tpu.memory_space<vmem>>
      %dma_wait3A_126 = tpu.memref_slice %arg10[%mul3A_121] : memref<10000xi32, #tpu.memory_space<vmem>> -> memref<80xi32, #tpu.memory_space<vmem>>
      %dma_wait3A_127 = arith.constant 0 : i32
      %dma_wait3A_128 = arith.constant 0 : i32
      %dma_wait3A_129 = tpu.memref_slice %arg4[%dma_wait3A_127, %dma_wait3A_128] : memref<10000x64xf32, #tpu.memory_space<hbm>> -> memref<10000x64xf32, #tpu.memory_space<hbm>>
      tpu.wait_indirect_dma semaphore(%arg18 : memref<!tpu.dma_semaphore, #tpu.memory_space<semaphore_mem>>) src(%dma_wait3A_129 : memref<10000x64xf32, #tpu.memory_space<hbm>>) dst(%dma_wait3A_125 : memref<80x64xf32, #tpu.memory_space<vmem>>)
      %mul3A_130 = arith.constant 80 : i32
      %mul3A_131 = arith.muli %add3A_119, %mul3A_130 : i32
      %dma_wait3A_132 = arith.constant 0 : i32
      %dma_wait3A_133 = arith.constant 0 : i32
      %dma_wait3A_134 = arith.constant 0 : i32
      %dma_wait3A_135 = tpu.memref_slice %arg13[%dma_wait3A_132, %dma_wait3A_133, %dma_wait3A_134] : memref<5x80x64xf32, #tpu.memory_space<vmem>> -> memref<1x80x64xf32, #tpu.memory_space<vmem>>
      %dma_wait3A_136 = tpu.memref_squeeze %dma_wait3A_135 : memref<1x80x64xf32, #tpu.memory_space<vmem>> -> memref<80x64xf32, #tpu.memory_space<vmem>>
      %dma_wait3A_137 = tpu.memref_slice %arg11[%mul3A_131] : memref<10000xi32, #tpu.memory_space<vmem>> -> memref<80xi32, #tpu.memory_space<vmem>>
      %dma_wait3A_138 = arith.constant 0 : i32
      %dma_wait3A_139 = arith.constant 0 : i32
      %dma_wait3A_140 = tpu.memref_slice %arg5[%dma_wait3A_138, %dma_wait3A_139] : memref<10000x64xf32, #tpu.memory_space<hbm>> -> memref<10000x64xf32, #tpu.memory_space<hbm>>
      tpu.wait_indirect_dma semaphore(%arg23 : memref<!tpu.dma_semaphore, #tpu.memory_space<semaphore_mem>>) src(%dma_wait3A_140 : memref<10000x64xf32, #tpu.memory_space<hbm>>) dst(%dma_wait3A_136 : memref<80x64xf32, #tpu.memory_space<vmem>>)
      %mul3A_141 = arith.constant 80 : i32
      %mul3A_142 = arith.muli %add3A_119, %mul3A_141 : i32
      %broadcast_in_dim3A = arith.constant 0 : i32
      %broadcast_in_dim3A_143 = vector.broadcast %broadcast_in_dim3A : i32 to vector<16xi32>
      %add3A_144 = arith.constant 0 : i32
      %add3A_145 = vector.broadcast %add3A_144 : i32 to vector<16xi32>
      %add3A_146 = arith.addi %broadcast_in_dim3A_143, %add3A_145 : vector<16xi32>
      %broadcast_in_dim3A_147 = arith.constant 0.000000e+00 : f32
      %broadcast_in_dim3A_148 = vector.broadcast %broadcast_in_dim3A_147 : f32 to vector<16xf32>
      %broadcast_in_dim3A_149 = arith.constant 0.000000e+00 : f32
      %broadcast_in_dim3A_150 = vector.broadcast %broadcast_in_dim3A_149 : f32 to vector<16xf32>
      %broadcast_in_dim3A_151 = arith.constant 0.000000e+00 : f32
      %broadcast_in_dim3A_152 = vector.broadcast %broadcast_in_dim3A_151 : f32 to vector<16xf32>
      %broadcast_in_dim3A_153 = arith.constant 0.000000e+00 : f32
      %broadcast_in_dim3A_154 = vector.broadcast %broadcast_in_dim3A_153 : f32 to vector<16xf32>
      %broadcast_in_dim3A_155 = arith.constant 0.000000e+00 : f32
      %broadcast_in_dim3A_156 = vector.broadcast %broadcast_in_dim3A_155 : f32 to vector<16xf32>
      %scan3A_157 = arith.constant 0 : i32
      %scan3A_158 = arith.constant 64 : i32
      %scan3A_159 = arith.addi %scan3A_157, %scan3A_158 : i32
      %scan3A_160 = arith.constant 4 : i32
      %scan3A_161:5 = scf.for %scan3A_879 = %scan3A_157 to %scan3A_159 step %scan3A_160 iter_args(%scan3A_880 = %broadcast_in_dim3A_148, %scan3A_881 = %broadcast_in_dim3A_150, %scan3A_882 = %broadcast_in_dim3A_152, %scan3A_883 = %broadcast_in_dim3A_154, %scan3A_884 = %broadcast_in_dim3A_156) -> (vector<16xf32>, vector<16xf32>, vector<16xf32>, vector<16xf32>, vector<16xf32>)  : i32 {
        %add3A_885 = vector.broadcast %scan3A_879 : i32 to vector<16xi32>
        %add3A_886 = arith.addi %iota3A, %add3A_885 : vector<16xi32>
        %and3A = arith.constant 63 : i32
        %and3A_887 = vector.broadcast %and3A : i32 to vector<16xi32>
        %and3A_888 = arith.andi %add3A_886, %and3A_887 : vector<16xi32>
        %gather3A = tpu.vector_load_idx %arg14[%and3A_888] : memref<64xf32, #tpu.memory_space<vmem>>[vector<16xi32>], vector<16xf32>,
        %add3A_889 = arith.constant 0 : i32
        %add3A_890 = vector.broadcast %add3A_889 : i32 to vector<16xi32>
        %add3A_891 = arith.addi %iota3A, %add3A_890 : vector<16xi32>
        %gather3A_892 = tpu.vector_load_idx %arg12[%add3A_146, %add3A_891, %and3A_888] : memref<5x80x64xf32, #tpu.memory_space<vmem>>[vector<16xi32>, vector<16xi32>, vector<16xi32>], vector<16xf32>,
        %gather3A_893 = tpu.vector_load_idx %arg13[%add3A_146, %add3A_891, %and3A_888] : memref<5x80x64xf32, #tpu.memory_space<vmem>>[vector<16xi32>, vector<16xi32>, vector<16xi32>], vector<16xf32>,
        %add3A_894 = arith.addf %gather3A_892, %gather3A_893 : vector<16xf32>
        %max3A = arith.constant 0.000000e+00 : f32
        %max3A_895 = vector.broadcast %max3A : f32 to vector<16xf32>
        %max3A_896 = arith.maximumf %add3A_894, %max3A_895 : vector<16xf32>
        %mul3A_897 = arith.mulf %max3A_896, %gather3A : vector<16xf32>
        %add3A_898 = arith.addf %scan3A_880, %mul3A_897 : vector<16xf32>
        %add3A_899 = arith.constant 16 : i32
        %add3A_900 = vector.broadcast %add3A_899 : i32 to vector<16xi32>
        %add3A_901 = arith.addi %iota3A, %add3A_900 : vector<16xi32>
        %gather3A_902 = tpu.vector_load_idx %arg12[%add3A_146, %add3A_901, %and3A_888] : memref<5x80x64xf32, #tpu.memory_space<vmem>>[vector<16xi32>, vector<16xi32>, vector<16xi32>], vector<16xf32>,
        %gather3A_903 = tpu.vector_load_idx %arg13[%add3A_146, %add3A_901, %and3A_888] : memref<5x80x64xf32, #tpu.memory_space<vmem>>[vector<16xi32>, vector<16xi32>, vector<16xi32>], vector<16xf32>,
        %add3A_904 = arith.addf %gather3A_902, %gather3A_903 : vector<16xf32>
        %max3A_905 = arith.constant 0.000000e+00 : f32
        %max3A_906 = vector.broadcast %max3A_905 : f32 to vector<16xf32>
        %max3A_907 = arith.maximumf %add3A_904, %max3A_906 : vector<16xf32>
        %mul3A_908 = arith.mulf %max3A_907, %gather3A : vector<16xf32>
        %add3A_909 = arith.addf %scan3A_881, %mul3A_908 : vector<16xf32>
        %add3A_910 = arith.constant 32 : i32
        %add3A_911 = vector.broadcast %add3A_910 : i32 to vector<16xi32>
        %add3A_912 = arith.addi %iota3A, %add3A_911 : vector<16xi32>
        %gather3A_913 = tpu.vector_load_idx %arg12[%add3A_146, %add3A_912, %and3A_888] : memref<5x80x64xf32, #tpu.memory_space<vmem>>[vector<16xi32>, vector<16xi32>, vector<16xi32>], vector<16xf32>,
        %gather3A_914 = tpu.vector_load_idx %arg13[%add3A_146, %add3A_912, %and3A_888] : memref<5x80x64xf32, #tpu.memory_space<vmem>>[vector<16xi32>, vector<16xi32>, vector<16xi32>], vector<16xf32>,
        %add3A_915 = arith.addf %gather3A_913, %gather3A_914 : vector<16xf32>
        %max3A_916 = arith.constant 0.000000e+00 : f32
        %max3A_917 = vector.broadcast %max3A_916 : f32 to vector<16xf32>
        %max3A_918 = arith.maximumf %add3A_915, %max3A_917 : vector<16xf32>
        %mul3A_919 = arith.mulf %max3A_918, %gather3A : vector<16xf32>
        %add3A_920 = arith.addf %scan3A_882, %mul3A_919 : vector<16xf32>
        %add3A_921 = arith.constant 48 : i32
        %add3A_922 = vector.broadcast %add3A_921 : i32 to vector<16xi32>
        %add3A_923 = arith.addi %iota3A, %add3A_922 : vector<16xi32>
        %gather3A_924 = tpu.vector_load_idx %arg12[%add3A_146, %add3A_923, %and3A_888] : memref<5x80x64xf32, #tpu.memory_space<vmem>>[vector<16xi32>, vector<16xi32>, vector<16xi32>], vector<16xf32>,
        %gather3A_925 = tpu.vector_load_idx %arg13[%add3A_146, %add3A_923, %and3A_888] : memref<5x80x64xf32, #tpu.memory_space<vmem>>[vector<16xi32>, vector<16xi32>, vector<16xi32>], vector<16xf32>,
        %add3A_926 = arith.addf %gather3A_924, %gather3A_925 : vector<16xf32>
        %max3A_927 = arith.constant 0.000000e+00 : f32
        %max3A_928 = vector.broadcast %max3A_927 : f32 to vector<16xf32>
        %max3A_929 = arith.maximumf %add3A_926, %max3A_928 : vector<16xf32>
        %mul3A_930 = arith.mulf %max3A_929, %gather3A : vector<16xf32>
        %add3A_931 = arith.addf %scan3A_883, %mul3A_930 : vector<16xf32>
        %add3A_932 = arith.constant 64 : i32
        %add3A_933 = vector.broadcast %add3A_932 : i32 to vector<16xi32>
        %add3A_934 = arith.addi %iota3A, %add3A_933 : vector<16xi32>
        %gather3A_935 = tpu.vector_load_idx %arg12[%add3A_146, %add3A_934, %and3A_888] : memref<5x80x64xf32, #tpu.memory_space<vmem>>[vector<16xi32>, vector<16xi32>, vector<16xi32>], vector<16xf32>,
        %gather3A_936 = tpu.vector_load_idx %arg13[%add3A_146, %add3A_934, %and3A_888] : memref<5x80x64xf32, #tpu.memory_space<vmem>>[vector<16xi32>, vector<16xi32>, vector<16xi32>], vector<16xf32>,
        %add3A_937 = arith.addf %gather3A_935, %gather3A_936 : vector<16xf32>
        %max3A_938 = arith.constant 0.000000e+00 : f32
        %max3A_939 = vector.broadcast %max3A_938 : f32 to vector<16xf32>
        %max3A_940 = arith.maximumf %add3A_937, %max3A_939 : vector<16xf32>
        %mul3A_941 = arith.mulf %max3A_940, %gather3A : vector<16xf32>
        %add3A_942 = arith.addf %scan3A_884, %mul3A_941 : vector<16xf32>
        %scan3A_943 = arith.constant 1 : i32
        %scan3A_944 = arith.addi %scan3A_879, %scan3A_943 : i32
        %add3A_945 = vector.broadcast %scan3A_944 : i32 to vector<16xi32>
        %add3A_946 = arith.addi %iota3A, %add3A_945 : vector<16xi32>
        %and3A_947 = arith.constant 63 : i32
        %and3A_948 = vector.broadcast %and3A_947 : i32 to vector<16xi32>
        %and3A_949 = arith.andi %add3A_946, %and3A_948 : vector<16xi32>
        %gather3A_950 = tpu.vector_load_idx %arg14[%and3A_949] : memref<64xf32, #tpu.memory_space<vmem>>[vector<16xi32>], vector<16xf32>,
        %add3A_951 = arith.constant 0 : i32
        %add3A_952 = vector.broadcast %add3A_951 : i32 to vector<16xi32>
        %add3A_953 = arith.addi %iota3A, %add3A_952 : vector<16xi32>
        %gather3A_954 = tpu.vector_load_idx %arg12[%add3A_146, %add3A_953, %and3A_949] : memref<5x80x64xf32, #tpu.memory_space<vmem>>[vector<16xi32>, vector<16xi32>, vector<16xi32>], vector<16xf32>,
        %gather3A_955 = tpu.vector_load_idx %arg13[%add3A_146, %add3A_953, %and3A_949] : memref<5x80x64xf32, #tpu.memory_space<vmem>>[vector<16xi32>, vector<16xi32>, vector<16xi32>], vector<16xf32>,
        %add3A_956 = arith.addf %gather3A_954, %gather3A_955 : vector<16xf32>
        %max3A_957 = arith.constant 0.000000e+00 : f32
        %max3A_958 = vector.broadcast %max3A_957 : f32 to vector<16xf32>
        %max3A_959 = arith.maximumf %add3A_956, %max3A_958 : vector<16xf32>
        %mul3A_960 = arith.mulf %max3A_959, %gather3A_950 : vector<16xf32>
        %add3A_961 = arith.addf %add3A_898, %mul3A_960 : vector<16xf32>
        %add3A_962 = arith.constant 16 : i32
        %add3A_963 = vector.broadcast %add3A_962 : i32 to vector<16xi32>
        %add3A_964 = arith.addi %iota3A, %add3A_963 : vector<16xi32>
        %gather3A_965 = tpu.vector_load_idx %arg12[%add3A_146, %add3A_964, %and3A_949] : memref<5x80x64xf32, #tpu.memory_space<vmem>>[vector<16xi32>, vector<16xi32>, vector<16xi32>], vector<16xf32>,
        %gather3A_966 = tpu.vector_load_idx %arg13[%add3A_146, %add3A_964, %and3A_949] : memref<5x80x64xf32, #tpu.memory_space<vmem>>[vector<16xi32>, vector<16xi32>, vector<16xi32>], vector<16xf32>,
        %add3A_967 = arith.addf %gather3A_965, %gather3A_966 : vector<16xf32>
        %max3A_968 = arith.constant 0.000000e+00 : f32
        %max3A_969 = vector.broadcast %max3A_968 : f32 to vector<16xf32>
        %max3A_970 = arith.maximumf %add3A_967, %max3A_969 : vector<16xf32>
        %mul3A_971 = arith.mulf %max3A_970, %gather3A_950 : vector<16xf32>
        %add3A_972 = arith.addf %add3A_909, %mul3A_971 : vector<16xf32>
        %add3A_973 = arith.constant 32 : i32
        %add3A_974 = vector.broadcast %add3A_973 : i32 to vector<16xi32>
        %add3A_975 = arith.addi %iota3A, %add3A_974 : vector<16xi32>
        %gather3A_976 = tpu.vector_load_idx %arg12[%add3A_146, %add3A_975, %and3A_949] : memref<5x80x64xf32, #tpu.memory_space<vmem>>[vector<16xi32>, vector<16xi32>, vector<16xi32>], vector<16xf32>,
        %gather3A_977 = tpu.vector_load_idx %arg13[%add3A_146, %add3A_975, %and3A_949] : memref<5x80x64xf32, #tpu.memory_space<vmem>>[vector<16xi32>, vector<16xi32>, vector<16xi32>], vector<16xf32>,
        %add3A_978 = arith.addf %gather3A_976, %gather3A_977 : vector<16xf32>
        %max3A_979 = arith.constant 0.000000e+00 : f32
        %max3A_980 = vector.broadcast %max3A_979 : f32 to vector<16xf32>
        %max3A_981 = arith.maximumf %add3A_978, %max3A_980 : vector<16xf32>
        %mul3A_982 = arith.mulf %max3A_981, %gather3A_950 : vector<16xf32>
        %add3A_983 = arith.addf %add3A_920, %mul3A_982 : vector<16xf32>
        %add3A_984 = arith.constant 48 : i32
        %add3A_985 = vector.broadcast %add3A_984 : i32 to vector<16xi32>
        %add3A_986 = arith.addi %iota3A, %add3A_985 : vector<16xi32>
        %gather3A_987 = tpu.vector_load_idx %arg12[%add3A_146, %add3A_986, %and3A_949] : memref<5x80x64xf32, #tpu.memory_space<vmem>>[vector<16xi32>, vector<16xi32>, vector<16xi32>], vector<16xf32>,
        %gather3A_988 = tpu.vector_load_idx %arg13[%add3A_146, %add3A_986, %and3A_949] : memref<5x80x64xf32, #tpu.memory_space<vmem>>[vector<16xi32>, vector<16xi32>, vector<16xi32>], vector<16xf32>,
        %add3A_989 = arith.addf %gather3A_987, %gather3A_988 : vector<16xf32>
        %max3A_990 = arith.constant 0.000000e+00 : f32
        %max3A_991 = vector.broadcast %max3A_990 : f32 to vector<16xf32>
        %max3A_992 = arith.maximumf %add3A_989, %max3A_991 : vector<16xf32>
        %mul3A_993 = arith.mulf %max3A_992, %gather3A_950 : vector<16xf32>
        %add3A_994 = arith.addf %add3A_931, %mul3A_993 : vector<16xf32>
        %add3A_995 = arith.constant 64 : i32
        %add3A_996 = vector.broadcast %add3A_995 : i32 to vector<16xi32>
        %add3A_997 = arith.addi %iota3A, %add3A_996 : vector<16xi32>
        %gather3A_998 = tpu.vector_load_idx %arg12[%add3A_146, %add3A_997, %and3A_949] : memref<5x80x64xf32, #tpu.memory_space<vmem>>[vector<16xi32>, vector<16xi32>, vector<16xi32>], vector<16xf32>,
        %gather3A_999 = tpu.vector_load_idx %arg13[%add3A_146, %add3A_997, %and3A_949] : memref<5x80x64xf32, #tpu.memory_space<vmem>>[vector<16xi32>, vector<16xi32>, vector<16xi32>], vector<16xf32>,
        %add3A_1000 = arith.addf %gather3A_998, %gather3A_999 : vector<16xf32>
        %max3A_1001 = arith.constant 0.000000e+00 : f32
        %max3A_1002 = vector.broadcast %max3A_1001 : f32 to vector<16xf32>
        %max3A_1003 = arith.maximumf %add3A_1000, %max3A_1002 : vector<16xf32>
        %mul3A_1004 = arith.mulf %max3A_1003, %gather3A_950 : vector<16xf32>
        %add3A_1005 = arith.addf %add3A_942, %mul3A_1004 : vector<16xf32>
        %scan3A_1006 = arith.constant 2 : i32
        %scan3A_1007 = arith.addi %scan3A_879, %scan3A_1006 : i32
        %add3A_1008 = vector.broadcast %scan3A_1007 : i32 to vector<16xi32>
        %add3A_1009 = arith.addi %iota3A, %add3A_1008 : vector<16xi32>
        %and3A_1010 = arith.constant 63 : i32
        %and3A_1011 = vector.broadcast %and3A_1010 : i32 to vector<16xi32>
        %and3A_1012 = arith.andi %add3A_1009, %and3A_1011 : vector<16xi32>
        %gather3A_1013 = tpu.vector_load_idx %arg14[%and3A_1012] : memref<64xf32, #tpu.memory_space<vmem>>[vector<16xi32>], vector<16xf32>,
        %add3A_1014 = arith.constant 0 : i32
        %add3A_1015 = vector.broadcast %add3A_1014 : i32 to vector<16xi32>
        %add3A_1016 = arith.addi %iota3A, %add3A_1015 : vector<16xi32>
        %gather3A_1017 = tpu.vector_load_idx %arg12[%add3A_146, %add3A_1016, %and3A_1012] : memref<5x80x64xf32, #tpu.memory_space<vmem>>[vector<16xi32>, vector<16xi32>, vector<16xi32>], vector<16xf32>,
        %gather3A_1018 = tpu.vector_load_idx %arg13[%add3A_146, %add3A_1016, %and3A_1012] : memref<5x80x64xf32, #tpu.memory_space<vmem>>[vector<16xi32>, vector<16xi32>, vector<16xi32>], vector<16xf32>,
        %add3A_1019 = arith.addf %gather3A_1017, %gather3A_1018 : vector<16xf32>
        %max3A_1020 = arith.constant 0.000000e+00 : f32
        %max3A_1021 = vector.broadcast %max3A_1020 : f32 to vector<16xf32>
        %max3A_1022 = arith.maximumf %add3A_1019, %max3A_1021 : vector<16xf32>
        %mul3A_1023 = arith.mulf %max3A_1022, %gather3A_1013 : vector<16xf32>
        %add3A_1024 = arith.addf %add3A_961, %mul3A_1023 : vector<16xf32>
        %add3A_1025 = arith.constant 16 : i32
        %add3A_1026 = vector.broadcast %add3A_1025 : i32 to vector<16xi32>
        %add3A_1027 = arith.addi %iota3A, %add3A_1026 : vector<16xi32>
        %gather3A_1028 = tpu.vector_load_idx %arg12[%add3A_146, %add3A_1027, %and3A_1012] : memref<5x80x64xf32, #tpu.memory_space<vmem>>[vector<16xi32>, vector<16xi32>, vector<16xi32>], vector<16xf32>,
        %gather3A_1029 = tpu.vector_load_idx %arg13[%add3A_146, %add3A_1027, %and3A_1012] : memref<5x80x64xf32, #tpu.memory_space<vmem>>[vector<16xi32>, vector<16xi32>, vector<16xi32>], vector<16xf32>,
        %add3A_1030 = arith.addf %gather3A_1028, %gather3A_1029 : vector<16xf32>
        %max3A_1031 = arith.constant 0.000000e+00 : f32
        %max3A_1032 = vector.broadcast %max3A_1031 : f32 to vector<16xf32>
        %max3A_1033 = arith.maximumf %add3A_1030, %max3A_1032 : vector<16xf32>
        %mul3A_1034 = arith.mulf %max3A_1033, %gather3A_1013 : vector<16xf32>
        %add3A_1035 = arith.addf %add3A_972, %mul3A_1034 : vector<16xf32>
        %add3A_1036 = arith.constant 32 : i32
        %add3A_1037 = vector.broadcast %add3A_1036 : i32 to vector<16xi32>
        %add3A_1038 = arith.addi %iota3A, %add3A_1037 : vector<16xi32>
        %gather3A_1039 = tpu.vector_load_idx %arg12[%add3A_146, %add3A_1038, %and3A_1012] : memref<5x80x64xf32, #tpu.memory_space<vmem>>[vector<16xi32>, vector<16xi32>, vector<16xi32>], vector<16xf32>,
        %gather3A_1040 = tpu.vector_load_idx %arg13[%add3A_146, %add3A_1038, %and3A_1012] : memref<5x80x64xf32, #tpu.memory_space<vmem>>[vector<16xi32>, vector<16xi32>, vector<16xi32>], vector<16xf32>,
        %add3A_1041 = arith.addf %gather3A_1039, %gather3A_1040 : vector<16xf32>
        %max3A_1042 = arith.constant 0.000000e+00 : f32
        %max3A_1043 = vector.broadcast %max3A_1042 : f32 to vector<16xf32>
        %max3A_1044 = arith.maximumf %add3A_1041, %max3A_1043 : vector<16xf32>
        %mul3A_1045 = arith.mulf %max3A_1044, %gather3A_1013 : vector<16xf32>
        %add3A_1046 = arith.addf %add3A_983, %mul3A_1045 : vector<16xf32>
        %add3A_1047 = arith.constant 48 : i32
        %add3A_1048 = vector.broadcast %add3A_1047 : i32 to vector<16xi32>
        %add3A_1049 = arith.addi %iota3A, %add3A_1048 : vector<16xi32>
        %gather3A_1050 = tpu.vector_load_idx %arg12[%add3A_146, %add3A_1049, %and3A_1012] : memref<5x80x64xf32, #tpu.memory_space<vmem>>[vector<16xi32>, vector<16xi32>, vector<16xi32>], vector<16xf32>,
        %gather3A_1051 = tpu.vector_load_idx %arg13[%add3A_146, %add3A_1049, %and3A_1012] : memref<5x80x64xf32, #tpu.memory_space<vmem>>[vector<16xi32>, vector<16xi32>, vector<16xi32>], vector<16xf32>,
        %add3A_1052 = arith.addf %gather3A_1050, %gather3A_1051 : vector<16xf32>
        %max3A_1053 = arith.constant 0.000000e+00 : f32
        %max3A_1054 = vector.broadcast %max3A_1053 : f32 to vector<16xf32>
        %max3A_1055 = arith.maximumf %add3A_1052, %max3A_1054 : vector<16xf32>
        %mul3A_1056 = arith.mulf %max3A_1055, %gather3A_1013 : vector<16xf32>
        %add3A_1057 = arith.addf %add3A_994, %mul3A_1056 : vector<16xf32>
        %add3A_1058 = arith.constant 64 : i32
        %add3A_1059 = vector.broadcast %add3A_1058 : i32 to vector<16xi32>
        %add3A_1060 = arith.addi %iota3A, %add3A_1059 : vector<16xi32>
        %gather3A_1061 = tpu.vector_load_idx %arg12[%add3A_146, %add3A_1060, %and3A_1012] : memref<5x80x64xf32, #tpu.memory_space<vmem>>[vector<16xi32>, vector<16xi32>, vector<16xi32>], vector<16xf32>,
        %gather3A_1062 = tpu.vector_load_idx %arg13[%add3A_146, %add3A_1060, %and3A_1012] : memref<5x80x64xf32, #tpu.memory_space<vmem>>[vector<16xi32>, vector<16xi32>, vector<16xi32>], vector<16xf32>,
        %add3A_1063 = arith.addf %gather3A_1061, %gather3A_1062 : vector<16xf32>
        %max3A_1064 = arith.constant 0.000000e+00 : f32
        %max3A_1065 = vector.broadcast %max3A_1064 : f32 to vector<16xf32>
        %max3A_1066 = arith.maximumf %add3A_1063, %max3A_1065 : vector<16xf32>
        %mul3A_1067 = arith.mulf %max3A_1066, %gather3A_1013 : vector<16xf32>
        %add3A_1068 = arith.addf %add3A_1005, %mul3A_1067 : vector<16xf32>
        %scan3A_1069 = arith.constant 3 : i32
        %scan3A_1070 = arith.addi %scan3A_879, %scan3A_1069 : i32
        %add3A_1071 = vector.broadcast %scan3A_1070 : i32 to vector<16xi32>
        %add3A_1072 = arith.addi %iota3A, %add3A_1071 : vector<16xi32>
        %and3A_1073 = arith.constant 63 : i32
        %and3A_1074 = vector.broadcast %and3A_1073 : i32 to vector<16xi32>
        %and3A_1075 = arith.andi %add3A_1072, %and3A_1074 : vector<16xi32>
        %gather3A_1076 = tpu.vector_load_idx %arg14[%and3A_1075] : memref<64xf32, #tpu.memory_space<vmem>>[vector<16xi32>], vector<16xf32>,
        %add3A_1077 = arith.constant 0 : i32
        %add3A_1078 = vector.broadcast %add3A_1077 : i32 to vector<16xi32>
        %add3A_1079 = arith.addi %iota3A, %add3A_1078 : vector<16xi32>
        %gather3A_1080 = tpu.vector_load_idx %arg12[%add3A_146, %add3A_1079, %and3A_1075] : memref<5x80x64xf32, #tpu.memory_space<vmem>>[vector<16xi32>, vector<16xi32>, vector<16xi32>], vector<16xf32>,
        %gather3A_1081 = tpu.vector_load_idx %arg13[%add3A_146, %add3A_1079, %and3A_1075] : memref<5x80x64xf32, #tpu.memory_space<vmem>>[vector<16xi32>, vector<16xi32>, vector<16xi32>], vector<16xf32>,
        %add3A_1082 = arith.addf %gather3A_1080, %gather3A_1081 : vector<16xf32>
        %max3A_1083 = arith.constant 0.000000e+00 : f32
        %max3A_1084 = vector.broadcast %max3A_1083 : f32 to vector<16xf32>
        %max3A_1085 = arith.maximumf %add3A_1082, %max3A_1084 : vector<16xf32>
        %mul3A_1086 = arith.mulf %max3A_1085, %gather3A_1076 : vector<16xf32>
        %add3A_1087 = arith.addf %add3A_1024, %mul3A_1086 : vector<16xf32>
        %add3A_1088 = arith.constant 16 : i32
        %add3A_1089 = vector.broadcast %add3A_1088 : i32 to vector<16xi32>
        %add3A_1090 = arith.addi %iota3A, %add3A_1089 : vector<16xi32>
        %gather3A_1091 = tpu.vector_load_idx %arg12[%add3A_146, %add3A_1090, %and3A_1075] : memref<5x80x64xf32, #tpu.memory_space<vmem>>[vector<16xi32>, vector<16xi32>, vector<16xi32>], vector<16xf32>,
        %gather3A_1092 = tpu.vector_load_idx %arg13[%add3A_146, %add3A_1090, %and3A_1075] : memref<5x80x64xf32, #tpu.memory_space<vmem>>[vector<16xi32>, vector<16xi32>, vector<16xi32>], vector<16xf32>,
        %add3A_1093 = arith.addf %gather3A_1091, %gather3A_1092 : vector<16xf32>
        %max3A_1094 = arith.constant 0.000000e+00 : f32
        %max3A_1095 = vector.broadcast %max3A_1094 : f32 to vector<16xf32>
        %max3A_1096 = arith.maximumf %add3A_1093, %max3A_1095 : vector<16xf32>
        %mul3A_1097 = arith.mulf %max3A_1096, %gather3A_1076 : vector<16xf32>
        %add3A_1098 = arith.addf %add3A_1035, %mul3A_1097 : vector<16xf32>
        %add3A_1099 = arith.constant 32 : i32
        %add3A_1100 = vector.broadcast %add3A_1099 : i32 to vector<16xi32>
        %add3A_1101 = arith.addi %iota3A, %add3A_1100 : vector<16xi32>
        %gather3A_1102 = tpu.vector_load_idx %arg12[%add3A_146, %add3A_1101, %and3A_1075] : memref<5x80x64xf32, #tpu.memory_space<vmem>>[vector<16xi32>, vector<16xi32>, vector<16xi32>], vector<16xf32>,
        %gather3A_1103 = tpu.vector_load_idx %arg13[%add3A_146, %add3A_1101, %and3A_1075] : memref<5x80x64xf32, #tpu.memory_space<vmem>>[vector<16xi32>, vector<16xi32>, vector<16xi32>], vector<16xf32>,
        %add3A_1104 = arith.addf %gather3A_1102, %gather3A_1103 : vector<16xf32>
        %max3A_1105 = arith.constant 0.000000e+00 : f32
        %max3A_1106 = vector.broadcast %max3A_1105 : f32 to vector<16xf32>
        %max3A_1107 = arith.maximumf %add3A_1104, %max3A_1106 : vector<16xf32>
        %mul3A_1108 = arith.mulf %max3A_1107, %gather3A_1076 : vector<16xf32>
        %add3A_1109 = arith.addf %add3A_1046, %mul3A_1108 : vector<16xf32>
        %add3A_1110 = arith.constant 48 : i32
        %add3A_1111 = vector.broadcast %add3A_1110 : i32 to vector<16xi32>
        %add3A_1112 = arith.addi %iota3A, %add3A_1111 : vector<16xi32>
        %gather3A_1113 = tpu.vector_load_idx %arg12[%add3A_146, %add3A_1112, %and3A_1075] : memref<5x80x64xf32, #tpu.memory_space<vmem>>[vector<16xi32>, vector<16xi32>, vector<16xi32>], vector<16xf32>,
        %gather3A_1114 = tpu.vector_load_idx %arg13[%add3A_146, %add3A_1112, %and3A_1075] : memref<5x80x64xf32, #tpu.memory_space<vmem>>[vector<16xi32>, vector<16xi32>, vector<16xi32>], vector<16xf32>,
        %add3A_1115 = arith.addf %gather3A_1113, %gather3A_1114 : vector<16xf32>
        %max3A_1116 = arith.constant 0.000000e+00 : f32
        %max3A_1117 = vector.broadcast %max3A_1116 : f32 to vector<16xf32>
        %max3A_1118 = arith.maximumf %add3A_1115, %max3A_1117 : vector<16xf32>
        %mul3A_1119 = arith.mulf %max3A_1118, %gather3A_1076 : vector<16xf32>
        %add3A_1120 = arith.addf %add3A_1057, %mul3A_1119 : vector<16xf32>
        %add3A_1121 = arith.constant 64 : i32
        %add3A_1122 = vector.broadcast %add3A_1121 : i32 to vector<16xi32>
        %add3A_1123 = arith.addi %iota3A, %add3A_1122 : vector<16xi32>
        %gather3A_1124 = tpu.vector_load_idx %arg12[%add3A_146, %add3A_1123, %and3A_1075] : memref<5x80x64xf32, #tpu.memory_space<vmem>>[vector<16xi32>, vector<16xi32>, vector<16xi32>], vector<16xf32>,
        %gather3A_1125 = tpu.vector_load_idx %arg13[%add3A_146, %add3A_1123, %and3A_1075] : memref<5x80x64xf32, #tpu.memory_space<vmem>>[vector<16xi32>, vector<16xi32>, vector<16xi32>], vector<16xf32>,
        %add3A_1126 = arith.addf %gather3A_1124, %gather3A_1125 : vector<16xf32>
        %max3A_1127 = arith.constant 0.000000e+00 : f32
        %max3A_1128 = vector.broadcast %max3A_1127 : f32 to vector<16xf32>
        %max3A_1129 = arith.maximumf %add3A_1126, %max3A_1128 : vector<16xf32>
        %mul3A_1130 = arith.mulf %max3A_1129, %gather3A_1076 : vector<16xf32>
        %add3A_1131 = arith.addf %add3A_1068, %mul3A_1130 : vector<16xf32>
        scf.yield %add3A_1087, %add3A_1098, %add3A_1109, %add3A_1120, %add3A_1131 : vector<16xf32>, vector<16xf32>, vector<16xf32>, vector<16xf32>, vector<16xf32>
      }
      %scan3A_162 = arith.constant 64 : i32
      %add3A_163 = arith.addf %scan3A_161#0, %get3A_7 : vector<16xf32>
      %add3A_164 = arith.constant 0 : i32
      %add3A_165 = arith.addi %mul3A_142, %add3A_164 : i32
      %get3A_166 = arith.index_cast %add3A_165 : i32 to index
      %get3A_167 = tpu.vector_load %arg15[%get3A_166] {strides = array<i32>} : memref<10000xf32, #tpu.memory_space<vmem>>, vector<16xf32>,
      %add3A_168 = arith.addf %add3A_163, %get3A_167 : vector<16xf32>
      %neg3A = arith.constant 0.000000e+00 : f32
      %neg3A_169 = vector.broadcast %neg3A : f32 to vector<16xf32>
      %neg3A_170 = arith.subf %neg3A_169, %add3A_168 : vector<16xf32>
      %exp3A = math.exp %neg3A_170 : vector<16xf32>
      %add3A_171 = arith.constant 1.000000e+00 : f32
      %add3A_172 = vector.broadcast %add3A_171 : f32 to vector<16xf32>
      %add3A_173 = arith.addf %add3A_172, %exp3A : vector<16xf32>
      %div3A = arith.constant 1.000000e+00 : f32
      %div3A_174 = vector.broadcast %div3A : f32 to vector<16xf32>
      %div3A_175 = arith.divf %div3A_174, %add3A_173 : vector<16xf32>
      %add3A_176 = arith.constant 0 : i32
      %add3A_177 = arith.addi %mul3A_142, %add3A_176 : i32
      %swap3A = arith.index_cast %add3A_177 : i32 to index
      %swap3A_178 = tpu.vector_load %arg16[%swap3A] {strides = array<i32>} : memref<10000xf32, #tpu.memory_space<vmem>>, vector<16xf32>,
      tpu.vector_store %arg16[%swap3A], %div3A_175 {strides = array<i32>} : memref<10000xf32, #tpu.memory_space<vmem>>, vector<16xf32>,
      %add3A_179 = arith.addf %scan3A_161#1, %get3A_7 : vector<16xf32>
      %add3A_180 = arith.constant 16 : i32
      %add3A_181 = arith.addi %mul3A_142, %add3A_180 : i32
      %get3A_182 = arith.index_cast %add3A_181 : i32 to index
      %get3A_183 = tpu.vector_load %arg15[%get3A_182] {strides = array<i32>} : memref<10000xf32, #tpu.memory_space<vmem>>, vector<16xf32>,
      %add3A_184 = arith.addf %add3A_179, %get3A_183 : vector<16xf32>
      %neg3A_185 = arith.constant 0.000000e+00 : f32
      %neg3A_186 = vector.broadcast %neg3A_185 : f32 to vector<16xf32>
      %neg3A_187 = arith.subf %neg3A_186, %add3A_184 : vector<16xf32>
      %exp3A_188 = math.exp %neg3A_187 : vector<16xf32>
      %add3A_189 = arith.constant 1.000000e+00 : f32
      %add3A_190 = vector.broadcast %add3A_189 : f32 to vector<16xf32>
      %add3A_191 = arith.addf %add3A_190, %exp3A_188 : vector<16xf32>
      %div3A_192 = arith.constant 1.000000e+00 : f32
      %div3A_193 = vector.broadcast %div3A_192 : f32 to vector<16xf32>
      %div3A_194 = arith.divf %div3A_193, %add3A_191 : vector<16xf32>
      %add3A_195 = arith.constant 16 : i32
      %add3A_196 = arith.addi %mul3A_142, %add3A_195 : i32
      %swap3A_197 = arith.index_cast %add3A_196 : i32 to index
      %swap3A_198 = tpu.vector_load %arg16[%swap3A_197] {strides = array<i32>} : memref<10000xf32, #tpu.memory_space<vmem>>, vector<16xf32>,
      tpu.vector_store %arg16[%swap3A_197], %div3A_194 {strides = array<i32>} : memref<10000xf32, #tpu.memory_space<vmem>>, vector<16xf32>,
      %add3A_199 = arith.addf %scan3A_161#2, %get3A_7 : vector<16xf32>
      %add3A_200 = arith.constant 32 : i32
      %add3A_201 = arith.addi %mul3A_142, %add3A_200 : i32
      %get3A_202 = arith.index_cast %add3A_201 : i32 to index
      %get3A_203 = tpu.vector_load %arg15[%get3A_202] {strides = array<i32>} : memref<10000xf32, #tpu.memory_space<vmem>>, vector<16xf32>,
      %add3A_204 = arith.addf %add3A_199, %get3A_203 : vector<16xf32>
      %neg3A_205 = arith.constant 0.000000e+00 : f32
      %neg3A_206 = vector.broadcast %neg3A_205 : f32 to vector<16xf32>
      %neg3A_207 = arith.subf %neg3A_206, %add3A_204 : vector<16xf32>
      %exp3A_208 = math.exp %neg3A_207 : vector<16xf32>
      %add3A_209 = arith.constant 1.000000e+00 : f32
      %add3A_210 = vector.broadcast %add3A_209 : f32 to vector<16xf32>
      %add3A_211 = arith.addf %add3A_210, %exp3A_208 : vector<16xf32>
      %div3A_212 = arith.constant 1.000000e+00 : f32
      %div3A_213 = vector.broadcast %div3A_212 : f32 to vector<16xf32>
      %div3A_214 = arith.divf %div3A_213, %add3A_211 : vector<16xf32>
      %add3A_215 = arith.constant 32 : i32
      %add3A_216 = arith.addi %mul3A_142, %add3A_215 : i32
      %swap3A_217 = arith.index_cast %add3A_216 : i32 to index
      %swap3A_218 = tpu.vector_load %arg16[%swap3A_217] {strides = array<i32>} : memref<10000xf32, #tpu.memory_space<vmem>>, vector<16xf32>,
      tpu.vector_store %arg16[%swap3A_217], %div3A_214 {strides = array<i32>} : memref<10000xf32, #tpu.memory_space<vmem>>, vector<16xf32>,
      %add3A_219 = arith.addf %scan3A_161#3, %get3A_7 : vector<16xf32>
      %add3A_220 = arith.constant 48 : i32
      %add3A_221 = arith.addi %mul3A_142, %add3A_220 : i32
      %get3A_222 = arith.index_cast %add3A_221 : i32 to index
      %get3A_223 = tpu.vector_load %arg15[%get3A_222] {strides = array<i32>} : memref<10000xf32, #tpu.memory_space<vmem>>, vector<16xf32>,
      %add3A_224 = arith.addf %add3A_219, %get3A_223 : vector<16xf32>
      %neg3A_225 = arith.constant 0.000000e+00 : f32
      %neg3A_226 = vector.broadcast %neg3A_225 : f32 to vector<16xf32>
      %neg3A_227 = arith.subf %neg3A_226, %add3A_224 : vector<16xf32>
      %exp3A_228 = math.exp %neg3A_227 : vector<16xf32>
      %add3A_229 = arith.constant 1.000000e+00 : f32
      %add3A_230 = vector.broadcast %add3A_229 : f32 to vector<16xf32>
      %add3A_231 = arith.addf %add3A_230, %exp3A_228 : vector<16xf32>
      %div3A_232 = arith.constant 1.000000e+00 : f32
      %div3A_233 = vector.broadcast %div3A_232 : f32 to vector<16xf32>
      %div3A_234 = arith.divf %div3A_233, %add3A_231 : vector<16xf32>
      %add3A_235 = arith.constant 48 : i32
      %add3A_236 = arith.addi %mul3A_142, %add3A_235 : i32
      %swap3A_237 = arith.index_cast %add3A_236 : i32 to index
      %swap3A_238 = tpu.vector_load %arg16[%swap3A_237] {strides = array<i32>} : memref<10000xf32, #tpu.memory_space<vmem>>, vector<16xf32>,
      tpu.vector_store %arg16[%swap3A_237], %div3A_234 {strides = array<i32>} : memref<10000xf32, #tpu.memory_space<vmem>>, vector<16xf32>,
      %add3A_239 = arith.addf %scan3A_161#4, %get3A_7 : vector<16xf32>
      %add3A_240 = arith.constant 64 : i32
      %add3A_241 = arith.addi %mul3A_142, %add3A_240 : i32
      %get3A_242 = arith.index_cast %add3A_241 : i32 to index
      %get3A_243 = tpu.vector_load %arg15[%get3A_242] {strides = array<i32>} : memref<10000xf32, #tpu.memory_space<vmem>>, vector<16xf32>,
      %add3A_244 = arith.addf %add3A_239, %get3A_243 : vector<16xf32>
      %neg3A_245 = arith.constant 0.000000e+00 : f32
      %neg3A_246 = vector.broadcast %neg3A_245 : f32 to vector<16xf32>
      %neg3A_247 = arith.subf %neg3A_246, %add3A_244 : vector<16xf32>
      %exp3A_248 = math.exp %neg3A_247 : vector<16xf32>
      %add3A_249 = arith.constant 1.000000e+00 : f32
      %add3A_250 = vector.broadcast %add3A_249 : f32 to vector<16xf32>
      %add3A_251 = arith.addf %add3A_250, %exp3A_248 : vector<16xf32>
      %div3A_252 = arith.constant 1.000000e+00 : f32
      %div3A_253 = vector.broadcast %div3A_252 : f32 to vector<16xf32>
      %div3A_254 = arith.divf %div3A_253, %add3A_251 : vector<16xf32>
      %add3A_255 = arith.constant 64 : i32
      %add3A_256 = arith.addi %mul3A_142, %add3A_255 : i32
      %swap3A_257 = arith.index_cast %add3A_256 : i32 to index
      %swap3A_258 = tpu.vector_load %arg16[%swap3A_257] {strides = array<i32>} : memref<10000xf32, #tpu.memory_space<vmem>>, vector<16xf32>,
      tpu.vector_store %arg16[%swap3A_257], %div3A_254 {strides = array<i32>} : memref<10000xf32, #tpu.memory_space<vmem>>, vector<16xf32>,
      %add3A_259 = arith.constant 5 : i32
      %add3A_260 = arith.addi %add3A_119, %add3A_259 : i32
      %lt3A = arith.constant 125 : i32
      %lt3A_261 = arith.cmpi slt, %add3A_260, %lt3A : i32
      %convert_element_type3A = arith.extui %lt3A_261 : i1 to i32
      %cond3A = arith.constant 0 : i32
      %cond3A_262 = arith.cmpi ne, %convert_element_type3A, %cond3A : i32
      scf.if %cond3A_262 {
        %add3A_879 = arith.constant 5 : i32
        %add3A_880 = arith.addi %add3A_119, %add3A_879 : i32
        %mul3A_881 = arith.constant 80 : i32
        %mul3A_882 = arith.muli %add3A_880, %mul3A_881 : i32
        %dma_start3A_883 = arith.constant 0 : i32
        %dma_start3A_884 = arith.constant 0 : i32
        %dma_start3A_885 = arith.constant 0 : i32
        %dma_start3A_886 = tpu.memref_slice %arg12[%dma_start3A_883, %dma_start3A_884, %dma_start3A_885] : memref<5x80x64xf32, #tpu.memory_space<vmem>> -> memref<1x80x64xf32, #tpu.memory_space<vmem>>
        %dma_start3A_887 = tpu.memref_squeeze %dma_start3A_886 : memref<1x80x64xf32, #tpu.memory_space<vmem>> -> memref<80x64xf32, #tpu.memory_space<vmem>>
        %dma_start3A_888 = tpu.memref_slice %arg10[%mul3A_882] : memref<10000xi32, #tpu.memory_space<vmem>> -> memref<80xi32, #tpu.memory_space<vmem>>
        %dma_start3A_889 = arith.constant 0 : i32
        %dma_start3A_890 = arith.constant 0 : i32
        %dma_start3A_891 = tpu.memref_slice %arg4[%dma_start3A_889, %dma_start3A_890] : memref<10000x64xf32, #tpu.memory_space<hbm>> -> memref<10000x64xf32, #tpu.memory_space<hbm>>
        tpu.enqueue_indirect_dma source(%dma_start3A_891 : memref<10000x64xf32, #tpu.memory_space<hbm>>) target(%dma_start3A_887 : memref<80x64xf32, #tpu.memory_space<vmem>>) offsets(%dma_start3A_888 : memref<80xi32, #tpu.memory_space<vmem>>) semaphore(%arg18 : memref<!tpu.dma_semaphore, #tpu.memory_space<semaphore_mem>>)
        %mul3A_892 = arith.constant 80 : i32
        %mul3A_893 = arith.muli %add3A_880, %mul3A_892 : i32
        %dma_start3A_894 = arith.constant 0 : i32
        %dma_start3A_895 = arith.constant 0 : i32
        %dma_start3A_896 = arith.constant 0 : i32
        %dma_start3A_897 = tpu.memref_slice %arg13[%dma_start3A_894, %dma_start3A_895, %dma_start3A_896] : memref<5x80x64xf32, #tpu.memory_space<vmem>> -> memref<1x80x64xf32, #tpu.memory_space<vmem>>
        %dma_start3A_898 = tpu.memref_squeeze %dma_start3A_897 : memref<1x80x64xf32, #tpu.memory_space<vmem>> -> memref<80x64xf32, #tpu.memory_space<vmem>>
        %dma_start3A_899 = tpu.memref_slice %arg11[%mul3A_893] : memref<10000xi32, #tpu.memory_space<vmem>> -> memref<80xi32, #tpu.memory_space<vmem>>
        %dma_start3A_900 = arith.constant 0 : i32
        %dma_start3A_901 = arith.constant 0 : i32
        %dma_start3A_902 = tpu.memref_slice %arg5[%dma_start3A_900, %dma_start3A_901] : memref<10000x64xf32, #tpu.memory_space<hbm>> -> memref<10000x64xf32, #tpu.memory_space<hbm>>
        tpu.enqueue_indirect_dma source(%dma_start3A_902 : memref<10000x64xf32, #tpu.memory_space<hbm>>) target(%dma_start3A_898 : memref<80x64xf32, #tpu.memory_space<vmem>>) offsets(%dma_start3A_899 : memref<80xi32, #tpu.memory_space<vmem>>) semaphore(%arg23 : memref<!tpu.dma_semaphore, #tpu.memory_space<semaphore_mem>>)
      } else {
      }
      %add3A_263 = arith.constant 1 : i32
      %add3A_264 = arith.addi %add3A_117, %add3A_263 : i32
      %mul3A_265 = arith.constant 80 : i32
      %mul3A_266 = arith.muli %add3A_264, %mul3A_265 : i32
      %dma_wait3A_267 = arith.constant 1 : i32
      %dma_wait3A_268 = arith.constant 0 : i32
      %dma_wait3A_269 = arith.constant 0 : i32
      %dma_wait3A_270 = tpu.memref_slice %arg12[%dma_wait3A_267, %dma_wait3A_268, %dma_wait3A_269] : memref<5x80x64xf32, #tpu.memory_space<vmem>> -> memref<1x80x64xf32, #tpu.memory_space<vmem>>
      %dma_wait3A_271 = tpu.memref_squeeze %dma_wait3A_270 : memref<1x80x64xf32, #tpu.memory_space<vmem>> -> memref<80x64xf32, #tpu.memory_space<vmem>>
      %dma_wait3A_272 = tpu.memref_slice %arg10[%mul3A_266] : memref<10000xi32, #tpu.memory_space<vmem>> -> memref<80xi32, #tpu.memory_space<vmem>>
      %dma_wait3A_273 = arith.constant 0 : i32
      %dma_wait3A_274 = arith.constant 0 : i32
      %dma_wait3A_275 = tpu.memref_slice %arg4[%dma_wait3A_273, %dma_wait3A_274] : memref<10000x64xf32, #tpu.memory_space<hbm>> -> memref<10000x64xf32, #tpu.memory_space<hbm>>
      tpu.wait_indirect_dma semaphore(%arg19 : memref<!tpu.dma_semaphore, #tpu.memory_space<semaphore_mem>>) src(%dma_wait3A_275 : memref<10000x64xf32, #tpu.memory_space<hbm>>) dst(%dma_wait3A_271 : memref<80x64xf32, #tpu.memory_space<vmem>>)
      %mul3A_276 = arith.constant 80 : i32
      %mul3A_277 = arith.muli %add3A_264, %mul3A_276 : i32
      %dma_wait3A_278 = arith.constant 1 : i32
      %dma_wait3A_279 = arith.constant 0 : i32
      %dma_wait3A_280 = arith.constant 0 : i32
      %dma_wait3A_281 = tpu.memref_slice %arg13[%dma_wait3A_278, %dma_wait3A_279, %dma_wait3A_280] : memref<5x80x64xf32, #tpu.memory_space<vmem>> -> memref<1x80x64xf32, #tpu.memory_space<vmem>>
      %dma_wait3A_282 = tpu.memref_squeeze %dma_wait3A_281 : memref<1x80x64xf32, #tpu.memory_space<vmem>> -> memref<80x64xf32, #tpu.memory_space<vmem>>
      %dma_wait3A_283 = tpu.memref_slice %arg11[%mul3A_277] : memref<10000xi32, #tpu.memory_space<vmem>> -> memref<80xi32, #tpu.memory_space<vmem>>
      %dma_wait3A_284 = arith.constant 0 : i32
      %dma_wait3A_285 = arith.constant 0 : i32
      %dma_wait3A_286 = tpu.memref_slice %arg5[%dma_wait3A_284, %dma_wait3A_285] : memref<10000x64xf32, #tpu.memory_space<hbm>> -> memref<10000x64xf32, #tpu.memory_space<hbm>>
      tpu.wait_indirect_dma semaphore(%arg24 : memref<!tpu.dma_semaphore, #tpu.memory_space<semaphore_mem>>) src(%dma_wait3A_286 : memref<10000x64xf32, #tpu.memory_space<hbm>>) dst(%dma_wait3A_282 : memref<80x64xf32, #tpu.memory_space<vmem>>)
      %mul3A_287 = arith.constant 80 : i32
      %mul3A_288 = arith.muli %add3A_264, %mul3A_287 : i32
      %broadcast_in_dim3A_289 = arith.constant 0 : i32
      %broadcast_in_dim3A_290 = vector.broadcast %broadcast_in_dim3A_289 : i32 to vector<16xi32>
      %add3A_291 = arith.constant 1 : i32
      %add3A_292 = vector.broadcast %add3A_291 : i32 to vector<16xi32>
      %add3A_293 = arith.addi %broadcast_in_dim3A_290, %add3A_292 : vector<16xi32>
      %broadcast_in_dim3A_294 = arith.constant 0.000000e+00 : f32
      %broadcast_in_dim3A_295 = vector.broadcast %broadcast_in_dim3A_294 : f32 to vector<16xf32>
      %broadcast_in_dim3A_296 = arith.constant 0.000000e+00 : f32
      %broadcast_in_dim3A_297 = vector.broadcast %broadcast_in_dim3A_296 : f32 to vector<16xf32>
      %broadcast_in_dim3A_298 = arith.constant 0.000000e+00 : f32
      %broadcast_in_dim3A_299 = vector.broadcast %broadcast_in_dim3A_298 : f32 to vector<16xf32>
      %broadcast_in_dim3A_300 = arith.constant 0.000000e+00 : f32
      %broadcast_in_dim3A_301 = vector.broadcast %broadcast_in_dim3A_300 : f32 to vector<16xf32>
      %broadcast_in_dim3A_302 = arith.constant 0.000000e+00 : f32
      %broadcast_in_dim3A_303 = vector.broadcast %broadcast_in_dim3A_302 : f32 to vector<16xf32>
      %scan3A_304 = arith.constant 0 : i32
      %scan3A_305 = arith.constant 64 : i32
      %scan3A_306 = arith.addi %scan3A_304, %scan3A_305 : i32
      %scan3A_307 = arith.constant 4 : i32
      %scan3A_308:5 = scf.for %scan3A_879 = %scan3A_304 to %scan3A_306 step %scan3A_307 iter_args(%scan3A_880 = %broadcast_in_dim3A_295, %scan3A_881 = %broadcast_in_dim3A_297, %scan3A_882 = %broadcast_in_dim3A_299, %scan3A_883 = %broadcast_in_dim3A_301, %scan3A_884 = %broadcast_in_dim3A_303) -> (vector<16xf32>, vector<16xf32>, vector<16xf32>, vector<16xf32>, vector<16xf32>)  : i32 {
        %add3A_885 = vector.broadcast %scan3A_879 : i32 to vector<16xi32>
        %add3A_886 = arith.addi %iota3A, %add3A_885 : vector<16xi32>
        %and3A = arith.constant 63 : i32
        %and3A_887 = vector.broadcast %and3A : i32 to vector<16xi32>
        %and3A_888 = arith.andi %add3A_886, %and3A_887 : vector<16xi32>
        %gather3A = tpu.vector_load_idx %arg14[%and3A_888] : memref<64xf32, #tpu.memory_space<vmem>>[vector<16xi32>], vector<16xf32>,
        %add3A_889 = arith.constant 0 : i32
        %add3A_890 = vector.broadcast %add3A_889 : i32 to vector<16xi32>
        %add3A_891 = arith.addi %iota3A, %add3A_890 : vector<16xi32>
        %gather3A_892 = tpu.vector_load_idx %arg12[%add3A_293, %add3A_891, %and3A_888] : memref<5x80x64xf32, #tpu.memory_space<vmem>>[vector<16xi32>, vector<16xi32>, vector<16xi32>], vector<16xf32>,
        %gather3A_893 = tpu.vector_load_idx %arg13[%add3A_293, %add3A_891, %and3A_888] : memref<5x80x64xf32, #tpu.memory_space<vmem>>[vector<16xi32>, vector<16xi32>, vector<16xi32>], vector<16xf32>,
        %add3A_894 = arith.addf %gather3A_892, %gather3A_893 : vector<16xf32>
        %max3A = arith.constant 0.000000e+00 : f32
        %max3A_895 = vector.broadcast %max3A : f32 to vector<16xf32>
        %max3A_896 = arith.maximumf %add3A_894, %max3A_895 : vector<16xf32>
        %mul3A_897 = arith.mulf %max3A_896, %gather3A : vector<16xf32>
        %add3A_898 = arith.addf %scan3A_880, %mul3A_897 : vector<16xf32>
        %add3A_899 = arith.constant 16 : i32
        %add3A_900 = vector.broadcast %add3A_899 : i32 to vector<16xi32>
        %add3A_901 = arith.addi %iota3A, %add3A_900 : vector<16xi32>
        %gather3A_902 = tpu.vector_load_idx %arg12[%add3A_293, %add3A_901, %and3A_888] : memref<5x80x64xf32, #tpu.memory_space<vmem>>[vector<16xi32>, vector<16xi32>, vector<16xi32>], vector<16xf32>,
        %gather3A_903 = tpu.vector_load_idx %arg13[%add3A_293, %add3A_901, %and3A_888] : memref<5x80x64xf32, #tpu.memory_space<vmem>>[vector<16xi32>, vector<16xi32>, vector<16xi32>], vector<16xf32>,
        %add3A_904 = arith.addf %gather3A_902, %gather3A_903 : vector<16xf32>
        %max3A_905 = arith.constant 0.000000e+00 : f32
        %max3A_906 = vector.broadcast %max3A_905 : f32 to vector<16xf32>
        %max3A_907 = arith.maximumf %add3A_904, %max3A_906 : vector<16xf32>
        %mul3A_908 = arith.mulf %max3A_907, %gather3A : vector<16xf32>
        %add3A_909 = arith.addf %scan3A_881, %mul3A_908 : vector<16xf32>
        %add3A_910 = arith.constant 32 : i32
        %add3A_911 = vector.broadcast %add3A_910 : i32 to vector<16xi32>
        %add3A_912 = arith.addi %iota3A, %add3A_911 : vector<16xi32>
        %gather3A_913 = tpu.vector_load_idx %arg12[%add3A_293, %add3A_912, %and3A_888] : memref<5x80x64xf32, #tpu.memory_space<vmem>>[vector<16xi32>, vector<16xi32>, vector<16xi32>], vector<16xf32>,
        %gather3A_914 = tpu.vector_load_idx %arg13[%add3A_293, %add3A_912, %and3A_888] : memref<5x80x64xf32, #tpu.memory_space<vmem>>[vector<16xi32>, vector<16xi32>, vector<16xi32>], vector<16xf32>,
        %add3A_915 = arith.addf %gather3A_913, %gather3A_914 : vector<16xf32>
        %max3A_916 = arith.constant 0.000000e+00 : f32
        %max3A_917 = vector.broadcast %max3A_916 : f32 to vector<16xf32>
        %max3A_918 = arith.maximumf %add3A_915, %max3A_917 : vector<16xf32>
        %mul3A_919 = arith.mulf %max3A_918, %gather3A : vector<16xf32>
        %add3A_920 = arith.addf %scan3A_882, %mul3A_919 : vector<16xf32>
        %add3A_921 = arith.constant 48 : i32
        %add3A_922 = vector.broadcast %add3A_921 : i32 to vector<16xi32>
        %add3A_923 = arith.addi %iota3A, %add3A_922 : vector<16xi32>
        %gather3A_924 = tpu.vector_load_idx %arg12[%add3A_293, %add3A_923, %and3A_888] : memref<5x80x64xf32, #tpu.memory_space<vmem>>[vector<16xi32>, vector<16xi32>, vector<16xi32>], vector<16xf32>,
        %gather3A_925 = tpu.vector_load_idx %arg13[%add3A_293, %add3A_923, %and3A_888] : memref<5x80x64xf32, #tpu.memory_space<vmem>>[vector<16xi32>, vector<16xi32>, vector<16xi32>], vector<16xf32>,
        %add3A_926 = arith.addf %gather3A_924, %gather3A_925 : vector<16xf32>
        %max3A_927 = arith.constant 0.000000e+00 : f32
        %max3A_928 = vector.broadcast %max3A_927 : f32 to vector<16xf32>
        %max3A_929 = arith.maximumf %add3A_926, %max3A_928 : vector<16xf32>
        %mul3A_930 = arith.mulf %max3A_929, %gather3A : vector<16xf32>
        %add3A_931 = arith.addf %scan3A_883, %mul3A_930 : vector<16xf32>
        %add3A_932 = arith.constant 64 : i32
        %add3A_933 = vector.broadcast %add3A_932 : i32 to vector<16xi32>
        %add3A_934 = arith.addi %iota3A, %add3A_933 : vector<16xi32>
        %gather3A_935 = tpu.vector_load_idx %arg12[%add3A_293, %add3A_934, %and3A_888] : memref<5x80x64xf32, #tpu.memory_space<vmem>>[vector<16xi32>, vector<16xi32>, vector<16xi32>], vector<16xf32>,
        %gather3A_936 = tpu.vector_load_idx %arg13[%add3A_293, %add3A_934, %and3A_888] : memref<5x80x64xf32, #tpu.memory_space<vmem>>[vector<16xi32>, vector<16xi32>, vector<16xi32>], vector<16xf32>,
        %add3A_937 = arith.addf %gather3A_935, %gather3A_936 : vector<16xf32>
        %max3A_938 = arith.constant 0.000000e+00 : f32
        %max3A_939 = vector.broadcast %max3A_938 : f32 to vector<16xf32>
        %max3A_940 = arith.maximumf %add3A_937, %max3A_939 : vector<16xf32>
        %mul3A_941 = arith.mulf %max3A_940, %gather3A : vector<16xf32>
        %add3A_942 = arith.addf %scan3A_884, %mul3A_941 : vector<16xf32>
        %scan3A_943 = arith.constant 1 : i32
        %scan3A_944 = arith.addi %scan3A_879, %scan3A_943 : i32
        %add3A_945 = vector.broadcast %scan3A_944 : i32 to vector<16xi32>
        %add3A_946 = arith.addi %iota3A, %add3A_945 : vector<16xi32>
        %and3A_947 = arith.constant 63 : i32
        %and3A_948 = vector.broadcast %and3A_947 : i32 to vector<16xi32>
        %and3A_949 = arith.andi %add3A_946, %and3A_948 : vector<16xi32>
        %gather3A_950 = tpu.vector_load_idx %arg14[%and3A_949] : memref<64xf32, #tpu.memory_space<vmem>>[vector<16xi32>], vector<16xf32>,
        %add3A_951 = arith.constant 0 : i32
        %add3A_952 = vector.broadcast %add3A_951 : i32 to vector<16xi32>
        %add3A_953 = arith.addi %iota3A, %add3A_952 : vector<16xi32>
        %gather3A_954 = tpu.vector_load_idx %arg12[%add3A_293, %add3A_953, %and3A_949] : memref<5x80x64xf32, #tpu.memory_space<vmem>>[vector<16xi32>, vector<16xi32>, vector<16xi32>], vector<16xf32>,
        %gather3A_955 = tpu.vector_load_idx %arg13[%add3A_293, %add3A_953, %and3A_949] : memref<5x80x64xf32, #tpu.memory_space<vmem>>[vector<16xi32>, vector<16xi32>, vector<16xi32>], vector<16xf32>,
        %add3A_956 = arith.addf %gather3A_954, %gather3A_955 : vector<16xf32>
        %max3A_957 = arith.constant 0.000000e+00 : f32
        %max3A_958 = vector.broadcast %max3A_957 : f32 to vector<16xf32>
        %max3A_959 = arith.maximumf %add3A_956, %max3A_958 : vector<16xf32>
        %mul3A_960 = arith.mulf %max3A_959, %gather3A_950 : vector<16xf32>
        %add3A_961 = arith.addf %add3A_898, %mul3A_960 : vector<16xf32>
        %add3A_962 = arith.constant 16 : i32
        %add3A_963 = vector.broadcast %add3A_962 : i32 to vector<16xi32>
        %add3A_964 = arith.addi %iota3A, %add3A_963 : vector<16xi32>
        %gather3A_965 = tpu.vector_load_idx %arg12[%add3A_293, %add3A_964, %and3A_949] : memref<5x80x64xf32, #tpu.memory_space<vmem>>[vector<16xi32>, vector<16xi32>, vector<16xi32>], vector<16xf32>,
        %gather3A_966 = tpu.vector_load_idx %arg13[%add3A_293, %add3A_964, %and3A_949] : memref<5x80x64xf32, #tpu.memory_space<vmem>>[vector<16xi32>, vector<16xi32>, vector<16xi32>], vector<16xf32>,
        %add3A_967 = arith.addf %gather3A_965, %gather3A_966 : vector<16xf32>
        %max3A_968 = arith.constant 0.000000e+00 : f32
        %max3A_969 = vector.broadcast %max3A_968 : f32 to vector<16xf32>
        %max3A_970 = arith.maximumf %add3A_967, %max3A_969 : vector<16xf32>
        %mul3A_971 = arith.mulf %max3A_970, %gather3A_950 : vector<16xf32>
        %add3A_972 = arith.addf %add3A_909, %mul3A_971 : vector<16xf32>
        %add3A_973 = arith.constant 32 : i32
        %add3A_974 = vector.broadcast %add3A_973 : i32 to vector<16xi32>
        %add3A_975 = arith.addi %iota3A, %add3A_974 : vector<16xi32>
        %gather3A_976 = tpu.vector_load_idx %arg12[%add3A_293, %add3A_975, %and3A_949] : memref<5x80x64xf32, #tpu.memory_space<vmem>>[vector<16xi32>, vector<16xi32>, vector<16xi32>], vector<16xf32>,
        %gather3A_977 = tpu.vector_load_idx %arg13[%add3A_293, %add3A_975, %and3A_949] : memref<5x80x64xf32, #tpu.memory_space<vmem>>[vector<16xi32>, vector<16xi32>, vector<16xi32>], vector<16xf32>,
        %add3A_978 = arith.addf %gather3A_976, %gather3A_977 : vector<16xf32>
        %max3A_979 = arith.constant 0.000000e+00 : f32
        %max3A_980 = vector.broadcast %max3A_979 : f32 to vector<16xf32>
        %max3A_981 = arith.maximumf %add3A_978, %max3A_980 : vector<16xf32>
        %mul3A_982 = arith.mulf %max3A_981, %gather3A_950 : vector<16xf32>
        %add3A_983 = arith.addf %add3A_920, %mul3A_982 : vector<16xf32>
        %add3A_984 = arith.constant 48 : i32
        %add3A_985 = vector.broadcast %add3A_984 : i32 to vector<16xi32>
        %add3A_986 = arith.addi %iota3A, %add3A_985 : vector<16xi32>
        %gather3A_987 = tpu.vector_load_idx %arg12[%add3A_293, %add3A_986, %and3A_949] : memref<5x80x64xf32, #tpu.memory_space<vmem>>[vector<16xi32>, vector<16xi32>, vector<16xi32>], vector<16xf32>,
        %gather3A_988 = tpu.vector_load_idx %arg13[%add3A_293, %add3A_986, %and3A_949] : memref<5x80x64xf32, #tpu.memory_space<vmem>>[vector<16xi32>, vector<16xi32>, vector<16xi32>], vector<16xf32>,
        %add3A_989 = arith.addf %gather3A_987, %gather3A_988 : vector<16xf32>
        %max3A_990 = arith.constant 0.000000e+00 : f32
        %max3A_991 = vector.broadcast %max3A_990 : f32 to vector<16xf32>
        %max3A_992 = arith.maximumf %add3A_989, %max3A_991 : vector<16xf32>
        %mul3A_993 = arith.mulf %max3A_992, %gather3A_950 : vector<16xf32>
        %add3A_994 = arith.addf %add3A_931, %mul3A_993 : vector<16xf32>
        %add3A_995 = arith.constant 64 : i32
        %add3A_996 = vector.broadcast %add3A_995 : i32 to vector<16xi32>
        %add3A_997 = arith.addi %iota3A, %add3A_996 : vector<16xi32>
        %gather3A_998 = tpu.vector_load_idx %arg12[%add3A_293, %add3A_997, %and3A_949] : memref<5x80x64xf32, #tpu.memory_space<vmem>>[vector<16xi32>, vector<16xi32>, vector<16xi32>], vector<16xf32>,
        %gather3A_999 = tpu.vector_load_idx %arg13[%add3A_293, %add3A_997, %and3A_949] : memref<5x80x64xf32, #tpu.memory_space<vmem>>[vector<16xi32>, vector<16xi32>, vector<16xi32>], vector<16xf32>,
        %add3A_1000 = arith.addf %gather3A_998, %gather3A_999 : vector<16xf32>
        %max3A_1001 = arith.constant 0.000000e+00 : f32
        %max3A_1002 = vector.broadcast %max3A_1001 : f32 to vector<16xf32>
        %max3A_1003 = arith.maximumf %add3A_1000, %max3A_1002 : vector<16xf32>
        %mul3A_1004 = arith.mulf %max3A_1003, %gather3A_950 : vector<16xf32>
        %add3A_1005 = arith.addf %add3A_942, %mul3A_1004 : vector<16xf32>
        %scan3A_1006 = arith.constant 2 : i32
        %scan3A_1007 = arith.addi %scan3A_879, %scan3A_1006 : i32
        %add3A_1008 = vector.broadcast %scan3A_1007 : i32 to vector<16xi32>
        %add3A_1009 = arith.addi %iota3A, %add3A_1008 : vector<16xi32>
        %and3A_1010 = arith.constant 63 : i32
        %and3A_1011 = vector.broadcast %and3A_1010 : i32 to vector<16xi32>
        %and3A_1012 = arith.andi %add3A_1009, %and3A_1011 : vector<16xi32>
        %gather3A_1013 = tpu.vector_load_idx %arg14[%and3A_1012] : memref<64xf32, #tpu.memory_space<vmem>>[vector<16xi32>], vector<16xf32>,
        %add3A_1014 = arith.constant 0 : i32
        %add3A_1015 = vector.broadcast %add3A_1014 : i32 to vector<16xi32>
        %add3A_1016 = arith.addi %iota3A, %add3A_1015 : vector<16xi32>
        %gather3A_1017 = tpu.vector_load_idx %arg12[%add3A_293, %add3A_1016, %and3A_1012] : memref<5x80x64xf32, #tpu.memory_space<vmem>>[vector<16xi32>, vector<16xi32>, vector<16xi32>], vector<16xf32>,
        %gather3A_1018 = tpu.vector_load_idx %arg13[%add3A_293, %add3A_1016, %and3A_1012] : memref<5x80x64xf32, #tpu.memory_space<vmem>>[vector<16xi32>, vector<16xi32>, vector<16xi32>], vector<16xf32>,
        %add3A_1019 = arith.addf %gather3A_1017, %gather3A_1018 : vector<16xf32>
        %max3A_1020 = arith.constant 0.000000e+00 : f32
        %max3A_1021 = vector.broadcast %max3A_1020 : f32 to vector<16xf32>
        %max3A_1022 = arith.maximumf %add3A_1019, %max3A_1021 : vector<16xf32>
        %mul3A_1023 = arith.mulf %max3A_1022, %gather3A_1013 : vector<16xf32>
        %add3A_1024 = arith.addf %add3A_961, %mul3A_1023 : vector<16xf32>
        %add3A_1025 = arith.constant 16 : i32
        %add3A_1026 = vector.broadcast %add3A_1025 : i32 to vector<16xi32>
        %add3A_1027 = arith.addi %iota3A, %add3A_1026 : vector<16xi32>
        %gather3A_1028 = tpu.vector_load_idx %arg12[%add3A_293, %add3A_1027, %and3A_1012] : memref<5x80x64xf32, #tpu.memory_space<vmem>>[vector<16xi32>, vector<16xi32>, vector<16xi32>], vector<16xf32>,
        %gather3A_1029 = tpu.vector_load_idx %arg13[%add3A_293, %add3A_1027, %and3A_1012] : memref<5x80x64xf32, #tpu.memory_space<vmem>>[vector<16xi32>, vector<16xi32>, vector<16xi32>], vector<16xf32>,
        %add3A_1030 = arith.addf %gather3A_1028, %gather3A_1029 : vector<16xf32>
        %max3A_1031 = arith.constant 0.000000e+00 : f32
        %max3A_1032 = vector.broadcast %max3A_1031 : f32 to vector<16xf32>
        %max3A_1033 = arith.maximumf %add3A_1030, %max3A_1032 : vector<16xf32>
        %mul3A_1034 = arith.mulf %max3A_1033, %gather3A_1013 : vector<16xf32>
        %add3A_1035 = arith.addf %add3A_972, %mul3A_1034 : vector<16xf32>
        %add3A_1036 = arith.constant 32 : i32
        %add3A_1037 = vector.broadcast %add3A_1036 : i32 to vector<16xi32>
        %add3A_1038 = arith.addi %iota3A, %add3A_1037 : vector<16xi32>
        %gather3A_1039 = tpu.vector_load_idx %arg12[%add3A_293, %add3A_1038, %and3A_1012] : memref<5x80x64xf32, #tpu.memory_space<vmem>>[vector<16xi32>, vector<16xi32>, vector<16xi32>], vector<16xf32>,
        %gather3A_1040 = tpu.vector_load_idx %arg13[%add3A_293, %add3A_1038, %and3A_1012] : memref<5x80x64xf32, #tpu.memory_space<vmem>>[vector<16xi32>, vector<16xi32>, vector<16xi32>], vector<16xf32>,
        %add3A_1041 = arith.addf %gather3A_1039, %gather3A_1040 : vector<16xf32>
        %max3A_1042 = arith.constant 0.000000e+00 : f32
        %max3A_1043 = vector.broadcast %max3A_1042 : f32 to vector<16xf32>
        %max3A_1044 = arith.maximumf %add3A_1041, %max3A_1043 : vector<16xf32>
        %mul3A_1045 = arith.mulf %max3A_1044, %gather3A_1013 : vector<16xf32>
        %add3A_1046 = arith.addf %add3A_983, %mul3A_1045 : vector<16xf32>
        %add3A_1047 = arith.constant 48 : i32
        %add3A_1048 = vector.broadcast %add3A_1047 : i32 to vector<16xi32>
        %add3A_1049 = arith.addi %iota3A, %add3A_1048 : vector<16xi32>
        %gather3A_1050 = tpu.vector_load_idx %arg12[%add3A_293, %add3A_1049, %and3A_1012] : memref<5x80x64xf32, #tpu.memory_space<vmem>>[vector<16xi32>, vector<16xi32>, vector<16xi32>], vector<16xf32>,
        %gather3A_1051 = tpu.vector_load_idx %arg13[%add3A_293, %add3A_1049, %and3A_1012] : memref<5x80x64xf32, #tpu.memory_space<vmem>>[vector<16xi32>, vector<16xi32>, vector<16xi32>], vector<16xf32>,
        %add3A_1052 = arith.addf %gather3A_1050, %gather3A_1051 : vector<16xf32>
        %max3A_1053 = arith.constant 0.000000e+00 : f32
        %max3A_1054 = vector.broadcast %max3A_1053 : f32 to vector<16xf32>
        %max3A_1055 = arith.maximumf %add3A_1052, %max3A_1054 : vector<16xf32>
        %mul3A_1056 = arith.mulf %max3A_1055, %gather3A_1013 : vector<16xf32>
        %add3A_1057 = arith.addf %add3A_994, %mul3A_1056 : vector<16xf32>
        %add3A_1058 = arith.constant 64 : i32
        %add3A_1059 = vector.broadcast %add3A_1058 : i32 to vector<16xi32>
        %add3A_1060 = arith.addi %iota3A, %add3A_1059 : vector<16xi32>
        %gather3A_1061 = tpu.vector_load_idx %arg12[%add3A_293, %add3A_1060, %and3A_1012] : memref<5x80x64xf32, #tpu.memory_space<vmem>>[vector<16xi32>, vector<16xi32>, vector<16xi32>], vector<16xf32>,
        %gather3A_1062 = tpu.vector_load_idx %arg13[%add3A_293, %add3A_1060, %and3A_1012] : memref<5x80x64xf32, #tpu.memory_space<vmem>>[vector<16xi32>, vector<16xi32>, vector<16xi32>], vector<16xf32>,
        %add3A_1063 = arith.addf %gather3A_1061, %gather3A_1062 : vector<16xf32>
        %max3A_1064 = arith.constant 0.000000e+00 : f32
        %max3A_1065 = vector.broadcast %max3A_1064 : f32 to vector<16xf32>
        %max3A_1066 = arith.maximumf %add3A_1063, %max3A_1065 : vector<16xf32>
        %mul3A_1067 = arith.mulf %max3A_1066, %gather3A_1013 : vector<16xf32>
        %add3A_1068 = arith.addf %add3A_1005, %mul3A_1067 : vector<16xf32>
        %scan3A_1069 = arith.constant 3 : i32
        %scan3A_1070 = arith.addi %scan3A_879, %scan3A_1069 : i32
        %add3A_1071 = vector.broadcast %scan3A_1070 : i32 to vector<16xi32>
        %add3A_1072 = arith.addi %iota3A, %add3A_1071 : vector<16xi32>
        %and3A_1073 = arith.constant 63 : i32
        %and3A_1074 = vector.broadcast %and3A_1073 : i32 to vector<16xi32>
        %and3A_1075 = arith.andi %add3A_1072, %and3A_1074 : vector<16xi32>
        %gather3A_1076 = tpu.vector_load_idx %arg14[%and3A_1075] : memref<64xf32, #tpu.memory_space<vmem>>[vector<16xi32>], vector<16xf32>,
        %add3A_1077 = arith.constant 0 : i32
        %add3A_1078 = vector.broadcast %add3A_1077 : i32 to vector<16xi32>
        %add3A_1079 = arith.addi %iota3A, %add3A_1078 : vector<16xi32>
        %gather3A_1080 = tpu.vector_load_idx %arg12[%add3A_293, %add3A_1079, %and3A_1075] : memref<5x80x64xf32, #tpu.memory_space<vmem>>[vector<16xi32>, vector<16xi32>, vector<16xi32>], vector<16xf32>,
        %gather3A_1081 = tpu.vector_load_idx %arg13[%add3A_293, %add3A_1079, %and3A_1075] : memref<5x80x64xf32, #tpu.memory_space<vmem>>[vector<16xi32>, vector<16xi32>, vector<16xi32>], vector<16xf32>,
        %add3A_1082 = arith.addf %gather3A_1080, %gather3A_1081 : vector<16xf32>
        %max3A_1083 = arith.constant 0.000000e+00 : f32
        %max3A_1084 = vector.broadcast %max3A_1083 : f32 to vector<16xf32>
        %max3A_1085 = arith.maximumf %add3A_1082, %max3A_1084 : vector<16xf32>
        %mul3A_1086 = arith.mulf %max3A_1085, %gather3A_1076 : vector<16xf32>
        %add3A_1087 = arith.addf %add3A_1024, %mul3A_1086 : vector<16xf32>
        %add3A_1088 = arith.constant 16 : i32
        %add3A_1089 = vector.broadcast %add3A_1088 : i32 to vector<16xi32>
        %add3A_1090 = arith.addi %iota3A, %add3A_1089 : vector<16xi32>
        %gather3A_1091 = tpu.vector_load_idx %arg12[%add3A_293, %add3A_1090, %and3A_1075] : memref<5x80x64xf32, #tpu.memory_space<vmem>>[vector<16xi32>, vector<16xi32>, vector<16xi32>], vector<16xf32>,
        %gather3A_1092 = tpu.vector_load_idx %arg13[%add3A_293, %add3A_1090, %and3A_1075] : memref<5x80x64xf32, #tpu.memory_space<vmem>>[vector<16xi32>, vector<16xi32>, vector<16xi32>], vector<16xf32>,
        %add3A_1093 = arith.addf %gather3A_1091, %gather3A_1092 : vector<16xf32>
        %max3A_1094 = arith.constant 0.000000e+00 : f32
        %max3A_1095 = vector.broadcast %max3A_1094 : f32 to vector<16xf32>
        %max3A_1096 = arith.maximumf %add3A_1093, %max3A_1095 : vector<16xf32>
        %mul3A_1097 = arith.mulf %max3A_1096, %gather3A_1076 : vector<16xf32>
        %add3A_1098 = arith.addf %add3A_1035, %mul3A_1097 : vector<16xf32>
        %add3A_1099 = arith.constant 32 : i32
        %add3A_1100 = vector.broadcast %add3A_1099 : i32 to vector<16xi32>
        %add3A_1101 = arith.addi %iota3A, %add3A_1100 : vector<16xi32>
        %gather3A_1102 = tpu.vector_load_idx %arg12[%add3A_293, %add3A_1101, %and3A_1075] : memref<5x80x64xf32, #tpu.memory_space<vmem>>[vector<16xi32>, vector<16xi32>, vector<16xi32>], vector<16xf32>,
        %gather3A_1103 = tpu.vector_load_idx %arg13[%add3A_293, %add3A_1101, %and3A_1075] : memref<5x80x64xf32, #tpu.memory_space<vmem>>[vector<16xi32>, vector<16xi32>, vector<16xi32>], vector<16xf32>,
        %add3A_1104 = arith.addf %gather3A_1102, %gather3A_1103 : vector<16xf32>
        %max3A_1105 = arith.constant 0.000000e+00 : f32
        %max3A_1106 = vector.broadcast %max3A_1105 : f32 to vector<16xf32>
        %max3A_1107 = arith.maximumf %add3A_1104, %max3A_1106 : vector<16xf32>
        %mul3A_1108 = arith.mulf %max3A_1107, %gather3A_1076 : vector<16xf32>
        %add3A_1109 = arith.addf %add3A_1046, %mul3A_1108 : vector<16xf32>
        %add3A_1110 = arith.constant 48 : i32
        %add3A_1111 = vector.broadcast %add3A_1110 : i32 to vector<16xi32>
        %add3A_1112 = arith.addi %iota3A, %add3A_1111 : vector<16xi32>
        %gather3A_1113 = tpu.vector_load_idx %arg12[%add3A_293, %add3A_1112, %and3A_1075] : memref<5x80x64xf32, #tpu.memory_space<vmem>>[vector<16xi32>, vector<16xi32>, vector<16xi32>], vector<16xf32>,
        %gather3A_1114 = tpu.vector_load_idx %arg13[%add3A_293, %add3A_1112, %and3A_1075] : memref<5x80x64xf32, #tpu.memory_space<vmem>>[vector<16xi32>, vector<16xi32>, vector<16xi32>], vector<16xf32>,
        %add3A_1115 = arith.addf %gather3A_1113, %gather3A_1114 : vector<16xf32>
        %max3A_1116 = arith.constant 0.000000e+00 : f32
        %max3A_1117 = vector.broadcast %max3A_1116 : f32 to vector<16xf32>
        %max3A_1118 = arith.maximumf %add3A_1115, %max3A_1117 : vector<16xf32>
        %mul3A_1119 = arith.mulf %max3A_1118, %gather3A_1076 : vector<16xf32>
        %add3A_1120 = arith.addf %add3A_1057, %mul3A_1119 : vector<16xf32>
        %add3A_1121 = arith.constant 64 : i32
        %add3A_1122 = vector.broadcast %add3A_1121 : i32 to vector<16xi32>
        %add3A_1123 = arith.addi %iota3A, %add3A_1122 : vector<16xi32>
        %gather3A_1124 = tpu.vector_load_idx %arg12[%add3A_293, %add3A_1123, %and3A_1075] : memref<5x80x64xf32, #tpu.memory_space<vmem>>[vector<16xi32>, vector<16xi32>, vector<16xi32>], vector<16xf32>,
        %gather3A_1125 = tpu.vector_load_idx %arg13[%add3A_293, %add3A_1123, %and3A_1075] : memref<5x80x64xf32, #tpu.memory_space<vmem>>[vector<16xi32>, vector<16xi32>, vector<16xi32>], vector<16xf32>,
        %add3A_1126 = arith.addf %gather3A_1124, %gather3A_1125 : vector<16xf32>
        %max3A_1127 = arith.constant 0.000000e+00 : f32
        %max3A_1128 = vector.broadcast %max3A_1127 : f32 to vector<16xf32>
        %max3A_1129 = arith.maximumf %add3A_1126, %max3A_1128 : vector<16xf32>
        %mul3A_1130 = arith.mulf %max3A_1129, %gather3A_1076 : vector<16xf32>
        %add3A_1131 = arith.addf %add3A_1068, %mul3A_1130 : vector<16xf32>
        scf.yield %add3A_1087, %add3A_1098, %add3A_1109, %add3A_1120, %add3A_1131 : vector<16xf32>, vector<16xf32>, vector<16xf32>, vector<16xf32>, vector<16xf32>
      }
      %scan3A_309 = arith.constant 64 : i32
      %add3A_310 = arith.addf %scan3A_308#0, %get3A_7 : vector<16xf32>
      %add3A_311 = arith.constant 0 : i32
      %add3A_312 = arith.addi %mul3A_288, %add3A_311 : i32
      %get3A_313 = arith.index_cast %add3A_312 : i32 to index
      %get3A_314 = tpu.vector_load %arg15[%get3A_313] {strides = array<i32>} : memref<10000xf32, #tpu.memory_space<vmem>>, vector<16xf32>,
      %add3A_315 = arith.addf %add3A_310, %get3A_314 : vector<16xf32>
      %neg3A_316 = arith.constant 0.000000e+00 : f32
      %neg3A_317 = vector.broadcast %neg3A_316 : f32 to vector<16xf32>
      %neg3A_318 = arith.subf %neg3A_317, %add3A_315 : vector<16xf32>
      %exp3A_319 = math.exp %neg3A_318 : vector<16xf32>
      %add3A_320 = arith.constant 1.000000e+00 : f32
      %add3A_321 = vector.broadcast %add3A_320 : f32 to vector<16xf32>
      %add3A_322 = arith.addf %add3A_321, %exp3A_319 : vector<16xf32>
      %div3A_323 = arith.constant 1.000000e+00 : f32
      %div3A_324 = vector.broadcast %div3A_323 : f32 to vector<16xf32>
      %div3A_325 = arith.divf %div3A_324, %add3A_322 : vector<16xf32>
      %add3A_326 = arith.constant 0 : i32
      %add3A_327 = arith.addi %mul3A_288, %add3A_326 : i32
      %swap3A_328 = arith.index_cast %add3A_327 : i32 to index
      %swap3A_329 = tpu.vector_load %arg16[%swap3A_328] {strides = array<i32>} : memref<10000xf32, #tpu.memory_space<vmem>>, vector<16xf32>,
      tpu.vector_store %arg16[%swap3A_328], %div3A_325 {strides = array<i32>} : memref<10000xf32, #tpu.memory_space<vmem>>, vector<16xf32>,
      %add3A_330 = arith.addf %scan3A_308#1, %get3A_7 : vector<16xf32>
      %add3A_331 = arith.constant 16 : i32
      %add3A_332 = arith.addi %mul3A_288, %add3A_331 : i32
      %get3A_333 = arith.index_cast %add3A_332 : i32 to index
      %get3A_334 = tpu.vector_load %arg15[%get3A_333] {strides = array<i32>} : memref<10000xf32, #tpu.memory_space<vmem>>, vector<16xf32>,
      %add3A_335 = arith.addf %add3A_330, %get3A_334 : vector<16xf32>
      %neg3A_336 = arith.constant 0.000000e+00 : f32
      %neg3A_337 = vector.broadcast %neg3A_336 : f32 to vector<16xf32>
      %neg3A_338 = arith.subf %neg3A_337, %add3A_335 : vector<16xf32>
      %exp3A_339 = math.exp %neg3A_338 : vector<16xf32>
      %add3A_340 = arith.constant 1.000000e+00 : f32
      %add3A_341 = vector.broadcast %add3A_340 : f32 to vector<16xf32>
      %add3A_342 = arith.addf %add3A_341, %exp3A_339 : vector<16xf32>
      %div3A_343 = arith.constant 1.000000e+00 : f32
      %div3A_344 = vector.broadcast %div3A_343 : f32 to vector<16xf32>
      %div3A_345 = arith.divf %div3A_344, %add3A_342 : vector<16xf32>
      %add3A_346 = arith.constant 16 : i32
      %add3A_347 = arith.addi %mul3A_288, %add3A_346 : i32
      %swap3A_348 = arith.index_cast %add3A_347 : i32 to index
      %swap3A_349 = tpu.vector_load %arg16[%swap3A_348] {strides = array<i32>} : memref<10000xf32, #tpu.memory_space<vmem>>, vector<16xf32>,
      tpu.vector_store %arg16[%swap3A_348], %div3A_345 {strides = array<i32>} : memref<10000xf32, #tpu.memory_space<vmem>>, vector<16xf32>,
      %add3A_350 = arith.addf %scan3A_308#2, %get3A_7 : vector<16xf32>
      %add3A_351 = arith.constant 32 : i32
      %add3A_352 = arith.addi %mul3A_288, %add3A_351 : i32
      %get3A_353 = arith.index_cast %add3A_352 : i32 to index
      %get3A_354 = tpu.vector_load %arg15[%get3A_353] {strides = array<i32>} : memref<10000xf32, #tpu.memory_space<vmem>>, vector<16xf32>,
      %add3A_355 = arith.addf %add3A_350, %get3A_354 : vector<16xf32>
      %neg3A_356 = arith.constant 0.000000e+00 : f32
      %neg3A_357 = vector.broadcast %neg3A_356 : f32 to vector<16xf32>
      %neg3A_358 = arith.subf %neg3A_357, %add3A_355 : vector<16xf32>
      %exp3A_359 = math.exp %neg3A_358 : vector<16xf32>
      %add3A_360 = arith.constant 1.000000e+00 : f32
      %add3A_361 = vector.broadcast %add3A_360 : f32 to vector<16xf32>
      %add3A_362 = arith.addf %add3A_361, %exp3A_359 : vector<16xf32>
      %div3A_363 = arith.constant 1.000000e+00 : f32
      %div3A_364 = vector.broadcast %div3A_363 : f32 to vector<16xf32>
      %div3A_365 = arith.divf %div3A_364, %add3A_362 : vector<16xf32>
      %add3A_366 = arith.constant 32 : i32
      %add3A_367 = arith.addi %mul3A_288, %add3A_366 : i32
      %swap3A_368 = arith.index_cast %add3A_367 : i32 to index
      %swap3A_369 = tpu.vector_load %arg16[%swap3A_368] {strides = array<i32>} : memref<10000xf32, #tpu.memory_space<vmem>>, vector<16xf32>,
      tpu.vector_store %arg16[%swap3A_368], %div3A_365 {strides = array<i32>} : memref<10000xf32, #tpu.memory_space<vmem>>, vector<16xf32>,
      %add3A_370 = arith.addf %scan3A_308#3, %get3A_7 : vector<16xf32>
      %add3A_371 = arith.constant 48 : i32
      %add3A_372 = arith.addi %mul3A_288, %add3A_371 : i32
      %get3A_373 = arith.index_cast %add3A_372 : i32 to index
      %get3A_374 = tpu.vector_load %arg15[%get3A_373] {strides = array<i32>} : memref<10000xf32, #tpu.memory_space<vmem>>, vector<16xf32>,
      %add3A_375 = arith.addf %add3A_370, %get3A_374 : vector<16xf32>
      %neg3A_376 = arith.constant 0.000000e+00 : f32
      %neg3A_377 = vector.broadcast %neg3A_376 : f32 to vector<16xf32>
      %neg3A_378 = arith.subf %neg3A_377, %add3A_375 : vector<16xf32>
      %exp3A_379 = math.exp %neg3A_378 : vector<16xf32>
      %add3A_380 = arith.constant 1.000000e+00 : f32
      %add3A_381 = vector.broadcast %add3A_380 : f32 to vector<16xf32>
      %add3A_382 = arith.addf %add3A_381, %exp3A_379 : vector<16xf32>
      %div3A_383 = arith.constant 1.000000e+00 : f32
      %div3A_384 = vector.broadcast %div3A_383 : f32 to vector<16xf32>
      %div3A_385 = arith.divf %div3A_384, %add3A_382 : vector<16xf32>
      %add3A_386 = arith.constant 48 : i32
      %add3A_387 = arith.addi %mul3A_288, %add3A_386 : i32
      %swap3A_388 = arith.index_cast %add3A_387 : i32 to index
      %swap3A_389 = tpu.vector_load %arg16[%swap3A_388] {strides = array<i32>} : memref<10000xf32, #tpu.memory_space<vmem>>, vector<16xf32>,
      tpu.vector_store %arg16[%swap3A_388], %div3A_385 {strides = array<i32>} : memref<10000xf32, #tpu.memory_space<vmem>>, vector<16xf32>,
      %add3A_390 = arith.addf %scan3A_308#4, %get3A_7 : vector<16xf32>
      %add3A_391 = arith.constant 64 : i32
      %add3A_392 = arith.addi %mul3A_288, %add3A_391 : i32
      %get3A_393 = arith.index_cast %add3A_392 : i32 to index
      %get3A_394 = tpu.vector_load %arg15[%get3A_393] {strides = array<i32>} : memref<10000xf32, #tpu.memory_space<vmem>>, vector<16xf32>,
      %add3A_395 = arith.addf %add3A_390, %get3A_394 : vector<16xf32>
      %neg3A_396 = arith.constant 0.000000e+00 : f32
      %neg3A_397 = vector.broadcast %neg3A_396 : f32 to vector<16xf32>
      %neg3A_398 = arith.subf %neg3A_397, %add3A_395 : vector<16xf32>
      %exp3A_399 = math.exp %neg3A_398 : vector<16xf32>
      %add3A_400 = arith.constant 1.000000e+00 : f32
      %add3A_401 = vector.broadcast %add3A_400 : f32 to vector<16xf32>
      %add3A_402 = arith.addf %add3A_401, %exp3A_399 : vector<16xf32>
      %div3A_403 = arith.constant 1.000000e+00 : f32
      %div3A_404 = vector.broadcast %div3A_403 : f32 to vector<16xf32>
      %div3A_405 = arith.divf %div3A_404, %add3A_402 : vector<16xf32>
      %add3A_406 = arith.constant 64 : i32
      %add3A_407 = arith.addi %mul3A_288, %add3A_406 : i32
      %swap3A_408 = arith.index_cast %add3A_407 : i32 to index
      %swap3A_409 = tpu.vector_load %arg16[%swap3A_408] {strides = array<i32>} : memref<10000xf32, #tpu.memory_space<vmem>>, vector<16xf32>,
      tpu.vector_store %arg16[%swap3A_408], %div3A_405 {strides = array<i32>} : memref<10000xf32, #tpu.memory_space<vmem>>, vector<16xf32>,
      %add3A_410 = arith.constant 5 : i32
      %add3A_411 = arith.addi %add3A_264, %add3A_410 : i32
      %lt3A_412 = arith.constant 125 : i32
      %lt3A_413 = arith.cmpi slt, %add3A_411, %lt3A_412 : i32
      %convert_element_type3A_414 = arith.extui %lt3A_413 : i1 to i32
      %cond3A_415 = arith.constant 0 : i32
      %cond3A_416 = arith.cmpi ne, %convert_element_type3A_414, %cond3A_415 : i32
      scf.if %cond3A_416 {
        %add3A_879 = arith.constant 5 : i32
        %add3A_880 = arith.addi %add3A_264, %add3A_879 : i32
        %mul3A_881 = arith.constant 80 : i32
        %mul3A_882 = arith.muli %add3A_880, %mul3A_881 : i32
        %dma_start3A_883 = arith.constant 1 : i32
        %dma_start3A_884 = arith.constant 0 : i32
        %dma_start3A_885 = arith.constant 0 : i32
        %dma_start3A_886 = tpu.memref_slice %arg12[%dma_start3A_883, %dma_start3A_884, %dma_start3A_885] : memref<5x80x64xf32, #tpu.memory_space<vmem>> -> memref<1x80x64xf32, #tpu.memory_space<vmem>>
        %dma_start3A_887 = tpu.memref_squeeze %dma_start3A_886 : memref<1x80x64xf32, #tpu.memory_space<vmem>> -> memref<80x64xf32, #tpu.memory_space<vmem>>
        %dma_start3A_888 = tpu.memref_slice %arg10[%mul3A_882] : memref<10000xi32, #tpu.memory_space<vmem>> -> memref<80xi32, #tpu.memory_space<vmem>>
        %dma_start3A_889 = arith.constant 0 : i32
        %dma_start3A_890 = arith.constant 0 : i32
        %dma_start3A_891 = tpu.memref_slice %arg4[%dma_start3A_889, %dma_start3A_890] : memref<10000x64xf32, #tpu.memory_space<hbm>> -> memref<10000x64xf32, #tpu.memory_space<hbm>>
        tpu.enqueue_indirect_dma source(%dma_start3A_891 : memref<10000x64xf32, #tpu.memory_space<hbm>>) target(%dma_start3A_887 : memref<80x64xf32, #tpu.memory_space<vmem>>) offsets(%dma_start3A_888 : memref<80xi32, #tpu.memory_space<vmem>>) semaphore(%arg19 : memref<!tpu.dma_semaphore, #tpu.memory_space<semaphore_mem>>)
        %mul3A_892 = arith.constant 80 : i32
        %mul3A_893 = arith.muli %add3A_880, %mul3A_892 : i32
        %dma_start3A_894 = arith.constant 1 : i32
        %dma_start3A_895 = arith.constant 0 : i32
        %dma_start3A_896 = arith.constant 0 : i32
        %dma_start3A_897 = tpu.memref_slice %arg13[%dma_start3A_894, %dma_start3A_895, %dma_start3A_896] : memref<5x80x64xf32, #tpu.memory_space<vmem>> -> memref<1x80x64xf32, #tpu.memory_space<vmem>>
        %dma_start3A_898 = tpu.memref_squeeze %dma_start3A_897 : memref<1x80x64xf32, #tpu.memory_space<vmem>> -> memref<80x64xf32, #tpu.memory_space<vmem>>
        %dma_start3A_899 = tpu.memref_slice %arg11[%mul3A_893] : memref<10000xi32, #tpu.memory_space<vmem>> -> memref<80xi32, #tpu.memory_space<vmem>>
        %dma_start3A_900 = arith.constant 0 : i32
        %dma_start3A_901 = arith.constant 0 : i32
        %dma_start3A_902 = tpu.memref_slice %arg5[%dma_start3A_900, %dma_start3A_901] : memref<10000x64xf32, #tpu.memory_space<hbm>> -> memref<10000x64xf32, #tpu.memory_space<hbm>>
        tpu.enqueue_indirect_dma source(%dma_start3A_902 : memref<10000x64xf32, #tpu.memory_space<hbm>>) target(%dma_start3A_898 : memref<80x64xf32, #tpu.memory_space<vmem>>) offsets(%dma_start3A_899 : memref<80xi32, #tpu.memory_space<vmem>>) semaphore(%arg24 : memref<!tpu.dma_semaphore, #tpu.memory_space<semaphore_mem>>)
      } else {
      }
      %add3A_417 = arith.constant 2 : i32
      %add3A_418 = arith.addi %add3A_117, %add3A_417 : i32
      %mul3A_419 = arith.constant 80 : i32
      %mul3A_420 = arith.muli %add3A_418, %mul3A_419 : i32
      %dma_wait3A_421 = arith.constant 2 : i32
      %dma_wait3A_422 = arith.constant 0 : i32
      %dma_wait3A_423 = arith.constant 0 : i32
      %dma_wait3A_424 = tpu.memref_slice %arg12[%dma_wait3A_421, %dma_wait3A_422, %dma_wait3A_423] : memref<5x80x64xf32, #tpu.memory_space<vmem>> -> memref<1x80x64xf32, #tpu.memory_space<vmem>>
      %dma_wait3A_425 = tpu.memref_squeeze %dma_wait3A_424 : memref<1x80x64xf32, #tpu.memory_space<vmem>> -> memref<80x64xf32, #tpu.memory_space<vmem>>
      %dma_wait3A_426 = tpu.memref_slice %arg10[%mul3A_420] : memref<10000xi32, #tpu.memory_space<vmem>> -> memref<80xi32, #tpu.memory_space<vmem>>
      %dma_wait3A_427 = arith.constant 0 : i32
      %dma_wait3A_428 = arith.constant 0 : i32
      %dma_wait3A_429 = tpu.memref_slice %arg4[%dma_wait3A_427, %dma_wait3A_428] : memref<10000x64xf32, #tpu.memory_space<hbm>> -> memref<10000x64xf32, #tpu.memory_space<hbm>>
      tpu.wait_indirect_dma semaphore(%arg20 : memref<!tpu.dma_semaphore, #tpu.memory_space<semaphore_mem>>) src(%dma_wait3A_429 : memref<10000x64xf32, #tpu.memory_space<hbm>>) dst(%dma_wait3A_425 : memref<80x64xf32, #tpu.memory_space<vmem>>)
      %mul3A_430 = arith.constant 80 : i32
      %mul3A_431 = arith.muli %add3A_418, %mul3A_430 : i32
      %dma_wait3A_432 = arith.constant 2 : i32
      %dma_wait3A_433 = arith.constant 0 : i32
      %dma_wait3A_434 = arith.constant 0 : i32
      %dma_wait3A_435 = tpu.memref_slice %arg13[%dma_wait3A_432, %dma_wait3A_433, %dma_wait3A_434] : memref<5x80x64xf32, #tpu.memory_space<vmem>> -> memref<1x80x64xf32, #tpu.memory_space<vmem>>
      %dma_wait3A_436 = tpu.memref_squeeze %dma_wait3A_435 : memref<1x80x64xf32, #tpu.memory_space<vmem>> -> memref<80x64xf32, #tpu.memory_space<vmem>>
      %dma_wait3A_437 = tpu.memref_slice %arg11[%mul3A_431] : memref<10000xi32, #tpu.memory_space<vmem>> -> memref<80xi32, #tpu.memory_space<vmem>>
      %dma_wait3A_438 = arith.constant 0 : i32
      %dma_wait3A_439 = arith.constant 0 : i32
      %dma_wait3A_440 = tpu.memref_slice %arg5[%dma_wait3A_438, %dma_wait3A_439] : memref<10000x64xf32, #tpu.memory_space<hbm>> -> memref<10000x64xf32, #tpu.memory_space<hbm>>
      tpu.wait_indirect_dma semaphore(%arg25 : memref<!tpu.dma_semaphore, #tpu.memory_space<semaphore_mem>>) src(%dma_wait3A_440 : memref<10000x64xf32, #tpu.memory_space<hbm>>) dst(%dma_wait3A_436 : memref<80x64xf32, #tpu.memory_space<vmem>>)
      %mul3A_441 = arith.constant 80 : i32
      %mul3A_442 = arith.muli %add3A_418, %mul3A_441 : i32
      %broadcast_in_dim3A_443 = arith.constant 0 : i32
      %broadcast_in_dim3A_444 = vector.broadcast %broadcast_in_dim3A_443 : i32 to vector<16xi32>
      %add3A_445 = arith.constant 2 : i32
      %add3A_446 = vector.broadcast %add3A_445 : i32 to vector<16xi32>
      %add3A_447 = arith.addi %broadcast_in_dim3A_444, %add3A_446 : vector<16xi32>
      %broadcast_in_dim3A_448 = arith.constant 0.000000e+00 : f32
      %broadcast_in_dim3A_449 = vector.broadcast %broadcast_in_dim3A_448 : f32 to vector<16xf32>
      %broadcast_in_dim3A_450 = arith.constant 0.000000e+00 : f32
      %broadcast_in_dim3A_451 = vector.broadcast %broadcast_in_dim3A_450 : f32 to vector<16xf32>
      %broadcast_in_dim3A_452 = arith.constant 0.000000e+00 : f32
      %broadcast_in_dim3A_453 = vector.broadcast %broadcast_in_dim3A_452 : f32 to vector<16xf32>
      %broadcast_in_dim3A_454 = arith.constant 0.000000e+00 : f32
      %broadcast_in_dim3A_455 = vector.broadcast %broadcast_in_dim3A_454 : f32 to vector<16xf32>
      %broadcast_in_dim3A_456 = arith.constant 0.000000e+00 : f32
      %broadcast_in_dim3A_457 = vector.broadcast %broadcast_in_dim3A_456 : f32 to vector<16xf32>
      %scan3A_458 = arith.constant 0 : i32
      %scan3A_459 = arith.constant 64 : i32
      %scan3A_460 = arith.addi %scan3A_458, %scan3A_459 : i32
      %scan3A_461 = arith.constant 4 : i32
      %scan3A_462:5 = scf.for %scan3A_879 = %scan3A_458 to %scan3A_460 step %scan3A_461 iter_args(%scan3A_880 = %broadcast_in_dim3A_449, %scan3A_881 = %broadcast_in_dim3A_451, %scan3A_882 = %broadcast_in_dim3A_453, %scan3A_883 = %broadcast_in_dim3A_455, %scan3A_884 = %broadcast_in_dim3A_457) -> (vector<16xf32>, vector<16xf32>, vector<16xf32>, vector<16xf32>, vector<16xf32>)  : i32 {
        %add3A_885 = vector.broadcast %scan3A_879 : i32 to vector<16xi32>
        %add3A_886 = arith.addi %iota3A, %add3A_885 : vector<16xi32>
        %and3A = arith.constant 63 : i32
        %and3A_887 = vector.broadcast %and3A : i32 to vector<16xi32>
        %and3A_888 = arith.andi %add3A_886, %and3A_887 : vector<16xi32>
        %gather3A = tpu.vector_load_idx %arg14[%and3A_888] : memref<64xf32, #tpu.memory_space<vmem>>[vector<16xi32>], vector<16xf32>,
        %add3A_889 = arith.constant 0 : i32
        %add3A_890 = vector.broadcast %add3A_889 : i32 to vector<16xi32>
        %add3A_891 = arith.addi %iota3A, %add3A_890 : vector<16xi32>
        %gather3A_892 = tpu.vector_load_idx %arg12[%add3A_447, %add3A_891, %and3A_888] : memref<5x80x64xf32, #tpu.memory_space<vmem>>[vector<16xi32>, vector<16xi32>, vector<16xi32>], vector<16xf32>,
        %gather3A_893 = tpu.vector_load_idx %arg13[%add3A_447, %add3A_891, %and3A_888] : memref<5x80x64xf32, #tpu.memory_space<vmem>>[vector<16xi32>, vector<16xi32>, vector<16xi32>], vector<16xf32>,
        %add3A_894 = arith.addf %gather3A_892, %gather3A_893 : vector<16xf32>
        %max3A = arith.constant 0.000000e+00 : f32
        %max3A_895 = vector.broadcast %max3A : f32 to vector<16xf32>
        %max3A_896 = arith.maximumf %add3A_894, %max3A_895 : vector<16xf32>
        %mul3A_897 = arith.mulf %max3A_896, %gather3A : vector<16xf32>
        %add3A_898 = arith.addf %scan3A_880, %mul3A_897 : vector<16xf32>
        %add3A_899 = arith.constant 16 : i32
        %add3A_900 = vector.broadcast %add3A_899 : i32 to vector<16xi32>
        %add3A_901 = arith.addi %iota3A, %add3A_900 : vector<16xi32>
        %gather3A_902 = tpu.vector_load_idx %arg12[%add3A_447, %add3A_901, %and3A_888] : memref<5x80x64xf32, #tpu.memory_space<vmem>>[vector<16xi32>, vector<16xi32>, vector<16xi32>], vector<16xf32>,
        %gather3A_903 = tpu.vector_load_idx %arg13[%add3A_447, %add3A_901, %and3A_888] : memref<5x80x64xf32, #tpu.memory_space<vmem>>[vector<16xi32>, vector<16xi32>, vector<16xi32>], vector<16xf32>,
        %add3A_904 = arith.addf %gather3A_902, %gather3A_903 : vector<16xf32>
        %max3A_905 = arith.constant 0.000000e+00 : f32
        %max3A_906 = vector.broadcast %max3A_905 : f32 to vector<16xf32>
        %max3A_907 = arith.maximumf %add3A_904, %max3A_906 : vector<16xf32>
        %mul3A_908 = arith.mulf %max3A_907, %gather3A : vector<16xf32>
        %add3A_909 = arith.addf %scan3A_881, %mul3A_908 : vector<16xf32>
        %add3A_910 = arith.constant 32 : i32
        %add3A_911 = vector.broadcast %add3A_910 : i32 to vector<16xi32>
        %add3A_912 = arith.addi %iota3A, %add3A_911 : vector<16xi32>
        %gather3A_913 = tpu.vector_load_idx %arg12[%add3A_447, %add3A_912, %and3A_888] : memref<5x80x64xf32, #tpu.memory_space<vmem>>[vector<16xi32>, vector<16xi32>, vector<16xi32>], vector<16xf32>,
        %gather3A_914 = tpu.vector_load_idx %arg13[%add3A_447, %add3A_912, %and3A_888] : memref<5x80x64xf32, #tpu.memory_space<vmem>>[vector<16xi32>, vector<16xi32>, vector<16xi32>], vector<16xf32>,
        %add3A_915 = arith.addf %gather3A_913, %gather3A_914 : vector<16xf32>
        %max3A_916 = arith.constant 0.000000e+00 : f32
        %max3A_917 = vector.broadcast %max3A_916 : f32 to vector<16xf32>
        %max3A_918 = arith.maximumf %add3A_915, %max3A_917 : vector<16xf32>
        %mul3A_919 = arith.mulf %max3A_918, %gather3A : vector<16xf32>
        %add3A_920 = arith.addf %scan3A_882, %mul3A_919 : vector<16xf32>
        %add3A_921 = arith.constant 48 : i32
        %add3A_922 = vector.broadcast %add3A_921 : i32 to vector<16xi32>
        %add3A_923 = arith.addi %iota3A, %add3A_922 : vector<16xi32>
        %gather3A_924 = tpu.vector_load_idx %arg12[%add3A_447, %add3A_923, %and3A_888] : memref<5x80x64xf32, #tpu.memory_space<vmem>>[vector<16xi32>, vector<16xi32>, vector<16xi32>], vector<16xf32>,
        %gather3A_925 = tpu.vector_load_idx %arg13[%add3A_447, %add3A_923, %and3A_888] : memref<5x80x64xf32, #tpu.memory_space<vmem>>[vector<16xi32>, vector<16xi32>, vector<16xi32>], vector<16xf32>,
        %add3A_926 = arith.addf %gather3A_924, %gather3A_925 : vector<16xf32>
        %max3A_927 = arith.constant 0.000000e+00 : f32
        %max3A_928 = vector.broadcast %max3A_927 : f32 to vector<16xf32>
        %max3A_929 = arith.maximumf %add3A_926, %max3A_928 : vector<16xf32>
        %mul3A_930 = arith.mulf %max3A_929, %gather3A : vector<16xf32>
        %add3A_931 = arith.addf %scan3A_883, %mul3A_930 : vector<16xf32>
        %add3A_932 = arith.constant 64 : i32
        %add3A_933 = vector.broadcast %add3A_932 : i32 to vector<16xi32>
        %add3A_934 = arith.addi %iota3A, %add3A_933 : vector<16xi32>
        %gather3A_935 = tpu.vector_load_idx %arg12[%add3A_447, %add3A_934, %and3A_888] : memref<5x80x64xf32, #tpu.memory_space<vmem>>[vector<16xi32>, vector<16xi32>, vector<16xi32>], vector<16xf32>,
        %gather3A_936 = tpu.vector_load_idx %arg13[%add3A_447, %add3A_934, %and3A_888] : memref<5x80x64xf32, #tpu.memory_space<vmem>>[vector<16xi32>, vector<16xi32>, vector<16xi32>], vector<16xf32>,
        %add3A_937 = arith.addf %gather3A_935, %gather3A_936 : vector<16xf32>
        %max3A_938 = arith.constant 0.000000e+00 : f32
        %max3A_939 = vector.broadcast %max3A_938 : f32 to vector<16xf32>
        %max3A_940 = arith.maximumf %add3A_937, %max3A_939 : vector<16xf32>
        %mul3A_941 = arith.mulf %max3A_940, %gather3A : vector<16xf32>
        %add3A_942 = arith.addf %scan3A_884, %mul3A_941 : vector<16xf32>
        %scan3A_943 = arith.constant 1 : i32
        %scan3A_944 = arith.addi %scan3A_879, %scan3A_943 : i32
        %add3A_945 = vector.broadcast %scan3A_944 : i32 to vector<16xi32>
        %add3A_946 = arith.addi %iota3A, %add3A_945 : vector<16xi32>
        %and3A_947 = arith.constant 63 : i32
        %and3A_948 = vector.broadcast %and3A_947 : i32 to vector<16xi32>
        %and3A_949 = arith.andi %add3A_946, %and3A_948 : vector<16xi32>
        %gather3A_950 = tpu.vector_load_idx %arg14[%and3A_949] : memref<64xf32, #tpu.memory_space<vmem>>[vector<16xi32>], vector<16xf32>,
        %add3A_951 = arith.constant 0 : i32
        %add3A_952 = vector.broadcast %add3A_951 : i32 to vector<16xi32>
        %add3A_953 = arith.addi %iota3A, %add3A_952 : vector<16xi32>
        %gather3A_954 = tpu.vector_load_idx %arg12[%add3A_447, %add3A_953, %and3A_949] : memref<5x80x64xf32, #tpu.memory_space<vmem>>[vector<16xi32>, vector<16xi32>, vector<16xi32>], vector<16xf32>,
        %gather3A_955 = tpu.vector_load_idx %arg13[%add3A_447, %add3A_953, %and3A_949] : memref<5x80x64xf32, #tpu.memory_space<vmem>>[vector<16xi32>, vector<16xi32>, vector<16xi32>], vector<16xf32>,
        %add3A_956 = arith.addf %gather3A_954, %gather3A_955 : vector<16xf32>
        %max3A_957 = arith.constant 0.000000e+00 : f32
        %max3A_958 = vector.broadcast %max3A_957 : f32 to vector<16xf32>
        %max3A_959 = arith.maximumf %add3A_956, %max3A_958 : vector<16xf32>
        %mul3A_960 = arith.mulf %max3A_959, %gather3A_950 : vector<16xf32>
        %add3A_961 = arith.addf %add3A_898, %mul3A_960 : vector<16xf32>
        %add3A_962 = arith.constant 16 : i32
        %add3A_963 = vector.broadcast %add3A_962 : i32 to vector<16xi32>
        %add3A_964 = arith.addi %iota3A, %add3A_963 : vector<16xi32>
        %gather3A_965 = tpu.vector_load_idx %arg12[%add3A_447, %add3A_964, %and3A_949] : memref<5x80x64xf32, #tpu.memory_space<vmem>>[vector<16xi32>, vector<16xi32>, vector<16xi32>], vector<16xf32>,
        %gather3A_966 = tpu.vector_load_idx %arg13[%add3A_447, %add3A_964, %and3A_949] : memref<5x80x64xf32, #tpu.memory_space<vmem>>[vector<16xi32>, vector<16xi32>, vector<16xi32>], vector<16xf32>,
        %add3A_967 = arith.addf %gather3A_965, %gather3A_966 : vector<16xf32>
        %max3A_968 = arith.constant 0.000000e+00 : f32
        %max3A_969 = vector.broadcast %max3A_968 : f32 to vector<16xf32>
        %max3A_970 = arith.maximumf %add3A_967, %max3A_969 : vector<16xf32>
        %mul3A_971 = arith.mulf %max3A_970, %gather3A_950 : vector<16xf32>
        %add3A_972 = arith.addf %add3A_909, %mul3A_971 : vector<16xf32>
        %add3A_973 = arith.constant 32 : i32
        %add3A_974 = vector.broadcast %add3A_973 : i32 to vector<16xi32>
        %add3A_975 = arith.addi %iota3A, %add3A_974 : vector<16xi32>
        %gather3A_976 = tpu.vector_load_idx %arg12[%add3A_447, %add3A_975, %and3A_949] : memref<5x80x64xf32, #tpu.memory_space<vmem>>[vector<16xi32>, vector<16xi32>, vector<16xi32>], vector<16xf32>,
        %gather3A_977 = tpu.vector_load_idx %arg13[%add3A_447, %add3A_975, %and3A_949] : memref<5x80x64xf32, #tpu.memory_space<vmem>>[vector<16xi32>, vector<16xi32>, vector<16xi32>], vector<16xf32>,
        %add3A_978 = arith.addf %gather3A_976, %gather3A_977 : vector<16xf32>
        %max3A_979 = arith.constant 0.000000e+00 : f32
        %max3A_980 = vector.broadcast %max3A_979 : f32 to vector<16xf32>
        %max3A_981 = arith.maximumf %add3A_978, %max3A_980 : vector<16xf32>
        %mul3A_982 = arith.mulf %max3A_981, %gather3A_950 : vector<16xf32>
        %add3A_983 = arith.addf %add3A_920, %mul3A_982 : vector<16xf32>
        %add3A_984 = arith.constant 48 : i32
        %add3A_985 = vector.broadcast %add3A_984 : i32 to vector<16xi32>
        %add3A_986 = arith.addi %iota3A, %add3A_985 : vector<16xi32>
        %gather3A_987 = tpu.vector_load_idx %arg12[%add3A_447, %add3A_986, %and3A_949] : memref<5x80x64xf32, #tpu.memory_space<vmem>>[vector<16xi32>, vector<16xi32>, vector<16xi32>], vector<16xf32>,
        %gather3A_988 = tpu.vector_load_idx %arg13[%add3A_447, %add3A_986, %and3A_949] : memref<5x80x64xf32, #tpu.memory_space<vmem>>[vector<16xi32>, vector<16xi32>, vector<16xi32>], vector<16xf32>,
        %add3A_989 = arith.addf %gather3A_987, %gather3A_988 : vector<16xf32>
        %max3A_990 = arith.constant 0.000000e+00 : f32
        %max3A_991 = vector.broadcast %max3A_990 : f32 to vector<16xf32>
        %max3A_992 = arith.maximumf %add3A_989, %max3A_991 : vector<16xf32>
        %mul3A_993 = arith.mulf %max3A_992, %gather3A_950 : vector<16xf32>
        %add3A_994 = arith.addf %add3A_931, %mul3A_993 : vector<16xf32>
        %add3A_995 = arith.constant 64 : i32
        %add3A_996 = vector.broadcast %add3A_995 : i32 to vector<16xi32>
        %add3A_997 = arith.addi %iota3A, %add3A_996 : vector<16xi32>
        %gather3A_998 = tpu.vector_load_idx %arg12[%add3A_447, %add3A_997, %and3A_949] : memref<5x80x64xf32, #tpu.memory_space<vmem>>[vector<16xi32>, vector<16xi32>, vector<16xi32>], vector<16xf32>,
        %gather3A_999 = tpu.vector_load_idx %arg13[%add3A_447, %add3A_997, %and3A_949] : memref<5x80x64xf32, #tpu.memory_space<vmem>>[vector<16xi32>, vector<16xi32>, vector<16xi32>], vector<16xf32>,
        %add3A_1000 = arith.addf %gather3A_998, %gather3A_999 : vector<16xf32>
        %max3A_1001 = arith.constant 0.000000e+00 : f32
        %max3A_1002 = vector.broadcast %max3A_1001 : f32 to vector<16xf32>
        %max3A_1003 = arith.maximumf %add3A_1000, %max3A_1002 : vector<16xf32>
        %mul3A_1004 = arith.mulf %max3A_1003, %gather3A_950 : vector<16xf32>
        %add3A_1005 = arith.addf %add3A_942, %mul3A_1004 : vector<16xf32>
        %scan3A_1006 = arith.constant 2 : i32
        %scan3A_1007 = arith.addi %scan3A_879, %scan3A_1006 : i32
        %add3A_1008 = vector.broadcast %scan3A_1007 : i32 to vector<16xi32>
        %add3A_1009 = arith.addi %iota3A, %add3A_1008 : vector<16xi32>
        %and3A_1010 = arith.constant 63 : i32
        %and3A_1011 = vector.broadcast %and3A_1010 : i32 to vector<16xi32>
        %and3A_1012 = arith.andi %add3A_1009, %and3A_1011 : vector<16xi32>
        %gather3A_1013 = tpu.vector_load_idx %arg14[%and3A_1012] : memref<64xf32, #tpu.memory_space<vmem>>[vector<16xi32>], vector<16xf32>,
        %add3A_1014 = arith.constant 0 : i32
        %add3A_1015 = vector.broadcast %add3A_1014 : i32 to vector<16xi32>
        %add3A_1016 = arith.addi %iota3A, %add3A_1015 : vector<16xi32>
        %gather3A_1017 = tpu.vector_load_idx %arg12[%add3A_447, %add3A_1016, %and3A_1012] : memref<5x80x64xf32, #tpu.memory_space<vmem>>[vector<16xi32>, vector<16xi32>, vector<16xi32>], vector<16xf32>,
        %gather3A_1018 = tpu.vector_load_idx %arg13[%add3A_447, %add3A_1016, %and3A_1012] : memref<5x80x64xf32, #tpu.memory_space<vmem>>[vector<16xi32>, vector<16xi32>, vector<16xi32>], vector<16xf32>,
        %add3A_1019 = arith.addf %gather3A_1017, %gather3A_1018 : vector<16xf32>
        %max3A_1020 = arith.constant 0.000000e+00 : f32
        %max3A_1021 = vector.broadcast %max3A_1020 : f32 to vector<16xf32>
        %max3A_1022 = arith.maximumf %add3A_1019, %max3A_1021 : vector<16xf32>
        %mul3A_1023 = arith.mulf %max3A_1022, %gather3A_1013 : vector<16xf32>
        %add3A_1024 = arith.addf %add3A_961, %mul3A_1023 : vector<16xf32>
        %add3A_1025 = arith.constant 16 : i32
        %add3A_1026 = vector.broadcast %add3A_1025 : i32 to vector<16xi32>
        %add3A_1027 = arith.addi %iota3A, %add3A_1026 : vector<16xi32>
        %gather3A_1028 = tpu.vector_load_idx %arg12[%add3A_447, %add3A_1027, %and3A_1012] : memref<5x80x64xf32, #tpu.memory_space<vmem>>[vector<16xi32>, vector<16xi32>, vector<16xi32>], vector<16xf32>,
        %gather3A_1029 = tpu.vector_load_idx %arg13[%add3A_447, %add3A_1027, %and3A_1012] : memref<5x80x64xf32, #tpu.memory_space<vmem>>[vector<16xi32>, vector<16xi32>, vector<16xi32>], vector<16xf32>,
        %add3A_1030 = arith.addf %gather3A_1028, %gather3A_1029 : vector<16xf32>
        %max3A_1031 = arith.constant 0.000000e+00 : f32
        %max3A_1032 = vector.broadcast %max3A_1031 : f32 to vector<16xf32>
        %max3A_1033 = arith.maximumf %add3A_1030, %max3A_1032 : vector<16xf32>
        %mul3A_1034 = arith.mulf %max3A_1033, %gather3A_1013 : vector<16xf32>
        %add3A_1035 = arith.addf %add3A_972, %mul3A_1034 : vector<16xf32>
        %add3A_1036 = arith.constant 32 : i32
        %add3A_1037 = vector.broadcast %add3A_1036 : i32 to vector<16xi32>
        %add3A_1038 = arith.addi %iota3A, %add3A_1037 : vector<16xi32>
        %gather3A_1039 = tpu.vector_load_idx %arg12[%add3A_447, %add3A_1038, %and3A_1012] : memref<5x80x64xf32, #tpu.memory_space<vmem>>[vector<16xi32>, vector<16xi32>, vector<16xi32>], vector<16xf32>,
        %gather3A_1040 = tpu.vector_load_idx %arg13[%add3A_447, %add3A_1038, %and3A_1012] : memref<5x80x64xf32, #tpu.memory_space<vmem>>[vector<16xi32>, vector<16xi32>, vector<16xi32>], vector<16xf32>,
        %add3A_1041 = arith.addf %gather3A_1039, %gather3A_1040 : vector<16xf32>
        %max3A_1042 = arith.constant 0.000000e+00 : f32
        %max3A_1043 = vector.broadcast %max3A_1042 : f32 to vector<16xf32>
        %max3A_1044 = arith.maximumf %add3A_1041, %max3A_1043 : vector<16xf32>
        %mul3A_1045 = arith.mulf %max3A_1044, %gather3A_1013 : vector<16xf32>
        %add3A_1046 = arith.addf %add3A_983, %mul3A_1045 : vector<16xf32>
        %add3A_1047 = arith.constant 48 : i32
        %add3A_1048 = vector.broadcast %add3A_1047 : i32 to vector<16xi32>
        %add3A_1049 = arith.addi %iota3A, %add3A_1048 : vector<16xi32>
        %gather3A_1050 = tpu.vector_load_idx %arg12[%add3A_447, %add3A_1049, %and3A_1012] : memref<5x80x64xf32, #tpu.memory_space<vmem>>[vector<16xi32>, vector<16xi32>, vector<16xi32>], vector<16xf32>,
        %gather3A_1051 = tpu.vector_load_idx %arg13[%add3A_447, %add3A_1049, %and3A_1012] : memref<5x80x64xf32, #tpu.memory_space<vmem>>[vector<16xi32>, vector<16xi32>, vector<16xi32>], vector<16xf32>,
        %add3A_1052 = arith.addf %gather3A_1050, %gather3A_1051 : vector<16xf32>
        %max3A_1053 = arith.constant 0.000000e+00 : f32
        %max3A_1054 = vector.broadcast %max3A_1053 : f32 to vector<16xf32>
        %max3A_1055 = arith.maximumf %add3A_1052, %max3A_1054 : vector<16xf32>
        %mul3A_1056 = arith.mulf %max3A_1055, %gather3A_1013 : vector<16xf32>
        %add3A_1057 = arith.addf %add3A_994, %mul3A_1056 : vector<16xf32>
        %add3A_1058 = arith.constant 64 : i32
        %add3A_1059 = vector.broadcast %add3A_1058 : i32 to vector<16xi32>
        %add3A_1060 = arith.addi %iota3A, %add3A_1059 : vector<16xi32>
        %gather3A_1061 = tpu.vector_load_idx %arg12[%add3A_447, %add3A_1060, %and3A_1012] : memref<5x80x64xf32, #tpu.memory_space<vmem>>[vector<16xi32>, vector<16xi32>, vector<16xi32>], vector<16xf32>,
        %gather3A_1062 = tpu.vector_load_idx %arg13[%add3A_447, %add3A_1060, %and3A_1012] : memref<5x80x64xf32, #tpu.memory_space<vmem>>[vector<16xi32>, vector<16xi32>, vector<16xi32>], vector<16xf32>,
        %add3A_1063 = arith.addf %gather3A_1061, %gather3A_1062 : vector<16xf32>
        %max3A_1064 = arith.constant 0.000000e+00 : f32
        %max3A_1065 = vector.broadcast %max3A_1064 : f32 to vector<16xf32>
        %max3A_1066 = arith.maximumf %add3A_1063, %max3A_1065 : vector<16xf32>
        %mul3A_1067 = arith.mulf %max3A_1066, %gather3A_1013 : vector<16xf32>
        %add3A_1068 = arith.addf %add3A_1005, %mul3A_1067 : vector<16xf32>
        %scan3A_1069 = arith.constant 3 : i32
        %scan3A_1070 = arith.addi %scan3A_879, %scan3A_1069 : i32
        %add3A_1071 = vector.broadcast %scan3A_1070 : i32 to vector<16xi32>
        %add3A_1072 = arith.addi %iota3A, %add3A_1071 : vector<16xi32>
        %and3A_1073 = arith.constant 63 : i32
        %and3A_1074 = vector.broadcast %and3A_1073 : i32 to vector<16xi32>
        %and3A_1075 = arith.andi %add3A_1072, %and3A_1074 : vector<16xi32>
        %gather3A_1076 = tpu.vector_load_idx %arg14[%and3A_1075] : memref<64xf32, #tpu.memory_space<vmem>>[vector<16xi32>], vector<16xf32>,
        %add3A_1077 = arith.constant 0 : i32
        %add3A_1078 = vector.broadcast %add3A_1077 : i32 to vector<16xi32>
        %add3A_1079 = arith.addi %iota3A, %add3A_1078 : vector<16xi32>
        %gather3A_1080 = tpu.vector_load_idx %arg12[%add3A_447, %add3A_1079, %and3A_1075] : memref<5x80x64xf32, #tpu.memory_space<vmem>>[vector<16xi32>, vector<16xi32>, vector<16xi32>], vector<16xf32>,
        %gather3A_1081 = tpu.vector_load_idx %arg13[%add3A_447, %add3A_1079, %and3A_1075] : memref<5x80x64xf32, #tpu.memory_space<vmem>>[vector<16xi32>, vector<16xi32>, vector<16xi32>], vector<16xf32>,
        %add3A_1082 = arith.addf %gather3A_1080, %gather3A_1081 : vector<16xf32>
        %max3A_1083 = arith.constant 0.000000e+00 : f32
        %max3A_1084 = vector.broadcast %max3A_1083 : f32 to vector<16xf32>
        %max3A_1085 = arith.maximumf %add3A_1082, %max3A_1084 : vector<16xf32>
        %mul3A_1086 = arith.mulf %max3A_1085, %gather3A_1076 : vector<16xf32>
        %add3A_1087 = arith.addf %add3A_1024, %mul3A_1086 : vector<16xf32>
        %add3A_1088 = arith.constant 16 : i32
        %add3A_1089 = vector.broadcast %add3A_1088 : i32 to vector<16xi32>
        %add3A_1090 = arith.addi %iota3A, %add3A_1089 : vector<16xi32>
        %gather3A_1091 = tpu.vector_load_idx %arg12[%add3A_447, %add3A_1090, %and3A_1075] : memref<5x80x64xf32, #tpu.memory_space<vmem>>[vector<16xi32>, vector<16xi32>, vector<16xi32>], vector<16xf32>,
        %gather3A_1092 = tpu.vector_load_idx %arg13[%add3A_447, %add3A_1090, %and3A_1075] : memref<5x80x64xf32, #tpu.memory_space<vmem>>[vector<16xi32>, vector<16xi32>, vector<16xi32>], vector<16xf32>,
        %add3A_1093 = arith.addf %gather3A_1091, %gather3A_1092 : vector<16xf32>
        %max3A_1094 = arith.constant 0.000000e+00 : f32
        %max3A_1095 = vector.broadcast %max3A_1094 : f32 to vector<16xf32>
        %max3A_1096 = arith.maximumf %add3A_1093, %max3A_1095 : vector<16xf32>
        %mul3A_1097 = arith.mulf %max3A_1096, %gather3A_1076 : vector<16xf32>
        %add3A_1098 = arith.addf %add3A_1035, %mul3A_1097 : vector<16xf32>
        %add3A_1099 = arith.constant 32 : i32
        %add3A_1100 = vector.broadcast %add3A_1099 : i32 to vector<16xi32>
        %add3A_1101 = arith.addi %iota3A, %add3A_1100 : vector<16xi32>
        %gather3A_1102 = tpu.vector_load_idx %arg12[%add3A_447, %add3A_1101, %and3A_1075] : memref<5x80x64xf32, #tpu.memory_space<vmem>>[vector<16xi32>, vector<16xi32>, vector<16xi32>], vector<16xf32>,
        %gather3A_1103 = tpu.vector_load_idx %arg13[%add3A_447, %add3A_1101, %and3A_1075] : memref<5x80x64xf32, #tpu.memory_space<vmem>>[vector<16xi32>, vector<16xi32>, vector<16xi32>], vector<16xf32>,
        %add3A_1104 = arith.addf %gather3A_1102, %gather3A_1103 : vector<16xf32>
        %max3A_1105 = arith.constant 0.000000e+00 : f32
        %max3A_1106 = vector.broadcast %max3A_1105 : f32 to vector<16xf32>
        %max3A_1107 = arith.maximumf %add3A_1104, %max3A_1106 : vector<16xf32>
        %mul3A_1108 = arith.mulf %max3A_1107, %gather3A_1076 : vector<16xf32>
        %add3A_1109 = arith.addf %add3A_1046, %mul3A_1108 : vector<16xf32>
        %add3A_1110 = arith.constant 48 : i32
        %add3A_1111 = vector.broadcast %add3A_1110 : i32 to vector<16xi32>
        %add3A_1112 = arith.addi %iota3A, %add3A_1111 : vector<16xi32>
        %gather3A_1113 = tpu.vector_load_idx %arg12[%add3A_447, %add3A_1112, %and3A_1075] : memref<5x80x64xf32, #tpu.memory_space<vmem>>[vector<16xi32>, vector<16xi32>, vector<16xi32>], vector<16xf32>,
        %gather3A_1114 = tpu.vector_load_idx %arg13[%add3A_447, %add3A_1112, %and3A_1075] : memref<5x80x64xf32, #tpu.memory_space<vmem>>[vector<16xi32>, vector<16xi32>, vector<16xi32>], vector<16xf32>,
        %add3A_1115 = arith.addf %gather3A_1113, %gather3A_1114 : vector<16xf32>
        %max3A_1116 = arith.constant 0.000000e+00 : f32
        %max3A_1117 = vector.broadcast %max3A_1116 : f32 to vector<16xf32>
        %max3A_1118 = arith.maximumf %add3A_1115, %max3A_1117 : vector<16xf32>
        %mul3A_1119 = arith.mulf %max3A_1118, %gather3A_1076 : vector<16xf32>
        %add3A_1120 = arith.addf %add3A_1057, %mul3A_1119 : vector<16xf32>
        %add3A_1121 = arith.constant 64 : i32
        %add3A_1122 = vector.broadcast %add3A_1121 : i32 to vector<16xi32>
        %add3A_1123 = arith.addi %iota3A, %add3A_1122 : vector<16xi32>
        %gather3A_1124 = tpu.vector_load_idx %arg12[%add3A_447, %add3A_1123, %and3A_1075] : memref<5x80x64xf32, #tpu.memory_space<vmem>>[vector<16xi32>, vector<16xi32>, vector<16xi32>], vector<16xf32>,
        %gather3A_1125 = tpu.vector_load_idx %arg13[%add3A_447, %add3A_1123, %and3A_1075] : memref<5x80x64xf32, #tpu.memory_space<vmem>>[vector<16xi32>, vector<16xi32>, vector<16xi32>], vector<16xf32>,
        %add3A_1126 = arith.addf %gather3A_1124, %gather3A_1125 : vector<16xf32>
        %max3A_1127 = arith.constant 0.000000e+00 : f32
        %max3A_1128 = vector.broadcast %max3A_1127 : f32 to vector<16xf32>
        %max3A_1129 = arith.maximumf %add3A_1126, %max3A_1128 : vector<16xf32>
        %mul3A_1130 = arith.mulf %max3A_1129, %gather3A_1076 : vector<16xf32>
        %add3A_1131 = arith.addf %add3A_1068, %mul3A_1130 : vector<16xf32>
        scf.yield %add3A_1087, %add3A_1098, %add3A_1109, %add3A_1120, %add3A_1131 : vector<16xf32>, vector<16xf32>, vector<16xf32>, vector<16xf32>, vector<16xf32>
      }
      %scan3A_463 = arith.constant 64 : i32
      %add3A_464 = arith.addf %scan3A_462#0, %get3A_7 : vector<16xf32>
      %add3A_465 = arith.constant 0 : i32
      %add3A_466 = arith.addi %mul3A_442, %add3A_465 : i32
      %get3A_467 = arith.index_cast %add3A_466 : i32 to index
      %get3A_468 = tpu.vector_load %arg15[%get3A_467] {strides = array<i32>} : memref<10000xf32, #tpu.memory_space<vmem>>, vector<16xf32>,
      %add3A_469 = arith.addf %add3A_464, %get3A_468 : vector<16xf32>
      %neg3A_470 = arith.constant 0.000000e+00 : f32
      %neg3A_471 = vector.broadcast %neg3A_470 : f32 to vector<16xf32>
      %neg3A_472 = arith.subf %neg3A_471, %add3A_469 : vector<16xf32>
      %exp3A_473 = math.exp %neg3A_472 : vector<16xf32>
      %add3A_474 = arith.constant 1.000000e+00 : f32
      %add3A_475 = vector.broadcast %add3A_474 : f32 to vector<16xf32>
      %add3A_476 = arith.addf %add3A_475, %exp3A_473 : vector<16xf32>
      %div3A_477 = arith.constant 1.000000e+00 : f32
      %div3A_478 = vector.broadcast %div3A_477 : f32 to vector<16xf32>
      %div3A_479 = arith.divf %div3A_478, %add3A_476 : vector<16xf32>
      %add3A_480 = arith.constant 0 : i32
      %add3A_481 = arith.addi %mul3A_442, %add3A_480 : i32
      %swap3A_482 = arith.index_cast %add3A_481 : i32 to index
      %swap3A_483 = tpu.vector_load %arg16[%swap3A_482] {strides = array<i32>} : memref<10000xf32, #tpu.memory_space<vmem>>, vector<16xf32>,
      tpu.vector_store %arg16[%swap3A_482], %div3A_479 {strides = array<i32>} : memref<10000xf32, #tpu.memory_space<vmem>>, vector<16xf32>,
      %add3A_484 = arith.addf %scan3A_462#1, %get3A_7 : vector<16xf32>
      %add3A_485 = arith.constant 16 : i32
      %add3A_486 = arith.addi %mul3A_442, %add3A_485 : i32
      %get3A_487 = arith.index_cast %add3A_486 : i32 to index
      %get3A_488 = tpu.vector_load %arg15[%get3A_487] {strides = array<i32>} : memref<10000xf32, #tpu.memory_space<vmem>>, vector<16xf32>,
      %add3A_489 = arith.addf %add3A_484, %get3A_488 : vector<16xf32>
      %neg3A_490 = arith.constant 0.000000e+00 : f32
      %neg3A_491 = vector.broadcast %neg3A_490 : f32 to vector<16xf32>
      %neg3A_492 = arith.subf %neg3A_491, %add3A_489 : vector<16xf32>
      %exp3A_493 = math.exp %neg3A_492 : vector<16xf32>
      %add3A_494 = arith.constant 1.000000e+00 : f32
      %add3A_495 = vector.broadcast %add3A_494 : f32 to vector<16xf32>
      %add3A_496 = arith.addf %add3A_495, %exp3A_493 : vector<16xf32>
      %div3A_497 = arith.constant 1.000000e+00 : f32
      %div3A_498 = vector.broadcast %div3A_497 : f32 to vector<16xf32>
      %div3A_499 = arith.divf %div3A_498, %add3A_496 : vector<16xf32>
      %add3A_500 = arith.constant 16 : i32
      %add3A_501 = arith.addi %mul3A_442, %add3A_500 : i32
      %swap3A_502 = arith.index_cast %add3A_501 : i32 to index
      %swap3A_503 = tpu.vector_load %arg16[%swap3A_502] {strides = array<i32>} : memref<10000xf32, #tpu.memory_space<vmem>>, vector<16xf32>,
      tpu.vector_store %arg16[%swap3A_502], %div3A_499 {strides = array<i32>} : memref<10000xf32, #tpu.memory_space<vmem>>, vector<16xf32>,
      %add3A_504 = arith.addf %scan3A_462#2, %get3A_7 : vector<16xf32>
      %add3A_505 = arith.constant 32 : i32
      %add3A_506 = arith.addi %mul3A_442, %add3A_505 : i32
      %get3A_507 = arith.index_cast %add3A_506 : i32 to index
      %get3A_508 = tpu.vector_load %arg15[%get3A_507] {strides = array<i32>} : memref<10000xf32, #tpu.memory_space<vmem>>, vector<16xf32>,
      %add3A_509 = arith.addf %add3A_504, %get3A_508 : vector<16xf32>
      %neg3A_510 = arith.constant 0.000000e+00 : f32
      %neg3A_511 = vector.broadcast %neg3A_510 : f32 to vector<16xf32>
      %neg3A_512 = arith.subf %neg3A_511, %add3A_509 : vector<16xf32>
      %exp3A_513 = math.exp %neg3A_512 : vector<16xf32>
      %add3A_514 = arith.constant 1.000000e+00 : f32
      %add3A_515 = vector.broadcast %add3A_514 : f32 to vector<16xf32>
      %add3A_516 = arith.addf %add3A_515, %exp3A_513 : vector<16xf32>
      %div3A_517 = arith.constant 1.000000e+00 : f32
      %div3A_518 = vector.broadcast %div3A_517 : f32 to vector<16xf32>
      %div3A_519 = arith.divf %div3A_518, %add3A_516 : vector<16xf32>
      %add3A_520 = arith.constant 32 : i32
      %add3A_521 = arith.addi %mul3A_442, %add3A_520 : i32
      %swap3A_522 = arith.index_cast %add3A_521 : i32 to index
      %swap3A_523 = tpu.vector_load %arg16[%swap3A_522] {strides = array<i32>} : memref<10000xf32, #tpu.memory_space<vmem>>, vector<16xf32>,
      tpu.vector_store %arg16[%swap3A_522], %div3A_519 {strides = array<i32>} : memref<10000xf32, #tpu.memory_space<vmem>>, vector<16xf32>,
      %add3A_524 = arith.addf %scan3A_462#3, %get3A_7 : vector<16xf32>
      %add3A_525 = arith.constant 48 : i32
      %add3A_526 = arith.addi %mul3A_442, %add3A_525 : i32
      %get3A_527 = arith.index_cast %add3A_526 : i32 to index
      %get3A_528 = tpu.vector_load %arg15[%get3A_527] {strides = array<i32>} : memref<10000xf32, #tpu.memory_space<vmem>>, vector<16xf32>,
      %add3A_529 = arith.addf %add3A_524, %get3A_528 : vector<16xf32>
      %neg3A_530 = arith.constant 0.000000e+00 : f32
      %neg3A_531 = vector.broadcast %neg3A_530 : f32 to vector<16xf32>
      %neg3A_532 = arith.subf %neg3A_531, %add3A_529 : vector<16xf32>
      %exp3A_533 = math.exp %neg3A_532 : vector<16xf32>
      %add3A_534 = arith.constant 1.000000e+00 : f32
      %add3A_535 = vector.broadcast %add3A_534 : f32 to vector<16xf32>
      %add3A_536 = arith.addf %add3A_535, %exp3A_533 : vector<16xf32>
      %div3A_537 = arith.constant 1.000000e+00 : f32
      %div3A_538 = vector.broadcast %div3A_537 : f32 to vector<16xf32>
      %div3A_539 = arith.divf %div3A_538, %add3A_536 : vector<16xf32>
      %add3A_540 = arith.constant 48 : i32
      %add3A_541 = arith.addi %mul3A_442, %add3A_540 : i32
      %swap3A_542 = arith.index_cast %add3A_541 : i32 to index
      %swap3A_543 = tpu.vector_load %arg16[%swap3A_542] {strides = array<i32>} : memref<10000xf32, #tpu.memory_space<vmem>>, vector<16xf32>,
      tpu.vector_store %arg16[%swap3A_542], %div3A_539 {strides = array<i32>} : memref<10000xf32, #tpu.memory_space<vmem>>, vector<16xf32>,
      %add3A_544 = arith.addf %scan3A_462#4, %get3A_7 : vector<16xf32>
      %add3A_545 = arith.constant 64 : i32
      %add3A_546 = arith.addi %mul3A_442, %add3A_545 : i32
      %get3A_547 = arith.index_cast %add3A_546 : i32 to index
      %get3A_548 = tpu.vector_load %arg15[%get3A_547] {strides = array<i32>} : memref<10000xf32, #tpu.memory_space<vmem>>, vector<16xf32>,
      %add3A_549 = arith.addf %add3A_544, %get3A_548 : vector<16xf32>
      %neg3A_550 = arith.constant 0.000000e+00 : f32
      %neg3A_551 = vector.broadcast %neg3A_550 : f32 to vector<16xf32>
      %neg3A_552 = arith.subf %neg3A_551, %add3A_549 : vector<16xf32>
      %exp3A_553 = math.exp %neg3A_552 : vector<16xf32>
      %add3A_554 = arith.constant 1.000000e+00 : f32
      %add3A_555 = vector.broadcast %add3A_554 : f32 to vector<16xf32>
      %add3A_556 = arith.addf %add3A_555, %exp3A_553 : vector<16xf32>
      %div3A_557 = arith.constant 1.000000e+00 : f32
      %div3A_558 = vector.broadcast %div3A_557 : f32 to vector<16xf32>
      %div3A_559 = arith.divf %div3A_558, %add3A_556 : vector<16xf32>
      %add3A_560 = arith.constant 64 : i32
      %add3A_561 = arith.addi %mul3A_442, %add3A_560 : i32
      %swap3A_562 = arith.index_cast %add3A_561 : i32 to index
      %swap3A_563 = tpu.vector_load %arg16[%swap3A_562] {strides = array<i32>} : memref<10000xf32, #tpu.memory_space<vmem>>, vector<16xf32>,
      tpu.vector_store %arg16[%swap3A_562], %div3A_559 {strides = array<i32>} : memref<10000xf32, #tpu.memory_space<vmem>>, vector<16xf32>,
      %add3A_564 = arith.constant 5 : i32
      %add3A_565 = arith.addi %add3A_418, %add3A_564 : i32
      %lt3A_566 = arith.constant 125 : i32
      %lt3A_567 = arith.cmpi slt, %add3A_565, %lt3A_566 : i32
      %convert_element_type3A_568 = arith.extui %lt3A_567 : i1 to i32
      %cond3A_569 = arith.constant 0 : i32
      %cond3A_570 = arith.cmpi ne, %convert_element_type3A_568, %cond3A_569 : i32
      scf.if %cond3A_570 {
        %add3A_879 = arith.constant 5 : i32
        %add3A_880 = arith.addi %add3A_418, %add3A_879 : i32
        %mul3A_881 = arith.constant 80 : i32
        %mul3A_882 = arith.muli %add3A_880, %mul3A_881 : i32
        %dma_start3A_883 = arith.constant 2 : i32
        %dma_start3A_884 = arith.constant 0 : i32
        %dma_start3A_885 = arith.constant 0 : i32
        %dma_start3A_886 = tpu.memref_slice %arg12[%dma_start3A_883, %dma_start3A_884, %dma_start3A_885] : memref<5x80x64xf32, #tpu.memory_space<vmem>> -> memref<1x80x64xf32, #tpu.memory_space<vmem>>
        %dma_start3A_887 = tpu.memref_squeeze %dma_start3A_886 : memref<1x80x64xf32, #tpu.memory_space<vmem>> -> memref<80x64xf32, #tpu.memory_space<vmem>>
        %dma_start3A_888 = tpu.memref_slice %arg10[%mul3A_882] : memref<10000xi32, #tpu.memory_space<vmem>> -> memref<80xi32, #tpu.memory_space<vmem>>
        %dma_start3A_889 = arith.constant 0 : i32
        %dma_start3A_890 = arith.constant 0 : i32
        %dma_start3A_891 = tpu.memref_slice %arg4[%dma_start3A_889, %dma_start3A_890] : memref<10000x64xf32, #tpu.memory_space<hbm>> -> memref<10000x64xf32, #tpu.memory_space<hbm>>
        tpu.enqueue_indirect_dma source(%dma_start3A_891 : memref<10000x64xf32, #tpu.memory_space<hbm>>) target(%dma_start3A_887 : memref<80x64xf32, #tpu.memory_space<vmem>>) offsets(%dma_start3A_888 : memref<80xi32, #tpu.memory_space<vmem>>) semaphore(%arg20 : memref<!tpu.dma_semaphore, #tpu.memory_space<semaphore_mem>>)
        %mul3A_892 = arith.constant 80 : i32
        %mul3A_893 = arith.muli %add3A_880, %mul3A_892 : i32
        %dma_start3A_894 = arith.constant 2 : i32
        %dma_start3A_895 = arith.constant 0 : i32
        %dma_start3A_896 = arith.constant 0 : i32
        %dma_start3A_897 = tpu.memref_slice %arg13[%dma_start3A_894, %dma_start3A_895, %dma_start3A_896] : memref<5x80x64xf32, #tpu.memory_space<vmem>> -> memref<1x80x64xf32, #tpu.memory_space<vmem>>
        %dma_start3A_898 = tpu.memref_squeeze %dma_start3A_897 : memref<1x80x64xf32, #tpu.memory_space<vmem>> -> memref<80x64xf32, #tpu.memory_space<vmem>>
        %dma_start3A_899 = tpu.memref_slice %arg11[%mul3A_893] : memref<10000xi32, #tpu.memory_space<vmem>> -> memref<80xi32, #tpu.memory_space<vmem>>
        %dma_start3A_900 = arith.constant 0 : i32
        %dma_start3A_901 = arith.constant 0 : i32
        %dma_start3A_902 = tpu.memref_slice %arg5[%dma_start3A_900, %dma_start3A_901] : memref<10000x64xf32, #tpu.memory_space<hbm>> -> memref<10000x64xf32, #tpu.memory_space<hbm>>
        tpu.enqueue_indirect_dma source(%dma_start3A_902 : memref<10000x64xf32, #tpu.memory_space<hbm>>) target(%dma_start3A_898 : memref<80x64xf32, #tpu.memory_space<vmem>>) offsets(%dma_start3A_899 : memref<80xi32, #tpu.memory_space<vmem>>) semaphore(%arg25 : memref<!tpu.dma_semaphore, #tpu.memory_space<semaphore_mem>>)
      } else {
      }
      %add3A_571 = arith.constant 3 : i32
      %add3A_572 = arith.addi %add3A_117, %add3A_571 : i32
      %mul3A_573 = arith.constant 80 : i32
      %mul3A_574 = arith.muli %add3A_572, %mul3A_573 : i32
      %dma_wait3A_575 = arith.constant 3 : i32
      %dma_wait3A_576 = arith.constant 0 : i32
      %dma_wait3A_577 = arith.constant 0 : i32
      %dma_wait3A_578 = tpu.memref_slice %arg12[%dma_wait3A_575, %dma_wait3A_576, %dma_wait3A_577] : memref<5x80x64xf32, #tpu.memory_space<vmem>> -> memref<1x80x64xf32, #tpu.memory_space<vmem>>
      %dma_wait3A_579 = tpu.memref_squeeze %dma_wait3A_578 : memref<1x80x64xf32, #tpu.memory_space<vmem>> -> memref<80x64xf32, #tpu.memory_space<vmem>>
      %dma_wait3A_580 = tpu.memref_slice %arg10[%mul3A_574] : memref<10000xi32, #tpu.memory_space<vmem>> -> memref<80xi32, #tpu.memory_space<vmem>>
      %dma_wait3A_581 = arith.constant 0 : i32
      %dma_wait3A_582 = arith.constant 0 : i32
      %dma_wait3A_583 = tpu.memref_slice %arg4[%dma_wait3A_581, %dma_wait3A_582] : memref<10000x64xf32, #tpu.memory_space<hbm>> -> memref<10000x64xf32, #tpu.memory_space<hbm>>
      tpu.wait_indirect_dma semaphore(%arg21 : memref<!tpu.dma_semaphore, #tpu.memory_space<semaphore_mem>>) src(%dma_wait3A_583 : memref<10000x64xf32, #tpu.memory_space<hbm>>) dst(%dma_wait3A_579 : memref<80x64xf32, #tpu.memory_space<vmem>>)
      %mul3A_584 = arith.constant 80 : i32
      %mul3A_585 = arith.muli %add3A_572, %mul3A_584 : i32
      %dma_wait3A_586 = arith.constant 3 : i32
      %dma_wait3A_587 = arith.constant 0 : i32
      %dma_wait3A_588 = arith.constant 0 : i32
      %dma_wait3A_589 = tpu.memref_slice %arg13[%dma_wait3A_586, %dma_wait3A_587, %dma_wait3A_588] : memref<5x80x64xf32, #tpu.memory_space<vmem>> -> memref<1x80x64xf32, #tpu.memory_space<vmem>>
      %dma_wait3A_590 = tpu.memref_squeeze %dma_wait3A_589 : memref<1x80x64xf32, #tpu.memory_space<vmem>> -> memref<80x64xf32, #tpu.memory_space<vmem>>
      %dma_wait3A_591 = tpu.memref_slice %arg11[%mul3A_585] : memref<10000xi32, #tpu.memory_space<vmem>> -> memref<80xi32, #tpu.memory_space<vmem>>
      %dma_wait3A_592 = arith.constant 0 : i32
      %dma_wait3A_593 = arith.constant 0 : i32
      %dma_wait3A_594 = tpu.memref_slice %arg5[%dma_wait3A_592, %dma_wait3A_593] : memref<10000x64xf32, #tpu.memory_space<hbm>> -> memref<10000x64xf32, #tpu.memory_space<hbm>>
      tpu.wait_indirect_dma semaphore(%arg26 : memref<!tpu.dma_semaphore, #tpu.memory_space<semaphore_mem>>) src(%dma_wait3A_594 : memref<10000x64xf32, #tpu.memory_space<hbm>>) dst(%dma_wait3A_590 : memref<80x64xf32, #tpu.memory_space<vmem>>)
      %mul3A_595 = arith.constant 80 : i32
      %mul3A_596 = arith.muli %add3A_572, %mul3A_595 : i32
      %broadcast_in_dim3A_597 = arith.constant 0 : i32
      %broadcast_in_dim3A_598 = vector.broadcast %broadcast_in_dim3A_597 : i32 to vector<16xi32>
      %add3A_599 = arith.constant 3 : i32
      %add3A_600 = vector.broadcast %add3A_599 : i32 to vector<16xi32>
      %add3A_601 = arith.addi %broadcast_in_dim3A_598, %add3A_600 : vector<16xi32>
      %broadcast_in_dim3A_602 = arith.constant 0.000000e+00 : f32
      %broadcast_in_dim3A_603 = vector.broadcast %broadcast_in_dim3A_602 : f32 to vector<16xf32>
      %broadcast_in_dim3A_604 = arith.constant 0.000000e+00 : f32
      %broadcast_in_dim3A_605 = vector.broadcast %broadcast_in_dim3A_604 : f32 to vector<16xf32>
      %broadcast_in_dim3A_606 = arith.constant 0.000000e+00 : f32
      %broadcast_in_dim3A_607 = vector.broadcast %broadcast_in_dim3A_606 : f32 to vector<16xf32>
      %broadcast_in_dim3A_608 = arith.constant 0.000000e+00 : f32
      %broadcast_in_dim3A_609 = vector.broadcast %broadcast_in_dim3A_608 : f32 to vector<16xf32>
      %broadcast_in_dim3A_610 = arith.constant 0.000000e+00 : f32
      %broadcast_in_dim3A_611 = vector.broadcast %broadcast_in_dim3A_610 : f32 to vector<16xf32>
      %scan3A_612 = arith.constant 0 : i32
      %scan3A_613 = arith.constant 64 : i32
      %scan3A_614 = arith.addi %scan3A_612, %scan3A_613 : i32
      %scan3A_615 = arith.constant 4 : i32
      %scan3A_616:5 = scf.for %scan3A_879 = %scan3A_612 to %scan3A_614 step %scan3A_615 iter_args(%scan3A_880 = %broadcast_in_dim3A_603, %scan3A_881 = %broadcast_in_dim3A_605, %scan3A_882 = %broadcast_in_dim3A_607, %scan3A_883 = %broadcast_in_dim3A_609, %scan3A_884 = %broadcast_in_dim3A_611) -> (vector<16xf32>, vector<16xf32>, vector<16xf32>, vector<16xf32>, vector<16xf32>)  : i32 {
        %add3A_885 = vector.broadcast %scan3A_879 : i32 to vector<16xi32>
        %add3A_886 = arith.addi %iota3A, %add3A_885 : vector<16xi32>
        %and3A = arith.constant 63 : i32
        %and3A_887 = vector.broadcast %and3A : i32 to vector<16xi32>
        %and3A_888 = arith.andi %add3A_886, %and3A_887 : vector<16xi32>
        %gather3A = tpu.vector_load_idx %arg14[%and3A_888] : memref<64xf32, #tpu.memory_space<vmem>>[vector<16xi32>], vector<16xf32>,
        %add3A_889 = arith.constant 0 : i32
        %add3A_890 = vector.broadcast %add3A_889 : i32 to vector<16xi32>
        %add3A_891 = arith.addi %iota3A, %add3A_890 : vector<16xi32>
        %gather3A_892 = tpu.vector_load_idx %arg12[%add3A_601, %add3A_891, %and3A_888] : memref<5x80x64xf32, #tpu.memory_space<vmem>>[vector<16xi32>, vector<16xi32>, vector<16xi32>], vector<16xf32>,
        %gather3A_893 = tpu.vector_load_idx %arg13[%add3A_601, %add3A_891, %and3A_888] : memref<5x80x64xf32, #tpu.memory_space<vmem>>[vector<16xi32>, vector<16xi32>, vector<16xi32>], vector<16xf32>,
        %add3A_894 = arith.addf %gather3A_892, %gather3A_893 : vector<16xf32>
        %max3A = arith.constant 0.000000e+00 : f32
        %max3A_895 = vector.broadcast %max3A : f32 to vector<16xf32>
        %max3A_896 = arith.maximumf %add3A_894, %max3A_895 : vector<16xf32>
        %mul3A_897 = arith.mulf %max3A_896, %gather3A : vector<16xf32>
        %add3A_898 = arith.addf %scan3A_880, %mul3A_897 : vector<16xf32>
        %add3A_899 = arith.constant 16 : i32
        %add3A_900 = vector.broadcast %add3A_899 : i32 to vector<16xi32>
        %add3A_901 = arith.addi %iota3A, %add3A_900 : vector<16xi32>
        %gather3A_902 = tpu.vector_load_idx %arg12[%add3A_601, %add3A_901, %and3A_888] : memref<5x80x64xf32, #tpu.memory_space<vmem>>[vector<16xi32>, vector<16xi32>, vector<16xi32>], vector<16xf32>,
        %gather3A_903 = tpu.vector_load_idx %arg13[%add3A_601, %add3A_901, %and3A_888] : memref<5x80x64xf32, #tpu.memory_space<vmem>>[vector<16xi32>, vector<16xi32>, vector<16xi32>], vector<16xf32>,
        %add3A_904 = arith.addf %gather3A_902, %gather3A_903 : vector<16xf32>
        %max3A_905 = arith.constant 0.000000e+00 : f32
        %max3A_906 = vector.broadcast %max3A_905 : f32 to vector<16xf32>
        %max3A_907 = arith.maximumf %add3A_904, %max3A_906 : vector<16xf32>
        %mul3A_908 = arith.mulf %max3A_907, %gather3A : vector<16xf32>
        %add3A_909 = arith.addf %scan3A_881, %mul3A_908 : vector<16xf32>
        %add3A_910 = arith.constant 32 : i32
        %add3A_911 = vector.broadcast %add3A_910 : i32 to vector<16xi32>
        %add3A_912 = arith.addi %iota3A, %add3A_911 : vector<16xi32>
        %gather3A_913 = tpu.vector_load_idx %arg12[%add3A_601, %add3A_912, %and3A_888] : memref<5x80x64xf32, #tpu.memory_space<vmem>>[vector<16xi32>, vector<16xi32>, vector<16xi32>], vector<16xf32>,
        %gather3A_914 = tpu.vector_load_idx %arg13[%add3A_601, %add3A_912, %and3A_888] : memref<5x80x64xf32, #tpu.memory_space<vmem>>[vector<16xi32>, vector<16xi32>, vector<16xi32>], vector<16xf32>,
        %add3A_915 = arith.addf %gather3A_913, %gather3A_914 : vector<16xf32>
        %max3A_916 = arith.constant 0.000000e+00 : f32
        %max3A_917 = vector.broadcast %max3A_916 : f32 to vector<16xf32>
        %max3A_918 = arith.maximumf %add3A_915, %max3A_917 : vector<16xf32>
        %mul3A_919 = arith.mulf %max3A_918, %gather3A : vector<16xf32>
        %add3A_920 = arith.addf %scan3A_882, %mul3A_919 : vector<16xf32>
        %add3A_921 = arith.constant 48 : i32
        %add3A_922 = vector.broadcast %add3A_921 : i32 to vector<16xi32>
        %add3A_923 = arith.addi %iota3A, %add3A_922 : vector<16xi32>
        %gather3A_924 = tpu.vector_load_idx %arg12[%add3A_601, %add3A_923, %and3A_888] : memref<5x80x64xf32, #tpu.memory_space<vmem>>[vector<16xi32>, vector<16xi32>, vector<16xi32>], vector<16xf32>,
        %gather3A_925 = tpu.vector_load_idx %arg13[%add3A_601, %add3A_923, %and3A_888] : memref<5x80x64xf32, #tpu.memory_space<vmem>>[vector<16xi32>, vector<16xi32>, vector<16xi32>], vector<16xf32>,
        %add3A_926 = arith.addf %gather3A_924, %gather3A_925 : vector<16xf32>
        %max3A_927 = arith.constant 0.000000e+00 : f32
        %max3A_928 = vector.broadcast %max3A_927 : f32 to vector<16xf32>
        %max3A_929 = arith.maximumf %add3A_926, %max3A_928 : vector<16xf32>
        %mul3A_930 = arith.mulf %max3A_929, %gather3A : vector<16xf32>
        %add3A_931 = arith.addf %scan3A_883, %mul3A_930 : vector<16xf32>
        %add3A_932 = arith.constant 64 : i32
        %add3A_933 = vector.broadcast %add3A_932 : i32 to vector<16xi32>
        %add3A_934 = arith.addi %iota3A, %add3A_933 : vector<16xi32>
        %gather3A_935 = tpu.vector_load_idx %arg12[%add3A_601, %add3A_934, %and3A_888] : memref<5x80x64xf32, #tpu.memory_space<vmem>>[vector<16xi32>, vector<16xi32>, vector<16xi32>], vector<16xf32>,
        %gather3A_936 = tpu.vector_load_idx %arg13[%add3A_601, %add3A_934, %and3A_888] : memref<5x80x64xf32, #tpu.memory_space<vmem>>[vector<16xi32>, vector<16xi32>, vector<16xi32>], vector<16xf32>,
        %add3A_937 = arith.addf %gather3A_935, %gather3A_936 : vector<16xf32>
        %max3A_938 = arith.constant 0.000000e+00 : f32
        %max3A_939 = vector.broadcast %max3A_938 : f32 to vector<16xf32>
        %max3A_940 = arith.maximumf %add3A_937, %max3A_939 : vector<16xf32>
        %mul3A_941 = arith.mulf %max3A_940, %gather3A : vector<16xf32>
        %add3A_942 = arith.addf %scan3A_884, %mul3A_941 : vector<16xf32>
        %scan3A_943 = arith.constant 1 : i32
        %scan3A_944 = arith.addi %scan3A_879, %scan3A_943 : i32
        %add3A_945 = vector.broadcast %scan3A_944 : i32 to vector<16xi32>
        %add3A_946 = arith.addi %iota3A, %add3A_945 : vector<16xi32>
        %and3A_947 = arith.constant 63 : i32
        %and3A_948 = vector.broadcast %and3A_947 : i32 to vector<16xi32>
        %and3A_949 = arith.andi %add3A_946, %and3A_948 : vector<16xi32>
        %gather3A_950 = tpu.vector_load_idx %arg14[%and3A_949] : memref<64xf32, #tpu.memory_space<vmem>>[vector<16xi32>], vector<16xf32>,
        %add3A_951 = arith.constant 0 : i32
        %add3A_952 = vector.broadcast %add3A_951 : i32 to vector<16xi32>
        %add3A_953 = arith.addi %iota3A, %add3A_952 : vector<16xi32>
        %gather3A_954 = tpu.vector_load_idx %arg12[%add3A_601, %add3A_953, %and3A_949] : memref<5x80x64xf32, #tpu.memory_space<vmem>>[vector<16xi32>, vector<16xi32>, vector<16xi32>], vector<16xf32>,
        %gather3A_955 = tpu.vector_load_idx %arg13[%add3A_601, %add3A_953, %and3A_949] : memref<5x80x64xf32, #tpu.memory_space<vmem>>[vector<16xi32>, vector<16xi32>, vector<16xi32>], vector<16xf32>,
        %add3A_956 = arith.addf %gather3A_954, %gather3A_955 : vector<16xf32>
        %max3A_957 = arith.constant 0.000000e+00 : f32
        %max3A_958 = vector.broadcast %max3A_957 : f32 to vector<16xf32>
        %max3A_959 = arith.maximumf %add3A_956, %max3A_958 : vector<16xf32>
        %mul3A_960 = arith.mulf %max3A_959, %gather3A_950 : vector<16xf32>
        %add3A_961 = arith.addf %add3A_898, %mul3A_960 : vector<16xf32>
        %add3A_962 = arith.constant 16 : i32
        %add3A_963 = vector.broadcast %add3A_962 : i32 to vector<16xi32>
        %add3A_964 = arith.addi %iota3A, %add3A_963 : vector<16xi32>
        %gather3A_965 = tpu.vector_load_idx %arg12[%add3A_601, %add3A_964, %and3A_949] : memref<5x80x64xf32, #tpu.memory_space<vmem>>[vector<16xi32>, vector<16xi32>, vector<16xi32>], vector<16xf32>,
        %gather3A_966 = tpu.vector_load_idx %arg13[%add3A_601, %add3A_964, %and3A_949] : memref<5x80x64xf32, #tpu.memory_space<vmem>>[vector<16xi32>, vector<16xi32>, vector<16xi32>], vector<16xf32>,
        %add3A_967 = arith.addf %gather3A_965, %gather3A_966 : vector<16xf32>
        %max3A_968 = arith.constant 0.000000e+00 : f32
        %max3A_969 = vector.broadcast %max3A_968 : f32 to vector<16xf32>
        %max3A_970 = arith.maximumf %add3A_967, %max3A_969 : vector<16xf32>
        %mul3A_971 = arith.mulf %max3A_970, %gather3A_950 : vector<16xf32>
        %add3A_972 = arith.addf %add3A_909, %mul3A_971 : vector<16xf32>
        %add3A_973 = arith.constant 32 : i32
        %add3A_974 = vector.broadcast %add3A_973 : i32 to vector<16xi32>
        %add3A_975 = arith.addi %iota3A, %add3A_974 : vector<16xi32>
        %gather3A_976 = tpu.vector_load_idx %arg12[%add3A_601, %add3A_975, %and3A_949] : memref<5x80x64xf32, #tpu.memory_space<vmem>>[vector<16xi32>, vector<16xi32>, vector<16xi32>], vector<16xf32>,
        %gather3A_977 = tpu.vector_load_idx %arg13[%add3A_601, %add3A_975, %and3A_949] : memref<5x80x64xf32, #tpu.memory_space<vmem>>[vector<16xi32>, vector<16xi32>, vector<16xi32>], vector<16xf32>,
        %add3A_978 = arith.addf %gather3A_976, %gather3A_977 : vector<16xf32>
        %max3A_979 = arith.constant 0.000000e+00 : f32
        %max3A_980 = vector.broadcast %max3A_979 : f32 to vector<16xf32>
        %max3A_981 = arith.maximumf %add3A_978, %max3A_980 : vector<16xf32>
        %mul3A_982 = arith.mulf %max3A_981, %gather3A_950 : vector<16xf32>
        %add3A_983 = arith.addf %add3A_920, %mul3A_982 : vector<16xf32>
        %add3A_984 = arith.constant 48 : i32
        %add3A_985 = vector.broadcast %add3A_984 : i32 to vector<16xi32>
        %add3A_986 = arith.addi %iota3A, %add3A_985 : vector<16xi32>
        %gather3A_987 = tpu.vector_load_idx %arg12[%add3A_601, %add3A_986, %and3A_949] : memref<5x80x64xf32, #tpu.memory_space<vmem>>[vector<16xi32>, vector<16xi32>, vector<16xi32>], vector<16xf32>,
        %gather3A_988 = tpu.vector_load_idx %arg13[%add3A_601, %add3A_986, %and3A_949] : memref<5x80x64xf32, #tpu.memory_space<vmem>>[vector<16xi32>, vector<16xi32>, vector<16xi32>], vector<16xf32>,
        %add3A_989 = arith.addf %gather3A_987, %gather3A_988 : vector<16xf32>
        %max3A_990 = arith.constant 0.000000e+00 : f32
        %max3A_991 = vector.broadcast %max3A_990 : f32 to vector<16xf32>
        %max3A_992 = arith.maximumf %add3A_989, %max3A_991 : vector<16xf32>
        %mul3A_993 = arith.mulf %max3A_992, %gather3A_950 : vector<16xf32>
        %add3A_994 = arith.addf %add3A_931, %mul3A_993 : vector<16xf32>
        %add3A_995 = arith.constant 64 : i32
        %add3A_996 = vector.broadcast %add3A_995 : i32 to vector<16xi32>
        %add3A_997 = arith.addi %iota3A, %add3A_996 : vector<16xi32>
        %gather3A_998 = tpu.vector_load_idx %arg12[%add3A_601, %add3A_997, %and3A_949] : memref<5x80x64xf32, #tpu.memory_space<vmem>>[vector<16xi32>, vector<16xi32>, vector<16xi32>], vector<16xf32>,
        %gather3A_999 = tpu.vector_load_idx %arg13[%add3A_601, %add3A_997, %and3A_949] : memref<5x80x64xf32, #tpu.memory_space<vmem>>[vector<16xi32>, vector<16xi32>, vector<16xi32>], vector<16xf32>,
        %add3A_1000 = arith.addf %gather3A_998, %gather3A_999 : vector<16xf32>
        %max3A_1001 = arith.constant 0.000000e+00 : f32
        %max3A_1002 = vector.broadcast %max3A_1001 : f32 to vector<16xf32>
        %max3A_1003 = arith.maximumf %add3A_1000, %max3A_1002 : vector<16xf32>
        %mul3A_1004 = arith.mulf %max3A_1003, %gather3A_950 : vector<16xf32>
        %add3A_1005 = arith.addf %add3A_942, %mul3A_1004 : vector<16xf32>
        %scan3A_1006 = arith.constant 2 : i32
        %scan3A_1007 = arith.addi %scan3A_879, %scan3A_1006 : i32
        %add3A_1008 = vector.broadcast %scan3A_1007 : i32 to vector<16xi32>
        %add3A_1009 = arith.addi %iota3A, %add3A_1008 : vector<16xi32>
        %and3A_1010 = arith.constant 63 : i32
        %and3A_1011 = vector.broadcast %and3A_1010 : i32 to vector<16xi32>
        %and3A_1012 = arith.andi %add3A_1009, %and3A_1011 : vector<16xi32>
        %gather3A_1013 = tpu.vector_load_idx %arg14[%and3A_1012] : memref<64xf32, #tpu.memory_space<vmem>>[vector<16xi32>], vector<16xf32>,
        %add3A_1014 = arith.constant 0 : i32
        %add3A_1015 = vector.broadcast %add3A_1014 : i32 to vector<16xi32>
        %add3A_1016 = arith.addi %iota3A, %add3A_1015 : vector<16xi32>
        %gather3A_1017 = tpu.vector_load_idx %arg12[%add3A_601, %add3A_1016, %and3A_1012] : memref<5x80x64xf32, #tpu.memory_space<vmem>>[vector<16xi32>, vector<16xi32>, vector<16xi32>], vector<16xf32>,
        %gather3A_1018 = tpu.vector_load_idx %arg13[%add3A_601, %add3A_1016, %and3A_1012] : memref<5x80x64xf32, #tpu.memory_space<vmem>>[vector<16xi32>, vector<16xi32>, vector<16xi32>], vector<16xf32>,
        %add3A_1019 = arith.addf %gather3A_1017, %gather3A_1018 : vector<16xf32>
        %max3A_1020 = arith.constant 0.000000e+00 : f32
        %max3A_1021 = vector.broadcast %max3A_1020 : f32 to vector<16xf32>
        %max3A_1022 = arith.maximumf %add3A_1019, %max3A_1021 : vector<16xf32>
        %mul3A_1023 = arith.mulf %max3A_1022, %gather3A_1013 : vector<16xf32>
        %add3A_1024 = arith.addf %add3A_961, %mul3A_1023 : vector<16xf32>
        %add3A_1025 = arith.constant 16 : i32
        %add3A_1026 = vector.broadcast %add3A_1025 : i32 to vector<16xi32>
        %add3A_1027 = arith.addi %iota3A, %add3A_1026 : vector<16xi32>
        %gather3A_1028 = tpu.vector_load_idx %arg12[%add3A_601, %add3A_1027, %and3A_1012] : memref<5x80x64xf32, #tpu.memory_space<vmem>>[vector<16xi32>, vector<16xi32>, vector<16xi32>], vector<16xf32>,
        %gather3A_1029 = tpu.vector_load_idx %arg13[%add3A_601, %add3A_1027, %and3A_1012] : memref<5x80x64xf32, #tpu.memory_space<vmem>>[vector<16xi32>, vector<16xi32>, vector<16xi32>], vector<16xf32>,
        %add3A_1030 = arith.addf %gather3A_1028, %gather3A_1029 : vector<16xf32>
        %max3A_1031 = arith.constant 0.000000e+00 : f32
        %max3A_1032 = vector.broadcast %max3A_1031 : f32 to vector<16xf32>
        %max3A_1033 = arith.maximumf %add3A_1030, %max3A_1032 : vector<16xf32>
        %mul3A_1034 = arith.mulf %max3A_1033, %gather3A_1013 : vector<16xf32>
        %add3A_1035 = arith.addf %add3A_972, %mul3A_1034 : vector<16xf32>
        %add3A_1036 = arith.constant 32 : i32
        %add3A_1037 = vector.broadcast %add3A_1036 : i32 to vector<16xi32>
        %add3A_1038 = arith.addi %iota3A, %add3A_1037 : vector<16xi32>
        %gather3A_1039 = tpu.vector_load_idx %arg12[%add3A_601, %add3A_1038, %and3A_1012] : memref<5x80x64xf32, #tpu.memory_space<vmem>>[vector<16xi32>, vector<16xi32>, vector<16xi32>], vector<16xf32>,
        %gather3A_1040 = tpu.vector_load_idx %arg13[%add3A_601, %add3A_1038, %and3A_1012] : memref<5x80x64xf32, #tpu.memory_space<vmem>>[vector<16xi32>, vector<16xi32>, vector<16xi32>], vector<16xf32>,
        %add3A_1041 = arith.addf %gather3A_1039, %gather3A_1040 : vector<16xf32>
        %max3A_1042 = arith.constant 0.000000e+00 : f32
        %max3A_1043 = vector.broadcast %max3A_1042 : f32 to vector<16xf32>
        %max3A_1044 = arith.maximumf %add3A_1041, %max3A_1043 : vector<16xf32>
        %mul3A_1045 = arith.mulf %max3A_1044, %gather3A_1013 : vector<16xf32>
        %add3A_1046 = arith.addf %add3A_983, %mul3A_1045 : vector<16xf32>
        %add3A_1047 = arith.constant 48 : i32
        %add3A_1048 = vector.broadcast %add3A_1047 : i32 to vector<16xi32>
        %add3A_1049 = arith.addi %iota3A, %add3A_1048 : vector<16xi32>
        %gather3A_1050 = tpu.vector_load_idx %arg12[%add3A_601, %add3A_1049, %and3A_1012] : memref<5x80x64xf32, #tpu.memory_space<vmem>>[vector<16xi32>, vector<16xi32>, vector<16xi32>], vector<16xf32>,
        %gather3A_1051 = tpu.vector_load_idx %arg13[%add3A_601, %add3A_1049, %and3A_1012] : memref<5x80x64xf32, #tpu.memory_space<vmem>>[vector<16xi32>, vector<16xi32>, vector<16xi32>], vector<16xf32>,
        %add3A_1052 = arith.addf %gather3A_1050, %gather3A_1051 : vector<16xf32>
        %max3A_1053 = arith.constant 0.000000e+00 : f32
        %max3A_1054 = vector.broadcast %max3A_1053 : f32 to vector<16xf32>
        %max3A_1055 = arith.maximumf %add3A_1052, %max3A_1054 : vector<16xf32>
        %mul3A_1056 = arith.mulf %max3A_1055, %gather3A_1013 : vector<16xf32>
        %add3A_1057 = arith.addf %add3A_994, %mul3A_1056 : vector<16xf32>
        %add3A_1058 = arith.constant 64 : i32
        %add3A_1059 = vector.broadcast %add3A_1058 : i32 to vector<16xi32>
        %add3A_1060 = arith.addi %iota3A, %add3A_1059 : vector<16xi32>
        %gather3A_1061 = tpu.vector_load_idx %arg12[%add3A_601, %add3A_1060, %and3A_1012] : memref<5x80x64xf32, #tpu.memory_space<vmem>>[vector<16xi32>, vector<16xi32>, vector<16xi32>], vector<16xf32>,
        %gather3A_1062 = tpu.vector_load_idx %arg13[%add3A_601, %add3A_1060, %and3A_1012] : memref<5x80x64xf32, #tpu.memory_space<vmem>>[vector<16xi32>, vector<16xi32>, vector<16xi32>], vector<16xf32>,
        %add3A_1063 = arith.addf %gather3A_1061, %gather3A_1062 : vector<16xf32>
        %max3A_1064 = arith.constant 0.000000e+00 : f32
        %max3A_1065 = vector.broadcast %max3A_1064 : f32 to vector<16xf32>
        %max3A_1066 = arith.maximumf %add3A_1063, %max3A_1065 : vector<16xf32>
        %mul3A_1067 = arith.mulf %max3A_1066, %gather3A_1013 : vector<16xf32>
        %add3A_1068 = arith.addf %add3A_1005, %mul3A_1067 : vector<16xf32>
        %scan3A_1069 = arith.constant 3 : i32
        %scan3A_1070 = arith.addi %scan3A_879, %scan3A_1069 : i32
        %add3A_1071 = vector.broadcast %scan3A_1070 : i32 to vector<16xi32>
        %add3A_1072 = arith.addi %iota3A, %add3A_1071 : vector<16xi32>
        %and3A_1073 = arith.constant 63 : i32
        %and3A_1074 = vector.broadcast %and3A_1073 : i32 to vector<16xi32>
        %and3A_1075 = arith.andi %add3A_1072, %and3A_1074 : vector<16xi32>
        %gather3A_1076 = tpu.vector_load_idx %arg14[%and3A_1075] : memref<64xf32, #tpu.memory_space<vmem>>[vector<16xi32>], vector<16xf32>,
        %add3A_1077 = arith.constant 0 : i32
        %add3A_1078 = vector.broadcast %add3A_1077 : i32 to vector<16xi32>
        %add3A_1079 = arith.addi %iota3A, %add3A_1078 : vector<16xi32>
        %gather3A_1080 = tpu.vector_load_idx %arg12[%add3A_601, %add3A_1079, %and3A_1075] : memref<5x80x64xf32, #tpu.memory_space<vmem>>[vector<16xi32>, vector<16xi32>, vector<16xi32>], vector<16xf32>,
        %gather3A_1081 = tpu.vector_load_idx %arg13[%add3A_601, %add3A_1079, %and3A_1075] : memref<5x80x64xf32, #tpu.memory_space<vmem>>[vector<16xi32>, vector<16xi32>, vector<16xi32>], vector<16xf32>,
        %add3A_1082 = arith.addf %gather3A_1080, %gather3A_1081 : vector<16xf32>
        %max3A_1083 = arith.constant 0.000000e+00 : f32
        %max3A_1084 = vector.broadcast %max3A_1083 : f32 to vector<16xf32>
        %max3A_1085 = arith.maximumf %add3A_1082, %max3A_1084 : vector<16xf32>
        %mul3A_1086 = arith.mulf %max3A_1085, %gather3A_1076 : vector<16xf32>
        %add3A_1087 = arith.addf %add3A_1024, %mul3A_1086 : vector<16xf32>
        %add3A_1088 = arith.constant 16 : i32
        %add3A_1089 = vector.broadcast %add3A_1088 : i32 to vector<16xi32>
        %add3A_1090 = arith.addi %iota3A, %add3A_1089 : vector<16xi32>
        %gather3A_1091 = tpu.vector_load_idx %arg12[%add3A_601, %add3A_1090, %and3A_1075] : memref<5x80x64xf32, #tpu.memory_space<vmem>>[vector<16xi32>, vector<16xi32>, vector<16xi32>], vector<16xf32>,
        %gather3A_1092 = tpu.vector_load_idx %arg13[%add3A_601, %add3A_1090, %and3A_1075] : memref<5x80x64xf32, #tpu.memory_space<vmem>>[vector<16xi32>, vector<16xi32>, vector<16xi32>], vector<16xf32>,
        %add3A_1093 = arith.addf %gather3A_1091, %gather3A_1092 : vector<16xf32>
        %max3A_1094 = arith.constant 0.000000e+00 : f32
        %max3A_1095 = vector.broadcast %max3A_1094 : f32 to vector<16xf32>
        %max3A_1096 = arith.maximumf %add3A_1093, %max3A_1095 : vector<16xf32>
        %mul3A_1097 = arith.mulf %max3A_1096, %gather3A_1076 : vector<16xf32>
        %add3A_1098 = arith.addf %add3A_1035, %mul3A_1097 : vector<16xf32>
        %add3A_1099 = arith.constant 32 : i32
        %add3A_1100 = vector.broadcast %add3A_1099 : i32 to vector<16xi32>
        %add3A_1101 = arith.addi %iota3A, %add3A_1100 : vector<16xi32>
        %gather3A_1102 = tpu.vector_load_idx %arg12[%add3A_601, %add3A_1101, %and3A_1075] : memref<5x80x64xf32, #tpu.memory_space<vmem>>[vector<16xi32>, vector<16xi32>, vector<16xi32>], vector<16xf32>,
        %gather3A_1103 = tpu.vector_load_idx %arg13[%add3A_601, %add3A_1101, %and3A_1075] : memref<5x80x64xf32, #tpu.memory_space<vmem>>[vector<16xi32>, vector<16xi32>, vector<16xi32>], vector<16xf32>,
        %add3A_1104 = arith.addf %gather3A_1102, %gather3A_1103 : vector<16xf32>
        %max3A_1105 = arith.constant 0.000000e+00 : f32
        %max3A_1106 = vector.broadcast %max3A_1105 : f32 to vector<16xf32>
        %max3A_1107 = arith.maximumf %add3A_1104, %max3A_1106 : vector<16xf32>
        %mul3A_1108 = arith.mulf %max3A_1107, %gather3A_1076 : vector<16xf32>
        %add3A_1109 = arith.addf %add3A_1046, %mul3A_1108 : vector<16xf32>
        %add3A_1110 = arith.constant 48 : i32
        %add3A_1111 = vector.broadcast %add3A_1110 : i32 to vector<16xi32>
        %add3A_1112 = arith.addi %iota3A, %add3A_1111 : vector<16xi32>
        %gather3A_1113 = tpu.vector_load_idx %arg12[%add3A_601, %add3A_1112, %and3A_1075] : memref<5x80x64xf32, #tpu.memory_space<vmem>>[vector<16xi32>, vector<16xi32>, vector<16xi32>], vector<16xf32>,
        %gather3A_1114 = tpu.vector_load_idx %arg13[%add3A_601, %add3A_1112, %and3A_1075] : memref<5x80x64xf32, #tpu.memory_space<vmem>>[vector<16xi32>, vector<16xi32>, vector<16xi32>], vector<16xf32>,
        %add3A_1115 = arith.addf %gather3A_1113, %gather3A_1114 : vector<16xf32>
        %max3A_1116 = arith.constant 0.000000e+00 : f32
        %max3A_1117 = vector.broadcast %max3A_1116 : f32 to vector<16xf32>
        %max3A_1118 = arith.maximumf %add3A_1115, %max3A_1117 : vector<16xf32>
        %mul3A_1119 = arith.mulf %max3A_1118, %gather3A_1076 : vector<16xf32>
        %add3A_1120 = arith.addf %add3A_1057, %mul3A_1119 : vector<16xf32>
        %add3A_1121 = arith.constant 64 : i32
        %add3A_1122 = vector.broadcast %add3A_1121 : i32 to vector<16xi32>
        %add3A_1123 = arith.addi %iota3A, %add3A_1122 : vector<16xi32>
        %gather3A_1124 = tpu.vector_load_idx %arg12[%add3A_601, %add3A_1123, %and3A_1075] : memref<5x80x64xf32, #tpu.memory_space<vmem>>[vector<16xi32>, vector<16xi32>, vector<16xi32>], vector<16xf32>,
        %gather3A_1125 = tpu.vector_load_idx %arg13[%add3A_601, %add3A_1123, %and3A_1075] : memref<5x80x64xf32, #tpu.memory_space<vmem>>[vector<16xi32>, vector<16xi32>, vector<16xi32>], vector<16xf32>,
        %add3A_1126 = arith.addf %gather3A_1124, %gather3A_1125 : vector<16xf32>
        %max3A_1127 = arith.constant 0.000000e+00 : f32
        %max3A_1128 = vector.broadcast %max3A_1127 : f32 to vector<16xf32>
        %max3A_1129 = arith.maximumf %add3A_1126, %max3A_1128 : vector<16xf32>
        %mul3A_1130 = arith.mulf %max3A_1129, %gather3A_1076 : vector<16xf32>
        %add3A_1131 = arith.addf %add3A_1068, %mul3A_1130 : vector<16xf32>
        scf.yield %add3A_1087, %add3A_1098, %add3A_1109, %add3A_1120, %add3A_1131 : vector<16xf32>, vector<16xf32>, vector<16xf32>, vector<16xf32>, vector<16xf32>
      }
      %scan3A_617 = arith.constant 64 : i32
      %add3A_618 = arith.addf %scan3A_616#0, %get3A_7 : vector<16xf32>
      %add3A_619 = arith.constant 0 : i32
      %add3A_620 = arith.addi %mul3A_596, %add3A_619 : i32
      %get3A_621 = arith.index_cast %add3A_620 : i32 to index
      %get3A_622 = tpu.vector_load %arg15[%get3A_621] {strides = array<i32>} : memref<10000xf32, #tpu.memory_space<vmem>>, vector<16xf32>,
      %add3A_623 = arith.addf %add3A_618, %get3A_622 : vector<16xf32>
      %neg3A_624 = arith.constant 0.000000e+00 : f32
      %neg3A_625 = vector.broadcast %neg3A_624 : f32 to vector<16xf32>
      %neg3A_626 = arith.subf %neg3A_625, %add3A_623 : vector<16xf32>
      %exp3A_627 = math.exp %neg3A_626 : vector<16xf32>
      %add3A_628 = arith.constant 1.000000e+00 : f32
      %add3A_629 = vector.broadcast %add3A_628 : f32 to vector<16xf32>
      %add3A_630 = arith.addf %add3A_629, %exp3A_627 : vector<16xf32>
      %div3A_631 = arith.constant 1.000000e+00 : f32
      %div3A_632 = vector.broadcast %div3A_631 : f32 to vector<16xf32>
      %div3A_633 = arith.divf %div3A_632, %add3A_630 : vector<16xf32>
      %add3A_634 = arith.constant 0 : i32
      %add3A_635 = arith.addi %mul3A_596, %add3A_634 : i32
      %swap3A_636 = arith.index_cast %add3A_635 : i32 to index
      %swap3A_637 = tpu.vector_load %arg16[%swap3A_636] {strides = array<i32>} : memref<10000xf32, #tpu.memory_space<vmem>>, vector<16xf32>,
      tpu.vector_store %arg16[%swap3A_636], %div3A_633 {strides = array<i32>} : memref<10000xf32, #tpu.memory_space<vmem>>, vector<16xf32>,
      %add3A_638 = arith.addf %scan3A_616#1, %get3A_7 : vector<16xf32>
      %add3A_639 = arith.constant 16 : i32
      %add3A_640 = arith.addi %mul3A_596, %add3A_639 : i32
      %get3A_641 = arith.index_cast %add3A_640 : i32 to index
      %get3A_642 = tpu.vector_load %arg15[%get3A_641] {strides = array<i32>} : memref<10000xf32, #tpu.memory_space<vmem>>, vector<16xf32>,
      %add3A_643 = arith.addf %add3A_638, %get3A_642 : vector<16xf32>
      %neg3A_644 = arith.constant 0.000000e+00 : f32
      %neg3A_645 = vector.broadcast %neg3A_644 : f32 to vector<16xf32>
      %neg3A_646 = arith.subf %neg3A_645, %add3A_643 : vector<16xf32>
      %exp3A_647 = math.exp %neg3A_646 : vector<16xf32>
      %add3A_648 = arith.constant 1.000000e+00 : f32
      %add3A_649 = vector.broadcast %add3A_648 : f32 to vector<16xf32>
      %add3A_650 = arith.addf %add3A_649, %exp3A_647 : vector<16xf32>
      %div3A_651 = arith.constant 1.000000e+00 : f32
      %div3A_652 = vector.broadcast %div3A_651 : f32 to vector<16xf32>
      %div3A_653 = arith.divf %div3A_652, %add3A_650 : vector<16xf32>
      %add3A_654 = arith.constant 16 : i32
      %add3A_655 = arith.addi %mul3A_596, %add3A_654 : i32
      %swap3A_656 = arith.index_cast %add3A_655 : i32 to index
      %swap3A_657 = tpu.vector_load %arg16[%swap3A_656] {strides = array<i32>} : memref<10000xf32, #tpu.memory_space<vmem>>, vector<16xf32>,
      tpu.vector_store %arg16[%swap3A_656], %div3A_653 {strides = array<i32>} : memref<10000xf32, #tpu.memory_space<vmem>>, vector<16xf32>,
      %add3A_658 = arith.addf %scan3A_616#2, %get3A_7 : vector<16xf32>
      %add3A_659 = arith.constant 32 : i32
      %add3A_660 = arith.addi %mul3A_596, %add3A_659 : i32
      %get3A_661 = arith.index_cast %add3A_660 : i32 to index
      %get3A_662 = tpu.vector_load %arg15[%get3A_661] {strides = array<i32>} : memref<10000xf32, #tpu.memory_space<vmem>>, vector<16xf32>,
      %add3A_663 = arith.addf %add3A_658, %get3A_662 : vector<16xf32>
      %neg3A_664 = arith.constant 0.000000e+00 : f32
      %neg3A_665 = vector.broadcast %neg3A_664 : f32 to vector<16xf32>
      %neg3A_666 = arith.subf %neg3A_665, %add3A_663 : vector<16xf32>
      %exp3A_667 = math.exp %neg3A_666 : vector<16xf32>
      %add3A_668 = arith.constant 1.000000e+00 : f32
      %add3A_669 = vector.broadcast %add3A_668 : f32 to vector<16xf32>
      %add3A_670 = arith.addf %add3A_669, %exp3A_667 : vector<16xf32>
      %div3A_671 = arith.constant 1.000000e+00 : f32
      %div3A_672 = vector.broadcast %div3A_671 : f32 to vector<16xf32>
      %div3A_673 = arith.divf %div3A_672, %add3A_670 : vector<16xf32>
      %add3A_674 = arith.constant 32 : i32
      %add3A_675 = arith.addi %mul3A_596, %add3A_674 : i32
      %swap3A_676 = arith.index_cast %add3A_675 : i32 to index
      %swap3A_677 = tpu.vector_load %arg16[%swap3A_676] {strides = array<i32>} : memref<10000xf32, #tpu.memory_space<vmem>>, vector<16xf32>,
      tpu.vector_store %arg16[%swap3A_676], %div3A_673 {strides = array<i32>} : memref<10000xf32, #tpu.memory_space<vmem>>, vector<16xf32>,
      %add3A_678 = arith.addf %scan3A_616#3, %get3A_7 : vector<16xf32>
      %add3A_679 = arith.constant 48 : i32
      %add3A_680 = arith.addi %mul3A_596, %add3A_679 : i32
      %get3A_681 = arith.index_cast %add3A_680 : i32 to index
      %get3A_682 = tpu.vector_load %arg15[%get3A_681] {strides = array<i32>} : memref<10000xf32, #tpu.memory_space<vmem>>, vector<16xf32>,
      %add3A_683 = arith.addf %add3A_678, %get3A_682 : vector<16xf32>
      %neg3A_684 = arith.constant 0.000000e+00 : f32
      %neg3A_685 = vector.broadcast %neg3A_684 : f32 to vector<16xf32>
      %neg3A_686 = arith.subf %neg3A_685, %add3A_683 : vector<16xf32>
      %exp3A_687 = math.exp %neg3A_686 : vector<16xf32>
      %add3A_688 = arith.constant 1.000000e+00 : f32
      %add3A_689 = vector.broadcast %add3A_688 : f32 to vector<16xf32>
      %add3A_690 = arith.addf %add3A_689, %exp3A_687 : vector<16xf32>
      %div3A_691 = arith.constant 1.000000e+00 : f32
      %div3A_692 = vector.broadcast %div3A_691 : f32 to vector<16xf32>
      %div3A_693 = arith.divf %div3A_692, %add3A_690 : vector<16xf32>
      %add3A_694 = arith.constant 48 : i32
      %add3A_695 = arith.addi %mul3A_596, %add3A_694 : i32
      %swap3A_696 = arith.index_cast %add3A_695 : i32 to index
      %swap3A_697 = tpu.vector_load %arg16[%swap3A_696] {strides = array<i32>} : memref<10000xf32, #tpu.memory_space<vmem>>, vector<16xf32>,
      tpu.vector_store %arg16[%swap3A_696], %div3A_693 {strides = array<i32>} : memref<10000xf32, #tpu.memory_space<vmem>>, vector<16xf32>,
      %add3A_698 = arith.addf %scan3A_616#4, %get3A_7 : vector<16xf32>
      %add3A_699 = arith.constant 64 : i32
      %add3A_700 = arith.addi %mul3A_596, %add3A_699 : i32
      %get3A_701 = arith.index_cast %add3A_700 : i32 to index
      %get3A_702 = tpu.vector_load %arg15[%get3A_701] {strides = array<i32>} : memref<10000xf32, #tpu.memory_space<vmem>>, vector<16xf32>,
      %add3A_703 = arith.addf %add3A_698, %get3A_702 : vector<16xf32>
      %neg3A_704 = arith.constant 0.000000e+00 : f32
      %neg3A_705 = vector.broadcast %neg3A_704 : f32 to vector<16xf32>
      %neg3A_706 = arith.subf %neg3A_705, %add3A_703 : vector<16xf32>
      %exp3A_707 = math.exp %neg3A_706 : vector<16xf32>
      %add3A_708 = arith.constant 1.000000e+00 : f32
      %add3A_709 = vector.broadcast %add3A_708 : f32 to vector<16xf32>
      %add3A_710 = arith.addf %add3A_709, %exp3A_707 : vector<16xf32>
      %div3A_711 = arith.constant 1.000000e+00 : f32
      %div3A_712 = vector.broadcast %div3A_711 : f32 to vector<16xf32>
      %div3A_713 = arith.divf %div3A_712, %add3A_710 : vector<16xf32>
      %add3A_714 = arith.constant 64 : i32
      %add3A_715 = arith.addi %mul3A_596, %add3A_714 : i32
      %swap3A_716 = arith.index_cast %add3A_715 : i32 to index
      %swap3A_717 = tpu.vector_load %arg16[%swap3A_716] {strides = array<i32>} : memref<10000xf32, #tpu.memory_space<vmem>>, vector<16xf32>,
      tpu.vector_store %arg16[%swap3A_716], %div3A_713 {strides = array<i32>} : memref<10000xf32, #tpu.memory_space<vmem>>, vector<16xf32>,
      %add3A_718 = arith.constant 5 : i32
      %add3A_719 = arith.addi %add3A_572, %add3A_718 : i32
      %lt3A_720 = arith.constant 125 : i32
      %lt3A_721 = arith.cmpi slt, %add3A_719, %lt3A_720 : i32
      %convert_element_type3A_722 = arith.extui %lt3A_721 : i1 to i32
      %cond3A_723 = arith.constant 0 : i32
      %cond3A_724 = arith.cmpi ne, %convert_element_type3A_722, %cond3A_723 : i32
      scf.if %cond3A_724 {
        %add3A_879 = arith.constant 5 : i32
        %add3A_880 = arith.addi %add3A_572, %add3A_879 : i32
        %mul3A_881 = arith.constant 80 : i32
        %mul3A_882 = arith.muli %add3A_880, %mul3A_881 : i32
        %dma_start3A_883 = arith.constant 3 : i32
        %dma_start3A_884 = arith.constant 0 : i32
        %dma_start3A_885 = arith.constant 0 : i32
        %dma_start3A_886 = tpu.memref_slice %arg12[%dma_start3A_883, %dma_start3A_884, %dma_start3A_885] : memref<5x80x64xf32, #tpu.memory_space<vmem>> -> memref<1x80x64xf32, #tpu.memory_space<vmem>>
        %dma_start3A_887 = tpu.memref_squeeze %dma_start3A_886 : memref<1x80x64xf32, #tpu.memory_space<vmem>> -> memref<80x64xf32, #tpu.memory_space<vmem>>
        %dma_start3A_888 = tpu.memref_slice %arg10[%mul3A_882] : memref<10000xi32, #tpu.memory_space<vmem>> -> memref<80xi32, #tpu.memory_space<vmem>>
        %dma_start3A_889 = arith.constant 0 : i32
        %dma_start3A_890 = arith.constant 0 : i32
        %dma_start3A_891 = tpu.memref_slice %arg4[%dma_start3A_889, %dma_start3A_890] : memref<10000x64xf32, #tpu.memory_space<hbm>> -> memref<10000x64xf32, #tpu.memory_space<hbm>>
        tpu.enqueue_indirect_dma source(%dma_start3A_891 : memref<10000x64xf32, #tpu.memory_space<hbm>>) target(%dma_start3A_887 : memref<80x64xf32, #tpu.memory_space<vmem>>) offsets(%dma_start3A_888 : memref<80xi32, #tpu.memory_space<vmem>>) semaphore(%arg21 : memref<!tpu.dma_semaphore, #tpu.memory_space<semaphore_mem>>)
        %mul3A_892 = arith.constant 80 : i32
        %mul3A_893 = arith.muli %add3A_880, %mul3A_892 : i32
        %dma_start3A_894 = arith.constant 3 : i32
        %dma_start3A_895 = arith.constant 0 : i32
        %dma_start3A_896 = arith.constant 0 : i32
        %dma_start3A_897 = tpu.memref_slice %arg13[%dma_start3A_894, %dma_start3A_895, %dma_start3A_896] : memref<5x80x64xf32, #tpu.memory_space<vmem>> -> memref<1x80x64xf32, #tpu.memory_space<vmem>>
        %dma_start3A_898 = tpu.memref_squeeze %dma_start3A_897 : memref<1x80x64xf32, #tpu.memory_space<vmem>> -> memref<80x64xf32, #tpu.memory_space<vmem>>
        %dma_start3A_899 = tpu.memref_slice %arg11[%mul3A_893] : memref<10000xi32, #tpu.memory_space<vmem>> -> memref<80xi32, #tpu.memory_space<vmem>>
        %dma_start3A_900 = arith.constant 0 : i32
        %dma_start3A_901 = arith.constant 0 : i32
        %dma_start3A_902 = tpu.memref_slice %arg5[%dma_start3A_900, %dma_start3A_901] : memref<10000x64xf32, #tpu.memory_space<hbm>> -> memref<10000x64xf32, #tpu.memory_space<hbm>>
        tpu.enqueue_indirect_dma source(%dma_start3A_902 : memref<10000x64xf32, #tpu.memory_space<hbm>>) target(%dma_start3A_898 : memref<80x64xf32, #tpu.memory_space<vmem>>) offsets(%dma_start3A_899 : memref<80xi32, #tpu.memory_space<vmem>>) semaphore(%arg26 : memref<!tpu.dma_semaphore, #tpu.memory_space<semaphore_mem>>)
      } else {
      }
      %add3A_725 = arith.constant 4 : i32
      %add3A_726 = arith.addi %add3A_117, %add3A_725 : i32
      %mul3A_727 = arith.constant 80 : i32
      %mul3A_728 = arith.muli %add3A_726, %mul3A_727 : i32
      %dma_wait3A_729 = arith.constant 4 : i32
      %dma_wait3A_730 = arith.constant 0 : i32
      %dma_wait3A_731 = arith.constant 0 : i32
      %dma_wait3A_732 = tpu.memref_slice %arg12[%dma_wait3A_729, %dma_wait3A_730, %dma_wait3A_731] : memref<5x80x64xf32, #tpu.memory_space<vmem>> -> memref<1x80x64xf32, #tpu.memory_space<vmem>>
      %dma_wait3A_733 = tpu.memref_squeeze %dma_wait3A_732 : memref<1x80x64xf32, #tpu.memory_space<vmem>> -> memref<80x64xf32, #tpu.memory_space<vmem>>
      %dma_wait3A_734 = tpu.memref_slice %arg10[%mul3A_728] : memref<10000xi32, #tpu.memory_space<vmem>> -> memref<80xi32, #tpu.memory_space<vmem>>
      %dma_wait3A_735 = arith.constant 0 : i32
      %dma_wait3A_736 = arith.constant 0 : i32
      %dma_wait3A_737 = tpu.memref_slice %arg4[%dma_wait3A_735, %dma_wait3A_736] : memref<10000x64xf32, #tpu.memory_space<hbm>> -> memref<10000x64xf32, #tpu.memory_space<hbm>>
      tpu.wait_indirect_dma semaphore(%arg22 : memref<!tpu.dma_semaphore, #tpu.memory_space<semaphore_mem>>) src(%dma_wait3A_737 : memref<10000x64xf32, #tpu.memory_space<hbm>>) dst(%dma_wait3A_733 : memref<80x64xf32, #tpu.memory_space<vmem>>)
      %mul3A_738 = arith.constant 80 : i32
      %mul3A_739 = arith.muli %add3A_726, %mul3A_738 : i32
      %dma_wait3A_740 = arith.constant 4 : i32
      %dma_wait3A_741 = arith.constant 0 : i32
      %dma_wait3A_742 = arith.constant 0 : i32
      %dma_wait3A_743 = tpu.memref_slice %arg13[%dma_wait3A_740, %dma_wait3A_741, %dma_wait3A_742] : memref<5x80x64xf32, #tpu.memory_space<vmem>> -> memref<1x80x64xf32, #tpu.memory_space<vmem>>
      %dma_wait3A_744 = tpu.memref_squeeze %dma_wait3A_743 : memref<1x80x64xf32, #tpu.memory_space<vmem>> -> memref<80x64xf32, #tpu.memory_space<vmem>>
      %dma_wait3A_745 = tpu.memref_slice %arg11[%mul3A_739] : memref<10000xi32, #tpu.memory_space<vmem>> -> memref<80xi32, #tpu.memory_space<vmem>>
      %dma_wait3A_746 = arith.constant 0 : i32
      %dma_wait3A_747 = arith.constant 0 : i32
      %dma_wait3A_748 = tpu.memref_slice %arg5[%dma_wait3A_746, %dma_wait3A_747] : memref<10000x64xf32, #tpu.memory_space<hbm>> -> memref<10000x64xf32, #tpu.memory_space<hbm>>
      tpu.wait_indirect_dma semaphore(%arg27 : memref<!tpu.dma_semaphore, #tpu.memory_space<semaphore_mem>>) src(%dma_wait3A_748 : memref<10000x64xf32, #tpu.memory_space<hbm>>) dst(%dma_wait3A_744 : memref<80x64xf32, #tpu.memory_space<vmem>>)
      %mul3A_749 = arith.constant 80 : i32
      %mul3A_750 = arith.muli %add3A_726, %mul3A_749 : i32
      %broadcast_in_dim3A_751 = arith.constant 0 : i32
      %broadcast_in_dim3A_752 = vector.broadcast %broadcast_in_dim3A_751 : i32 to vector<16xi32>
      %add3A_753 = arith.constant 4 : i32
      %add3A_754 = vector.broadcast %add3A_753 : i32 to vector<16xi32>
      %add3A_755 = arith.addi %broadcast_in_dim3A_752, %add3A_754 : vector<16xi32>
      %broadcast_in_dim3A_756 = arith.constant 0.000000e+00 : f32
      %broadcast_in_dim3A_757 = vector.broadcast %broadcast_in_dim3A_756 : f32 to vector<16xf32>
      %broadcast_in_dim3A_758 = arith.constant 0.000000e+00 : f32
      %broadcast_in_dim3A_759 = vector.broadcast %broadcast_in_dim3A_758 : f32 to vector<16xf32>
      %broadcast_in_dim3A_760 = arith.constant 0.000000e+00 : f32
      %broadcast_in_dim3A_761 = vector.broadcast %broadcast_in_dim3A_760 : f32 to vector<16xf32>
      %broadcast_in_dim3A_762 = arith.constant 0.000000e+00 : f32
      %broadcast_in_dim3A_763 = vector.broadcast %broadcast_in_dim3A_762 : f32 to vector<16xf32>
      %broadcast_in_dim3A_764 = arith.constant 0.000000e+00 : f32
      %broadcast_in_dim3A_765 = vector.broadcast %broadcast_in_dim3A_764 : f32 to vector<16xf32>
      %scan3A_766 = arith.constant 0 : i32
      %scan3A_767 = arith.constant 64 : i32
      %scan3A_768 = arith.addi %scan3A_766, %scan3A_767 : i32
      %scan3A_769 = arith.constant 4 : i32
      %scan3A_770:5 = scf.for %scan3A_879 = %scan3A_766 to %scan3A_768 step %scan3A_769 iter_args(%scan3A_880 = %broadcast_in_dim3A_757, %scan3A_881 = %broadcast_in_dim3A_759, %scan3A_882 = %broadcast_in_dim3A_761, %scan3A_883 = %broadcast_in_dim3A_763, %scan3A_884 = %broadcast_in_dim3A_765) -> (vector<16xf32>, vector<16xf32>, vector<16xf32>, vector<16xf32>, vector<16xf32>)  : i32 {
        %add3A_885 = vector.broadcast %scan3A_879 : i32 to vector<16xi32>
        %add3A_886 = arith.addi %iota3A, %add3A_885 : vector<16xi32>
        %and3A = arith.constant 63 : i32
        %and3A_887 = vector.broadcast %and3A : i32 to vector<16xi32>
        %and3A_888 = arith.andi %add3A_886, %and3A_887 : vector<16xi32>
        %gather3A = tpu.vector_load_idx %arg14[%and3A_888] : memref<64xf32, #tpu.memory_space<vmem>>[vector<16xi32>], vector<16xf32>,
        %add3A_889 = arith.constant 0 : i32
        %add3A_890 = vector.broadcast %add3A_889 : i32 to vector<16xi32>
        %add3A_891 = arith.addi %iota3A, %add3A_890 : vector<16xi32>
        %gather3A_892 = tpu.vector_load_idx %arg12[%add3A_755, %add3A_891, %and3A_888] : memref<5x80x64xf32, #tpu.memory_space<vmem>>[vector<16xi32>, vector<16xi32>, vector<16xi32>], vector<16xf32>,
        %gather3A_893 = tpu.vector_load_idx %arg13[%add3A_755, %add3A_891, %and3A_888] : memref<5x80x64xf32, #tpu.memory_space<vmem>>[vector<16xi32>, vector<16xi32>, vector<16xi32>], vector<16xf32>,
        %add3A_894 = arith.addf %gather3A_892, %gather3A_893 : vector<16xf32>
        %max3A = arith.constant 0.000000e+00 : f32
        %max3A_895 = vector.broadcast %max3A : f32 to vector<16xf32>
        %max3A_896 = arith.maximumf %add3A_894, %max3A_895 : vector<16xf32>
        %mul3A_897 = arith.mulf %max3A_896, %gather3A : vector<16xf32>
        %add3A_898 = arith.addf %scan3A_880, %mul3A_897 : vector<16xf32>
        %add3A_899 = arith.constant 16 : i32
        %add3A_900 = vector.broadcast %add3A_899 : i32 to vector<16xi32>
        %add3A_901 = arith.addi %iota3A, %add3A_900 : vector<16xi32>
        %gather3A_902 = tpu.vector_load_idx %arg12[%add3A_755, %add3A_901, %and3A_888] : memref<5x80x64xf32, #tpu.memory_space<vmem>>[vector<16xi32>, vector<16xi32>, vector<16xi32>], vector<16xf32>,
        %gather3A_903 = tpu.vector_load_idx %arg13[%add3A_755, %add3A_901, %and3A_888] : memref<5x80x64xf32, #tpu.memory_space<vmem>>[vector<16xi32>, vector<16xi32>, vector<16xi32>], vector<16xf32>,
        %add3A_904 = arith.addf %gather3A_902, %gather3A_903 : vector<16xf32>
        %max3A_905 = arith.constant 0.000000e+00 : f32
        %max3A_906 = vector.broadcast %max3A_905 : f32 to vector<16xf32>
        %max3A_907 = arith.maximumf %add3A_904, %max3A_906 : vector<16xf32>
        %mul3A_908 = arith.mulf %max3A_907, %gather3A : vector<16xf32>
        %add3A_909 = arith.addf %scan3A_881, %mul3A_908 : vector<16xf32>
        %add3A_910 = arith.constant 32 : i32
        %add3A_911 = vector.broadcast %add3A_910 : i32 to vector<16xi32>
        %add3A_912 = arith.addi %iota3A, %add3A_911 : vector<16xi32>
        %gather3A_913 = tpu.vector_load_idx %arg12[%add3A_755, %add3A_912, %and3A_888] : memref<5x80x64xf32, #tpu.memory_space<vmem>>[vector<16xi32>, vector<16xi32>, vector<16xi32>], vector<16xf32>,
        %gather3A_914 = tpu.vector_load_idx %arg13[%add3A_755, %add3A_912, %and3A_888] : memref<5x80x64xf32, #tpu.memory_space<vmem>>[vector<16xi32>, vector<16xi32>, vector<16xi32>], vector<16xf32>,
        %add3A_915 = arith.addf %gather3A_913, %gather3A_914 : vector<16xf32>
        %max3A_916 = arith.constant 0.000000e+00 : f32
        %max3A_917 = vector.broadcast %max3A_916 : f32 to vector<16xf32>
        %max3A_918 = arith.maximumf %add3A_915, %max3A_917 : vector<16xf32>
        %mul3A_919 = arith.mulf %max3A_918, %gather3A : vector<16xf32>
        %add3A_920 = arith.addf %scan3A_882, %mul3A_919 : vector<16xf32>
        %add3A_921 = arith.constant 48 : i32
        %add3A_922 = vector.broadcast %add3A_921 : i32 to vector<16xi32>
        %add3A_923 = arith.addi %iota3A, %add3A_922 : vector<16xi32>
        %gather3A_924 = tpu.vector_load_idx %arg12[%add3A_755, %add3A_923, %and3A_888] : memref<5x80x64xf32, #tpu.memory_space<vmem>>[vector<16xi32>, vector<16xi32>, vector<16xi32>], vector<16xf32>,
        %gather3A_925 = tpu.vector_load_idx %arg13[%add3A_755, %add3A_923, %and3A_888] : memref<5x80x64xf32, #tpu.memory_space<vmem>>[vector<16xi32>, vector<16xi32>, vector<16xi32>], vector<16xf32>,
        %add3A_926 = arith.addf %gather3A_924, %gather3A_925 : vector<16xf32>
        %max3A_927 = arith.constant 0.000000e+00 : f32
        %max3A_928 = vector.broadcast %max3A_927 : f32 to vector<16xf32>
        %max3A_929 = arith.maximumf %add3A_926, %max3A_928 : vector<16xf32>
        %mul3A_930 = arith.mulf %max3A_929, %gather3A : vector<16xf32>
        %add3A_931 = arith.addf %scan3A_883, %mul3A_930 : vector<16xf32>
        %add3A_932 = arith.constant 64 : i32
        %add3A_933 = vector.broadcast %add3A_932 : i32 to vector<16xi32>
        %add3A_934 = arith.addi %iota3A, %add3A_933 : vector<16xi32>
        %gather3A_935 = tpu.vector_load_idx %arg12[%add3A_755, %add3A_934, %and3A_888] : memref<5x80x64xf32, #tpu.memory_space<vmem>>[vector<16xi32>, vector<16xi32>, vector<16xi32>], vector<16xf32>,
        %gather3A_936 = tpu.vector_load_idx %arg13[%add3A_755, %add3A_934, %and3A_888] : memref<5x80x64xf32, #tpu.memory_space<vmem>>[vector<16xi32>, vector<16xi32>, vector<16xi32>], vector<16xf32>,
        %add3A_937 = arith.addf %gather3A_935, %gather3A_936 : vector<16xf32>
        %max3A_938 = arith.constant 0.000000e+00 : f32
        %max3A_939 = vector.broadcast %max3A_938 : f32 to vector<16xf32>
        %max3A_940 = arith.maximumf %add3A_937, %max3A_939 : vector<16xf32>
        %mul3A_941 = arith.mulf %max3A_940, %gather3A : vector<16xf32>
        %add3A_942 = arith.addf %scan3A_884, %mul3A_941 : vector<16xf32>
        %scan3A_943 = arith.constant 1 : i32
        %scan3A_944 = arith.addi %scan3A_879, %scan3A_943 : i32
        %add3A_945 = vector.broadcast %scan3A_944 : i32 to vector<16xi32>
        %add3A_946 = arith.addi %iota3A, %add3A_945 : vector<16xi32>
        %and3A_947 = arith.constant 63 : i32
        %and3A_948 = vector.broadcast %and3A_947 : i32 to vector<16xi32>
        %and3A_949 = arith.andi %add3A_946, %and3A_948 : vector<16xi32>
        %gather3A_950 = tpu.vector_load_idx %arg14[%and3A_949] : memref<64xf32, #tpu.memory_space<vmem>>[vector<16xi32>], vector<16xf32>,
        %add3A_951 = arith.constant 0 : i32
        %add3A_952 = vector.broadcast %add3A_951 : i32 to vector<16xi32>
        %add3A_953 = arith.addi %iota3A, %add3A_952 : vector<16xi32>
        %gather3A_954 = tpu.vector_load_idx %arg12[%add3A_755, %add3A_953, %and3A_949] : memref<5x80x64xf32, #tpu.memory_space<vmem>>[vector<16xi32>, vector<16xi32>, vector<16xi32>], vector<16xf32>,
        %gather3A_955 = tpu.vector_load_idx %arg13[%add3A_755, %add3A_953, %and3A_949] : memref<5x80x64xf32, #tpu.memory_space<vmem>>[vector<16xi32>, vector<16xi32>, vector<16xi32>], vector<16xf32>,
        %add3A_956 = arith.addf %gather3A_954, %gather3A_955 : vector<16xf32>
        %max3A_957 = arith.constant 0.000000e+00 : f32
        %max3A_958 = vector.broadcast %max3A_957 : f32 to vector<16xf32>
        %max3A_959 = arith.maximumf %add3A_956, %max3A_958 : vector<16xf32>
        %mul3A_960 = arith.mulf %max3A_959, %gather3A_950 : vector<16xf32>
        %add3A_961 = arith.addf %add3A_898, %mul3A_960 : vector<16xf32>
        %add3A_962 = arith.constant 16 : i32
        %add3A_963 = vector.broadcast %add3A_962 : i32 to vector<16xi32>
        %add3A_964 = arith.addi %iota3A, %add3A_963 : vector<16xi32>
        %gather3A_965 = tpu.vector_load_idx %arg12[%add3A_755, %add3A_964, %and3A_949] : memref<5x80x64xf32, #tpu.memory_space<vmem>>[vector<16xi32>, vector<16xi32>, vector<16xi32>], vector<16xf32>,
        %gather3A_966 = tpu.vector_load_idx %arg13[%add3A_755, %add3A_964, %and3A_949] : memref<5x80x64xf32, #tpu.memory_space<vmem>>[vector<16xi32>, vector<16xi32>, vector<16xi32>], vector<16xf32>,
        %add3A_967 = arith.addf %gather3A_965, %gather3A_966 : vector<16xf32>
        %max3A_968 = arith.constant 0.000000e+00 : f32
        %max3A_969 = vector.broadcast %max3A_968 : f32 to vector<16xf32>
        %max3A_970 = arith.maximumf %add3A_967, %max3A_969 : vector<16xf32>
        %mul3A_971 = arith.mulf %max3A_970, %gather3A_950 : vector<16xf32>
        %add3A_972 = arith.addf %add3A_909, %mul3A_971 : vector<16xf32>
        %add3A_973 = arith.constant 32 : i32
        %add3A_974 = vector.broadcast %add3A_973 : i32 to vector<16xi32>
        %add3A_975 = arith.addi %iota3A, %add3A_974 : vector<16xi32>
        %gather3A_976 = tpu.vector_load_idx %arg12[%add3A_755, %add3A_975, %and3A_949] : memref<5x80x64xf32, #tpu.memory_space<vmem>>[vector<16xi32>, vector<16xi32>, vector<16xi32>], vector<16xf32>,
        %gather3A_977 = tpu.vector_load_idx %arg13[%add3A_755, %add3A_975, %and3A_949] : memref<5x80x64xf32, #tpu.memory_space<vmem>>[vector<16xi32>, vector<16xi32>, vector<16xi32>], vector<16xf32>,
        %add3A_978 = arith.addf %gather3A_976, %gather3A_977 : vector<16xf32>
        %max3A_979 = arith.constant 0.000000e+00 : f32
        %max3A_980 = vector.broadcast %max3A_979 : f32 to vector<16xf32>
        %max3A_981 = arith.maximumf %add3A_978, %max3A_980 : vector<16xf32>
        %mul3A_982 = arith.mulf %max3A_981, %gather3A_950 : vector<16xf32>
        %add3A_983 = arith.addf %add3A_920, %mul3A_982 : vector<16xf32>
        %add3A_984 = arith.constant 48 : i32
        %add3A_985 = vector.broadcast %add3A_984 : i32 to vector<16xi32>
        %add3A_986 = arith.addi %iota3A, %add3A_985 : vector<16xi32>
        %gather3A_987 = tpu.vector_load_idx %arg12[%add3A_755, %add3A_986, %and3A_949] : memref<5x80x64xf32, #tpu.memory_space<vmem>>[vector<16xi32>, vector<16xi32>, vector<16xi32>], vector<16xf32>,
        %gather3A_988 = tpu.vector_load_idx %arg13[%add3A_755, %add3A_986, %and3A_949] : memref<5x80x64xf32, #tpu.memory_space<vmem>>[vector<16xi32>, vector<16xi32>, vector<16xi32>], vector<16xf32>,
        %add3A_989 = arith.addf %gather3A_987, %gather3A_988 : vector<16xf32>
        %max3A_990 = arith.constant 0.000000e+00 : f32
        %max3A_991 = vector.broadcast %max3A_990 : f32 to vector<16xf32>
        %max3A_992 = arith.maximumf %add3A_989, %max3A_991 : vector<16xf32>
        %mul3A_993 = arith.mulf %max3A_992, %gather3A_950 : vector<16xf32>
        %add3A_994 = arith.addf %add3A_931, %mul3A_993 : vector<16xf32>
        %add3A_995 = arith.constant 64 : i32
        %add3A_996 = vector.broadcast %add3A_995 : i32 to vector<16xi32>
        %add3A_997 = arith.addi %iota3A, %add3A_996 : vector<16xi32>
        %gather3A_998 = tpu.vector_load_idx %arg12[%add3A_755, %add3A_997, %and3A_949] : memref<5x80x64xf32, #tpu.memory_space<vmem>>[vector<16xi32>, vector<16xi32>, vector<16xi32>], vector<16xf32>,
        %gather3A_999 = tpu.vector_load_idx %arg13[%add3A_755, %add3A_997, %and3A_949] : memref<5x80x64xf32, #tpu.memory_space<vmem>>[vector<16xi32>, vector<16xi32>, vector<16xi32>], vector<16xf32>,
        %add3A_1000 = arith.addf %gather3A_998, %gather3A_999 : vector<16xf32>
        %max3A_1001 = arith.constant 0.000000e+00 : f32
        %max3A_1002 = vector.broadcast %max3A_1001 : f32 to vector<16xf32>
        %max3A_1003 = arith.maximumf %add3A_1000, %max3A_1002 : vector<16xf32>
        %mul3A_1004 = arith.mulf %max3A_1003, %gather3A_950 : vector<16xf32>
        %add3A_1005 = arith.addf %add3A_942, %mul3A_1004 : vector<16xf32>
        %scan3A_1006 = arith.constant 2 : i32
        %scan3A_1007 = arith.addi %scan3A_879, %scan3A_1006 : i32
        %add3A_1008 = vector.broadcast %scan3A_1007 : i32 to vector<16xi32>
        %add3A_1009 = arith.addi %iota3A, %add3A_1008 : vector<16xi32>
        %and3A_1010 = arith.constant 63 : i32
        %and3A_1011 = vector.broadcast %and3A_1010 : i32 to vector<16xi32>
        %and3A_1012 = arith.andi %add3A_1009, %and3A_1011 : vector<16xi32>
        %gather3A_1013 = tpu.vector_load_idx %arg14[%and3A_1012] : memref<64xf32, #tpu.memory_space<vmem>>[vector<16xi32>], vector<16xf32>,
        %add3A_1014 = arith.constant 0 : i32
        %add3A_1015 = vector.broadcast %add3A_1014 : i32 to vector<16xi32>
        %add3A_1016 = arith.addi %iota3A, %add3A_1015 : vector<16xi32>
        %gather3A_1017 = tpu.vector_load_idx %arg12[%add3A_755, %add3A_1016, %and3A_1012] : memref<5x80x64xf32, #tpu.memory_space<vmem>>[vector<16xi32>, vector<16xi32>, vector<16xi32>], vector<16xf32>,
        %gather3A_1018 = tpu.vector_load_idx %arg13[%add3A_755, %add3A_1016, %and3A_1012] : memref<5x80x64xf32, #tpu.memory_space<vmem>>[vector<16xi32>, vector<16xi32>, vector<16xi32>], vector<16xf32>,
        %add3A_1019 = arith.addf %gather3A_1017, %gather3A_1018 : vector<16xf32>
        %max3A_1020 = arith.constant 0.000000e+00 : f32
        %max3A_1021 = vector.broadcast %max3A_1020 : f32 to vector<16xf32>
        %max3A_1022 = arith.maximumf %add3A_1019, %max3A_1021 : vector<16xf32>
        %mul3A_1023 = arith.mulf %max3A_1022, %gather3A_1013 : vector<16xf32>
        %add3A_1024 = arith.addf %add3A_961, %mul3A_1023 : vector<16xf32>
        %add3A_1025 = arith.constant 16 : i32
        %add3A_1026 = vector.broadcast %add3A_1025 : i32 to vector<16xi32>
        %add3A_1027 = arith.addi %iota3A, %add3A_1026 : vector<16xi32>
        %gather3A_1028 = tpu.vector_load_idx %arg12[%add3A_755, %add3A_1027, %and3A_1012] : memref<5x80x64xf32, #tpu.memory_space<vmem>>[vector<16xi32>, vector<16xi32>, vector<16xi32>], vector<16xf32>,
        %gather3A_1029 = tpu.vector_load_idx %arg13[%add3A_755, %add3A_1027, %and3A_1012] : memref<5x80x64xf32, #tpu.memory_space<vmem>>[vector<16xi32>, vector<16xi32>, vector<16xi32>], vector<16xf32>,
        %add3A_1030 = arith.addf %gather3A_1028, %gather3A_1029 : vector<16xf32>
        %max3A_1031 = arith.constant 0.000000e+00 : f32
        %max3A_1032 = vector.broadcast %max3A_1031 : f32 to vector<16xf32>
        %max3A_1033 = arith.maximumf %add3A_1030, %max3A_1032 : vector<16xf32>
        %mul3A_1034 = arith.mulf %max3A_1033, %gather3A_1013 : vector<16xf32>
        %add3A_1035 = arith.addf %add3A_972, %mul3A_1034 : vector<16xf32>
        %add3A_1036 = arith.constant 32 : i32
        %add3A_1037 = vector.broadcast %add3A_1036 : i32 to vector<16xi32>
        %add3A_1038 = arith.addi %iota3A, %add3A_1037 : vector<16xi32>
        %gather3A_1039 = tpu.vector_load_idx %arg12[%add3A_755, %add3A_1038, %and3A_1012] : memref<5x80x64xf32, #tpu.memory_space<vmem>>[vector<16xi32>, vector<16xi32>, vector<16xi32>], vector<16xf32>,
        %gather3A_1040 = tpu.vector_load_idx %arg13[%add3A_755, %add3A_1038, %and3A_1012] : memref<5x80x64xf32, #tpu.memory_space<vmem>>[vector<16xi32>, vector<16xi32>, vector<16xi32>], vector<16xf32>,
        %add3A_1041 = arith.addf %gather3A_1039, %gather3A_1040 : vector<16xf32>
        %max3A_1042 = arith.constant 0.000000e+00 : f32
        %max3A_1043 = vector.broadcast %max3A_1042 : f32 to vector<16xf32>
        %max3A_1044 = arith.maximumf %add3A_1041, %max3A_1043 : vector<16xf32>
        %mul3A_1045 = arith.mulf %max3A_1044, %gather3A_1013 : vector<16xf32>
        %add3A_1046 = arith.addf %add3A_983, %mul3A_1045 : vector<16xf32>
        %add3A_1047 = arith.constant 48 : i32
        %add3A_1048 = vector.broadcast %add3A_1047 : i32 to vector<16xi32>
        %add3A_1049 = arith.addi %iota3A, %add3A_1048 : vector<16xi32>
        %gather3A_1050 = tpu.vector_load_idx %arg12[%add3A_755, %add3A_1049, %and3A_1012] : memref<5x80x64xf32, #tpu.memory_space<vmem>>[vector<16xi32>, vector<16xi32>, vector<16xi32>], vector<16xf32>,
        %gather3A_1051 = tpu.vector_load_idx %arg13[%add3A_755, %add3A_1049, %and3A_1012] : memref<5x80x64xf32, #tpu.memory_space<vmem>>[vector<16xi32>, vector<16xi32>, vector<16xi32>], vector<16xf32>,
        %add3A_1052 = arith.addf %gather3A_1050, %gather3A_1051 : vector<16xf32>
        %max3A_1053 = arith.constant 0.000000e+00 : f32
        %max3A_1054 = vector.broadcast %max3A_1053 : f32 to vector<16xf32>
        %max3A_1055 = arith.maximumf %add3A_1052, %max3A_1054 : vector<16xf32>
        %mul3A_1056 = arith.mulf %max3A_1055, %gather3A_1013 : vector<16xf32>
        %add3A_1057 = arith.addf %add3A_994, %mul3A_1056 : vector<16xf32>
        %add3A_1058 = arith.constant 64 : i32
        %add3A_1059 = vector.broadcast %add3A_1058 : i32 to vector<16xi32>
        %add3A_1060 = arith.addi %iota3A, %add3A_1059 : vector<16xi32>
        %gather3A_1061 = tpu.vector_load_idx %arg12[%add3A_755, %add3A_1060, %and3A_1012] : memref<5x80x64xf32, #tpu.memory_space<vmem>>[vector<16xi32>, vector<16xi32>, vector<16xi32>], vector<16xf32>,
        %gather3A_1062 = tpu.vector_load_idx %arg13[%add3A_755, %add3A_1060, %and3A_1012] : memref<5x80x64xf32, #tpu.memory_space<vmem>>[vector<16xi32>, vector<16xi32>, vector<16xi32>], vector<16xf32>,
        %add3A_1063 = arith.addf %gather3A_1061, %gather3A_1062 : vector<16xf32>
        %max3A_1064 = arith.constant 0.000000e+00 : f32
        %max3A_1065 = vector.broadcast %max3A_1064 : f32 to vector<16xf32>
        %max3A_1066 = arith.maximumf %add3A_1063, %max3A_1065 : vector<16xf32>
        %mul3A_1067 = arith.mulf %max3A_1066, %gather3A_1013 : vector<16xf32>
        %add3A_1068 = arith.addf %add3A_1005, %mul3A_1067 : vector<16xf32>
        %scan3A_1069 = arith.constant 3 : i32
        %scan3A_1070 = arith.addi %scan3A_879, %scan3A_1069 : i32
        %add3A_1071 = vector.broadcast %scan3A_1070 : i32 to vector<16xi32>
        %add3A_1072 = arith.addi %iota3A, %add3A_1071 : vector<16xi32>
        %and3A_1073 = arith.constant 63 : i32
        %and3A_1074 = vector.broadcast %and3A_1073 : i32 to vector<16xi32>
        %and3A_1075 = arith.andi %add3A_1072, %and3A_1074 : vector<16xi32>
        %gather3A_1076 = tpu.vector_load_idx %arg14[%and3A_1075] : memref<64xf32, #tpu.memory_space<vmem>>[vector<16xi32>], vector<16xf32>,
        %add3A_1077 = arith.constant 0 : i32
        %add3A_1078 = vector.broadcast %add3A_1077 : i32 to vector<16xi32>
        %add3A_1079 = arith.addi %iota3A, %add3A_1078 : vector<16xi32>
        %gather3A_1080 = tpu.vector_load_idx %arg12[%add3A_755, %add3A_1079, %and3A_1075] : memref<5x80x64xf32, #tpu.memory_space<vmem>>[vector<16xi32>, vector<16xi32>, vector<16xi32>], vector<16xf32>,
        %gather3A_1081 = tpu.vector_load_idx %arg13[%add3A_755, %add3A_1079, %and3A_1075] : memref<5x80x64xf32, #tpu.memory_space<vmem>>[vector<16xi32>, vector<16xi32>, vector<16xi32>], vector<16xf32>,
        %add3A_1082 = arith.addf %gather3A_1080, %gather3A_1081 : vector<16xf32>
        %max3A_1083 = arith.constant 0.000000e+00 : f32
        %max3A_1084 = vector.broadcast %max3A_1083 : f32 to vector<16xf32>
        %max3A_1085 = arith.maximumf %add3A_1082, %max3A_1084 : vector<16xf32>
        %mul3A_1086 = arith.mulf %max3A_1085, %gather3A_1076 : vector<16xf32>
        %add3A_1087 = arith.addf %add3A_1024, %mul3A_1086 : vector<16xf32>
        %add3A_1088 = arith.constant 16 : i32
        %add3A_1089 = vector.broadcast %add3A_1088 : i32 to vector<16xi32>
        %add3A_1090 = arith.addi %iota3A, %add3A_1089 : vector<16xi32>
        %gather3A_1091 = tpu.vector_load_idx %arg12[%add3A_755, %add3A_1090, %and3A_1075] : memref<5x80x64xf32, #tpu.memory_space<vmem>>[vector<16xi32>, vector<16xi32>, vector<16xi32>], vector<16xf32>,
        %gather3A_1092 = tpu.vector_load_idx %arg13[%add3A_755, %add3A_1090, %and3A_1075] : memref<5x80x64xf32, #tpu.memory_space<vmem>>[vector<16xi32>, vector<16xi32>, vector<16xi32>], vector<16xf32>,
        %add3A_1093 = arith.addf %gather3A_1091, %gather3A_1092 : vector<16xf32>
        %max3A_1094 = arith.constant 0.000000e+00 : f32
        %max3A_1095 = vector.broadcast %max3A_1094 : f32 to vector<16xf32>
        %max3A_1096 = arith.maximumf %add3A_1093, %max3A_1095 : vector<16xf32>
        %mul3A_1097 = arith.mulf %max3A_1096, %gather3A_1076 : vector<16xf32>
        %add3A_1098 = arith.addf %add3A_1035, %mul3A_1097 : vector<16xf32>
        %add3A_1099 = arith.constant 32 : i32
        %add3A_1100 = vector.broadcast %add3A_1099 : i32 to vector<16xi32>
        %add3A_1101 = arith.addi %iota3A, %add3A_1100 : vector<16xi32>
        %gather3A_1102 = tpu.vector_load_idx %arg12[%add3A_755, %add3A_1101, %and3A_1075] : memref<5x80x64xf32, #tpu.memory_space<vmem>>[vector<16xi32>, vector<16xi32>, vector<16xi32>], vector<16xf32>,
        %gather3A_1103 = tpu.vector_load_idx %arg13[%add3A_755, %add3A_1101, %and3A_1075] : memref<5x80x64xf32, #tpu.memory_space<vmem>>[vector<16xi32>, vector<16xi32>, vector<16xi32>], vector<16xf32>,
        %add3A_1104 = arith.addf %gather3A_1102, %gather3A_1103 : vector<16xf32>
        %max3A_1105 = arith.constant 0.000000e+00 : f32
        %max3A_1106 = vector.broadcast %max3A_1105 : f32 to vector<16xf32>
        %max3A_1107 = arith.maximumf %add3A_1104, %max3A_1106 : vector<16xf32>
        %mul3A_1108 = arith.mulf %max3A_1107, %gather3A_1076 : vector<16xf32>
        %add3A_1109 = arith.addf %add3A_1046, %mul3A_1108 : vector<16xf32>
        %add3A_1110 = arith.constant 48 : i32
        %add3A_1111 = vector.broadcast %add3A_1110 : i32 to vector<16xi32>
        %add3A_1112 = arith.addi %iota3A, %add3A_1111 : vector<16xi32>
        %gather3A_1113 = tpu.vector_load_idx %arg12[%add3A_755, %add3A_1112, %and3A_1075] : memref<5x80x64xf32, #tpu.memory_space<vmem>>[vector<16xi32>, vector<16xi32>, vector<16xi32>], vector<16xf32>,
        %gather3A_1114 = tpu.vector_load_idx %arg13[%add3A_755, %add3A_1112, %and3A_1075] : memref<5x80x64xf32, #tpu.memory_space<vmem>>[vector<16xi32>, vector<16xi32>, vector<16xi32>], vector<16xf32>,
        %add3A_1115 = arith.addf %gather3A_1113, %gather3A_1114 : vector<16xf32>
        %max3A_1116 = arith.constant 0.000000e+00 : f32
        %max3A_1117 = vector.broadcast %max3A_1116 : f32 to vector<16xf32>
        %max3A_1118 = arith.maximumf %add3A_1115, %max3A_1117 : vector<16xf32>
        %mul3A_1119 = arith.mulf %max3A_1118, %gather3A_1076 : vector<16xf32>
        %add3A_1120 = arith.addf %add3A_1057, %mul3A_1119 : vector<16xf32>
        %add3A_1121 = arith.constant 64 : i32
        %add3A_1122 = vector.broadcast %add3A_1121 : i32 to vector<16xi32>
        %add3A_1123 = arith.addi %iota3A, %add3A_1122 : vector<16xi32>
        %gather3A_1124 = tpu.vector_load_idx %arg12[%add3A_755, %add3A_1123, %and3A_1075] : memref<5x80x64xf32, #tpu.memory_space<vmem>>[vector<16xi32>, vector<16xi32>, vector<16xi32>], vector<16xf32>,
        %gather3A_1125 = tpu.vector_load_idx %arg13[%add3A_755, %add3A_1123, %and3A_1075] : memref<5x80x64xf32, #tpu.memory_space<vmem>>[vector<16xi32>, vector<16xi32>, vector<16xi32>], vector<16xf32>,
        %add3A_1126 = arith.addf %gather3A_1124, %gather3A_1125 : vector<16xf32>
        %max3A_1127 = arith.constant 0.000000e+00 : f32
        %max3A_1128 = vector.broadcast %max3A_1127 : f32 to vector<16xf32>
        %max3A_1129 = arith.maximumf %add3A_1126, %max3A_1128 : vector<16xf32>
        %mul3A_1130 = arith.mulf %max3A_1129, %gather3A_1076 : vector<16xf32>
        %add3A_1131 = arith.addf %add3A_1068, %mul3A_1130 : vector<16xf32>
        scf.yield %add3A_1087, %add3A_1098, %add3A_1109, %add3A_1120, %add3A_1131 : vector<16xf32>, vector<16xf32>, vector<16xf32>, vector<16xf32>, vector<16xf32>
      }
      %scan3A_771 = arith.constant 64 : i32
      %add3A_772 = arith.addf %scan3A_770#0, %get3A_7 : vector<16xf32>
      %add3A_773 = arith.constant 0 : i32
      %add3A_774 = arith.addi %mul3A_750, %add3A_773 : i32
      %get3A_775 = arith.index_cast %add3A_774 : i32 to index
      %get3A_776 = tpu.vector_load %arg15[%get3A_775] {strides = array<i32>} : memref<10000xf32, #tpu.memory_space<vmem>>, vector<16xf32>,
      %add3A_777 = arith.addf %add3A_772, %get3A_776 : vector<16xf32>
      %neg3A_778 = arith.constant 0.000000e+00 : f32
      %neg3A_779 = vector.broadcast %neg3A_778 : f32 to vector<16xf32>
      %neg3A_780 = arith.subf %neg3A_779, %add3A_777 : vector<16xf32>
      %exp3A_781 = math.exp %neg3A_780 : vector<16xf32>
      %add3A_782 = arith.constant 1.000000e+00 : f32
      %add3A_783 = vector.broadcast %add3A_782 : f32 to vector<16xf32>
      %add3A_784 = arith.addf %add3A_783, %exp3A_781 : vector<16xf32>
      %div3A_785 = arith.constant 1.000000e+00 : f32
      %div3A_786 = vector.broadcast %div3A_785 : f32 to vector<16xf32>
      %div3A_787 = arith.divf %div3A_786, %add3A_784 : vector<16xf32>
      %add3A_788 = arith.constant 0 : i32
      %add3A_789 = arith.addi %mul3A_750, %add3A_788 : i32
      %swap3A_790 = arith.index_cast %add3A_789 : i32 to index
      %swap3A_791 = tpu.vector_load %arg16[%swap3A_790] {strides = array<i32>} : memref<10000xf32, #tpu.memory_space<vmem>>, vector<16xf32>,
      tpu.vector_store %arg16[%swap3A_790], %div3A_787 {strides = array<i32>} : memref<10000xf32, #tpu.memory_space<vmem>>, vector<16xf32>,
      %add3A_792 = arith.addf %scan3A_770#1, %get3A_7 : vector<16xf32>
      %add3A_793 = arith.constant 16 : i32
      %add3A_794 = arith.addi %mul3A_750, %add3A_793 : i32
      %get3A_795 = arith.index_cast %add3A_794 : i32 to index
      %get3A_796 = tpu.vector_load %arg15[%get3A_795] {strides = array<i32>} : memref<10000xf32, #tpu.memory_space<vmem>>, vector<16xf32>,
      %add3A_797 = arith.addf %add3A_792, %get3A_796 : vector<16xf32>
      %neg3A_798 = arith.constant 0.000000e+00 : f32
      %neg3A_799 = vector.broadcast %neg3A_798 : f32 to vector<16xf32>
      %neg3A_800 = arith.subf %neg3A_799, %add3A_797 : vector<16xf32>
      %exp3A_801 = math.exp %neg3A_800 : vector<16xf32>
      %add3A_802 = arith.constant 1.000000e+00 : f32
      %add3A_803 = vector.broadcast %add3A_802 : f32 to vector<16xf32>
      %add3A_804 = arith.addf %add3A_803, %exp3A_801 : vector<16xf32>
      %div3A_805 = arith.constant 1.000000e+00 : f32
      %div3A_806 = vector.broadcast %div3A_805 : f32 to vector<16xf32>
      %div3A_807 = arith.divf %div3A_806, %add3A_804 : vector<16xf32>
      %add3A_808 = arith.constant 16 : i32
      %add3A_809 = arith.addi %mul3A_750, %add3A_808 : i32
      %swap3A_810 = arith.index_cast %add3A_809 : i32 to index
      %swap3A_811 = tpu.vector_load %arg16[%swap3A_810] {strides = array<i32>} : memref<10000xf32, #tpu.memory_space<vmem>>, vector<16xf32>,
      tpu.vector_store %arg16[%swap3A_810], %div3A_807 {strides = array<i32>} : memref<10000xf32, #tpu.memory_space<vmem>>, vector<16xf32>,
      %add3A_812 = arith.addf %scan3A_770#2, %get3A_7 : vector<16xf32>
      %add3A_813 = arith.constant 32 : i32
      %add3A_814 = arith.addi %mul3A_750, %add3A_813 : i32
      %get3A_815 = arith.index_cast %add3A_814 : i32 to index
      %get3A_816 = tpu.vector_load %arg15[%get3A_815] {strides = array<i32>} : memref<10000xf32, #tpu.memory_space<vmem>>, vector<16xf32>,
      %add3A_817 = arith.addf %add3A_812, %get3A_816 : vector<16xf32>
      %neg3A_818 = arith.constant 0.000000e+00 : f32
      %neg3A_819 = vector.broadcast %neg3A_818 : f32 to vector<16xf32>
      %neg3A_820 = arith.subf %neg3A_819, %add3A_817 : vector<16xf32>
      %exp3A_821 = math.exp %neg3A_820 : vector<16xf32>
      %add3A_822 = arith.constant 1.000000e+00 : f32
      %add3A_823 = vector.broadcast %add3A_822 : f32 to vector<16xf32>
      %add3A_824 = arith.addf %add3A_823, %exp3A_821 : vector<16xf32>
      %div3A_825 = arith.constant 1.000000e+00 : f32
      %div3A_826 = vector.broadcast %div3A_825 : f32 to vector<16xf32>
      %div3A_827 = arith.divf %div3A_826, %add3A_824 : vector<16xf32>
      %add3A_828 = arith.constant 32 : i32
      %add3A_829 = arith.addi %mul3A_750, %add3A_828 : i32
      %swap3A_830 = arith.index_cast %add3A_829 : i32 to index
      %swap3A_831 = tpu.vector_load %arg16[%swap3A_830] {strides = array<i32>} : memref<10000xf32, #tpu.memory_space<vmem>>, vector<16xf32>,
      tpu.vector_store %arg16[%swap3A_830], %div3A_827 {strides = array<i32>} : memref<10000xf32, #tpu.memory_space<vmem>>, vector<16xf32>,
      %add3A_832 = arith.addf %scan3A_770#3, %get3A_7 : vector<16xf32>
      %add3A_833 = arith.constant 48 : i32
      %add3A_834 = arith.addi %mul3A_750, %add3A_833 : i32
      %get3A_835 = arith.index_cast %add3A_834 : i32 to index
      %get3A_836 = tpu.vector_load %arg15[%get3A_835] {strides = array<i32>} : memref<10000xf32, #tpu.memory_space<vmem>>, vector<16xf32>,
      %add3A_837 = arith.addf %add3A_832, %get3A_836 : vector<16xf32>
      %neg3A_838 = arith.constant 0.000000e+00 : f32
      %neg3A_839 = vector.broadcast %neg3A_838 : f32 to vector<16xf32>
      %neg3A_840 = arith.subf %neg3A_839, %add3A_837 : vector<16xf32>
      %exp3A_841 = math.exp %neg3A_840 : vector<16xf32>
      %add3A_842 = arith.constant 1.000000e+00 : f32
      %add3A_843 = vector.broadcast %add3A_842 : f32 to vector<16xf32>
      %add3A_844 = arith.addf %add3A_843, %exp3A_841 : vector<16xf32>
      %div3A_845 = arith.constant 1.000000e+00 : f32
      %div3A_846 = vector.broadcast %div3A_845 : f32 to vector<16xf32>
      %div3A_847 = arith.divf %div3A_846, %add3A_844 : vector<16xf32>
      %add3A_848 = arith.constant 48 : i32
      %add3A_849 = arith.addi %mul3A_750, %add3A_848 : i32
      %swap3A_850 = arith.index_cast %add3A_849 : i32 to index
      %swap3A_851 = tpu.vector_load %arg16[%swap3A_850] {strides = array<i32>} : memref<10000xf32, #tpu.memory_space<vmem>>, vector<16xf32>,
      tpu.vector_store %arg16[%swap3A_850], %div3A_847 {strides = array<i32>} : memref<10000xf32, #tpu.memory_space<vmem>>, vector<16xf32>,
      %add3A_852 = arith.addf %scan3A_770#4, %get3A_7 : vector<16xf32>
      %add3A_853 = arith.constant 64 : i32
      %add3A_854 = arith.addi %mul3A_750, %add3A_853 : i32
      %get3A_855 = arith.index_cast %add3A_854 : i32 to index
      %get3A_856 = tpu.vector_load %arg15[%get3A_855] {strides = array<i32>} : memref<10000xf32, #tpu.memory_space<vmem>>, vector<16xf32>,
      %add3A_857 = arith.addf %add3A_852, %get3A_856 : vector<16xf32>
      %neg3A_858 = arith.constant 0.000000e+00 : f32
      %neg3A_859 = vector.broadcast %neg3A_858 : f32 to vector<16xf32>
      %neg3A_860 = arith.subf %neg3A_859, %add3A_857 : vector<16xf32>
      %exp3A_861 = math.exp %neg3A_860 : vector<16xf32>
      %add3A_862 = arith.constant 1.000000e+00 : f32
      %add3A_863 = vector.broadcast %add3A_862 : f32 to vector<16xf32>
      %add3A_864 = arith.addf %add3A_863, %exp3A_861 : vector<16xf32>
      %div3A_865 = arith.constant 1.000000e+00 : f32
      %div3A_866 = vector.broadcast %div3A_865 : f32 to vector<16xf32>
      %div3A_867 = arith.divf %div3A_866, %add3A_864 : vector<16xf32>
      %add3A_868 = arith.constant 64 : i32
      %add3A_869 = arith.addi %mul3A_750, %add3A_868 : i32
      %swap3A_870 = arith.index_cast %add3A_869 : i32 to index
      %swap3A_871 = tpu.vector_load %arg16[%swap3A_870] {strides = array<i32>} : memref<10000xf32, #tpu.memory_space<vmem>>, vector<16xf32>,
      tpu.vector_store %arg16[%swap3A_870], %div3A_867 {strides = array<i32>} : memref<10000xf32, #tpu.memory_space<vmem>>, vector<16xf32>,
      %add3A_872 = arith.constant 5 : i32
      %add3A_873 = arith.addi %add3A_726, %add3A_872 : i32
      %lt3A_874 = arith.constant 125 : i32
      %lt3A_875 = arith.cmpi slt, %add3A_873, %lt3A_874 : i32
      %convert_element_type3A_876 = arith.extui %lt3A_875 : i1 to i32
      %cond3A_877 = arith.constant 0 : i32
      %cond3A_878 = arith.cmpi ne, %convert_element_type3A_876, %cond3A_877 : i32
      scf.if %cond3A_878 {
        %add3A_879 = arith.constant 5 : i32
        %add3A_880 = arith.addi %add3A_726, %add3A_879 : i32
        %mul3A_881 = arith.constant 80 : i32
        %mul3A_882 = arith.muli %add3A_880, %mul3A_881 : i32
        %dma_start3A_883 = arith.constant 4 : i32
        %dma_start3A_884 = arith.constant 0 : i32
        %dma_start3A_885 = arith.constant 0 : i32
        %dma_start3A_886 = tpu.memref_slice %arg12[%dma_start3A_883, %dma_start3A_884, %dma_start3A_885] : memref<5x80x64xf32, #tpu.memory_space<vmem>> -> memref<1x80x64xf32, #tpu.memory_space<vmem>>
        %dma_start3A_887 = tpu.memref_squeeze %dma_start3A_886 : memref<1x80x64xf32, #tpu.memory_space<vmem>> -> memref<80x64xf32, #tpu.memory_space<vmem>>
        %dma_start3A_888 = tpu.memref_slice %arg10[%mul3A_882] : memref<10000xi32, #tpu.memory_space<vmem>> -> memref<80xi32, #tpu.memory_space<vmem>>
        %dma_start3A_889 = arith.constant 0 : i32
        %dma_start3A_890 = arith.constant 0 : i32
        %dma_start3A_891 = tpu.memref_slice %arg4[%dma_start3A_889, %dma_start3A_890] : memref<10000x64xf32, #tpu.memory_space<hbm>> -> memref<10000x64xf32, #tpu.memory_space<hbm>>
        tpu.enqueue_indirect_dma source(%dma_start3A_891 : memref<10000x64xf32, #tpu.memory_space<hbm>>) target(%dma_start3A_887 : memref<80x64xf32, #tpu.memory_space<vmem>>) offsets(%dma_start3A_888 : memref<80xi32, #tpu.memory_space<vmem>>) semaphore(%arg22 : memref<!tpu.dma_semaphore, #tpu.memory_space<semaphore_mem>>)
        %mul3A_892 = arith.constant 80 : i32
        %mul3A_893 = arith.muli %add3A_880, %mul3A_892 : i32
        %dma_start3A_894 = arith.constant 4 : i32
        %dma_start3A_895 = arith.constant 0 : i32
        %dma_start3A_896 = arith.constant 0 : i32
        %dma_start3A_897 = tpu.memref_slice %arg13[%dma_start3A_894, %dma_start3A_895, %dma_start3A_896] : memref<5x80x64xf32, #tpu.memory_space<vmem>> -> memref<1x80x64xf32, #tpu.memory_space<vmem>>
        %dma_start3A_898 = tpu.memref_squeeze %dma_start3A_897 : memref<1x80x64xf32, #tpu.memory_space<vmem>> -> memref<80x64xf32, #tpu.memory_space<vmem>>
        %dma_start3A_899 = tpu.memref_slice %arg11[%mul3A_893] : memref<10000xi32, #tpu.memory_space<vmem>> -> memref<80xi32, #tpu.memory_space<vmem>>
        %dma_start3A_900 = arith.constant 0 : i32
        %dma_start3A_901 = arith.constant 0 : i32
        %dma_start3A_902 = tpu.memref_slice %arg5[%dma_start3A_900, %dma_start3A_901] : memref<10000x64xf32, #tpu.memory_space<hbm>> -> memref<10000x64xf32, #tpu.memory_space<hbm>>
        tpu.enqueue_indirect_dma source(%dma_start3A_902 : memref<10000x64xf32, #tpu.memory_space<hbm>>) target(%dma_start3A_898 : memref<80x64xf32, #tpu.memory_space<vmem>>) offsets(%dma_start3A_899 : memref<80xi32, #tpu.memory_space<vmem>>) semaphore(%arg27 : memref<!tpu.dma_semaphore, #tpu.memory_space<semaphore_mem>>)
      } else {
      }
    }
    %scan3A_110 = arith.constant 25 : i32
    %mul3A_111 = arith.constant 10000 : i32
    %mul3A_112 = arith.muli %add3A, %mul3A_111 : i32
    "tpu.region"() ({
      %run_scoped3A = tpu.sem_alloc : memref<!tpu.dma_semaphore, #tpu.memory_space<semaphore_mem>>
      %dma_start3A_113 = tpu.memref_slice %arg9[%mul3A_112] : memref<320000xf32, #tpu.memory_space<hbm>> -> memref<10000xf32, #tpu.memory_space<hbm>>
      %dma_start3A_114 = tpu.memref_slice %arg9[%mul3A_112] : memref<320000xf32, #tpu.memory_space<hbm>> -> memref<10000xf32, #tpu.memory_space<hbm>>
      tpu.enqueue_dma source(%arg16 : memref<10000xf32, #tpu.memory_space<vmem>>) target(%dma_start3A_114 : memref<10000xf32, #tpu.memory_space<hbm>>) target_semaphore(%run_scoped3A : memref<!tpu.dma_semaphore, #tpu.memory_space<semaphore_mem>>)
      %dma_wait3A = tpu.memref_slice %arg9[%mul3A_112] : memref<320000xf32, #tpu.memory_space<hbm>> -> memref<10000xf32, #tpu.memory_space<hbm>>
      %dma_wait3A_115 = tpu.memref_slice %arg9[%mul3A_112] : memref<320000xf32, #tpu.memory_space<hbm>> -> memref<10000xf32, #tpu.memory_space<hbm>>
      tpu.wait_dma2 semaphore(%run_scoped3A : memref<!tpu.dma_semaphore, #tpu.memory_space<semaphore_mem>>) src(%arg16 : memref<10000xf32, #tpu.memory_space<vmem>>) dst(%dma_wait3A_115 : memref<10000xf32, #tpu.memory_space<hbm>>)
      tpu.yield
    }) : () -> ()
    return
  }
}

#map = affine_map<(d0, d1) -> (0)>
#map1 = affine_map<(d0, d1) -> (0, 0)>
#map2 = affine_map<(d0, d1) -> (0, 0, 0)>
module attributes {stable_mosaic.version = 14 : i64} {
  func.func @k(%arg0: i32, %arg1: i32, %arg2: memref<320000xi32, #tpu.memory_space<hbm>>, %arg3: memref<320000xi32, #tpu.memory_space<hbm>>, %arg4: memref<10000x32xf32, #tpu.memory_space<hbm>>, %arg5: memref<10000x32xf32, #tpu.memory_space<hbm>>, %arg6: memref<2x10000x32xf32, #tpu.memory_space<hbm>>, %arg7: memref<10000xi32, #tpu.memory_space<vmem>>, %arg8: memref<10000xi32, #tpu.memory_space<vmem>>, %arg9: memref<5x80x32xf32, #tpu.memory_space<vmem>>, %arg10: memref<10000x32xf32, #tpu.memory_space<vmem_shared>>, %arg11: memref<!tpu.dma_semaphore, #tpu.memory_space<semaphore_mem>>, %arg12: memref<!tpu.dma_semaphore, #tpu.memory_space<semaphore_mem>>, %arg13: memref<!tpu.dma_semaphore, #tpu.memory_space<semaphore_mem>>, %arg14: memref<!tpu.dma_semaphore, #tpu.memory_space<semaphore_mem>>, %arg15: memref<!tpu.dma_semaphore, #tpu.memory_space<semaphore_mem>>) attributes {dimension_semantics = [#tpu.dimension_semantics<core_parallel>, #tpu.dimension_semantics<subcore_parallel>], iteration_bounds = array<i64: 2, 16>, scalar_prefetch = 0 : i64, scratch_operands = 9 : i64, tpu.core_type = #tpu.core_type<sc_vector_subcore>, window_params = [{transform_indices = #map}, {transform_indices = #map}, {transform_indices = #map1}, {transform_indices = #map1}, {transform_indices = #map2}]} {
    %mul3A = arith.constant 2 : i32
    %mul3A_0 = arith.muli %arg1, %mul3A : i32
    %add3A = arith.addi %mul3A_0, %arg0 : i32
    %mul3A_1 = arith.constant 10000 : i32
    %mul3A_2 = arith.muli %add3A, %mul3A_1 : i32
    "tpu.region"() ({
      %run_scoped3A = tpu.sem_alloc : memref<!tpu.dma_semaphore, #tpu.memory_space<semaphore_mem>>
      %dma_start3A_66 = tpu.memref_slice %arg2[%mul3A_2] : memref<320000xi32, #tpu.memory_space<hbm>> -> memref<10000xi32, #tpu.memory_space<hbm>>
      %dma_start3A_67 = tpu.memref_slice %arg2[%mul3A_2] : memref<320000xi32, #tpu.memory_space<hbm>> -> memref<10000xi32, #tpu.memory_space<hbm>>
      tpu.enqueue_dma source(%dma_start3A_67 : memref<10000xi32, #tpu.memory_space<hbm>>) target(%arg7 : memref<10000xi32, #tpu.memory_space<vmem>>) target_semaphore(%run_scoped3A : memref<!tpu.dma_semaphore, #tpu.memory_space<semaphore_mem>>)
      %dma_wait3A = tpu.memref_slice %arg2[%mul3A_2] : memref<320000xi32, #tpu.memory_space<hbm>> -> memref<10000xi32, #tpu.memory_space<hbm>>
      %dma_wait3A_68 = tpu.memref_slice %arg2[%mul3A_2] : memref<320000xi32, #tpu.memory_space<hbm>> -> memref<10000xi32, #tpu.memory_space<hbm>>
      tpu.wait_dma2 semaphore(%run_scoped3A : memref<!tpu.dma_semaphore, #tpu.memory_space<semaphore_mem>>) src(%dma_wait3A_68 : memref<10000xi32, #tpu.memory_space<hbm>>) dst(%arg7 : memref<10000xi32, #tpu.memory_space<vmem>>)
      tpu.yield
    }) : () -> ()
    %mul3A_3 = arith.constant 10000 : i32
    %mul3A_4 = arith.muli %add3A, %mul3A_3 : i32
    "tpu.region"() ({
      %run_scoped3A = tpu.sem_alloc : memref<!tpu.dma_semaphore, #tpu.memory_space<semaphore_mem>>
      %dma_start3A_66 = tpu.memref_slice %arg3[%mul3A_4] : memref<320000xi32, #tpu.memory_space<hbm>> -> memref<10000xi32, #tpu.memory_space<hbm>>
      %dma_start3A_67 = tpu.memref_slice %arg3[%mul3A_4] : memref<320000xi32, #tpu.memory_space<hbm>> -> memref<10000xi32, #tpu.memory_space<hbm>>
      tpu.enqueue_dma source(%dma_start3A_67 : memref<10000xi32, #tpu.memory_space<hbm>>) target(%arg8 : memref<10000xi32, #tpu.memory_space<vmem>>) target_semaphore(%run_scoped3A : memref<!tpu.dma_semaphore, #tpu.memory_space<semaphore_mem>>)
      %dma_wait3A = tpu.memref_slice %arg3[%mul3A_4] : memref<320000xi32, #tpu.memory_space<hbm>> -> memref<10000xi32, #tpu.memory_space<hbm>>
      %dma_wait3A_68 = tpu.memref_slice %arg3[%mul3A_4] : memref<320000xi32, #tpu.memory_space<hbm>> -> memref<10000xi32, #tpu.memory_space<hbm>>
      tpu.wait_dma2 semaphore(%run_scoped3A : memref<!tpu.dma_semaphore, #tpu.memory_space<semaphore_mem>>) src(%dma_wait3A_68 : memref<10000xi32, #tpu.memory_space<hbm>>) dst(%arg8 : memref<10000xi32, #tpu.memory_space<vmem>>)
      tpu.yield
    }) : () -> ()
    %eq3A = arith.constant 0 : i32
    %eq3A_5 = arith.cmpi eq, %arg1, %eq3A : i32
    %convert_element_type3A = arith.extui %eq3A_5 : i1 to i32
    %cond3A = arith.constant 0 : i32
    %cond3A_6 = arith.cmpi ne, %convert_element_type3A, %cond3A : i32
    scf.if %cond3A_6 {
      "tpu.region"() ({
        %run_scoped3A = tpu.sem_alloc : memref<!tpu.dma_semaphore, #tpu.memory_space<semaphore_mem>>
        tpu.enqueue_dma source(%arg5 : memref<10000x32xf32, #tpu.memory_space<hbm>>) target(%arg10 : memref<10000x32xf32, #tpu.memory_space<vmem_shared>>) target_semaphore(%run_scoped3A : memref<!tpu.dma_semaphore, #tpu.memory_space<semaphore_mem>>)
        tpu.wait_dma2 semaphore(%run_scoped3A : memref<!tpu.dma_semaphore, #tpu.memory_space<semaphore_mem>>) src(%arg5 : memref<10000x32xf32, #tpu.memory_space<hbm>>) dst(%arg10 : memref<10000x32xf32, #tpu.memory_space<vmem_shared>>)
        tpu.yield
      }) : () -> ()
    } else {
    }
    %barrier3A = arith.constant 0 : index
    tpu.barrier barrier_id(%barrier3A)
    %dma_start3A = arith.constant 0 : i32
    %dma_start3A_7 = arith.constant 0 : i32
    %dma_start3A_8 = arith.constant 0 : i32
    %dma_start3A_9 = tpu.memref_slice %arg9[%dma_start3A, %dma_start3A_7, %dma_start3A_8] : memref<5x80x32xf32, #tpu.memory_space<vmem>> -> memref<1x80x32xf32, #tpu.memory_space<vmem>>
    %dma_start3A_10 = tpu.memref_squeeze %dma_start3A_9 : memref<1x80x32xf32, #tpu.memory_space<vmem>> -> memref<80x32xf32, #tpu.memory_space<vmem>>
    %dma_start3A_11 = arith.constant 0 : i32
    %dma_start3A_12 = tpu.memref_slice %arg7[%dma_start3A_11] : memref<10000xi32, #tpu.memory_space<vmem>> -> memref<80xi32, #tpu.memory_space<vmem>>
    %dma_start3A_13 = arith.constant 0 : i32
    %dma_start3A_14 = arith.constant 0 : i32
    %dma_start3A_15 = tpu.memref_slice %arg4[%dma_start3A_13, %dma_start3A_14] : memref<10000x32xf32, #tpu.memory_space<hbm>> -> memref<10000x32xf32, #tpu.memory_space<hbm>>
    tpu.enqueue_indirect_dma source(%dma_start3A_15 : memref<10000x32xf32, #tpu.memory_space<hbm>>) target(%dma_start3A_10 : memref<80x32xf32, #tpu.memory_space<vmem>>) offsets(%dma_start3A_12 : memref<80xi32, #tpu.memory_space<vmem>>) semaphore(%arg11 : memref<!tpu.dma_semaphore, #tpu.memory_space<semaphore_mem>>)
    %dma_start3A_16 = arith.constant 1 : i32
    %dma_start3A_17 = arith.constant 0 : i32
    %dma_start3A_18 = arith.constant 0 : i32
    %dma_start3A_19 = tpu.memref_slice %arg9[%dma_start3A_16, %dma_start3A_17, %dma_start3A_18] : memref<5x80x32xf32, #tpu.memory_space<vmem>> -> memref<1x80x32xf32, #tpu.memory_space<vmem>>
    %dma_start3A_20 = tpu.memref_squeeze %dma_start3A_19 : memref<1x80x32xf32, #tpu.memory_space<vmem>> -> memref<80x32xf32, #tpu.memory_space<vmem>>
    %dma_start3A_21 = arith.constant 80 : i32
    %dma_start3A_22 = tpu.memref_slice %arg7[%dma_start3A_21] : memref<10000xi32, #tpu.memory_space<vmem>> -> memref<80xi32, #tpu.memory_space<vmem>>
    %dma_start3A_23 = arith.constant 0 : i32
    %dma_start3A_24 = arith.constant 0 : i32
    %dma_start3A_25 = tpu.memref_slice %arg4[%dma_start3A_23, %dma_start3A_24] : memref<10000x32xf32, #tpu.memory_space<hbm>> -> memref<10000x32xf32, #tpu.memory_space<hbm>>
    tpu.enqueue_indirect_dma source(%dma_start3A_25 : memref<10000x32xf32, #tpu.memory_space<hbm>>) target(%dma_start3A_20 : memref<80x32xf32, #tpu.memory_space<vmem>>) offsets(%dma_start3A_22 : memref<80xi32, #tpu.memory_space<vmem>>) semaphore(%arg12 : memref<!tpu.dma_semaphore, #tpu.memory_space<semaphore_mem>>)
    %dma_start3A_26 = arith.constant 2 : i32
    %dma_start3A_27 = arith.constant 0 : i32
    %dma_start3A_28 = arith.constant 0 : i32
    %dma_start3A_29 = tpu.memref_slice %arg9[%dma_start3A_26, %dma_start3A_27, %dma_start3A_28] : memref<5x80x32xf32, #tpu.memory_space<vmem>> -> memref<1x80x32xf32, #tpu.memory_space<vmem>>
    %dma_start3A_30 = tpu.memref_squeeze %dma_start3A_29 : memref<1x80x32xf32, #tpu.memory_space<vmem>> -> memref<80x32xf32, #tpu.memory_space<vmem>>
    %dma_start3A_31 = arith.constant 160 : i32
    %dma_start3A_32 = tpu.memref_slice %arg7[%dma_start3A_31] : memref<10000xi32, #tpu.memory_space<vmem>> -> memref<80xi32, #tpu.memory_space<vmem>>
    %dma_start3A_33 = arith.constant 0 : i32
    %dma_start3A_34 = arith.constant 0 : i32
    %dma_start3A_35 = tpu.memref_slice %arg4[%dma_start3A_33, %dma_start3A_34] : memref<10000x32xf32, #tpu.memory_space<hbm>> -> memref<10000x32xf32, #tpu.memory_space<hbm>>
    tpu.enqueue_indirect_dma source(%dma_start3A_35 : memref<10000x32xf32, #tpu.memory_space<hbm>>) target(%dma_start3A_30 : memref<80x32xf32, #tpu.memory_space<vmem>>) offsets(%dma_start3A_32 : memref<80xi32, #tpu.memory_space<vmem>>) semaphore(%arg13 : memref<!tpu.dma_semaphore, #tpu.memory_space<semaphore_mem>>)
    %dma_start3A_36 = arith.constant 3 : i32
    %dma_start3A_37 = arith.constant 0 : i32
    %dma_start3A_38 = arith.constant 0 : i32
    %dma_start3A_39 = tpu.memref_slice %arg9[%dma_start3A_36, %dma_start3A_37, %dma_start3A_38] : memref<5x80x32xf32, #tpu.memory_space<vmem>> -> memref<1x80x32xf32, #tpu.memory_space<vmem>>
    %dma_start3A_40 = tpu.memref_squeeze %dma_start3A_39 : memref<1x80x32xf32, #tpu.memory_space<vmem>> -> memref<80x32xf32, #tpu.memory_space<vmem>>
    %dma_start3A_41 = arith.constant 240 : i32
    %dma_start3A_42 = tpu.memref_slice %arg7[%dma_start3A_41] : memref<10000xi32, #tpu.memory_space<vmem>> -> memref<80xi32, #tpu.memory_space<vmem>>
    %dma_start3A_43 = arith.constant 0 : i32
    %dma_start3A_44 = arith.constant 0 : i32
    %dma_start3A_45 = tpu.memref_slice %arg4[%dma_start3A_43, %dma_start3A_44] : memref<10000x32xf32, #tpu.memory_space<hbm>> -> memref<10000x32xf32, #tpu.memory_space<hbm>>
    tpu.enqueue_indirect_dma source(%dma_start3A_45 : memref<10000x32xf32, #tpu.memory_space<hbm>>) target(%dma_start3A_40 : memref<80x32xf32, #tpu.memory_space<vmem>>) offsets(%dma_start3A_42 : memref<80xi32, #tpu.memory_space<vmem>>) semaphore(%arg14 : memref<!tpu.dma_semaphore, #tpu.memory_space<semaphore_mem>>)
    %dma_start3A_46 = arith.constant 4 : i32
    %dma_start3A_47 = arith.constant 0 : i32
    %dma_start3A_48 = arith.constant 0 : i32
    %dma_start3A_49 = tpu.memref_slice %arg9[%dma_start3A_46, %dma_start3A_47, %dma_start3A_48] : memref<5x80x32xf32, #tpu.memory_space<vmem>> -> memref<1x80x32xf32, #tpu.memory_space<vmem>>
    %dma_start3A_50 = tpu.memref_squeeze %dma_start3A_49 : memref<1x80x32xf32, #tpu.memory_space<vmem>> -> memref<80x32xf32, #tpu.memory_space<vmem>>
    %dma_start3A_51 = arith.constant 320 : i32
    %dma_start3A_52 = tpu.memref_slice %arg7[%dma_start3A_51] : memref<10000xi32, #tpu.memory_space<vmem>> -> memref<80xi32, #tpu.memory_space<vmem>>
    %dma_start3A_53 = arith.constant 0 : i32
    %dma_start3A_54 = arith.constant 0 : i32
    %dma_start3A_55 = tpu.memref_slice %arg4[%dma_start3A_53, %dma_start3A_54] : memref<10000x32xf32, #tpu.memory_space<hbm>> -> memref<10000x32xf32, #tpu.memory_space<hbm>>
    tpu.enqueue_indirect_dma source(%dma_start3A_55 : memref<10000x32xf32, #tpu.memory_space<hbm>>) target(%dma_start3A_50 : memref<80x32xf32, #tpu.memory_space<vmem>>) offsets(%dma_start3A_52 : memref<80xi32, #tpu.memory_space<vmem>>) semaphore(%arg15 : memref<!tpu.dma_semaphore, #tpu.memory_space<semaphore_mem>>)
    %scan3A = arith.constant 0 : i32
    %scan3A_56 = arith.constant 25 : i32
    %scan3A_57 = arith.addi %scan3A, %scan3A_56 : i32
    %scan3A_58 = arith.constant 1 : i32
    scf.for %scan3A_66 = %scan3A to %scan3A_57 step %scan3A_58  : i32 {
      %mul3A_67 = arith.constant 5 : i32
      %mul3A_68 = arith.muli %scan3A_66, %mul3A_67 : i32
      %add3A_69 = arith.constant 0 : i32
      %add3A_70 = arith.addi %add3A_69, %mul3A_68 : i32
      %add3A_71 = arith.constant 0 : i32
      %add3A_72 = arith.addi %add3A_70, %add3A_71 : i32
      %mul3A_73 = arith.constant 80 : i32
      %mul3A_74 = arith.muli %add3A_72, %mul3A_73 : i32
      %dma_wait3A = arith.constant 0 : i32
      %dma_wait3A_75 = arith.constant 0 : i32
      %dma_wait3A_76 = arith.constant 0 : i32
      %dma_wait3A_77 = tpu.memref_slice %arg9[%dma_wait3A, %dma_wait3A_75, %dma_wait3A_76] : memref<5x80x32xf32, #tpu.memory_space<vmem>> -> memref<1x80x32xf32, #tpu.memory_space<vmem>>
      %dma_wait3A_78 = tpu.memref_squeeze %dma_wait3A_77 : memref<1x80x32xf32, #tpu.memory_space<vmem>> -> memref<80x32xf32, #tpu.memory_space<vmem>>
      %dma_wait3A_79 = tpu.memref_slice %arg7[%mul3A_74] : memref<10000xi32, #tpu.memory_space<vmem>> -> memref<80xi32, #tpu.memory_space<vmem>>
      %dma_wait3A_80 = arith.constant 0 : i32
      %dma_wait3A_81 = arith.constant 0 : i32
      %dma_wait3A_82 = tpu.memref_slice %arg4[%dma_wait3A_80, %dma_wait3A_81] : memref<10000x32xf32, #tpu.memory_space<hbm>> -> memref<10000x32xf32, #tpu.memory_space<hbm>>
      tpu.wait_indirect_dma semaphore(%arg11 : memref<!tpu.dma_semaphore, #tpu.memory_space<semaphore_mem>>) src(%dma_wait3A_82 : memref<10000x32xf32, #tpu.memory_space<hbm>>) dst(%dma_wait3A_78 : memref<80x32xf32, #tpu.memory_space<vmem>>)
      %mul3A_83 = arith.constant 80 : i32
      %mul3A_84 = arith.muli %add3A_72, %mul3A_83 : i32
      %run_scoped3A = arith.constant 0 : i32
      "tpu.region"() ({
        %run_scoped3A_183 = tpu.sem_alloc : memref<!tpu.dma_semaphore, #tpu.memory_space<semaphore_mem>>
        %dma_start3A_184 = arith.constant 0 : i32
        %dma_start3A_185 = arith.constant 0 : i32
        %dma_start3A_186 = tpu.memref_slice %arg9[%run_scoped3A, %dma_start3A_184, %dma_start3A_185] : memref<5x80x32xf32, #tpu.memory_space<vmem>> -> memref<1x80x32xf32, #tpu.memory_space<vmem>>
        %dma_start3A_187 = tpu.memref_squeeze %dma_start3A_186 : memref<1x80x32xf32, #tpu.memory_space<vmem>> -> memref<80x32xf32, #tpu.memory_space<vmem>>
        %dma_start3A_188 = tpu.memref_slice %arg8[%mul3A_84] : memref<10000xi32, #tpu.memory_space<vmem>> -> memref<80xi32, #tpu.memory_space<vmem>>
        %dma_start3A_189 = arith.constant 0 : i32
        %dma_start3A_190 = arith.constant 0 : i32
        %dma_start3A_191 = tpu.memref_slice %arg10[%dma_start3A_189, %dma_start3A_190] : memref<10000x32xf32, #tpu.memory_space<vmem_shared>> -> memref<10000x32xf32, #tpu.memory_space<vmem_shared>>
        tpu.enqueue_indirect_dma source(%dma_start3A_187 : memref<80x32xf32, #tpu.memory_space<vmem>>) target(%dma_start3A_191 : memref<10000x32xf32, #tpu.memory_space<vmem_shared>>) offsets(%dma_start3A_188 : memref<80xi32, #tpu.memory_space<vmem>>) semaphore(%run_scoped3A_183 : memref<!tpu.dma_semaphore, #tpu.memory_space<semaphore_mem>>) {add = true}
        %dma_wait3A_192 = arith.constant 0 : i32
        %dma_wait3A_193 = arith.constant 0 : i32
        %dma_wait3A_194 = tpu.memref_slice %arg9[%run_scoped3A, %dma_wait3A_192, %dma_wait3A_193] : memref<5x80x32xf32, #tpu.memory_space<vmem>> -> memref<1x80x32xf32, #tpu.memory_space<vmem>>
        %dma_wait3A_195 = tpu.memref_squeeze %dma_wait3A_194 : memref<1x80x32xf32, #tpu.memory_space<vmem>> -> memref<80x32xf32, #tpu.memory_space<vmem>>
        %dma_wait3A_196 = tpu.memref_slice %arg8[%mul3A_84] : memref<10000xi32, #tpu.memory_space<vmem>> -> memref<80xi32, #tpu.memory_space<vmem>>
        %dma_wait3A_197 = arith.constant 0 : i32
        %dma_wait3A_198 = arith.constant 0 : i32
        %dma_wait3A_199 = tpu.memref_slice %arg10[%dma_wait3A_197, %dma_wait3A_198] : memref<10000x32xf32, #tpu.memory_space<vmem_shared>> -> memref<10000x32xf32, #tpu.memory_space<vmem_shared>>
        tpu.wait_indirect_dma semaphore(%run_scoped3A_183 : memref<!tpu.dma_semaphore, #tpu.memory_space<semaphore_mem>>) src(%dma_wait3A_195 : memref<80x32xf32, #tpu.memory_space<vmem>>) dst(%dma_wait3A_199 : memref<10000x32xf32, #tpu.memory_space<vmem_shared>>)
        tpu.yield
      }) : () -> ()
      %add3A_85 = arith.constant 5 : i32
      %add3A_86 = arith.addi %add3A_72, %add3A_85 : i32
      %lt3A = arith.constant 125 : i32
      %lt3A_87 = arith.cmpi slt, %add3A_86, %lt3A : i32
      %convert_element_type3A_88 = arith.extui %lt3A_87 : i1 to i32
      %cond3A_89 = arith.constant 0 : i32
      %cond3A_90 = arith.cmpi ne, %convert_element_type3A_88, %cond3A_89 : i32
      scf.if %cond3A_90 {
        %add3A_183 = arith.constant 5 : i32
        %add3A_184 = arith.addi %add3A_72, %add3A_183 : i32
        %mul3A_185 = arith.constant 80 : i32
        %mul3A_186 = arith.muli %add3A_184, %mul3A_185 : i32
        %dma_start3A_187 = arith.constant 0 : i32
        %dma_start3A_188 = arith.constant 0 : i32
        %dma_start3A_189 = arith.constant 0 : i32
        %dma_start3A_190 = tpu.memref_slice %arg9[%dma_start3A_187, %dma_start3A_188, %dma_start3A_189] : memref<5x80x32xf32, #tpu.memory_space<vmem>> -> memref<1x80x32xf32, #tpu.memory_space<vmem>>
        %dma_start3A_191 = tpu.memref_squeeze %dma_start3A_190 : memref<1x80x32xf32, #tpu.memory_space<vmem>> -> memref<80x32xf32, #tpu.memory_space<vmem>>
        %dma_start3A_192 = tpu.memref_slice %arg7[%mul3A_186] : memref<10000xi32, #tpu.memory_space<vmem>> -> memref<80xi32, #tpu.memory_space<vmem>>
        %dma_start3A_193 = arith.constant 0 : i32
        %dma_start3A_194 = arith.constant 0 : i32
        %dma_start3A_195 = tpu.memref_slice %arg4[%dma_start3A_193, %dma_start3A_194] : memref<10000x32xf32, #tpu.memory_space<hbm>> -> memref<10000x32xf32, #tpu.memory_space<hbm>>
        tpu.enqueue_indirect_dma source(%dma_start3A_195 : memref<10000x32xf32, #tpu.memory_space<hbm>>) target(%dma_start3A_191 : memref<80x32xf32, #tpu.memory_space<vmem>>) offsets(%dma_start3A_192 : memref<80xi32, #tpu.memory_space<vmem>>) semaphore(%arg11 : memref<!tpu.dma_semaphore, #tpu.memory_space<semaphore_mem>>)
      } else {
      }
      %add3A_91 = arith.constant 1 : i32
      %add3A_92 = arith.addi %add3A_70, %add3A_91 : i32
      %mul3A_93 = arith.constant 80 : i32
      %mul3A_94 = arith.muli %add3A_92, %mul3A_93 : i32
      %dma_wait3A_95 = arith.constant 1 : i32
      %dma_wait3A_96 = arith.constant 0 : i32
      %dma_wait3A_97 = arith.constant 0 : i32
      %dma_wait3A_98 = tpu.memref_slice %arg9[%dma_wait3A_95, %dma_wait3A_96, %dma_wait3A_97] : memref<5x80x32xf32, #tpu.memory_space<vmem>> -> memref<1x80x32xf32, #tpu.memory_space<vmem>>
      %dma_wait3A_99 = tpu.memref_squeeze %dma_wait3A_98 : memref<1x80x32xf32, #tpu.memory_space<vmem>> -> memref<80x32xf32, #tpu.memory_space<vmem>>
      %dma_wait3A_100 = tpu.memref_slice %arg7[%mul3A_94] : memref<10000xi32, #tpu.memory_space<vmem>> -> memref<80xi32, #tpu.memory_space<vmem>>
      %dma_wait3A_101 = arith.constant 0 : i32
      %dma_wait3A_102 = arith.constant 0 : i32
      %dma_wait3A_103 = tpu.memref_slice %arg4[%dma_wait3A_101, %dma_wait3A_102] : memref<10000x32xf32, #tpu.memory_space<hbm>> -> memref<10000x32xf32, #tpu.memory_space<hbm>>
      tpu.wait_indirect_dma semaphore(%arg12 : memref<!tpu.dma_semaphore, #tpu.memory_space<semaphore_mem>>) src(%dma_wait3A_103 : memref<10000x32xf32, #tpu.memory_space<hbm>>) dst(%dma_wait3A_99 : memref<80x32xf32, #tpu.memory_space<vmem>>)
      %mul3A_104 = arith.constant 80 : i32
      %mul3A_105 = arith.muli %add3A_92, %mul3A_104 : i32
      %run_scoped3A_106 = arith.constant 1 : i32
      "tpu.region"() ({
        %run_scoped3A_183 = tpu.sem_alloc : memref<!tpu.dma_semaphore, #tpu.memory_space<semaphore_mem>>
        %dma_start3A_184 = arith.constant 0 : i32
        %dma_start3A_185 = arith.constant 0 : i32
        %dma_start3A_186 = tpu.memref_slice %arg9[%run_scoped3A_106, %dma_start3A_184, %dma_start3A_185] : memref<5x80x32xf32, #tpu.memory_space<vmem>> -> memref<1x80x32xf32, #tpu.memory_space<vmem>>
        %dma_start3A_187 = tpu.memref_squeeze %dma_start3A_186 : memref<1x80x32xf32, #tpu.memory_space<vmem>> -> memref<80x32xf32, #tpu.memory_space<vmem>>
        %dma_start3A_188 = tpu.memref_slice %arg8[%mul3A_105] : memref<10000xi32, #tpu.memory_space<vmem>> -> memref<80xi32, #tpu.memory_space<vmem>>
        %dma_start3A_189 = arith.constant 0 : i32
        %dma_start3A_190 = arith.constant 0 : i32
        %dma_start3A_191 = tpu.memref_slice %arg10[%dma_start3A_189, %dma_start3A_190] : memref<10000x32xf32, #tpu.memory_space<vmem_shared>> -> memref<10000x32xf32, #tpu.memory_space<vmem_shared>>
        tpu.enqueue_indirect_dma source(%dma_start3A_187 : memref<80x32xf32, #tpu.memory_space<vmem>>) target(%dma_start3A_191 : memref<10000x32xf32, #tpu.memory_space<vmem_shared>>) offsets(%dma_start3A_188 : memref<80xi32, #tpu.memory_space<vmem>>) semaphore(%run_scoped3A_183 : memref<!tpu.dma_semaphore, #tpu.memory_space<semaphore_mem>>) {add = true}
        %dma_wait3A_192 = arith.constant 0 : i32
        %dma_wait3A_193 = arith.constant 0 : i32
        %dma_wait3A_194 = tpu.memref_slice %arg9[%run_scoped3A_106, %dma_wait3A_192, %dma_wait3A_193] : memref<5x80x32xf32, #tpu.memory_space<vmem>> -> memref<1x80x32xf32, #tpu.memory_space<vmem>>
        %dma_wait3A_195 = tpu.memref_squeeze %dma_wait3A_194 : memref<1x80x32xf32, #tpu.memory_space<vmem>> -> memref<80x32xf32, #tpu.memory_space<vmem>>
        %dma_wait3A_196 = tpu.memref_slice %arg8[%mul3A_105] : memref<10000xi32, #tpu.memory_space<vmem>> -> memref<80xi32, #tpu.memory_space<vmem>>
        %dma_wait3A_197 = arith.constant 0 : i32
        %dma_wait3A_198 = arith.constant 0 : i32
        %dma_wait3A_199 = tpu.memref_slice %arg10[%dma_wait3A_197, %dma_wait3A_198] : memref<10000x32xf32, #tpu.memory_space<vmem_shared>> -> memref<10000x32xf32, #tpu.memory_space<vmem_shared>>
        tpu.wait_indirect_dma semaphore(%run_scoped3A_183 : memref<!tpu.dma_semaphore, #tpu.memory_space<semaphore_mem>>) src(%dma_wait3A_195 : memref<80x32xf32, #tpu.memory_space<vmem>>) dst(%dma_wait3A_199 : memref<10000x32xf32, #tpu.memory_space<vmem_shared>>)
        tpu.yield
      }) : () -> ()
      %add3A_107 = arith.constant 5 : i32
      %add3A_108 = arith.addi %add3A_92, %add3A_107 : i32
      %lt3A_109 = arith.constant 125 : i32
      %lt3A_110 = arith.cmpi slt, %add3A_108, %lt3A_109 : i32
      %convert_element_type3A_111 = arith.extui %lt3A_110 : i1 to i32
      %cond3A_112 = arith.constant 0 : i32
      %cond3A_113 = arith.cmpi ne, %convert_element_type3A_111, %cond3A_112 : i32
      scf.if %cond3A_113 {
        %add3A_183 = arith.constant 5 : i32
        %add3A_184 = arith.addi %add3A_92, %add3A_183 : i32
        %mul3A_185 = arith.constant 80 : i32
        %mul3A_186 = arith.muli %add3A_184, %mul3A_185 : i32
        %dma_start3A_187 = arith.constant 1 : i32
        %dma_start3A_188 = arith.constant 0 : i32
        %dma_start3A_189 = arith.constant 0 : i32
        %dma_start3A_190 = tpu.memref_slice %arg9[%dma_start3A_187, %dma_start3A_188, %dma_start3A_189] : memref<5x80x32xf32, #tpu.memory_space<vmem>> -> memref<1x80x32xf32, #tpu.memory_space<vmem>>
        %dma_start3A_191 = tpu.memref_squeeze %dma_start3A_190 : memref<1x80x32xf32, #tpu.memory_space<vmem>> -> memref<80x32xf32, #tpu.memory_space<vmem>>
        %dma_start3A_192 = tpu.memref_slice %arg7[%mul3A_186] : memref<10000xi32, #tpu.memory_space<vmem>> -> memref<80xi32, #tpu.memory_space<vmem>>
        %dma_start3A_193 = arith.constant 0 : i32
        %dma_start3A_194 = arith.constant 0 : i32
        %dma_start3A_195 = tpu.memref_slice %arg4[%dma_start3A_193, %dma_start3A_194] : memref<10000x32xf32, #tpu.memory_space<hbm>> -> memref<10000x32xf32, #tpu.memory_space<hbm>>
        tpu.enqueue_indirect_dma source(%dma_start3A_195 : memref<10000x32xf32, #tpu.memory_space<hbm>>) target(%dma_start3A_191 : memref<80x32xf32, #tpu.memory_space<vmem>>) offsets(%dma_start3A_192 : memref<80xi32, #tpu.memory_space<vmem>>) semaphore(%arg12 : memref<!tpu.dma_semaphore, #tpu.memory_space<semaphore_mem>>)
      } else {
      }
      %add3A_114 = arith.constant 2 : i32
      %add3A_115 = arith.addi %add3A_70, %add3A_114 : i32
      %mul3A_116 = arith.constant 80 : i32
      %mul3A_117 = arith.muli %add3A_115, %mul3A_116 : i32
      %dma_wait3A_118 = arith.constant 2 : i32
      %dma_wait3A_119 = arith.constant 0 : i32
      %dma_wait3A_120 = arith.constant 0 : i32
      %dma_wait3A_121 = tpu.memref_slice %arg9[%dma_wait3A_118, %dma_wait3A_119, %dma_wait3A_120] : memref<5x80x32xf32, #tpu.memory_space<vmem>> -> memref<1x80x32xf32, #tpu.memory_space<vmem>>
      %dma_wait3A_122 = tpu.memref_squeeze %dma_wait3A_121 : memref<1x80x32xf32, #tpu.memory_space<vmem>> -> memref<80x32xf32, #tpu.memory_space<vmem>>
      %dma_wait3A_123 = tpu.memref_slice %arg7[%mul3A_117] : memref<10000xi32, #tpu.memory_space<vmem>> -> memref<80xi32, #tpu.memory_space<vmem>>
      %dma_wait3A_124 = arith.constant 0 : i32
      %dma_wait3A_125 = arith.constant 0 : i32
      %dma_wait3A_126 = tpu.memref_slice %arg4[%dma_wait3A_124, %dma_wait3A_125] : memref<10000x32xf32, #tpu.memory_space<hbm>> -> memref<10000x32xf32, #tpu.memory_space<hbm>>
      tpu.wait_indirect_dma semaphore(%arg13 : memref<!tpu.dma_semaphore, #tpu.memory_space<semaphore_mem>>) src(%dma_wait3A_126 : memref<10000x32xf32, #tpu.memory_space<hbm>>) dst(%dma_wait3A_122 : memref<80x32xf32, #tpu.memory_space<vmem>>)
      %mul3A_127 = arith.constant 80 : i32
      %mul3A_128 = arith.muli %add3A_115, %mul3A_127 : i32
      %run_scoped3A_129 = arith.constant 2 : i32
      "tpu.region"() ({
        %run_scoped3A_183 = tpu.sem_alloc : memref<!tpu.dma_semaphore, #tpu.memory_space<semaphore_mem>>
        %dma_start3A_184 = arith.constant 0 : i32
        %dma_start3A_185 = arith.constant 0 : i32
        %dma_start3A_186 = tpu.memref_slice %arg9[%run_scoped3A_129, %dma_start3A_184, %dma_start3A_185] : memref<5x80x32xf32, #tpu.memory_space<vmem>> -> memref<1x80x32xf32, #tpu.memory_space<vmem>>
        %dma_start3A_187 = tpu.memref_squeeze %dma_start3A_186 : memref<1x80x32xf32, #tpu.memory_space<vmem>> -> memref<80x32xf32, #tpu.memory_space<vmem>>
        %dma_start3A_188 = tpu.memref_slice %arg8[%mul3A_128] : memref<10000xi32, #tpu.memory_space<vmem>> -> memref<80xi32, #tpu.memory_space<vmem>>
        %dma_start3A_189 = arith.constant 0 : i32
        %dma_start3A_190 = arith.constant 0 : i32
        %dma_start3A_191 = tpu.memref_slice %arg10[%dma_start3A_189, %dma_start3A_190] : memref<10000x32xf32, #tpu.memory_space<vmem_shared>> -> memref<10000x32xf32, #tpu.memory_space<vmem_shared>>
        tpu.enqueue_indirect_dma source(%dma_start3A_187 : memref<80x32xf32, #tpu.memory_space<vmem>>) target(%dma_start3A_191 : memref<10000x32xf32, #tpu.memory_space<vmem_shared>>) offsets(%dma_start3A_188 : memref<80xi32, #tpu.memory_space<vmem>>) semaphore(%run_scoped3A_183 : memref<!tpu.dma_semaphore, #tpu.memory_space<semaphore_mem>>) {add = true}
        %dma_wait3A_192 = arith.constant 0 : i32
        %dma_wait3A_193 = arith.constant 0 : i32
        %dma_wait3A_194 = tpu.memref_slice %arg9[%run_scoped3A_129, %dma_wait3A_192, %dma_wait3A_193] : memref<5x80x32xf32, #tpu.memory_space<vmem>> -> memref<1x80x32xf32, #tpu.memory_space<vmem>>
        %dma_wait3A_195 = tpu.memref_squeeze %dma_wait3A_194 : memref<1x80x32xf32, #tpu.memory_space<vmem>> -> memref<80x32xf32, #tpu.memory_space<vmem>>
        %dma_wait3A_196 = tpu.memref_slice %arg8[%mul3A_128] : memref<10000xi32, #tpu.memory_space<vmem>> -> memref<80xi32, #tpu.memory_space<vmem>>
        %dma_wait3A_197 = arith.constant 0 : i32
        %dma_wait3A_198 = arith.constant 0 : i32
        %dma_wait3A_199 = tpu.memref_slice %arg10[%dma_wait3A_197, %dma_wait3A_198] : memref<10000x32xf32, #tpu.memory_space<vmem_shared>> -> memref<10000x32xf32, #tpu.memory_space<vmem_shared>>
        tpu.wait_indirect_dma semaphore(%run_scoped3A_183 : memref<!tpu.dma_semaphore, #tpu.memory_space<semaphore_mem>>) src(%dma_wait3A_195 : memref<80x32xf32, #tpu.memory_space<vmem>>) dst(%dma_wait3A_199 : memref<10000x32xf32, #tpu.memory_space<vmem_shared>>)
        tpu.yield
      }) : () -> ()
      %add3A_130 = arith.constant 5 : i32
      %add3A_131 = arith.addi %add3A_115, %add3A_130 : i32
      %lt3A_132 = arith.constant 125 : i32
      %lt3A_133 = arith.cmpi slt, %add3A_131, %lt3A_132 : i32
      %convert_element_type3A_134 = arith.extui %lt3A_133 : i1 to i32
      %cond3A_135 = arith.constant 0 : i32
      %cond3A_136 = arith.cmpi ne, %convert_element_type3A_134, %cond3A_135 : i32
      scf.if %cond3A_136 {
        %add3A_183 = arith.constant 5 : i32
        %add3A_184 = arith.addi %add3A_115, %add3A_183 : i32
        %mul3A_185 = arith.constant 80 : i32
        %mul3A_186 = arith.muli %add3A_184, %mul3A_185 : i32
        %dma_start3A_187 = arith.constant 2 : i32
        %dma_start3A_188 = arith.constant 0 : i32
        %dma_start3A_189 = arith.constant 0 : i32
        %dma_start3A_190 = tpu.memref_slice %arg9[%dma_start3A_187, %dma_start3A_188, %dma_start3A_189] : memref<5x80x32xf32, #tpu.memory_space<vmem>> -> memref<1x80x32xf32, #tpu.memory_space<vmem>>
        %dma_start3A_191 = tpu.memref_squeeze %dma_start3A_190 : memref<1x80x32xf32, #tpu.memory_space<vmem>> -> memref<80x32xf32, #tpu.memory_space<vmem>>
        %dma_start3A_192 = tpu.memref_slice %arg7[%mul3A_186] : memref<10000xi32, #tpu.memory_space<vmem>> -> memref<80xi32, #tpu.memory_space<vmem>>
        %dma_start3A_193 = arith.constant 0 : i32
        %dma_start3A_194 = arith.constant 0 : i32
        %dma_start3A_195 = tpu.memref_slice %arg4[%dma_start3A_193, %dma_start3A_194] : memref<10000x32xf32, #tpu.memory_space<hbm>> -> memref<10000x32xf32, #tpu.memory_space<hbm>>
        tpu.enqueue_indirect_dma source(%dma_start3A_195 : memref<10000x32xf32, #tpu.memory_space<hbm>>) target(%dma_start3A_191 : memref<80x32xf32, #tpu.memory_space<vmem>>) offsets(%dma_start3A_192 : memref<80xi32, #tpu.memory_space<vmem>>) semaphore(%arg13 : memref<!tpu.dma_semaphore, #tpu.memory_space<semaphore_mem>>)
      } else {
      }
      %add3A_137 = arith.constant 3 : i32
      %add3A_138 = arith.addi %add3A_70, %add3A_137 : i32
      %mul3A_139 = arith.constant 80 : i32
      %mul3A_140 = arith.muli %add3A_138, %mul3A_139 : i32
      %dma_wait3A_141 = arith.constant 3 : i32
      %dma_wait3A_142 = arith.constant 0 : i32
      %dma_wait3A_143 = arith.constant 0 : i32
      %dma_wait3A_144 = tpu.memref_slice %arg9[%dma_wait3A_141, %dma_wait3A_142, %dma_wait3A_143] : memref<5x80x32xf32, #tpu.memory_space<vmem>> -> memref<1x80x32xf32, #tpu.memory_space<vmem>>
      %dma_wait3A_145 = tpu.memref_squeeze %dma_wait3A_144 : memref<1x80x32xf32, #tpu.memory_space<vmem>> -> memref<80x32xf32, #tpu.memory_space<vmem>>
      %dma_wait3A_146 = tpu.memref_slice %arg7[%mul3A_140] : memref<10000xi32, #tpu.memory_space<vmem>> -> memref<80xi32, #tpu.memory_space<vmem>>
      %dma_wait3A_147 = arith.constant 0 : i32
      %dma_wait3A_148 = arith.constant 0 : i32
      %dma_wait3A_149 = tpu.memref_slice %arg4[%dma_wait3A_147, %dma_wait3A_148] : memref<10000x32xf32, #tpu.memory_space<hbm>> -> memref<10000x32xf32, #tpu.memory_space<hbm>>
      tpu.wait_indirect_dma semaphore(%arg14 : memref<!tpu.dma_semaphore, #tpu.memory_space<semaphore_mem>>) src(%dma_wait3A_149 : memref<10000x32xf32, #tpu.memory_space<hbm>>) dst(%dma_wait3A_145 : memref<80x32xf32, #tpu.memory_space<vmem>>)
      %mul3A_150 = arith.constant 80 : i32
      %mul3A_151 = arith.muli %add3A_138, %mul3A_150 : i32
      %run_scoped3A_152 = arith.constant 3 : i32
      "tpu.region"() ({
        %run_scoped3A_183 = tpu.sem_alloc : memref<!tpu.dma_semaphore, #tpu.memory_space<semaphore_mem>>
        %dma_start3A_184 = arith.constant 0 : i32
        %dma_start3A_185 = arith.constant 0 : i32
        %dma_start3A_186 = tpu.memref_slice %arg9[%run_scoped3A_152, %dma_start3A_184, %dma_start3A_185] : memref<5x80x32xf32, #tpu.memory_space<vmem>> -> memref<1x80x32xf32, #tpu.memory_space<vmem>>
        %dma_start3A_187 = tpu.memref_squeeze %dma_start3A_186 : memref<1x80x32xf32, #tpu.memory_space<vmem>> -> memref<80x32xf32, #tpu.memory_space<vmem>>
        %dma_start3A_188 = tpu.memref_slice %arg8[%mul3A_151] : memref<10000xi32, #tpu.memory_space<vmem>> -> memref<80xi32, #tpu.memory_space<vmem>>
        %dma_start3A_189 = arith.constant 0 : i32
        %dma_start3A_190 = arith.constant 0 : i32
        %dma_start3A_191 = tpu.memref_slice %arg10[%dma_start3A_189, %dma_start3A_190] : memref<10000x32xf32, #tpu.memory_space<vmem_shared>> -> memref<10000x32xf32, #tpu.memory_space<vmem_shared>>
        tpu.enqueue_indirect_dma source(%dma_start3A_187 : memref<80x32xf32, #tpu.memory_space<vmem>>) target(%dma_start3A_191 : memref<10000x32xf32, #tpu.memory_space<vmem_shared>>) offsets(%dma_start3A_188 : memref<80xi32, #tpu.memory_space<vmem>>) semaphore(%run_scoped3A_183 : memref<!tpu.dma_semaphore, #tpu.memory_space<semaphore_mem>>) {add = true}
        %dma_wait3A_192 = arith.constant 0 : i32
        %dma_wait3A_193 = arith.constant 0 : i32
        %dma_wait3A_194 = tpu.memref_slice %arg9[%run_scoped3A_152, %dma_wait3A_192, %dma_wait3A_193] : memref<5x80x32xf32, #tpu.memory_space<vmem>> -> memref<1x80x32xf32, #tpu.memory_space<vmem>>
        %dma_wait3A_195 = tpu.memref_squeeze %dma_wait3A_194 : memref<1x80x32xf32, #tpu.memory_space<vmem>> -> memref<80x32xf32, #tpu.memory_space<vmem>>
        %dma_wait3A_196 = tpu.memref_slice %arg8[%mul3A_151] : memref<10000xi32, #tpu.memory_space<vmem>> -> memref<80xi32, #tpu.memory_space<vmem>>
        %dma_wait3A_197 = arith.constant 0 : i32
        %dma_wait3A_198 = arith.constant 0 : i32
        %dma_wait3A_199 = tpu.memref_slice %arg10[%dma_wait3A_197, %dma_wait3A_198] : memref<10000x32xf32, #tpu.memory_space<vmem_shared>> -> memref<10000x32xf32, #tpu.memory_space<vmem_shared>>
        tpu.wait_indirect_dma semaphore(%run_scoped3A_183 : memref<!tpu.dma_semaphore, #tpu.memory_space<semaphore_mem>>) src(%dma_wait3A_195 : memref<80x32xf32, #tpu.memory_space<vmem>>) dst(%dma_wait3A_199 : memref<10000x32xf32, #tpu.memory_space<vmem_shared>>)
        tpu.yield
      }) : () -> ()
      %add3A_153 = arith.constant 5 : i32
      %add3A_154 = arith.addi %add3A_138, %add3A_153 : i32
      %lt3A_155 = arith.constant 125 : i32
      %lt3A_156 = arith.cmpi slt, %add3A_154, %lt3A_155 : i32
      %convert_element_type3A_157 = arith.extui %lt3A_156 : i1 to i32
      %cond3A_158 = arith.constant 0 : i32
      %cond3A_159 = arith.cmpi ne, %convert_element_type3A_157, %cond3A_158 : i32
      scf.if %cond3A_159 {
        %add3A_183 = arith.constant 5 : i32
        %add3A_184 = arith.addi %add3A_138, %add3A_183 : i32
        %mul3A_185 = arith.constant 80 : i32
        %mul3A_186 = arith.muli %add3A_184, %mul3A_185 : i32
        %dma_start3A_187 = arith.constant 3 : i32
        %dma_start3A_188 = arith.constant 0 : i32
        %dma_start3A_189 = arith.constant 0 : i32
        %dma_start3A_190 = tpu.memref_slice %arg9[%dma_start3A_187, %dma_start3A_188, %dma_start3A_189] : memref<5x80x32xf32, #tpu.memory_space<vmem>> -> memref<1x80x32xf32, #tpu.memory_space<vmem>>
        %dma_start3A_191 = tpu.memref_squeeze %dma_start3A_190 : memref<1x80x32xf32, #tpu.memory_space<vmem>> -> memref<80x32xf32, #tpu.memory_space<vmem>>
        %dma_start3A_192 = tpu.memref_slice %arg7[%mul3A_186] : memref<10000xi32, #tpu.memory_space<vmem>> -> memref<80xi32, #tpu.memory_space<vmem>>
        %dma_start3A_193 = arith.constant 0 : i32
        %dma_start3A_194 = arith.constant 0 : i32
        %dma_start3A_195 = tpu.memref_slice %arg4[%dma_start3A_193, %dma_start3A_194] : memref<10000x32xf32, #tpu.memory_space<hbm>> -> memref<10000x32xf32, #tpu.memory_space<hbm>>
        tpu.enqueue_indirect_dma source(%dma_start3A_195 : memref<10000x32xf32, #tpu.memory_space<hbm>>) target(%dma_start3A_191 : memref<80x32xf32, #tpu.memory_space<vmem>>) offsets(%dma_start3A_192 : memref<80xi32, #tpu.memory_space<vmem>>) semaphore(%arg14 : memref<!tpu.dma_semaphore, #tpu.memory_space<semaphore_mem>>)
      } else {
      }
      %add3A_160 = arith.constant 4 : i32
      %add3A_161 = arith.addi %add3A_70, %add3A_160 : i32
      %mul3A_162 = arith.constant 80 : i32
      %mul3A_163 = arith.muli %add3A_161, %mul3A_162 : i32
      %dma_wait3A_164 = arith.constant 4 : i32
      %dma_wait3A_165 = arith.constant 0 : i32
      %dma_wait3A_166 = arith.constant 0 : i32
      %dma_wait3A_167 = tpu.memref_slice %arg9[%dma_wait3A_164, %dma_wait3A_165, %dma_wait3A_166] : memref<5x80x32xf32, #tpu.memory_space<vmem>> -> memref<1x80x32xf32, #tpu.memory_space<vmem>>
      %dma_wait3A_168 = tpu.memref_squeeze %dma_wait3A_167 : memref<1x80x32xf32, #tpu.memory_space<vmem>> -> memref<80x32xf32, #tpu.memory_space<vmem>>
      %dma_wait3A_169 = tpu.memref_slice %arg7[%mul3A_163] : memref<10000xi32, #tpu.memory_space<vmem>> -> memref<80xi32, #tpu.memory_space<vmem>>
      %dma_wait3A_170 = arith.constant 0 : i32
      %dma_wait3A_171 = arith.constant 0 : i32
      %dma_wait3A_172 = tpu.memref_slice %arg4[%dma_wait3A_170, %dma_wait3A_171] : memref<10000x32xf32, #tpu.memory_space<hbm>> -> memref<10000x32xf32, #tpu.memory_space<hbm>>
      tpu.wait_indirect_dma semaphore(%arg15 : memref<!tpu.dma_semaphore, #tpu.memory_space<semaphore_mem>>) src(%dma_wait3A_172 : memref<10000x32xf32, #tpu.memory_space<hbm>>) dst(%dma_wait3A_168 : memref<80x32xf32, #tpu.memory_space<vmem>>)
      %mul3A_173 = arith.constant 80 : i32
      %mul3A_174 = arith.muli %add3A_161, %mul3A_173 : i32
      %run_scoped3A_175 = arith.constant 4 : i32
      "tpu.region"() ({
        %run_scoped3A_183 = tpu.sem_alloc : memref<!tpu.dma_semaphore, #tpu.memory_space<semaphore_mem>>
        %dma_start3A_184 = arith.constant 0 : i32
        %dma_start3A_185 = arith.constant 0 : i32
        %dma_start3A_186 = tpu.memref_slice %arg9[%run_scoped3A_175, %dma_start3A_184, %dma_start3A_185] : memref<5x80x32xf32, #tpu.memory_space<vmem>> -> memref<1x80x32xf32, #tpu.memory_space<vmem>>
        %dma_start3A_187 = tpu.memref_squeeze %dma_start3A_186 : memref<1x80x32xf32, #tpu.memory_space<vmem>> -> memref<80x32xf32, #tpu.memory_space<vmem>>
        %dma_start3A_188 = tpu.memref_slice %arg8[%mul3A_174] : memref<10000xi32, #tpu.memory_space<vmem>> -> memref<80xi32, #tpu.memory_space<vmem>>
        %dma_start3A_189 = arith.constant 0 : i32
        %dma_start3A_190 = arith.constant 0 : i32
        %dma_start3A_191 = tpu.memref_slice %arg10[%dma_start3A_189, %dma_start3A_190] : memref<10000x32xf32, #tpu.memory_space<vmem_shared>> -> memref<10000x32xf32, #tpu.memory_space<vmem_shared>>
        tpu.enqueue_indirect_dma source(%dma_start3A_187 : memref<80x32xf32, #tpu.memory_space<vmem>>) target(%dma_start3A_191 : memref<10000x32xf32, #tpu.memory_space<vmem_shared>>) offsets(%dma_start3A_188 : memref<80xi32, #tpu.memory_space<vmem>>) semaphore(%run_scoped3A_183 : memref<!tpu.dma_semaphore, #tpu.memory_space<semaphore_mem>>) {add = true}
        %dma_wait3A_192 = arith.constant 0 : i32
        %dma_wait3A_193 = arith.constant 0 : i32
        %dma_wait3A_194 = tpu.memref_slice %arg9[%run_scoped3A_175, %dma_wait3A_192, %dma_wait3A_193] : memref<5x80x32xf32, #tpu.memory_space<vmem>> -> memref<1x80x32xf32, #tpu.memory_space<vmem>>
        %dma_wait3A_195 = tpu.memref_squeeze %dma_wait3A_194 : memref<1x80x32xf32, #tpu.memory_space<vmem>> -> memref<80x32xf32, #tpu.memory_space<vmem>>
        %dma_wait3A_196 = tpu.memref_slice %arg8[%mul3A_174] : memref<10000xi32, #tpu.memory_space<vmem>> -> memref<80xi32, #tpu.memory_space<vmem>>
        %dma_wait3A_197 = arith.constant 0 : i32
        %dma_wait3A_198 = arith.constant 0 : i32
        %dma_wait3A_199 = tpu.memref_slice %arg10[%dma_wait3A_197, %dma_wait3A_198] : memref<10000x32xf32, #tpu.memory_space<vmem_shared>> -> memref<10000x32xf32, #tpu.memory_space<vmem_shared>>
        tpu.wait_indirect_dma semaphore(%run_scoped3A_183 : memref<!tpu.dma_semaphore, #tpu.memory_space<semaphore_mem>>) src(%dma_wait3A_195 : memref<80x32xf32, #tpu.memory_space<vmem>>) dst(%dma_wait3A_199 : memref<10000x32xf32, #tpu.memory_space<vmem_shared>>)
        tpu.yield
      }) : () -> ()
      %add3A_176 = arith.constant 5 : i32
      %add3A_177 = arith.addi %add3A_161, %add3A_176 : i32
      %lt3A_178 = arith.constant 125 : i32
      %lt3A_179 = arith.cmpi slt, %add3A_177, %lt3A_178 : i32
      %convert_element_type3A_180 = arith.extui %lt3A_179 : i1 to i32
      %cond3A_181 = arith.constant 0 : i32
      %cond3A_182 = arith.cmpi ne, %convert_element_type3A_180, %cond3A_181 : i32
      scf.if %cond3A_182 {
        %add3A_183 = arith.constant 5 : i32
        %add3A_184 = arith.addi %add3A_161, %add3A_183 : i32
        %mul3A_185 = arith.constant 80 : i32
        %mul3A_186 = arith.muli %add3A_184, %mul3A_185 : i32
        %dma_start3A_187 = arith.constant 4 : i32
        %dma_start3A_188 = arith.constant 0 : i32
        %dma_start3A_189 = arith.constant 0 : i32
        %dma_start3A_190 = tpu.memref_slice %arg9[%dma_start3A_187, %dma_start3A_188, %dma_start3A_189] : memref<5x80x32xf32, #tpu.memory_space<vmem>> -> memref<1x80x32xf32, #tpu.memory_space<vmem>>
        %dma_start3A_191 = tpu.memref_squeeze %dma_start3A_190 : memref<1x80x32xf32, #tpu.memory_space<vmem>> -> memref<80x32xf32, #tpu.memory_space<vmem>>
        %dma_start3A_192 = tpu.memref_slice %arg7[%mul3A_186] : memref<10000xi32, #tpu.memory_space<vmem>> -> memref<80xi32, #tpu.memory_space<vmem>>
        %dma_start3A_193 = arith.constant 0 : i32
        %dma_start3A_194 = arith.constant 0 : i32
        %dma_start3A_195 = tpu.memref_slice %arg4[%dma_start3A_193, %dma_start3A_194] : memref<10000x32xf32, #tpu.memory_space<hbm>> -> memref<10000x32xf32, #tpu.memory_space<hbm>>
        tpu.enqueue_indirect_dma source(%dma_start3A_195 : memref<10000x32xf32, #tpu.memory_space<hbm>>) target(%dma_start3A_191 : memref<80x32xf32, #tpu.memory_space<vmem>>) offsets(%dma_start3A_192 : memref<80xi32, #tpu.memory_space<vmem>>) semaphore(%arg15 : memref<!tpu.dma_semaphore, #tpu.memory_space<semaphore_mem>>)
      } else {
      }
    }
    %scan3A_59 = arith.constant 25 : i32
    %barrier3A_60 = arith.constant 0 : index
    tpu.barrier barrier_id(%barrier3A_60)
    %eq3A_61 = arith.constant 0 : i32
    %eq3A_62 = arith.cmpi eq, %arg1, %eq3A_61 : i32
    %convert_element_type3A_63 = arith.extui %eq3A_62 : i1 to i32
    %cond3A_64 = arith.constant 0 : i32
    %cond3A_65 = arith.cmpi ne, %convert_element_type3A_63, %cond3A_64 : i32
    scf.if %cond3A_65 {
      "tpu.region"() ({
        %run_scoped3A = tpu.sem_alloc : memref<!tpu.dma_semaphore, #tpu.memory_space<semaphore_mem>>
        %dma_start3A_66 = arith.constant 0 : i32
        %dma_start3A_67 = arith.constant 0 : i32
        %dma_start3A_68 = tpu.memref_slice %arg6[%arg0, %dma_start3A_66, %dma_start3A_67] : memref<2x10000x32xf32, #tpu.memory_space<hbm>> -> memref<1x10000x32xf32, #tpu.memory_space<hbm>>
        %dma_start3A_69 = tpu.memref_squeeze %dma_start3A_68 : memref<1x10000x32xf32, #tpu.memory_space<hbm>> -> memref<10000x32xf32, #tpu.memory_space<hbm>>
        tpu.enqueue_dma source(%arg10 : memref<10000x32xf32, #tpu.memory_space<vmem_shared>>) target(%dma_start3A_69 : memref<10000x32xf32, #tpu.memory_space<hbm>>) target_semaphore(%run_scoped3A : memref<!tpu.dma_semaphore, #tpu.memory_space<semaphore_mem>>)
        %dma_wait3A = arith.constant 0 : i32
        %dma_wait3A_70 = arith.constant 0 : i32
        %dma_wait3A_71 = tpu.memref_slice %arg6[%arg0, %dma_wait3A, %dma_wait3A_70] : memref<2x10000x32xf32, #tpu.memory_space<hbm>> -> memref<1x10000x32xf32, #tpu.memory_space<hbm>>
        %dma_wait3A_72 = tpu.memref_squeeze %dma_wait3A_71 : memref<1x10000x32xf32, #tpu.memory_space<hbm>> -> memref<10000x32xf32, #tpu.memory_space<hbm>>
        tpu.wait_dma2 semaphore(%run_scoped3A : memref<!tpu.dma_semaphore, #tpu.memory_space<semaphore_mem>>) src(%arg10 : memref<10000x32xf32, #tpu.memory_space<vmem_shared>>) dst(%dma_wait3A_72 : memref<10000x32xf32, #tpu.memory_space<hbm>>)
        tpu.yield
      }) : () -> ()
    } else {
    }
    return
  }
}

module attributes {stable_mosaic.version = 14 : i64} {
  func.func @body(%arg0: memref<2x320000xi32, #tpu.memory_space<vmem>>, %arg1: memref<2500x128xi32, #tpu.memory_space<vmem>>, %arg2: memref<2500x128xi32, #tpu.memory_space<vmem>>) attributes {dimension_semantics = [], scalar_prefetch = 0 : i64, scratch_operands = 0 : i64, tpu.core_type = #tpu.core_type<tc>} {
    %get3A = arith.constant 0 : index
    %get3A_0 = arith.constant 0 : index
    %get3A_1 = vector.load %arg0[%get3A, %get3A_0] : memref<2x320000xi32, #tpu.memory_space<vmem>>, vector<1x320000xi32>
    %get3A_2 = vector.shape_cast %get3A_1 : vector<1x320000xi32> to vector<320000xi32>
    %reshape3A = vector.shape_cast %get3A_2 : vector<320000xi32> to vector<2500x128xi32>
    %swap3A = arith.constant 0 : index
    %swap3A_3 = arith.constant 0 : index
    %swap3A_4 = vector.load %arg1[%swap3A, %swap3A_3] : memref<2500x128xi32, #tpu.memory_space<vmem>>, vector<2500x128xi32>
    tpu.vector_store %arg1[%swap3A, %swap3A_3], %reshape3A {strides = array<i32>} : memref<2500x128xi32, #tpu.memory_space<vmem>>, vector<2500x128xi32>,
    %get3A_5 = arith.constant 1 : index
    %get3A_6 = arith.constant 0 : index
    %get3A_7 = vector.load %arg0[%get3A_5, %get3A_6] : memref<2x320000xi32, #tpu.memory_space<vmem>>, vector<1x320000xi32>
    %get3A_8 = vector.shape_cast %get3A_7 : vector<1x320000xi32> to vector<320000xi32>
    %reshape3A_9 = vector.shape_cast %get3A_8 : vector<320000xi32> to vector<2500x128xi32>
    %swap3A_10 = arith.constant 0 : index
    %swap3A_11 = arith.constant 0 : index
    %swap3A_12 = vector.load %arg2[%swap3A_10, %swap3A_11] : memref<2500x128xi32, #tpu.memory_space<vmem>>, vector<2500x128xi32>
    tpu.vector_store %arg2[%swap3A_10, %swap3A_11], %reshape3A_9 {strides = array<i32>} : memref<2500x128xi32, #tpu.memory_space<vmem>>, vector<2500x128xi32>,
    return
  }
}

module attributes {stable_mosaic.version = 14 : i64} {
  func.func @body(%arg0: memref<10000x128xf32, #tpu.memory_space<vmem>>, %arg1: memref<128x20xf32, #tpu.memory_space<vmem>>, %arg2: memref<32x10000xf32, #tpu.memory_space<vmem>>, %arg3: memref<10000x32xf32, #tpu.memory_space<vmem>>, %arg4: memref<10000x1xf32, #tpu.memory_space<vmem>>) attributes {dimension_semantics = [], scalar_prefetch = 0 : i64, scratch_operands = 0 : i64, tpu.core_type = #tpu.core_type<tc>} {
    %get3A = arith.constant 0 : index
    %get3A_0 = arith.constant 0 : index
    %get3A_1 = vector.load %arg2[%get3A, %get3A_0] : memref<32x10000xf32, #tpu.memory_space<vmem>>, vector<32x10000xf32>
    %reduce_sum3A = arith.constant dense<0.000000e+00> : vector<10000xf32>
    %reduce_sum3A_2 = vector.multi_reduction <add>, %get3A_1, %reduce_sum3A [0] : vector<32x10000xf32> to vector<10000xf32>
    %broadcast_in_dim3A = vector.shape_cast %reduce_sum3A_2 : vector<10000xf32> to vector<1x10000xf32>
    %add3A = arith.constant 1.000000e+00 : f32
    %add3A_3 = vector.broadcast %add3A : f32 to vector<1x10000xf32>
    %add3A_4 = arith.addf %broadcast_in_dim3A, %add3A_3 : vector<1x10000xf32>
    %transpose3A = tpu.transpose %add3A_4, [1, 0] : vector<1x10000xf32> -> vector<10000x1xf32>
    %rsqrt3A = math.rsqrt %transpose3A : vector<10000x1xf32>
    %get3A_5 = arith.constant 0 : index
    %get3A_6 = arith.constant 0 : index
    %get3A_7 = vector.load %arg0[%get3A_5, %get3A_6] : memref<10000x128xf32, #tpu.memory_space<vmem>>, vector<10000x128xf32>
    %get3A_8 = arith.constant 0 : index
    %get3A_9 = arith.constant 0 : index
    %get3A_10 = vector.load %arg1[%get3A_8, %get3A_9] : memref<128x20xf32, #tpu.memory_space<vmem>>, vector<128x20xf32>
    %dot_general3A = arith.constant dense<0.000000e+00> : vector<10000x20xf32>
    %dot_general3A_11 = tpu.matmul %get3A_7, %get3A_10, %dot_general3A {dimension_numbers = #tpu.dot_dimension_numbers<[1], [0], [0], [1], [0, 0, 1, 1], [], []>, transpose_lhs_hint = false} : vector<10000x128xf32>, vector<128x20xf32>, vector<10000x20xf32> -> vector<10000x20xf32>
    %mul3A = vector.broadcast %rsqrt3A : vector<10000x1xf32> to vector<10000x20xf32>
    %mul3A_12 = arith.mulf %dot_general3A_11, %mul3A : vector<10000x20xf32>
    %broadcast_in_dim3A_13 = arith.constant 0.000000e+00 : f32
    %broadcast_in_dim3A_14 = vector.broadcast %broadcast_in_dim3A_13 : f32 to vector<10000x12xf32>
    %concatenate3A = tpu.concatenate %mul3A_12, %broadcast_in_dim3A_14 in 1 : vector<10000x20xf32>, vector<10000x12xf32> -> vector<10000x32xf32>
    %swap3A = arith.constant 0 : index
    %swap3A_15 = arith.constant 0 : index
    %swap3A_16 = vector.load %arg3[%swap3A, %swap3A_15] : memref<10000x32xf32, #tpu.memory_space<vmem>>, vector<10000x32xf32>
    tpu.vector_store %arg3[%swap3A, %swap3A_15], %concatenate3A {strides = array<i32>} : memref<10000x32xf32, #tpu.memory_space<vmem>>, vector<10000x32xf32>,
    %swap3A_17 = arith.constant 0 : index
    %swap3A_18 = arith.constant 0 : index
    %swap3A_19 = vector.load %arg4[%swap3A_17, %swap3A_18] : memref<10000x1xf32, #tpu.memory_space<vmem>>, vector<10000x1xf32>
    tpu.vector_store %arg4[%swap3A_17, %swap3A_18], %rsqrt3A {strides = array<i32>} : memref<10000x1xf32, #tpu.memory_space<vmem>>, vector<10000x1xf32>,
    return
  }
}

module attributes {stable_mosaic.version = 14 : i64} {
  func.func @body(%arg0: memref<10000x32xf32, #tpu.memory_space<vmem>>, %arg1: memref<10000x1xf32, #tpu.memory_space<vmem>>, %arg2: memref<2x10000x32xf32, #tpu.memory_space<vmem>>, %arg3: memref<1x20xf32, #tpu.memory_space<vmem>>, %arg4: memref<60x64xf32, #tpu.memory_space<vmem>>, %arg5: memref<1x64xf32, #tpu.memory_space<vmem>>, %arg6: memref<1x64xf32, #tpu.memory_space<vmem>>, %arg7: memref<1xi32, #tpu.memory_space<smem>>, %arg8: memref<10000x64xf32, #tpu.memory_space<vmem>>, %arg9: memref<10000x64xf32, #tpu.memory_space<vmem>>, %arg10: memref<1x64xf32, #tpu.memory_space<vmem>>, %arg11: memref<10000x20xf32, #tpu.memory_space<vmem>>) attributes {dimension_semantics = [], scalar_prefetch = 0 : i64, scratch_operands = 1 : i64, tpu.core_type = #tpu.core_type<tc>} {
    %get3A = arith.constant 0 : index
    %get3A_0 = arith.constant 0 : index
    %get3A_1 = arith.constant 0 : index
    %get3A_2 = vector.load %arg2[%get3A, %get3A_0, %get3A_1] : memref<2x10000x32xf32, #tpu.memory_space<vmem>>, vector<1x10000x20xf32>
    %get3A_3 = vector.shape_cast %get3A_2 : vector<1x10000x20xf32> to vector<10000x20xf32>
    %get3A_4 = arith.constant 1 : index
    %get3A_5 = arith.constant 0 : index
    %get3A_6 = arith.constant 0 : index
    %get3A_7 = vector.load %arg2[%get3A_4, %get3A_5, %get3A_6] : memref<2x10000x32xf32, #tpu.memory_space<vmem>>, vector<1x10000x20xf32>
    %get3A_8 = vector.shape_cast %get3A_7 : vector<1x10000x20xf32> to vector<10000x20xf32>
    %add3A = arith.addf %get3A_3, %get3A_8 : vector<10000x20xf32>
    %get3A_9 = arith.constant 0 : index
    %get3A_10 = arith.constant 0 : index
    %get3A_11 = vector.load %arg1[%get3A_9, %get3A_10] : memref<10000x1xf32, #tpu.memory_space<vmem>>, vector<10000x1xf32>
    %get3A_12 = arith.constant 0 : index
    %get3A_13 = arith.constant 0 : index
    %get3A_14 = vector.load %arg0[%get3A_12, %get3A_13] : memref<10000x32xf32, #tpu.memory_space<vmem>>, vector<10000x20xf32>
    %add3A_15 = arith.addf %add3A, %get3A_14 : vector<10000x20xf32>
    %mul3A = vector.broadcast %get3A_11 : vector<10000x1xf32> to vector<10000x20xf32>
    %mul3A_16 = arith.mulf %mul3A, %add3A_15 : vector<10000x20xf32>
    %get3A_17 = arith.constant 0 : index
    %get3A_18 = arith.constant 0 : index
    %get3A_19 = vector.load %arg3[%get3A_17, %get3A_18] : memref<1x20xf32, #tpu.memory_space<vmem>>, vector<1x20xf32>
    %add3A_20 = vector.broadcast %get3A_19 : vector<1x20xf32> to vector<10000x20xf32>
    %add3A_21 = arith.addf %mul3A_16, %add3A_20 : vector<10000x20xf32>
    %max3A = arith.constant 0.000000e+00 : f32
    %max3A_22 = vector.broadcast %max3A : f32 to vector<10000x20xf32>
    %max3A_23 = arith.maximumf %add3A_21, %max3A_22 : vector<10000x20xf32>
    %swap3A = arith.constant 0 : index
    %swap3A_24 = arith.constant 0 : index
    %swap3A_25 = vector.load %arg11[%swap3A, %swap3A_24] : memref<10000x20xf32, #tpu.memory_space<vmem>>, vector<10000x20xf32>
    tpu.vector_store %arg11[%swap3A, %swap3A_24], %max3A_23 {strides = array<i32>} : memref<10000x20xf32, #tpu.memory_space<vmem>>, vector<10000x20xf32>,
    %get3A_26 = arith.constant 0 : index
    %get3A_27 = memref.load %arg7[%get3A_26] : memref<1xi32, #tpu.memory_space<smem>>
    %get3A_28 = arith.index_cast %get3A_27 : i32 to index
    %get3A_29 = arith.constant 0 : index
    %get3A_30 = vector.load %arg11[%get3A_28, %get3A_29] : memref<10000x20xf32, #tpu.memory_space<vmem>>, vector<1x20xf32>
    %get3A_31 = arith.constant 0 : index
    %get3A_32 = arith.constant 0 : index
    %get3A_33 = vector.load %arg4[%get3A_31, %get3A_32] : memref<60x64xf32, #tpu.memory_space<vmem>>, vector<20x64xf32>
    %get3A_34 = arith.constant 20 : index
    %get3A_35 = arith.constant 0 : index
    %get3A_36 = vector.load %arg4[%get3A_34, %get3A_35] : memref<60x64xf32, #tpu.memory_space<vmem>>, vector<20x64xf32>
    %get3A_37 = arith.constant 40 : index
    %get3A_38 = arith.constant 0 : index
    %get3A_39 = vector.load %arg4[%get3A_37, %get3A_38] : memref<60x64xf32, #tpu.memory_space<vmem>>, vector<20x64xf32>
    %dot_general3A = arith.constant dense<0.000000e+00> : vector<1x64xf32>
    %dot_general3A_40 = tpu.matmul %get3A_30, %get3A_39, %dot_general3A {dimension_numbers = #tpu.dot_dimension_numbers<[1], [0], [0], [1], [0, 0, 1, 1], [], []>, transpose_lhs_hint = false} : vector<1x20xf32>, vector<20x64xf32>, vector<1x64xf32> -> vector<1x64xf32>
    %get3A_41 = arith.constant 0 : index
    %get3A_42 = arith.constant 0 : index
    %get3A_43 = vector.load %arg5[%get3A_41, %get3A_42] : memref<1x64xf32, #tpu.memory_space<vmem>>, vector<1x64xf32>
    %add3A_44 = arith.addf %dot_general3A_40, %get3A_43 : vector<1x64xf32>
    %get3A_45 = arith.constant 0 : index
    %get3A_46 = arith.constant 0 : index
    %get3A_47 = vector.load %arg6[%get3A_45, %get3A_46] : memref<1x64xf32, #tpu.memory_space<vmem>>, vector<1x64xf32>
    %abs3A = math.absf %get3A_47 : vector<1x64xf32>
    %dot_general3A_48 = arith.constant dense<0.000000e+00> : vector<10000x64xf32>
    %dot_general3A_49 = tpu.matmul %max3A_23, %get3A_33, %dot_general3A_48 {dimension_numbers = #tpu.dot_dimension_numbers<[1], [0], [0], [1], [0, 0, 1, 1], [], []>, transpose_lhs_hint = false} : vector<10000x20xf32>, vector<20x64xf32>, vector<10000x64xf32> -> vector<10000x64xf32>
    %add3A_50 = vector.broadcast %add3A_44 : vector<1x64xf32> to vector<10000x64xf32>
    %add3A_51 = arith.addf %dot_general3A_49, %add3A_50 : vector<10000x64xf32>
    %mul3A_52 = vector.broadcast %abs3A : vector<1x64xf32> to vector<10000x64xf32>
    %mul3A_53 = arith.mulf %add3A_51, %mul3A_52 : vector<10000x64xf32>
    %swap3A_54 = arith.constant 0 : index
    %swap3A_55 = arith.constant 0 : index
    %swap3A_56 = vector.load %arg8[%swap3A_54, %swap3A_55] : memref<10000x64xf32, #tpu.memory_space<vmem>>, vector<10000x64xf32>
    tpu.vector_store %arg8[%swap3A_54, %swap3A_55], %mul3A_53 {strides = array<i32>} : memref<10000x64xf32, #tpu.memory_space<vmem>>, vector<10000x64xf32>,
    %dot_general3A_57 = arith.constant dense<0.000000e+00> : vector<10000x64xf32>
    %dot_general3A_58 = tpu.matmul %max3A_23, %get3A_36, %dot_general3A_57 {dimension_numbers = #tpu.dot_dimension_numbers<[1], [0], [0], [1], [0, 0, 1, 1], [], []>, transpose_lhs_hint = false} : vector<10000x20xf32>, vector<20x64xf32>, vector<10000x64xf32> -> vector<10000x64xf32>
    %mul3A_59 = vector.broadcast %abs3A : vector<1x64xf32> to vector<10000x64xf32>
    %mul3A_60 = arith.mulf %dot_general3A_58, %mul3A_59 : vector<10000x64xf32>
    %swap3A_61 = arith.constant 0 : index
    %swap3A_62 = arith.constant 0 : index
    %swap3A_63 = vector.load %arg9[%swap3A_61, %swap3A_62] : memref<10000x64xf32, #tpu.memory_space<vmem>>, vector<10000x64xf32>
    tpu.vector_store %arg9[%swap3A_61, %swap3A_62], %mul3A_60 {strides = array<i32>} : memref<10000x64xf32, #tpu.memory_space<vmem>>, vector<10000x64xf32>,
    %get3A_64 = arith.constant 0 : index
    %get3A_65 = arith.constant 0 : index
    %get3A_66 = vector.load %arg6[%get3A_64, %get3A_65] : memref<1x64xf32, #tpu.memory_space<vmem>>, vector<1x64xf32>
    %sign3A = tpu.bitcast %get3A_66 : vector<1x64xf32> -> vector<1x64xi32>
    %sign3A_67 = arith.constant -2147483648 : i32
    %sign3A_68 = vector.broadcast %sign3A_67 : i32 to vector<1x64xi32>
    %sign3A_69 = arith.andi %sign3A, %sign3A_68 : vector<1x64xi32>
    %sign3A_70 = arith.constant 1065353216 : i32
    %sign3A_71 = vector.broadcast %sign3A_70 : i32 to vector<1x64xi32>
    %sign3A_72 = arith.ori %sign3A_71, %sign3A_69 : vector<1x64xi32>
    %sign3A_73 = tpu.bitcast %sign3A_72 : vector<1x64xi32> -> vector<1x64xf32>
    %sign3A_74 = math.absf %get3A_66 : vector<1x64xf32>
    %sign3A_75 = arith.constant 0.000000e+00 : f32
    %sign3A_76 = vector.broadcast %sign3A_75 : f32 to vector<1x64xf32>
    %sign3A_77 = arith.cmpf ogt, %sign3A_74, %sign3A_76 : vector<1x64xf32>
    %sign3A_78 = arith.select %sign3A_77, %sign3A_73, %get3A_66 : vector<1x64xi1>, vector<1x64xf32>
    %swap3A_79 = arith.constant 0 : index
    %swap3A_80 = arith.constant 0 : index
    %swap3A_81 = vector.load %arg10[%swap3A_79, %swap3A_80] : memref<1x64xf32, #tpu.memory_space<vmem>>, vector<1x64xf32>
    tpu.vector_store %arg10[%swap3A_79, %swap3A_80], %sign3A_78 {strides = array<i32>} : memref<1x64xf32, #tpu.memory_space<vmem>>, vector<1x64xf32>,
    return
  }
}

</mosaic_0001>

<sc_bundles>
// kernel: kernel.11.cloned.1.call-start
scs
__scs_entry_jumppad:
0x0: {  	(pc) =	sbr.rel $0x88, $3  }
0x1: {  	(tag) =	ssettag $0x0;
	lr =	simm.s32 $0x1  }
0x2: {  	[smem:$0x3F98] =	sst lr;
	_ =	strace $0xD0000000  }
0x3: {  	_ = 	snop  }
0x4: {  	_ = 	snop  }
0x5: {  	_ = 	snop  }
0x6: {  	_ = 	snop  }
0x7: {  	_ = 	snop  }
__scs_overlays_trampoline_lowered:
0x8: {  	[smem:$0x3FA7] =	sst s0  }
0x9: {  	[smem:$0x3FA8] =	sst s1  }
0xa: {  	[smem:$0x3FA9] =	sst s2  }
0xb: {  	[smem:$0x3FAA] =	sst s3  }
0xc: {  	[smem:$0x3FAB] =	sst s4  }
0xd: {  	[smem:$0x3FAC] =	sst s5  }
0xe: {  	[smem:$0x3FAD] =	sst s6  }
0xf: {  	[smem:$0x3FAE] =	sst s7  }
0x10: {  	[smem:$0x3FAF] =	sst s8  }
0x11: {  	[smem:$0x3FB0] =	sst s9;
	s0 =	simm.s32 @!p0 $0x0  }
0x12: {  	s1 =	sld [smem:$0x3F96];
	s0 =	simm.s32 @p0 $0x1  }
0x13: {  	[smem:$0x3FB1] =	sst s0;
	s0 =	simm.s32 @!p1 $0x0  }
0x14: {  	s2 =	sld [smem:$0x3F95];
	s0 =	simm.s32 @p1 $0x1  }
0x15: {  	[smem:$0x3FB2] =	sst s0;
	s0 =	simm.s32 @!p2 $0x0  }
0x16: {  	s3 =	sld [smem:$0x3FDB];
	s0 =	simm.s32 @p2 $0x1  }
0x17: {  	s4 =	simm.s32 $0x1BF5;
	[smem:$0x3FB4] =	sst s0  }
0x18: {  	s0 =	sld [smem:$0x3F97];
	_ =	swait.ge [sflag:s4], $0x0  }
0x19: {  	s7 =	sld [smem:$0x3F98]  }
0x1a: {  	s8 =	sadd.s32 $0xFFFFE003, lr  }
0x1b: {  	s9 =	sadd.s32 $0xFFFFFEF7, lr;
	s5 =	simm.s32 $0xFFFFFFFF;
	p2 =	slt.u32 s8, $0xFFFFF086  }
0x1c: {  	p1 =	slt.u32 s9, $0xF7A;
	s5 =	simm.s32 @!p2 $0x0  }
0x1d: {  	s5 =	simm.s32 @p1 $0x1;
	p0 =	seq.s32 s7, s2  }
0x1e: {  	s7 =	smul.u32 @!p0 $0xF7A, s2;
	p2 =	seq.s32 @!p0 s5, $0x0  }
0x1f: {  	s9 =	smul.u32 $0xF7A, s1;
	s8 =	simm.s32 @!p0 $0x1BF5;
	p2 =	por !p2, p0  }
0x20: {  	[sflag:s8] =	ssyncset.s32 @!p0 $0xFFFFF086;
	s6 =	sadd.s32 @!p0 s3, s7;
	s7 =	simm.s32 @!p0 $0x108  }
0x21: {  	s3 =	sadd.s32 s3, s9;
	s6 =	sadd.s32 @!p0 $0x88, s6;
	s7 =	simm.s32 @p2 $0x1082  }
0x22: {  	[simem:s7], [sflag:s8] =	dma.local @!p0 [hbm:s6], $0xF7A  }
0x23: {  	s9 =	sor.u32 $0xD0000000, s2;
	s6 =	simm.s32 $0x108;
	_ =	swait.ge @!p0 [sflag:s8], $0x0  }
0x24: {  	s3 =	sadd.s32 $0x88, s3;
	s6 =	simm.s32 @!p1 $0x1082;
	[sflag:s4] =	ssyncset.s32 $0xFFFFF086  }
0x25: {  	[simem:s6], [sflag:s4] =	dma.local [hbm:s3], $0xF7A  }
0x26: {  	[smem:$0x3F98] =	sst s1;
	(tag) =	ssettag s2;
	_ =	strace s9  }
0x27: {  	s1 =	sld [smem:$0x3FA8]  }
0x28: {  	s2 =	sld [smem:$0x3FA9]  }
0x29: {  	s4 =	sld [smem:$0x3FAB]  }
0x2a: {  	p0 =	seq.s32 s5, $0x0;
	s5 =	sld [smem:$0x3FAC]  }
0x2b: {  	s6 =	sld [smem:$0x3FAD]  }
0x2c: {  	s7 =	sld [smem:$0x3FAE]  }
0x2d: {  	s3 =	simm.s32 $0x108;
	s8 =	sld [smem:$0x3FAF]  }
0x2e: {  	s3 =	simm.s32 @!p0 $0x1082;
	s9 =	sld [smem:$0x3FB0]  }
0x2f: {  	lr =	sadd.s32 s0, s3;
	s0 =	sld [smem:$0x3FA7]  }
0x30: {  	s3 =	sld [smem:$0x3FAA]  }
0x31: {  	[smem:$0x3FB3] =	sst s10  }
0x32: {  	s10 =	sld [smem:$0x3FB1];
	_ =	sdelay $0x3  }
0x33: {  	p0 =	seq.s32 s10, $0x1;
	s10 =	sld [smem:$0x3FB3];
	_ =	sdelay $0x3  }
0x34: {  	[smem:$0x3FB3] =	sst s10  }
0x35: {  	s10 =	sld [smem:$0x3FB2];
	_ =	sdelay $0x3  }
0x36: {  	p1 =	seq.s32 s10, $0x1;
	s10 =	sld [smem:$0x3FB3];
	_ =	sdelay $0x3  }
0x37: {  	[smem:$0x3FB3] =	sst s10  }
0x38: {  	s10 =	sld [smem:$0x3FB4]  }
0x39: {  	_ = 	snop;
	(pc) =	sbr.ind lr, $3  }
0x3a: {  	_ = 	snop  }
0x3b: {  	_ = 	snop  }
0x3c: {  	p2 =	seq.s32 s10, $0x1;
	s10 =	sld [smem:$0x3FB3]  }
0x3d: {  	_ =	shalt  }
0x3e: {  	_ =	shalt  }
0x3f: {  	_ =	shalt  }
0x40: {  	_ =	shalt  }
0x41: {  	_ =	shalt  }
0x42: {  	_ =	shalt  }
0x43: {  	_ =	shalt  }
0x44: {  	_ =	shalt  }
0x45: {  	_ =	shalt  }
0x46: {  	_ =	shalt  }
0x47: {  	_ =	shalt  }
0x48: {  	_ =	shalt  }
0x49: {  	_ =	shalt  }
0x4a: {  	_ =	shalt  }
0x4b: {  	_ =	shalt  }
0x4c: {  	_ =	shalt  }
0x4d: {  	_ =	shalt  }
0x4e: {  	_ =	shalt  }
0x4f: {  	_ =	shalt  }
0x50: {  	_ =	shalt  }
0x51: {  	_ =	shalt  }
0x52: {  	_ =	shalt  }
0x53: {  	_ =	shalt  }
0x54: {  	_ =	shalt  }
0x55: {  	_ =	shalt  }
0x56: {  	_ =	shalt  }
0x57: {  	_ =	shalt  }
0x58: {  	_ =	shalt  }
0x59: {  	_ =	shalt  }
0x5a: {  	_ =	shalt  }
0x5b: {  	_ =	shalt  }
0x5c: {  	_ =	shalt  }
0x5d: {  	_ =	shalt  }
0x5e: {  	_ =	shalt  }
0x5f: {  	_ =	shalt  }
0x60: {  	_ =	shalt  }
0x61: {  	_ =	shalt  }
0x62: {  	_ =	shalt  }
0x63: {  	_ =	shalt  }
0x64: {  	_ =	shalt  }
0x65: {  	_ =	shalt  }
0x66: {  	_ =	shalt  }
0x67: {  	_ =	shalt  }
0x68: {  	_ =	shalt  }
0x69: {  	_ =	shalt  }
0x6a: {  	_ =	shalt  }
0x6b: {  	_ =	shalt  }
0x6c: {  	_ =	shalt  }
0x6d: {  	_ =	shalt  }
0x6e: {  	_ =	shalt  }
0x6f: {  	_ =	shalt  }
0x70: {  	_ =	shalt  }
0x71: {  	_ =	shalt  }
0x72: {  	_ =	shalt  }
0x73: {  	_ =	shalt  }
0x74: {  	_ =	shalt  }
0x75: {  	_ =	shalt  }
0x76: {  	_ =	shalt  }
0x77: {  	_ =	shalt  }
0x78: {  	_ =	shalt  }
0x79: {  	_ =	shalt  }
0x7a: {  	_ =	shalt  }
0x7b: {  	_ =	shalt  }
0x7c: {  	_ =	shalt  }
0x7d: {  	_ =	shalt  }
0x7e: {  	_ =	shalt  }
0x7f: {  	_ =	shalt  }
0x80: {  	_ =	shalt  }
0x81: {  	_ =	shalt  }
0x82: {  	_ =	shalt  }
0x83: {  	_ =	shalt  }
0x84: {  	_ =	shalt  }
0x85: {  	_ =	shalt  }
0x86: {  	_ =	shalt  }
0x87: {  	_ =	shalt  }
.Lfunc_end0:
.L_simem_size_0:
called_computation.1_lowered:
.L_overlay_start_0:
0x88: {  	s2 =	sld [smem:$0x3FD9]  }
0x89: {  	s3 =	sld [smem:$0x3FFE];
	_ =	sdelay $0x1  }
0x8a: {  	s1 =	srdreg.scid  }
0x8b: {  	s0 =	sand.u32 $0x1, s1  }
0x8c: {  	s16 =	sshll.u32 s0, $0xA;
	s2 =	sadd.s32 s3, s2  }
0x8d: {  	s2 =	sadd.s32 s2, s16  }
0x8e: {  	[smem:$0x3FBF] =	sst s2  }
0x8f: {  	_ = 	snop  }
0x90: {  	(tm) =	ssettm $0x1  }
0x91: {  	s17 =	sld [smem:$0x3FFB];
	_ =	sdelay $0x3  }
0x92: {  	_ =	strace s17  }
0x93: {  	s2 =	sld [smem:$0x3FFC];
	_ =	sdelay $0x3  }
0x94: {  	_ =	strace s2  }
0x95: {  	s2 =	sld [smem:$0x3FFD];
	_ =	sdelay $0x3  }
0x96: {  	_ =	strace s2  }
0x97: {  	_ =	strace $0x8FFFFFFF  }
0x98: {  	s18 =	sld [smem:$0x3FDB];
	_ =	sdelay $0x1  }
0x99: {  	s19 =	simm.s32 $_scs_section_size  }
0x9a: {  	s4 =	simm.s32 $_size__tile_overlayer_lowered;
	s5 =	simm.s32 $_tile_overlayer_lowered  }
0x9b: {  	s22 =	simm.s32 $0x1BFF;
	s21 =	sshll.u32 s5, $0x1;
	s2 =	sadd.s32 s19, s18  }
0x9c: {  	s6 =	simm.s32 $0x0;
	s20 =	sshll.u32 s4, $0x1;
	s4 =	sadd.s32 s21, s2  }
0x9d: {  	[timem:s6], [sflag:s22] =	dma.local [hbm:s4], s20  }
0x9e: {  	_ =	swait.ge [sflag:s22], s20  }
0x9f: {  	s3 =	ssub.s32 $0x0, s20;
	[sflag:s22] =	ssyncset.done $0x0  }
0xa0: {  	[sflag:s22] =	ssyncadd.s32 s3;
	_ =	sdelay $0x1  }
0xa1: {  	s23 =	simm.s32 $0x1B8B  }
0xa2: {  	_ =	swait.ge [sflag:s23], $0x1  }
0xa3: {  	[sflag:s23] =	ssyncset.done $0x0  }
0xa4: {  	s25 =	simm.s32 $0x1B8E;
	s24 =	sld [smem:$0x3FFE];
	[sflag:s23] =	ssyncadd.s32 $0xFFFFFFFF  }
0xa5: {  	s26 =	simm.s32 $execute0_lowered;
	[smem:$0x3FD2] =	sst s25  }
0xa6: {  	s4 =	sshll.u32 s26, $0x1;
	_ =	strace $0x80000049;
	[dreg:$0x1] =	wrdreg $0xFFFFFFFF  }
0xa7: {  	s28 =	simm.s32 $_size_execute0_lowered;
	s2 =	sadd.s32 s2, s4;
	[dreg:$0x0] =	wrdreg $0x0  }
0xa8: {  	s4 =	sshll.u32 s28, $0x1;
	[dreg:$0x2] =	wrdreg s2  }
0xa9: {  	[dreg:$0x3] =	wrdreg s4  }
0xaa: {  	[dreg:$0x4] =	wrdreg $0xC0  }
0xab: {  	_ =	task [dreg:s6], $0x5FFFF  }
0xac: {  	[dreg:$0x1] =	wrdreg $0xFFFFFFFF  }
0xad: {  	[dreg:$0x0] =	wrdreg $0x60  }
0xae: {  	[dreg:$0x2] =	wrdreg s24  }
0xaf: {  	[dreg:$0x3] =	wrdreg $0x80200  }
0xb0: {  	[dreg:$0x4] =	wrdreg $0x9  }
0xb1: {  	_ =	task.clear_ibuf [dreg:s6], $0x5FFFF;
	_ =	strace $0x90000049  }
0xb2: {  	s29 =	simm.s32 $0x9;
	_ =	strace $0x8000004B  }
0xb3: {  	_ =	swait.ge [sflag:s29], $0x1  }
0xb4: {  	[sflag:s29] =	ssyncadd.s32 $0xFFFFFFFF  }
0xb5: {  	_ =	strace $0x9000004B  }
0xb6: {  	_ =	sfence  }
0xb7: {  	s30 =	sld [smem:$0x0];
	_ =	sdelay $0x2  }
0xb8: {  	s31 =	sshll.u32 s1, $0xD;
	s1 =	sshrl.u32 s1, $0x2  }
0xb9: {  	s3 =	sand.u32 $0x4000, s31;
	s1 =	sadd.s32 s1, s30  }
0xba: {  	s0 =	sor.u32 s3, s0;
	s1 =	sshll.u32 s1, $0x11  }
0xbb: {  	s0 =	sor.u32 s1, s0  }
0xbc: {  	s0 =	sadd.s32 $0x8F2B, s0  }
0xbd: {  	[sflag:s0] =	ssyncadd.remote.s32 $0x1  }
0xbe: {  	_ =	sfence.sel $0xFFFF  }
0xbf: {  	[dreg:$0x0] =	wrdreg $0xFFFFFFFF;
	(pc) =	sbr.abs _section_cstart, $3  }
0xc0: {  	[dreg:$0x1] =	wrdreg $0xFFFFFFFF  }
0xc1: {  	_ =	task.clear_ibuf [dreg:s6], $0x2FFFF;
	_ =	strace $0x9FFFFFFF  }
0xc2: {  	(tm) =	ssettm $0x7FFFFFFF  }
0xc3: {  	_ =	shalt  }
tec
execute0_lowered:
.L_overlay_start_1:
0x0: {  	(tag) =	ssettag $0x1  }
0x1: {  	s0 =	rddreg [dreg:$0x0];
	s2 =	srdreg.scid  }
0x2: {  	s9 =	stileid.u32;
	s1 =	rddreg [dreg:$0x1];
	s12 =	simm.s32 $0x50  }
0x3: {  	s13 =	simm.s32 $0x4E20;
	s14 =	simm.s32 $0x5820;
	s16 =	simm.s32 $0x6220  }
0x4: {  	s18 =	simm.s32 $0x6C20;
	s19 =	simm.s32 $0x140;
	s20 =	simm.s32 $0x7620  }
0x5: {  	s21 =	simm.s32 $0x1;
	s22 =	simm.s32 $0x2;
	s23 =	simm.s32 $0x3  }
0x6: {  	s24 =	simm.s32 $0x4;
	s25 =	simm.s32 $0x5;
	s26 =	simm.s32 $0x4C90  }
0x7: {  	s28 =	simm.s32 $0x4CE0;
	s29 =	simm.s32 $0x4D30;
	s30 =	simm.s32 $0x4D80  }
0x8: {  	s31 =	simm.s32 $0x4DD0;
	s3 =	sand.u32 $0x1, s2;
	s4 =	sshll.u32 s9, $0x1  }
0x9: {  	s2 =	simm.s32 $0x0;
	p0 =	sne.s32 s9, $0x0;
	s9 =	simm.s32 $0x6  }
0xa: {  	s4 =	sor.u32 s3, s4;
	[smem:$0x7FF] =	sst s2;
	s5 =	smul.u32 $0x9C40, s3  }
0xb: {  	s7 =	ssub.s32 $0x2, s3;
	s3 =	sadd.s32 $0x16800, s0;
	s4 =	smul.u32 $0x4E2, s4  }
0xc: {  	s11 =	sshrl.u32 @!p0 s1, $0x3;
	_ =	strace $0x8000004A;
	s8 =	sshrl.u32 s7, $0x1  }
0xd: {  	s8 =	ssub.s32 s7, s8;
	s6 =	sadd.s32 s4, s0;
	s4 =	sadd.s32 $0x20600, s0  }
0xe: {  	s0 =	sadd.s32 s5, s0;
	s8 =	smax.u32 s8, $0x1;
	s5 =	sadd.s32 $0xCA00, s6  }
0xf: {  	s6 =	sadd.s32 $0x2C00, s6;
	s7 =	sadd.s32 $0x2A400, s0;
	s0 =	simm.s32 $0x0  }
.LBB2_1:
0x10: {  	[tilespmem:s2], [sflag:$0x6] =	stream.linear.gather [hbm4b:s5+s2], $0x2710, $0x38;
	[tilespmem:$0xCE40] =	vst v63  }
0x11: {  	_ =	swait.ge [sflag:s9], $0x2710  }
0x12: {  	[sflag:s9] =	ssyncset.done $0x0  }
0x13: {  	s10 =	simm.s32 $0x2710;
	[sflag:s9] =	ssyncadd.s32 $0xFFFFD8F0  }
0x14: {  	[tilespmem:s10], [sflag:$0x6] =	stream.linear.gather [hbm4b:s6+s2], $0x2710, $0x38;
	[tilespmem:$0xCE40] =	vst v63  }
0x15: {  	_ =	swait.ge [sflag:s9], $0x2710  }
0x16: {  	[sflag:s9] =	ssyncset.done $0x0  }
0x17: {  	s10 =	simm.s32 @!p0 $0x1C06;
	[sflag:s9] =	ssyncadd.s32 $0xFFFFD8F0  }
0x18: {  	[spmem:s11], [sflag:s10] =	dma.local @!p0 [hbm:s4], $0x9C40  }
0x19: {  	s10 =	simm.s32 @!p0 $0x6  }
0x1a: {  	_ =	swait.ge @!p0 [sflag:s10], $0x9C40  }
0x1b: {  	[sflag:s10] =	ssyncset.done @!p0 $0x0  }
0x1c: {  	[sflag:s10] =	ssyncadd.s32 @!p0 $0xFFFF63C0  }
0x1d: {  	[bflag:$0x0] =	sbarrier.arrive $0xFFFF  }
0x1e: {  	[tilespmem:s13], [sflag:$0x1] =	stream.indirect.gather [hbm4b:s3+s12], $0x20, s2, s12, $0xb8;
	[tilespmem:$0xCE40] =	vst v63  }
0x1f: {  	_ = 	snop  }
0x20: {  	[tilespmem:s14], [sflag:$0x2] =	stream.indirect.gather [hbm4b:s3+s12], $0x20, s12, s12, $0xb8;
	[tilespmem:$0xCE40] =	vst v63  }
0x21: {  	s17 =	simm.s32 $0xA0  }
0x22: {  	[tilespmem:s16], [sflag:$0x3] =	stream.indirect.gather [hbm4b:s3+s12], $0x20, s17, s12, $0xb8;
	[tilespmem:$0xCE40] =	vst v63  }
0x23: {  	s15 =	simm.s32 $0xF0  }
0x24: {  	[tilespmem:s18], [sflag:$0x4] =	stream.indirect.gather [hbm4b:s3+s12], $0x20, s15, s12, $0xb8;
	[tilespmem:$0xCE40] =	vst v63  }
0x25: {  	_ = 	snop  }
0x26: {  	[tilespmem:s20], [sflag:$0x5] =	stream.indirect.gather [hbm4b:s3+s12], $0x20, s19, s12, $0xb8;
	[tilespmem:$0xCE40] =	vst v63  }
0x27: {  	_ =	swait.ge [sflag:s21], $0xA00  }
0x28: {  	[sflag:s21] =	ssyncset.done $0x0  }
0x29: {  	s17 =	simm.s32 $0x2710;
	[sflag:s21] =	ssyncadd.s32 $0xFFFFF600  }
0x2a: {  	[spmem:s1] =	stream.indirect.scatter.add.f32 [tilespmem:s13], [sflag:$0x6], $0x20, s17, s12, $0xb8;
	[tilespmem:$0xCE40] =	vst v63  }
0x2b: {  	_ =	swait.ge [sflag:s9], $0xA00  }
0x2c: {  	[sflag:s9] =	ssyncset.done $0x0  }
0x2d: {  	s15 =	simm.s32 $0x190;
	[sflag:s9] =	ssyncadd.s32 $0xFFFFF600  }
0x2e: {  	[tilespmem:s13], [sflag:$0x1] =	stream.indirect.gather [hbm4b:s3+s12], $0x20, s15, s12, $0xb8;
	[tilespmem:$0xCE40] =	vst v63  }
0x2f: {  	_ =	swait.ge [sflag:s22], $0xA00  }
0x30: {  	[sflag:s22] =	ssyncset.done $0x0  }
0x31: {  	s17 =	simm.s32 $0x2760;
	[sflag:s22] =	ssyncadd.s32 $0xFFFFF600  }
0x32: {  	[spmem:s1] =	stream.indirect.scatter.add.f32 [tilespmem:s14], [sflag:$0x6], $0x20, s17, s12, $0xb8;
	[tilespmem:$0xCE40] =	vst v63  }
0x33: {  	_ =	swait.ge [sflag:s9], $0xA00  }
0x34: {  	[sflag:s9] =	ssyncset.done $0x0  }
0x35: {  	s15 =	simm.s32 $0x1E0;
	[sflag:s9] =	ssyncadd.s32 $0xFFFFF600  }
0x36: {  	[tilespmem:s14], [sflag:$0x2] =	stream.indirect.gather [hbm4b:s3+s12], $0x20, s15, s12, $0xb8;
	[tilespmem:$0xCE40] =	vst v63  }
0x37: {  	_ =	swait.ge [sflag:s23], $0xA00  }
0x38: {  	[sflag:s23] =	ssyncset.done $0x0  }
0x39: {  	s17 =	simm.s32 $0x27B0;
	[sflag:s23] =	ssyncadd.s32 $0xFFFFF600  }
0x3a: {  	[spmem:s1] =	stream.indirect.scatter.add.f32 [tilespmem:s16], [sflag:$0x6], $0x20, s17, s12, $0xb8;
	[tilespmem:$0xCE40] =	vst v63  }
0x3b: {  	_ =	swait.ge [sflag:s9], $0xA00  }
0x3c: {  	[sflag:s9] =	ssyncset.done $0x0  }
0x3d: {  	s15 =	simm.s32 $0x230;
	[sflag:s9] =	ssyncadd.s32 $0xFFFFF600  }
0x3e: {  	[tilespmem:s16], [sflag:$0x3] =	stream.indirect.gather [hbm4b:s3+s12], $0x20, s15, s12, $0xb8;
	[tilespmem:$0xCE40] =	vst v63  }
0x3f: {  	_ =	swait.ge [sflag:s24], $0xA00  }
0x40: {  	[sflag:s24] =	ssyncset.done $0x0  }
0x41: {  	s17 =	simm.s32 $0x2800;
	[sflag:s24] =	ssyncadd.s32 $0xFFFFF600  }
0x42: {  	[spmem:s1] =	stream.indirect.scatter.add.f32 [tilespmem:s18], [sflag:$0x6], $0x20, s17, s12, $0xb8;
	[tilespmem:$0xCE40] =	vst v63  }
0x43: {  	_ =	swait.ge [sflag:s9], $0xA00  }
0x44: {  	[sflag:s9] =	ssyncset.done $0x0  }
0x45: {  	s15 =	simm.s32 $0x280;
	[sflag:s9] =	ssyncadd.s32 $0xFFFFF600  }
0x46: {  	[tilespmem:s18], [sflag:$0x4] =	stream.indirect.gather [hbm4b:s3+s12], $0x20, s15, s12, $0xb8;
	[tilespmem:$0xCE40] =	vst v63  }
0x47: {  	_ =	swait.ge [sflag:s25], $0xA00  }
0x48: {  	[sflag:s25] =	ssyncset.done $0x0  }
0x49: {  	s17 =	simm.s32 $0x2850;
	[sflag:s25] =	ssyncadd.s32 $0xFFFFF600  }
0x4a: {  	[spmem:s1] =	stream.indirect.scatter.add.f32 [tilespmem:s20], [sflag:$0x6], $0x20, s17, s12, $0xb8;
	[tilespmem:$0xCE40] =	vst v63  }
0x4b: {  	_ =	swait.ge [sflag:s9], $0xA00  }
0x4c: {  	[sflag:s9] =	ssyncset.done $0x0  }
0x4d: {  	s10 =	simm.s32 $0x640;
	s15 =	simm.s32 $0x2D0;
	[sflag:s9] =	ssyncadd.s32 $0xFFFFF600  }
.LBB2_2:
0x4e: {  	[tilespmem:s20], [sflag:$0x5] =	stream.indirect.gather [hbm4b:s3+s12], $0x20, s15, s12, $0xb8;
	[tilespmem:$0xCE40] =	vst v63  }
0x4f: {  	s15 =	smov.u32 s10  }
0x50: {  	p1 =	sne.s32 s10, $0x8FC0;
	s10 =	sadd.s32 $0x640, s10;
	_ =	swait.ge [sflag:s21], $0xA00  }
0x51: {  	s15 =	sshra.s32 s15, $0x2;
	[sflag:s21] =	ssyncset.done $0x0  }
0x52: {  	s17 =	sadd.s32 $0x2710, s15;
	[sflag:s21] =	ssyncadd.s32 $0xFFFFF600  }
0x53: {  	[spmem:s1] =	stream.indirect.scatter.add.f32 [tilespmem:s13], [sflag:$0x6], $0x20, s17, s12, $0xb8;
	[tilespmem:$0xCE40] =	vst v63  }
0x54: {  	_ =	swait.ge [sflag:s9], $0xA00  }
0x55: {  	[sflag:s9] =	ssyncset.done $0x0  }
0x56: {  	s17 =	sadd.s32 $0x190, s15;
	[sflag:s9] =	ssyncadd.s32 $0xFFFFF600  }
0x57: {  	[tilespmem:s13], [sflag:$0x1] =	stream.indirect.gather [hbm4b:s3+s12], $0x20, s17, s12, $0xb8;
	[tilespmem:$0xCE40] =	vst v63  }
0x58: {  	_ =	swait.ge [sflag:s22], $0xA00  }
0x59: {  	[sflag:s22] =	ssyncset.done $0x0  }
0x5a: {  	s17 =	sadd.s32 $0x2760, s15;
	[sflag:s22] =	ssyncadd.s32 $0xFFFFF600  }
0x5b: {  	[spmem:s1] =	stream.indirect.scatter.add.f32 [tilespmem:s14], [sflag:$0x6], $0x20, s17, s12, $0xb8;
	[tilespmem:$0xCE40] =	vst v63  }
0x5c: {  	_ =	swait.ge [sflag:s9], $0xA00  }
0x5d: {  	[sflag:s9] =	ssyncset.done $0x0  }
0x5e: {  	s17 =	sadd.s32 $0x1E0, s15;
	[sflag:s9] =	ssyncadd.s32 $0xFFFFF600  }
0x5f: {  	[tilespmem:s14], [sflag:$0x2] =	stream.indirect.gather [hbm4b:s3+s12], $0x20, s17, s12, $0xb8;
	[tilespmem:$0xCE40] =	vst v63  }
0x60: {  	_ =	swait.ge [sflag:s23], $0xA00  }
0x61: {  	[sflag:s23] =	ssyncset.done $0x0  }
0x62: {  	s17 =	sadd.s32 $0x27B0, s15;
	[sflag:s23] =	ssyncadd.s32 $0xFFFFF600  }
0x63: {  	[spmem:s1] =	stream.indirect.scatter.add.f32 [tilespmem:s16], [sflag:$0x6], $0x20, s17, s12, $0xb8;
	[tilespmem:$0xCE40] =	vst v63  }
0x64: {  	_ =	swait.ge [sflag:s9], $0xA00  }
0x65: {  	[sflag:s9] =	ssyncset.done $0x0  }
0x66: {  	s17 =	sadd.s32 $0x230, s15;
	[sflag:s9] =	ssyncadd.s32 $0xFFFFF600  }
0x67: {  	[tilespmem:s16], [sflag:$0x3] =	stream.indirect.gather [hbm4b:s3+s12], $0x20, s17, s12, $0xb8;
	[tilespmem:$0xCE40] =	vst v63  }
0x68: {  	_ =	swait.ge [sflag:s24], $0xA00  }
0x69: {  	[sflag:s24] =	ssyncset.done $0x0  }
0x6a: {  	s17 =	sadd.s32 $0x2800, s15;
	[sflag:s24] =	ssyncadd.s32 $0xFFFFF600  }
0x6b: {  	[spmem:s1] =	stream.indirect.scatter.add.f32 [tilespmem:s18], [sflag:$0x6], $0x20, s17, s12, $0xb8;
	[tilespmem:$0xCE40] =	vst v63  }
0x6c: {  	_ =	swait.ge [sflag:s9], $0xA00  }
0x6d: {  	[sflag:s9] =	ssyncset.done $0x0  }
0x6e: {  	s17 =	sadd.s32 $0x280, s15;
	[sflag:s9] =	ssyncadd.s32 $0xFFFFF600  }
0x6f: {  	[tilespmem:s18], [sflag:$0x4] =	stream.indirect.gather [hbm4b:s3+s12], $0x20, s17, s12, $0xb8;
	[tilespmem:$0xCE40] =	vst v63  }
0x70: {  	_ =	swait.ge [sflag:s25], $0xA00  }
0x71: {  	[sflag:s25] =	ssyncset.done $0x0  }
.Ltmp0:
0x72: {  	s17 =	sadd.s32 $0x2850, s15;
	[sflag:s25] =	ssyncadd.s32 $0xFFFFF600;
	(pc) =	sbr.rel @p1 .LBB2_2-.Ltmp0, $4  }
0x73: {  	[spmem:s1] =	stream.indirect.scatter.add.f32 [tilespmem:s20], [sflag:$0x6], $0x20, s17, s12, $0xb8;
	[tilespmem:$0xCE40] =	vst v63  }
0x74: {  	_ =	swait.ge [sflag:s9], $0xA00  }
0x75: {  	[sflag:s9] =	ssyncset.done $0x0  }
0x76: {  	s15 =	sadd.s32 $0x2D0, s15;
	[sflag:s9] =	ssyncadd.s32 $0xFFFFF600  }
0x77: {  	[tilespmem:s20], [sflag:$0x5] =	stream.indirect.gather [hbm4b:s3+s12], $0x20, s15, s12, $0xb8;
	[tilespmem:$0xCE40] =	vst v63  }
0x78: {  	_ =	swait.ge [sflag:s21], $0xA00  }
0x79: {  	[sflag:s21] =	ssyncset.done $0x0  }
0x7a: {  	[sflag:s21] =	ssyncadd.s32 $0xFFFFF600  }
0x7b: {  	[spmem:s1] =	stream.indirect.scatter.add.f32 [tilespmem:s13], [sflag:$0x6], $0x20, s26, s12, $0xb8;
	[tilespmem:$0xCE40] =	vst v63  }
0x7c: {  	_ =	swait.ge [sflag:s9], $0xA00  }
0x7d: {  	[sflag:s9] =	ssyncset.done $0x0  }
0x7e: {  	[sflag:s9] =	ssyncadd.s32 $0xFFFFF600  }
0x7f: {  	_ =	swait.ge [sflag:s22], $0xA00  }
0x80: {  	[sflag:s22] =	ssyncset.done $0x0  }
0x81: {  	[sflag:s22] =	ssyncadd.s32 $0xFFFFF600  }
0x82: {  	[spmem:s1] =	stream.indirect.scatter.add.f32 [tilespmem:s14], [sflag:$0x6], $0x20, s28, s12, $0xb8;
	[tilespmem:$0xCE40] =	vst v63  }
0x83: {  	_ =	swait.ge [sflag:s9], $0xA00  }
0x84: {  	[sflag:s9] =	ssyncset.done $0x0  }
0x85: {  	[sflag:s9] =	ssyncadd.s32 $0xFFFFF600  }
0x86: {  	_ =	swait.ge [sflag:s23], $0xA00  }
0x87: {  	[sflag:s23] =	ssyncset.done $0x0  }
0x88: {  	[sflag:s23] =	ssyncadd.s32 $0xFFFFF600  }
0x89: {  	[spmem:s1] =	stream.indirect.scatter.add.f32 [tilespmem:s16], [sflag:$0x6], $0x20, s29, s12, $0xb8;
	[tilespmem:$0xCE40] =	vst v63  }
0x8a: {  	_ =	swait.ge [sflag:s9], $0xA00  }
0x8b: {  	[sflag:s9] =	ssyncset.done $0x0  }
0x8c: {  	[sflag:s9] =	ssyncadd.s32 $0xFFFFF600  }
0x8d: {  	_ =	swait.ge [sflag:s24], $0xA00  }
0x8e: {  	[sflag:s24] =	ssyncset.done $0x0  }
0x8f: {  	[sflag:s24] =	ssyncadd.s32 $0xFFFFF600  }
0x90: {  	[spmem:s1] =	stream.indirect.scatter.add.f32 [tilespmem:s18], [sflag:$0x6], $0x20, s30, s12, $0xb8;
	[tilespmem:$0xCE40] =	vst v63  }
0x91: {  	_ =	swait.ge [sflag:s9], $0xA00  }
0x92: {  	[sflag:s9] =	ssyncset.done $0x0  }
0x93: {  	[sflag:s9] =	ssyncadd.s32 $0xFFFFF600  }
0x94: {  	_ =	swait.ge [sflag:s25], $0xA00  }
0x95: {  	[sflag:s25] =	ssyncset.done $0x0  }
0x96: {  	[sflag:s25] =	ssyncadd.s32 $0xFFFFF600  }
0x97: {  	[spmem:s1] =	stream.indirect.scatter.add.f32 [tilespmem:s20], [sflag:$0x6], $0x20, s31, s12, $0xb8;
	[tilespmem:$0xCE40] =	vst v63  }
0x98: {  	_ =	swait.ge [sflag:s9], $0xA00  }
0x99: {  	[sflag:s9] =	ssyncset.done $0x0  }
0x9a: {  	s0 =	sadd.s32 $0x1, s0;
	[sflag:s9] =	ssyncadd.s32 $0xFFFFF600  }
0x9b: {  	s10 =	simm.s32 @!p0 $0x1C06;
	p1 =	sne.s32 s0, s8;
	[bflag:$0x0] =	sbarrier.arrive $0xFFFF  }
0x9c: {  	[hbm:s7], [sflag:s10] =	dma.local @!p0 [spmem:s11], $0x9C40  }
.Ltmp1:
0x9d: {  	_ = 	snop;
	(pc) =	sbr.rel @p1 .LBB2_1-.Ltmp1, $4  }
0x9e: {  	s10 =	simm.s32 @!p0 $0x6  }
0x9f: {  	_ =	swait.ge @!p0 [sflag:s10], $0x9C40  }
0xa0: {  	[sflag:s10] =	ssyncset.done @!p0 $0x0  }
0xa1: {  	[sflag:s10] =	ssyncadd.s32 @!p0 $0xFFFF63C0  }
0xa2: {  	_ =	sfence.sel $0x180000  }
0xa3: {  	[bflag:$0x0] =	sbarrier.arrive $0xFFFF  }
0xa4: {  	_ =	strace $0x9000004A  }
0xa5: {  	[bflag:$0x2] =	sbarrier.arrive $0xFFFF  }
0xa6: {  	s0 =	rddreg [dreg:$0x2]  }
0xa7: {  	s0 =	sadd.s32 @!p0 $0x100000, s0  }
0xa8: {  	[sflag:s0] =	ssyncadd.tile.s32 @!p0 $0x1;
	_ =	shalt  }
.Lfunc_end2:
_tile_overlayer_lowered:
.L_overlay_start_2:
0xa9: {  	(tag) =	ssettag $0x2  }
0xaa: {  	s0 =	rddreg [dreg:$0x0];
	s2 =	stileid.u32  }
0xab: {  	s1 =	rddreg [dreg:$0x1];
	p0 =	sne.s32 s2, $0x0  }
0xac: {  	s3 =	rddreg [dreg:$0x2];
	[bflag:$0x3] =	sbarrier.arrive $0xFFFF;
	s2 =	simm.s32 @!p0 $0x1C06  }
0xad: {  	[timem:s3], [sflag:s2] =	dma.local @!p0 [hbm:s0], s1  }
0xae: {  	s0 =	simm.s32 @!p0 $0x6  }
0xaf: {  	_ =	swait.ge @!p0 [sflag:s0], s1  }
0xb0: {  	s1 =	ssub.s32 @!p0 $0x0, s1;
	[sflag:s0] =	ssyncset.done @!p0 $0x0  }
0xb1: {  	[sflag:s0] =	ssyncadd.s32 @!p0 s1  }
0xb2: {  	[bflag:$0x3] =	sbarrier.arrive $0xFFFF  }
0xb3: {  	_ =	shalt  }

// kernel: kernel.14.cloned.1.call-start
scs
__scs_entry_jumppad:
0x0: {  	(pc) =	sbr.rel $0x88, $3  }
0x1: {  	(tag) =	ssettag $0x0;
	lr =	simm.s32 $0x1  }
0x2: {  	[smem:$0x3F98] =	sst lr;
	_ =	strace $0xD0000000  }
0x3: {  	_ = 	snop  }
0x4: {  	_ = 	snop  }
0x5: {  	_ = 	snop  }
0x6: {  	_ = 	snop  }
0x7: {  	_ = 	snop  }
__scs_overlays_trampoline_lowered:
0x8: {  	[smem:$0x3FA7] =	sst s0  }
0x9: {  	[smem:$0x3FA8] =	sst s1  }
0xa: {  	[smem:$0x3FA9] =	sst s2  }
0xb: {  	[smem:$0x3FAA] =	sst s3  }
0xc: {  	[smem:$0x3FAB] =	sst s4  }
0xd: {  	[smem:$0x3FAC] =	sst s5  }
0xe: {  	[smem:$0x3FAD] =	sst s6  }
0xf: {  	[smem:$0x3FAE] =	sst s7  }
0x10: {  	[smem:$0x3FAF] =	sst s8  }
0x11: {  	[smem:$0x3FB0] =	sst s9;
	s0 =	simm.s32 @!p0 $0x0  }
0x12: {  	s1 =	sld [smem:$0x3F96];
	s0 =	simm.s32 @p0 $0x1  }
0x13: {  	[smem:$0x3FB1] =	sst s0;
	s0 =	simm.s32 @!p1 $0x0  }
0x14: {  	s2 =	sld [smem:$0x3F95];
	s0 =	simm.s32 @p1 $0x1  }
0x15: {  	[smem:$0x3FB2] =	sst s0;
	s0 =	simm.s32 @!p2 $0x0  }
0x16: {  	s3 =	sld [smem:$0x3FDB];
	s0 =	simm.s32 @p2 $0x1  }
0x17: {  	s4 =	simm.s32 $0x1BF5;
	[smem:$0x3FB4] =	sst s0  }
0x18: {  	s0 =	sld [smem:$0x3F97];
	_ =	swait.ge [sflag:s4], $0x0  }
0x19: {  	s7 =	sld [smem:$0x3F98]  }
0x1a: {  	s8 =	sadd.s32 $0xFFFFE003, lr  }
0x1b: {  	s9 =	sadd.s32 $0xFFFFFEF7, lr;
	s5 =	simm.s32 $0xFFFFFFFF;
	p2 =	slt.u32 s8, $0xFFFFF086  }
0x1c: {  	p1 =	slt.u32 s9, $0xF7A;
	s5 =	simm.s32 @!p2 $0x0  }
0x1d: {  	s5 =	simm.s32 @p1 $0x1;
	p0 =	seq.s32 s7, s2  }
0x1e: {  	s7 =	smul.u32 @!p0 $0xF7A, s2;
	p2 =	seq.s32 @!p0 s5, $0x0  }
0x1f: {  	s9 =	smul.u32 $0xF7A, s1;
	s8 =	simm.s32 @!p0 $0x1BF5;
	p2 =	por !p2, p0  }
0x20: {  	[sflag:s8] =	ssyncset.s32 @!p0 $0xFFFFF086;
	s6 =	sadd.s32 @!p0 s3, s7;
	s7 =	simm.s32 @!p0 $0x108  }
0x21: {  	s3 =	sadd.s32 s3, s9;
	s6 =	sadd.s32 @!p0 $0x88, s6;
	s7 =	simm.s32 @p2 $0x1082  }
0x22: {  	[simem:s7], [sflag:s8] =	dma.local @!p0 [hbm:s6], $0xF7A  }
0x23: {  	s9 =	sor.u32 $0xD0000000, s2;
	s6 =	simm.s32 $0x108;
	_ =	swait.ge @!p0 [sflag:s8], $0x0  }
0x24: {  	s3 =	sadd.s32 $0x88, s3;
	s6 =	simm.s32 @!p1 $0x1082;
	[sflag:s4] =	ssyncset.s32 $0xFFFFF086  }
0x25: {  	[simem:s6], [sflag:s4] =	dma.local [hbm:s3], $0xF7A  }
0x26: {  	[smem:$0x3F98] =	sst s1;
	(tag) =	ssettag s2;
	_ =	strace s9  }
0x27: {  	s1 =	sld [smem:$0x3FA8]  }
0x28: {  	s2 =	sld [smem:$0x3FA9]  }
0x29: {  	s4 =	sld [smem:$0x3FAB]  }
0x2a: {  	p0 =	seq.s32 s5, $0x0;
	s5 =	sld [smem:$0x3FAC]  }
0x2b: {  	s6 =	sld [smem:$0x3FAD]  }
0x2c: {  	s7 =	sld [smem:$0x3FAE]  }
0x2d: {  	s3 =	simm.s32 $0x108;
	s8 =	sld [smem:$0x3FAF]  }
0x2e: {  	s3 =	simm.s32 @!p0 $0x1082;
	s9 =	sld [smem:$0x3FB0]  }
0x2f: {  	lr =	sadd.s32 s0, s3;
	s0 =	sld [smem:$0x3FA7]  }
0x30: {  	s3 =	sld [smem:$0x3FAA]  }
0x31: {  	[smem:$0x3FB3] =	sst s10  }
0x32: {  	s10 =	sld [smem:$0x3FB1];
	_ =	sdelay $0x3  }
0x33: {  	p0 =	seq.s32 s10, $0x1;
	s10 =	sld [smem:$0x3FB3];
	_ =	sdelay $0x3  }
0x34: {  	[smem:$0x3FB3] =	sst s10  }
0x35: {  	s10 =	sld [smem:$0x3FB2];
	_ =	sdelay $0x3  }
0x36: {  	p1 =	seq.s32 s10, $0x1;
	s10 =	sld [smem:$0x3FB3];
	_ =	sdelay $0x3  }
0x37: {  	[smem:$0x3FB3] =	sst s10  }
0x38: {  	s10 =	sld [smem:$0x3FB4]  }
0x39: {  	_ = 	snop;
	(pc) =	sbr.ind lr, $3  }
0x3a: {  	_ = 	snop  }
0x3b: {  	_ = 	snop  }
0x3c: {  	p2 =	seq.s32 s10, $0x1;
	s10 =	sld [smem:$0x3FB3]  }
0x3d: {  	_ =	shalt  }
0x3e: {  	_ =	shalt  }
0x3f: {  	_ =	shalt  }
0x40: {  	_ =	shalt  }
0x41: {  	_ =	shalt  }
0x42: {  	_ =	shalt  }
0x43: {  	_ =	shalt  }
0x44: {  	_ =	shalt  }
0x45: {  	_ =	shalt  }
0x46: {  	_ =	shalt  }
0x47: {  	_ =	shalt  }
0x48: {  	_ =	shalt  }
0x49: {  	_ =	shalt  }
0x4a: {  	_ =	shalt  }
0x4b: {  	_ =	shalt  }
0x4c: {  	_ =	shalt  }
0x4d: {  	_ =	shalt  }
0x4e: {  	_ =	shalt  }
0x4f: {  	_ =	shalt  }
0x50: {  	_ =	shalt  }
0x51: {  	_ =	shalt  }
0x52: {  	_ =	shalt  }
0x53: {  	_ =	shalt  }
0x54: {  	_ =	shalt  }
0x55: {  	_ =	shalt  }
0x56: {  	_ =	shalt  }
0x57: {  	_ =	shalt  }
0x58: {  	_ =	shalt  }
0x59: {  	_ =	shalt  }
0x5a: {  	_ =	shalt  }
0x5b: {  	_ =	shalt  }
0x5c: {  	_ =	shalt  }
0x5d: {  	_ =	shalt  }
0x5e: {  	_ =	shalt  }
0x5f: {  	_ =	shalt  }
0x60: {  	_ =	shalt  }
0x61: {  	_ =	shalt  }
0x62: {  	_ =	shalt  }
0x63: {  	_ =	shalt  }
0x64: {  	_ =	shalt  }
0x65: {  	_ =	shalt  }
0x66: {  	_ =	shalt  }
0x67: {  	_ =	shalt  }
0x68: {  	_ =	shalt  }
0x69: {  	_ =	shalt  }
0x6a: {  	_ =	shalt  }
0x6b: {  	_ =	shalt  }
0x6c: {  	_ =	shalt  }
0x6d: {  	_ =	shalt  }
0x6e: {  	_ =	shalt  }
0x6f: {  	_ =	shalt  }
0x70: {  	_ =	shalt  }
0x71: {  	_ =	shalt  }
0x72: {  	_ =	shalt  }
0x73: {  	_ =	shalt  }
0x74: {  	_ =	shalt  }
0x75: {  	_ =	shalt  }
0x76: {  	_ =	shalt  }
0x77: {  	_ =	shalt  }
0x78: {  	_ =	shalt  }
0x79: {  	_ =	shalt  }
0x7a: {  	_ =	shalt  }
0x7b: {  	_ =	shalt  }
0x7c: {  	_ =	shalt  }
0x7d: {  	_ =	shalt  }
0x7e: {  	_ =	shalt  }
0x7f: {  	_ =	shalt  }
0x80: {  	_ =	shalt  }
0x81: {  	_ =	shalt  }
0x82: {  	_ =	shalt  }
0x83: {  	_ =	shalt  }
0x84: {  	_ =	shalt  }
0x85: {  	_ =	shalt  }
0x86: {  	_ =	shalt  }
0x87: {  	_ =	shalt  }
.Lfunc_end0:
.L_simem_size_0:
called_computation.2_lowered:
.L_overlay_start_0:
0x88: {  	s2 =	sld [smem:$0x3FD9]  }
0x89: {  	s3 =	sld [smem:$0x3FFE];
	_ =	sdelay $0x1  }
0x8a: {  	s1 =	srdreg.scid  }
0x8b: {  	s0 =	sand.u32 $0x1, s1  }
0x8c: {  	s17 =	sshll.u32 s0, $0xA;
	s2 =	sadd.s32 s3, s2  }
0x8d: {  	s2 =	sadd.s32 s2, s17  }
0x8e: {  	[smem:$0x3FBF] =	sst s2  }
0x8f: {  	_ = 	snop  }
0x90: {  	s2 =	sld [smem:$0x3FD0];
	(tm) =	ssettm $0x1  }
0x91: {  	s18 =	sld [smem:$0x3FFB];
	_ =	sdelay $0x3  }
0x92: {  	_ =	strace s18  }
0x93: {  	s3 =	sld [smem:$0x3FFC];
	_ =	sdelay $0x3  }
0x94: {  	_ =	strace s3  }
0x95: {  	s3 =	sld [smem:$0x3FFD];
	_ =	sdelay $0x3  }
0x96: {  	_ =	strace s3  }
0x97: {  	_ =	strace $0x8FFFFFFF  }
0x98: {  	s19 =	sld [smem:$0x3FDB];
	_ =	sdelay $0x1  }
0x99: {  	s4 =	simm.s32 $_scs_section_size  }
0x9a: {  	s5 =	simm.s32 $_size__tile_overlayer_lowered;
	s6 =	simm.s32 $_tile_overlayer_lowered  }
0x9b: {  	s22 =	simm.s32 $0x1BFF;
	s21 =	sshll.u32 s6, $0x1;
	s3 =	sadd.s32 s4, s19  }
0x9c: {  	s7 =	simm.s32 $0x0;
	s20 =	sshll.u32 s5, $0x1;
	s5 =	sadd.s32 s21, s3  }
0x9d: {  	[timem:s7], [sflag:s22] =	dma.local [hbm:s5], s20  }
0x9e: {  	_ =	swait.ge [sflag:s22], s20  }
0x9f: {  	s4 =	ssub.s32 $0x0, s20;
	[sflag:s22] =	ssyncset.done $0x0  }
0xa0: {  	[sflag:s22] =	ssyncadd.s32 s4;
	_ =	sdelay $0x1  }
0xa1: {  	s23 =	simm.s32 $0x1B8B  }
0xa2: {  	_ =	swait.ge [sflag:s23], $0x1  }
0xa3: {  	[sflag:s23] =	ssyncset.done $0x0  }
0xa4: {  	s25 =	simm.s32 $0x1B8E;
	s24 =	sld [smem:$0x3FFE];
	[sflag:s23] =	ssyncadd.s32 $0xFFFFFFFF  }
0xa5: {  	s26 =	simm.s32 $execute0_lowered;
	[smem:$0x3FD2] =	sst s25  }
0xa6: {  	s5 =	sshll.u32 s26, $0x1;
	_ =	strace $0x8000004C;
	[dreg:$0x1] =	wrdreg $0xFFFFFFFF  }
0xa7: {  	s28 =	simm.s32 $_size_execute0_lowered;
	s3 =	sadd.s32 s3, s5;
	[dreg:$0x0] =	wrdreg $0x0  }
0xa8: {  	s5 =	sshll.u32 s28, $0x1;
	[dreg:$0x2] =	wrdreg s3  }
0xa9: {  	[dreg:$0x3] =	wrdreg s5  }
0xaa: {  	[dreg:$0x4] =	wrdreg $0xC0  }
0xab: {  	_ =	task [dreg:s7], $0x5FFFF  }
0xac: {  	[dreg:$0x1] =	wrdreg $0xFFFFFFFF  }
0xad: {  	[dreg:$0x0] =	wrdreg $0x60  }
0xae: {  	[dreg:$0x2] =	wrdreg s24  }
0xaf: {  	[dreg:$0x3] =	wrdreg s2  }
0xb0: {  	[dreg:$0x4] =	wrdreg $0x9  }
0xb1: {  	_ =	task.clear_ibuf [dreg:s7], $0x5FFFF;
	_ =	strace $0x9000004C  }
0xb2: {  	s29 =	simm.s32 $0x9;
	_ =	strace $0x8000004E  }
0xb3: {  	_ =	swait.ge [sflag:s29], $0x1  }
0xb4: {  	[sflag:s29] =	ssyncadd.s32 $0xFFFFFFFF  }
0xb5: {  	_ =	strace $0x9000004E  }
0xb6: {  	_ =	sfence  }
0xb7: {  	s30 =	sld [smem:$0x0];
	_ =	sdelay $0x2  }
0xb8: {  	s31 =	sshll.u32 s1, $0xD;
	s1 =	sshrl.u32 s1, $0x2  }
0xb9: {  	s3 =	sand.u32 $0x4000, s31;
	s1 =	sadd.s32 s1, s30  }
0xba: {  	s0 =	sor.u32 s3, s0;
	s1 =	sshll.u32 s1, $0x11  }
0xbb: {  	s0 =	sor.u32 s1, s0  }
0xbc: {  	s0 =	sadd.s32 $0x8F2B, s0  }
0xbd: {  	[sflag:s0] =	ssyncadd.remote.s32 $0x1  }
0xbe: {  	_ =	sfence.sel $0xFFFF  }
0xbf: {  	[dreg:$0x0] =	wrdreg $0xFFFFFFFF;
	(pc) =	sbr.abs _section_cstart, $3  }
0xc0: {  	[dreg:$0x1] =	wrdreg $0xFFFFFFFF  }
0xc1: {  	_ =	task.clear_ibuf [dreg:s7], $0x2FFFF;
	_ =	strace $0x9FFFFFFF  }
0xc2: {  	(tm) =	ssettm $0x7FFFFFFF  }
0xc3: {  	_ =	shalt  }
tec
execute0_lowered:
.L_overlay_start_1:
0x0: {  	(tag) =	ssettag $0x1  }
0x1: {  	s0 =	rddreg [dreg:$0x0];
	s1 =	srdreg.scid  }
0x2: {  	s2 =	stileid.u32;
	s3 =	simm.s32 $0x0;
	s12 =	simm.s32 $0xB  }
0x3: {  	s15 =	simm.s32 $0x11620;
	s17 =	simm.s32 $0x50;
	s18 =	simm.s32 $0x4E20  }
0x4: {  	s19 =	simm.s32 $0xB220;
	s14 =	simm.s32 $0x10220;
	s16 =	simm.s32 $0x1  }
0x5: {  	s20 =	simm.s32 $0x6;
	s21 =	simm.s32 $0x2;
	s22 =	simm.s32 $0x7  }
0x6: {  	s23 =	simm.s32 $0x3;
	s24 =	simm.s32 $0x8;
	s28 =	simm.s32 $0x5  }
0x7: {  	s29 =	simm.s32 $0xA;
	s1 =	sand.u32 $0x1, s1;
	s2 =	sshll.u32 s2, $0x1  }
0x8: {  	s31 =	simm.s32 $0x0;
	[smem:$0x7FF] =	sst s3;
	s2 =	sor.u32 s1, s2  }
0x9: {  	s4 =	sadd.s32 $0x2A200, s0;
	s1 =	ssub.s32 $0x2, s1;
	s2 =	smul.u32 $0x4E2, s2  }
0xa: {  	v0 =	vlaneseq.u32;
	s5 =	sadd.s32 $0x16800, s0;
	_ =	strace $0x8000004D;
	s7 =	sshrl.u32 s1, $0x1  }
.Ltmp0:
0xb: {  	v1 =	vmul.u32 $0x40, v0;
	s25 =	ssub.s32 s1, s7;
	s2 =	sadd.s32 s2, s0;
	(pc) =	sbr.rel .LBB2_1-.Ltmp0, $4  }
0xc: {  	s0 =	sadd.s32 $0x3DC00, s0;
	s11 =	smax.u32 s25, $0x1;
	s25 =	simm.s32 $0x4  }
0xd: {  	v2 =	vor.u32 $0x400, v1;
	v3 =	vor.u32 $0x800, v1;
	v4 =	vor.u32 $0xC00, v1;
	[dreg:$0x3] =	wrdreg s0;
	s26 =	sadd.s32 $0xCA00, s2;
	s30 =	sadd.s32 $0x2C00, s2  }
0xe: {  	v5 =	vor.u32 $0x1000, v1;
	v6 =	vor.u32 $0x1400, v1;
	v7 =	vor.u32 $0x1800, v1;
	s9 =	sadd.s32 $0x3E000, s2;
	s10 =	sadd.s32 $0x47E00, s2;
	[dreg:$0x4] =	wrdreg s26  }
0xf: {  	v8 =	vor.u32 $0x1C00, v1;
	v9 =	vor.u32 $0x2000, v1;
	v10 =	vor.u32 $0x2400, v1;
	s0 =	simm.s32 $0x9E20;
	[dreg:$0x5] =	wrdreg s30;
	s26 =	simm.s32 $0x9  }
.LBB2_14:
0x10: {  	s31 =	sadd.s32 $0x1, s31  }
0x11: {  	p0 =	sne.s32 s31, s11  }
.Ltmp1:
0x12: {  	s1 =	simm.s32 $0x13D70;
	(pc) =	sbr.rel @!p0 .LBB2_15-.Ltmp1, $4  }
0x13: {  	[hbm4b:s10+s3] =	stream.linear.scatter [tilespmem:s1], [sflag:$0xB], $0x2710, $0x38;
	[tilespmem:$0x16490] =	vst v63  }
0x14: {  	_ =	swait.ge [sflag:s12], $0x2710  }
0x15: {  	[sflag:s12] =	ssyncset.done $0x0  }
0x16: {  	[sflag:s12] =	ssyncadd.s32 $0xFFFFD8F0  }
.LBB2_1:
0x17: {  	s1 =	rddreg [dreg:$0x4]  }
0x18: {  	[tilespmem:s3], [sflag:$0xB] =	stream.linear.gather [hbm4b:s1+s3], $0x2710, $0x38;
	[tilespmem:$0x16490] =	vst v63  }
0x19: {  	_ =	swait.ge [sflag:s12], $0x2710  }
0x1a: {  	[sflag:s12] =	ssyncset.done $0x0  }
0x1b: {  	s2 =	simm.s32 $0x2710;
	s6 =	rddreg [dreg:$0x5];
	[sflag:s12] =	ssyncadd.s32 $0xFFFFD8F0  }
0x1c: {  	[tilespmem:s2], [sflag:$0xB] =	stream.linear.gather [hbm4b:s6+s3], $0x2710, $0x38;
	[tilespmem:$0x16490] =	vst v63  }
0x1d: {  	_ =	swait.ge [sflag:s12], $0x2710  }
0x1e: {  	[sflag:s12] =	ssyncset.done $0x0  }
0x1f: {  	s7 =	simm.s32 $0x11660;
	[sflag:s12] =	ssyncadd.s32 $0xFFFFD8F0  }
0x20: {  	[tilespmem:s7], [sflag:$0xB] =	stream.linear.gather [hbm4b:s9+s3], $0x2710, $0x38;
	[tilespmem:$0x16490] =	vst v63  }
0x21: {  	_ =	swait.ge [sflag:s12], $0x2710  }
0x22: {  	[sflag:s12] =	ssyncset.done $0x0  }
0x23: {  	[sflag:s12] =	ssyncadd.s32 $0xFFFFD8F0  }
0x24: {  	s8 =	rddreg [dreg:$0x1]  }
0x25: {  	[tilespmem:s15], [sflag:$0xB] =	stream.linear.gather [hbm4b:s8+s3], $0x40, $0x38;
	[tilespmem:$0x16490] =	vst v63  }
0x26: {  	_ =	swait.ge [sflag:s12], $0x40  }
0x27: {  	[sflag:s12] =	ssyncset.done $0x0  }
0x28: {  	s6 =	simm.s32 $0x16480;
	s13 =	rddreg [dreg:$0x3];
	[sflag:s12] =	ssyncadd.s32 $0xFFFFFFC0  }
0x29: {  	[tilespmem:s6], [sflag:$0xB] =	stream.linear.gather [hbm4b:s13+s3], $0x10, $0x38;
	[tilespmem:$0x16490] =	vst v63  }
0x2a: {  	_ =	swait.ge [sflag:s12], $0x10  }
0x2b: {  	[sflag:s12] =	ssyncset.done $0x0  }
0x2c: {  	[sflag:s12] =	ssyncadd.s32 $0xFFFFFFF0  }
0x2d: {  	v11 =	vld [tilespmem:$0x16480];
	[tilespmem:s18], [sflag:$0x1] =	stream.indirect.gather [hbm4b:s4+s17], $0x40, s3, s17, $0xb8  }
0x2e: {  	_ = 	snop  }
0x2f: {  	[tilespmem:s19], [sflag:$0x6] =	stream.indirect.gather [hbm4b:s5+s17], $0x40, s2, s17, $0xb8;
	[tilespmem:$0x16490] =	vst v63  }
0x30: {  	s30 =	simm.s32 $0x6220  }
0x31: {  	[tilespmem:s30], [sflag:$0x2] =	stream.indirect.gather [hbm4b:s4+s17], $0x40, s17, s17, $0xb8;
	[tilespmem:$0x16490] =	vst v63  }
0x32: {  	s6 =	simm.s32 $0xC620;
	s2 =	simm.s32 $0x2760  }
0x33: {  	[tilespmem:s6], [sflag:$0x7] =	stream.indirect.gather [hbm4b:s5+s17], $0x40, s2, s17, $0xb8;
	[tilespmem:$0x16490] =	vst v63  }
0x34: {  	s7 =	simm.s32 $0xA0;
	s8 =	simm.s32 $0x7620  }
0x35: {  	[tilespmem:s8], [sflag:$0x3] =	stream.indirect.gather [hbm4b:s4+s17], $0x40, s7, s17, $0xb8;
	[tilespmem:$0x16490] =	vst v63  }
0x36: {  	s13 =	simm.s32 $0x27B0;
	s30 =	simm.s32 $0xDA20  }
0x37: {  	[tilespmem:s30], [sflag:$0x8] =	stream.indirect.gather [hbm4b:s5+s17], $0x40, s13, s17, $0xb8;
	[tilespmem:$0x16490] =	vst v63  }
0x38: {  	s2 =	simm.s32 $0xF0;
	s6 =	simm.s32 $0x8A20  }
0x39: {  	[tilespmem:s6], [sflag:$0x4] =	stream.indirect.gather [hbm4b:s4+s17], $0x40, s2, s17, $0xb8;
	[tilespmem:$0x16490] =	vst v63  }
0x3a: {  	s7 =	simm.s32 $0x2800;
	s8 =	simm.s32 $0xEE20  }
0x3b: {  	[tilespmem:s8], [sflag:$0x9] =	stream.indirect.gather [hbm4b:s5+s17], $0x40, s7, s17, $0xb8;
	[tilespmem:$0x16490] =	vst v63  }
0x3c: {  	s13 =	simm.s32 $0x140  }
0x3d: {  	[tilespmem:s0], [sflag:$0x5] =	stream.indirect.gather [hbm4b:s4+s17], $0x40, s13, s17, $0xb8;
	[tilespmem:$0x16490] =	vst v63  }
0x3e: {  	s1 =	simm.s32 $0x0;
	s30 =	simm.s32 $0x2850  }
0x3f: {  	[tilespmem:s14], [sflag:$0xA] =	stream.indirect.gather [hbm4b:s5+s17], $0x40, s30, s17, $0xb8;
	[tilespmem:$0x16490] =	vst v63  }
.LBB2_2:
0x40: {  	s2 =	simm.s32 $0x0  }
0x41: {  	_ =	swait.ge [sflag:s16], $0x1400;
	s7 =	simm.s32 $0x2;
	v12 =	vadd.s32 s2, v0  }
0x42: {  	[sflag:s16] =	ssyncset.done $0x0;
	v13 =	vand.u32 $0x3F, v12;
	v12 =	vadd.s32 s7, v0  }
0x43: {  	[sflag:s16] =	ssyncadd.s32 $0xFFFFEC00;
	v17 =	vand.u32 $0x3F, v12  }
0x44: {  	_ =	swait.ge [sflag:s20], $0x1400;
	v20 =	vor.u32 v1, v13  }
0x45: {  	v19 =	vor.u32 v2, v13;
	[sflag:s20] =	ssyncset.done $0x0  }
0x46: {  	s13 =	simm.s32 $0x1;
	[sflag:s20] =	ssyncadd.s32 $0xFFFFEC00  }
0x47: {  	v28 =	vadd.s32 s13, v0;
	v26 =	vor.u32 v3, v13;
	v30 =	vld.idx.msk [tilespmem:v13+s15+$0x0], $0xffff  }
0x48: {  	v28 =	vand.u32 $0x3F, v28;
	v12 =	vld.idx.msk [tilespmem:v17+s15+$0x0], $0xffff  }
0x49: {  	v34 =	vor.u32 v1, v28;
	v23 =	vld.idx.msk [tilespmem:v20+s18+$0x0], $0xffff  }
0x4a: {  	v35 =	vor.u32 v3, v28;
	v31 =	vld.idx.msk [tilespmem:v19+s19+$0x0], $0xffff  }
0x4b: {  	v32 =	vld.idx.msk [tilespmem:v19+s18+$0x0], $0xffff  }
0x4c: {  	v38 =	vor.u32 v2, v28;
	v33 =	vld.idx.msk [tilespmem:v26+s19+$0x0], $0xffff  }
0x4d: {  	v26 =	vld.idx.msk [tilespmem:v26+s18+$0x0], $0xffff  }
0x4e: {  	v41 =	vor.u32 v4, v28;
	v40 =	vld.idx.msk [tilespmem:v34+s19+$0x0], $0xffff  }
0x4f: {  	v42 =	vld.idx.msk [tilespmem:v35+s19+$0x0], $0xffff  }
0x50: {  	v16 =	vor.u32 v4, v17;
	v43 =	vld.idx.msk [tilespmem:v35+s18+$0x0], $0xffff  }
0x51: {  	v52 =	vld.idx.msk [tilespmem:v38+s19+$0x0], $0xffff  }
0x52: {  	v18 =	vor.u32 v1, v17;
	v53 =	vld.idx.msk [tilespmem:v38+s18+$0x0], $0xffff  }
0x53: {  	v55 =	vld.idx.msk [tilespmem:v41+s19+$0x0], $0xffff  }
0x54: {  	v44 =	vor.u32 v5, v17;
	v20 =	vld.idx.msk [tilespmem:v20+s19+$0x0], $0xffff  }
0x55: {  	v22 =	vld.idx.msk [tilespmem:v16+s19+$0x0], $0xffff  }
0x56: {  	v19 =	vor.u32 v5, v13;
	v25 =	vld.idx.msk [tilespmem:v16+s18+$0x0], $0xffff  }
0x57: {  	v27 =	vld.idx.msk [tilespmem:v18+s19+$0x0], $0xffff  }
0x58: {  	v29 =	vld.idx.msk [tilespmem:v18+s18+$0x0], $0xffff;
	v18 =	vor.u32 v4, v13  }
0x59: {  	v60 =	vld.idx.msk [tilespmem:v44+s18+$0x0], $0xffff  }
0x5a: {  	s8 =	simm.s32 $0x3;
	v44 =	vld.idx.msk [tilespmem:v44+s19+$0x0], $0xffff  }
0x5b: {  	v14 =	vadd.s32 s8, v0;
	v37 =	vld.idx.msk [tilespmem:v19+s19+$0x0], $0xffff  }
0x5c: {  	v14 =	vand.u32 $0x3F, v14;
	v21 =	vor.u32 v2, v17;
	v39 =	vld.idx.msk [tilespmem:v19+s18+$0x0], $0xffff  }
0x5d: {  	v24 =	vor.u32 v2, v14;
	v31 =	vadd.f32 v31, v32;
	v36 =	vld.idx.msk [tilespmem:v18+s19+$0x0], $0xffff  }
0x5e: {  	v51 =	vor.u32 v3, v17;
	v26 =	vadd.f32 v33, v26;
	v20 =	vadd.f32 v20, v23;
	v18 =	vld.idx.msk [tilespmem:v18+s18+$0x0], $0xffff  }
0x5f: {  	v13 =	vld.idx.msk [tilespmem:v28+s15+$0x0], $0xffff;
	v28 =	vor.u32 v5, v28;
	v42 =	vadd.f32 v42, v43;
	v22 =	vadd.f32 v22, v25  }
0x60: {  	v19 =	vimm.f32 $0.0e+00;
	v25 =	vld.idx.msk [tilespmem:v34+s18+$0x0], $0xffff;
	v27 =	vadd.f32 v27, v29;
	v34 =	vadd.f32 v52, v53  }
0x61: {  	v15 =	vld.idx.msk [tilespmem:v21+s19+$0x0], $0xffff;
	v29 =	vor.u32 v3, v14;
	v17 =	vmax.f32 v22, $0.0e+00;
	v22 =	vadd.f32 v37, v39  }
0x62: {  	v38 =	vld.idx.msk [tilespmem:v21+s18+$0x0], $0xffff;
	v21 =	vadd.f32 v44, v60;
	v31 =	vmax.f32 v31, $0.0e+00;
	v26 =	vmax.f32 v26, $0.0e+00  }
0x63: {  	v54 =	vadd.f32 v36, v18;
	v18 =	vmul.f32 v17, v12;
	v17 =	vmax.f32 v22, $0.0e+00;
	v22 =	vld.idx.msk [tilespmem:v41+s18+$0x0], $0xffff  }
0x64: {  	v58 =	vld.idx.msk [tilespmem:v28+s18+$0x0], $0xffff;
	v20 =	vmax.f32 v20, $0.0e+00;
	v42 =	vmax.f32 v42, $0.0e+00;
	v31 =	vmul.f32 v31, v30  }
0x65: {  	v59 =	vld.idx.msk [tilespmem:v28+s19+$0x0], $0xffff;
	v56 =	vmul.f32 v26, v30;
	v27 =	vmax.f32 v27, $0.0e+00;
	v25 =	vadd.f32 v40, v25  }
0x66: {  	v23 =	vmul.f32 v27, v12;
	v37 =	vmax.f32 v34, $0.0e+00;
	v32 =	vmax.f32 v54, $0.0e+00  }
0x67: {  	v16 =	vld.idx.msk [tilespmem:v24+s19+$0x0], $0xffff;
	v25 =	vmax.f32 v25, $0.0e+00;
	v57 =	vmul.f32 v32, v30;
	v32 =	vor.u32 v1, v14  }
0x68: {  	v35 =	vld.idx.msk [tilespmem:v51+s19+$0x0], $0xffff;
	v26 =	vmul.f32 v25, v13;
	v25 =	vor.u32 v4, v14;
	v33 =	vadd.f32 v55, v22  }
0x69: {  	v27 =	vld.idx.msk [tilespmem:v24+s18+$0x0], $0xffff;
	v28 =	vadd.f32 v56, v19;
	v62 =	vadd.f32 v31, v19;
	v37 =	vmul.f32 v37, v13  }
0x6a: {  	v34 =	vld.idx.msk [tilespmem:v51+s18+$0x0], $0xffff;
	v40 =	vadd.f32 v59, v58;
	v17 =	vmul.f32 v17, v30;
	v33 =	vmax.f32 v33, $0.0e+00  }
0x6b: {  	v36 =	vld.idx.msk [tilespmem:v29+s18+$0x0], $0xffff;
	v61 =	vadd.f32 v57, v19;
	v22 =	vor.u32 v5, v14;
	v63 =	vmul.f32 v33, v13  }
0x6c: {  	v39 =	vmul.f32 v20, v30;
	v30 =	vmax.f32 v40, $0.0e+00;
	v17 =	vadd.f32 v17, v19;
	v31 =	vld.idx.msk [tilespmem:v32+s18+$0x0], $0xffff  }
0x6d: {  	s30 =	simm.s32 $0x4;
	v24 =	vld.idx.msk [tilespmem:v25+s18+$0x0], $0xffff;
	v33 =	vadd.f32 v37, v62;
	v37 =	vmul.f32 v42, v13;
	v20 =	vadd.f32 v63, v61  }
.LBB2_3:
0x6e: {  	s13 =	sadd.s32 $0x2, s30  }
0x6f: {  	v40 =	vadd.s32 s30, v0;
	s6 =	sadd.s32 $0x3, s30;
	v19 =	vadd.f32 v39, v19;
	v37 =	vadd.f32 v37, v28;
	v39 =	vld.idx.msk [tilespmem:v29+s19+$0x0], $0xffff;
	s7 =	smov.u32 s30;
	s2 =	sadd.s32 $0x4, s30  }
0x70: {  	p0 =	slt.u32 s30, $0x3C;
	v34 =	vadd.f32 v35, v34;
	v40 =	vand.u32 $0x3F, v40;
	v28 =	vadd.s32 s13, v0;
	v35 =	vld.idx.msk [tilespmem:v22+s18+$0x0], $0xffff  }
0x71: {  	v16 =	vadd.f32 v16, v27;
	v29 =	vor.u32 v1, v40;
	v41 =	vand.u32 $0x3F, v28;
	v42 =	vld.idx.msk [tilespmem:v22+s19+$0x0], $0xffff  }
0x72: {  	v18 =	vadd.f32 v18, v20;
	v22 =	vor.u32 v3, v41;
	v43 =	vor.u32 v4, v41;
	v44 =	vld.idx.msk [tilespmem:v14+s15+$0x0], $0xffff  }
0x73: {  	v45 =	vor.u32 v2, v40;
	v46 =	vor.u32 v1, v41;
	v15 =	vadd.f32 v15, v38;
	v32 =	vld.idx.msk [tilespmem:v32+s19+$0x0], $0xffff  }
0x74: {  	v20 =	vor.u32 v2, v41;
	v28 =	vor.u32 v5, v41;
	v14 =	vmax.f32 v21, $0.0e+00;
	v25 =	vld.idx.msk [tilespmem:v25+s19+$0x0], $0xffff  }
0x75: {  	v27 =	vadd.s32 s6, v0;
	v38 =	vor.u32 v3, v40;
	v47 =	vmul.f32 v14, v12;
	v21 =	vld.idx.msk [tilespmem:v40+s15+$0x0], $0xffff  }
0x76: {  	v34 =	vmax.f32 v34, $0.0e+00;
	v14 =	vand.u32 $0x3F, v27;
	v48 =	vmax.f32 v15, $0.0e+00;
	v41 =	vld.idx.msk [tilespmem:v41+s15+$0x0], $0xffff  }
0x77: {  	v49 =	vor.u32 v4, v40;
	v27 =	vor.u32 v2, v14;
	v36 =	vadd.f32 v39, v36;
	v50 =	vld.idx.msk [tilespmem:v43+s19+$0x0], $0xffff  }
0x78: {  	v13 =	vmul.f32 v30, v13;
	s6 =	sadd.s32 $0x1, s7;
	v30 =	vmax.f32 v16, $0.0e+00;
	v16 =	vadd.f32 v42, v35;
	v39 =	vld.idx.msk [tilespmem:v29+s18+$0x0], $0xffff  }
0x79: {  	v35 =	vor.u32 v5, v40;
	v40 =	vadd.s32 s6, v0;
	v42 =	vmul.f32 v48, v12;
	v15 =	vld.idx.msk [tilespmem:v20+s19+$0x0], $0xffff  }
0x7a: {  	v19 =	vadd.f32 v26, v19;
	v26 =	vmax.f32 v36, $0.0e+00;
	v40 =	vand.u32 $0x3F, v40;
	v43 =	vld.idx.msk [tilespmem:v43+s18+$0x0], $0xffff  }
0x7b: {  	v36 =	vor.u32 v1, v40;
	v33 =	vadd.f32 v42, v33;
	v42 =	vmax.f32 v16, $0.0e+00;
	v48 =	vld.idx.msk [tilespmem:v46+s19+$0x0], $0xffff  }
0x7c: {  	v13 =	vadd.f32 v13, v17;
	v17 =	vmul.f32 v30, v44;
	v24 =	vadd.f32 v25, v24;
	v16 =	vld.idx.msk [tilespmem:v27+s19+$0x0], $0xffff  }
0x7d: {  	v34 =	vmul.f32 v34, v12;
	v31 =	vadd.f32 v32, v31;
	v25 =	vor.u32 v2, v40;
	v30 =	vld.idx.msk [tilespmem:v46+s18+$0x0], $0xffff  }
0x7e: {  	v13 =	vadd.f32 v47, v13;
	v42 =	vmul.f32 v42, v44;
	v24 =	vmax.f32 v24, $0.0e+00;
	v12 =	vmovc v41;
	v32 =	vld.idx.msk [tilespmem:v45+s19+$0x0], $0xffff  }
0x7f: {  	v33 =	vadd.f32 v17, v33;
	v17 =	vmul.f32 v26, v44;
	v41 =	vld.idx.msk [tilespmem:v45+s18+$0x0], $0xffff;
	v45 =	vor.u32 v3, v40  }
0x80: {  	v19 =	vadd.f32 v23, v19;
	v23 =	vmax.f32 v31, $0.0e+00;
	v24 =	vmul.f32 v24, v44;
	v26 =	vld.idx.msk [tilespmem:v38+s19+$0x0], $0xffff  }
0x81: {  	v34 =	vadd.f32 v34, v37;
	v37 =	vadd.f32 v42, v13;
	v31 =	vld.idx.msk [tilespmem:v38+s18+$0x0], $0xffff;
	v38 =	vor.u32 v4, v40  }
0x82: {  	v23 =	vmul.f32 v23, v44;
	v24 =	vadd.f32 v24, v18;
	v42 =	vadd.f32 v50, v43;
	v13 =	vld.idx.msk [tilespmem:v40+s15+$0x0], $0xffff  }
0x83: {  	v34 =	vadd.f32 v17, v34;
	v40 =	vor.u32 v5, v40;
	v43 =	vld.idx.msk [tilespmem:v49+s19+$0x0], $0xffff  }
0x84: {  	v19 =	vadd.f32 v23, v19;
	v18 =	vmax.f32 v42, $0.0e+00;
	v17 =	vld.idx.msk [tilespmem:v49+s18+$0x0], $0xffff  }
0x85: {  	v18 =	vmul.f32 v18, v12;
	v23 =	vadd.f32 v32, v41;
	v32 =	vld.idx.msk [tilespmem:v35+s19+$0x0], $0xffff  }
0x86: {  	v35 =	vld.idx.msk [tilespmem:v35+s18+$0x0], $0xffff  }
0x87: {  	v23 =	vmax.f32 v23, $0.0e+00;
	v26 =	vadd.f32 v26, v31;
	v31 =	vld.idx.msk [tilespmem:v36+s19+$0x0], $0xffff  }
0x88: {  	v41 =	vmul.f32 v23, v21;
	v42 =	vld.idx.msk [tilespmem:v45+s19+$0x0], $0xffff  }
0x89: {  	v23 =	vmax.f32 v26, $0.0e+00;
	v44 =	vld.idx.msk [tilespmem:v45+s18+$0x0], $0xffff  }
0x8a: {  	v23 =	vmul.f32 v23, v21;
	v17 =	vadd.f32 v43, v17;
	v26 =	vld.idx.msk [tilespmem:v36+s18+$0x0], $0xffff  }
0x8b: {  	v36 =	vld.idx.msk [tilespmem:v25+s19+$0x0], $0xffff  }
0x8c: {  	v17 =	vmax.f32 v17, $0.0e+00;
	v32 =	vadd.f32 v32, v35;
	v25 =	vld.idx.msk [tilespmem:v25+s18+$0x0], $0xffff  }
0x8d: {  	v35 =	vmul.f32 v17, v21;
	v43 =	vld.idx.msk [tilespmem:v38+s19+$0x0], $0xffff  }
0x8e: {  	v17 =	vmax.f32 v32, $0.0e+00;
	v38 =	vld.idx.msk [tilespmem:v38+s18+$0x0], $0xffff  }
0x8f: {  	v17 =	vmul.f32 v17, v21;
	v45 =	vld.idx.msk [tilespmem:v29+s19+$0x0], $0xffff  }
0x90: {  	v26 =	vadd.f32 v31, v26;
	v46 =	vld.idx.msk [tilespmem:v40+s18+$0x0], $0xffff  }
0x91: {  	v30 =	vadd.f32 v48, v30;
	v32 =	vor.u32 v1, v14;
	v17 =	vadd.f32 v17, v37;
	v37 =	vld.idx.msk [tilespmem:v40+s19+$0x0], $0xffff  }
0x92: {  	v29 =	vor.u32 v3, v14;
	v26 =	vmax.f32 v26, $0.0e+00;
	v31 =	vadd.f32 v36, v25;
	v36 =	vld.idx.msk [tilespmem:v28+s18+$0x0], $0xffff  }
0x93: {  	v30 =	vmax.f32 v30, $0.0e+00;
	v25 =	vor.u32 v4, v14;
	v26 =	vmul.f32 v26, v13;
	v40 =	vld.idx.msk [tilespmem:v28+s19+$0x0], $0xffff  }
0x94: {  	v47 =	vadd.f32 v35, v24;
	v28 =	vadd.f32 v23, v34;
	v24 =	vmax.f32 v31, $0.0e+00;
	v34 =	vld.idx.msk [tilespmem:v22+s18+$0x0], $0xffff  }
0x95: {  	v38 =	vadd.f32 v43, v38;
	v23 =	vmul.f32 v30, v12;
	v39 =	vadd.f32 v45, v39;
	v35 =	vld.idx.msk [tilespmem:v22+s19+$0x0], $0xffff  }
.Ltmp2:
0x96: {  	v30 =	vadd.f32 v41, v33;
	v33 =	vadd.f32 v42, v44;
	v22 =	vor.u32 v5, v14;
	v31 =	vld.idx.msk [tilespmem:v32+s18+$0x0], $0xffff;
	(pc) =	sbr.rel @p0 .LBB2_3-.Ltmp2, $4  }
0x97: {  	v41 =	vmul.f32 v24, v13;
	v24 =	vmax.f32 v38, $0.0e+00;
	v42 =	vadd.f32 v37, v46;
	v27 =	vld.idx.msk [tilespmem:v27+s18+$0x0], $0xffff  }
0x98: {  	v38 =	vmax.f32 v33, $0.0e+00;
	v37 =	vmax.f32 v39, $0.0e+00;
	v43 =	vmul.f32 v24, v13;
	v24 =	vld.idx.msk [tilespmem:v25+s18+$0x0], $0xffff  }
0x99: {  	v33 =	vadd.f32 v41, v30;
	v39 =	vmul.f32 v37, v21;
	v37 =	vmul.f32 v38, v13;
	v38 =	vld.idx.msk [tilespmem:v20+s18+$0x0], $0xffff  }
0x9a: {  	s30 =	smov.u32 s2;
	v30 =	vmax.f32 v42, $0.0e+00;
	v21 =	vadd.f32 v40, v36;
	v20 =	vadd.f32 v43, v47;
	v36 =	vld.idx.msk [tilespmem:v29+s18+$0x0], $0xffff  }
0x9b: {  	_ =	sdelay $0x3  }
0x9c: {  	v32 =	vld.idx.msk [tilespmem:v32+s19+$0x0], $0xffff;
	_ =	sdelay $0x2  }
0x9d: {  	v14 =	vld.idx.msk [tilespmem:v14+s15+$0x0], $0xffff  }
0x9e: {  	v19 =	vadd.f32 v39, v19  }
0x9f: {  	v31 =	vadd.f32 v32, v31  }
0xa0: {  	v19 =	vadd.f32 v26, v19  }
0xa1: {  	s2 =	smul.u32 $0x190, s1;
	v26 =	vmax.f32 v31, $0.0e+00  }
0xa2: {  	v19 =	vadd.f32 v23, v19;
	v23 =	vmul.f32 v26, v14  }
0xa3: {  	v26 =	vld [tilespmem:s2+$0x11660]  }
0xa4: {  	v19 =	vadd.f32 v23, v19;
	_ =	sdelay $0x1  }
0xa5: {  	v19 =	vadd.f32 v19, v11;
	_ =	sdelay $0x1  }
0xa6: {  	v19 =	vadd.f32 v26, v19;
	_ =	sdelay $0x1  }
0xa7: {  	v15 =	vadd.f32 v15, v38;
	v19 =	vsub.f32 $0.0e+00, v19;
	_ =	sdelay $0x1  }
0xa8: {  	v16 =	vadd.f32 v16, v27;
	v15 =	vmax.f32 v15, $0.0e+00;
	v19 =	vmul.f32 $1.442695020e+00, v19  }
0xa9: {  	v15 =	vmul.f32 v15, v12  }
0xaa: {  	v16 =	vmax.f32 v16, $0.0e+00;
	(erf) = vpow2.f32 v19  }
0xab: {  	v16 =	vmul.f32 v16, v14;
	v15 =	vadd.f32 v15, v33  }
0xac: {  	v19 =	vld [tilespmem:s2+$0x11670]  }
0xad: {  	v15 =	vadd.f32 v16, v15;
	_ =	sdelay $0x1  }
0xae: {  	v15 =	vadd.f32 v15, v11  }
0xaf: {  	v16 =	vld.idx.msk [tilespmem:v29+s19+$0x0], $0xffff  }
0xb0: {  	v15 =	vadd.f32 v19, v15;
	_ =	sdelay $0x1  }
0xb1: {  	v19 =	vadd.f32 v35, v34;
	v15 =	vsub.f32 $0.0e+00, v15;
	v23 =	vpop (erf)  }
0xb2: {  	v23 =	vadd.f32 $1.000000000e+00, v23  }
0xb3: {  	v16 =	vadd.f32 v16, v36;
	v19 =	vmax.f32 v19, $0.0e+00;
	v15 =	vmul.f32 $1.442695020e+00, v15  }
0xb4: {  	v26 =	vadd.f32 v37, v28;
	v19 =	vmul.f32 v19, v12;
	(erf) = vrcp.f32 v23  }
0xb5: {  	v16 =	vmax.f32 v16, $0.0e+00;
	(erf) = vpow2.f32 v15  }
0xb6: {  	v15 =	vmul.f32 v16, v14;
	v16 =	vadd.f32 v19, v26  }
0xb7: {  	v19 =	vld [tilespmem:s2+$0x11680]  }
0xb8: {  	v15 =	vadd.f32 v15, v16;
	_ =	sdelay $0x1  }
0xb9: {  	v15 =	vadd.f32 v15, v11  }
0xba: {  	v16 =	vld.idx.msk [tilespmem:v25+s19+$0x0], $0xffff  }
0xbb: {  	v15 =	vadd.f32 v19, v15  }
0xbc: {  	v19 =	vpop (erf)  }
0xbd: {  	v15 =	vsub.f32 $0.0e+00, v15;
	v23 =	vpop (erf)  }
0xbe: {  	v23 =	vadd.f32 $1.000000000e+00, v23  }
0xbf: {  	v16 =	vadd.f32 v16, v24;
	v15 =	vmul.f32 $1.442695020e+00, v15  }
0xc0: {  	(erf) = vrcp.f32 v23  }
0xc1: {  	v16 =	vmax.f32 v16, $0.0e+00;
	(erf) = vpow2.f32 v15  }
0xc2: {  	v16 =	vmul.f32 v16, v14;
	v15 =	vadd.f32 v18, v20  }
0xc3: {  	v18 =	vld [tilespmem:s2+$0x11690]  }
0xc4: {  	v15 =	vadd.f32 v16, v15;
	_ =	sdelay $0x1  }
0xc5: {  	v20 =	vld.idx.msk [tilespmem:v22+s19+$0x0], $0xffff;
	v15 =	vadd.f32 v15, v11  }
0xc6: {  	v16 =	vld.idx.msk [tilespmem:v22+s18+$0x0], $0xffff  }
0xc7: {  	v15 =	vadd.f32 v18, v15  }
0xc8: {  	v18 =	vpop (erf)  }
0xc9: {  	v15 =	vsub.f32 $0.0e+00, v15;
	v22 =	vpop (erf)  }
0xca: {  	v13 =	vmul.f32 v30, v13;
	v22 =	vadd.f32 $1.000000000e+00, v22  }
0xcb: {  	v21 =	vmax.f32 v21, $0.0e+00;
	v16 =	vadd.f32 v20, v16;
	v15 =	vmul.f32 $1.442695020e+00, v15  }
0xcc: {  	v13 =	vadd.f32 v13, v17;
	v12 =	vmul.f32 v21, v12;
	(erf) = vrcp.f32 v22  }
0xcd: {  	v16 =	vmax.f32 v16, $0.0e+00;
	(erf) = vpow2.f32 v15  }
0xce: {  	v12 =	vadd.f32 v12, v13;
	v13 =	vmul.f32 v16, v14  }
0xcf: {  	v14 =	vld [tilespmem:s2+$0x116A0]  }
0xd0: {  	v12 =	vadd.f32 v13, v12;
	_ =	sdelay $0x1  }
0xd1: {  	v12 =	vadd.f32 v12, v11;
	_ =	sdelay $0x1  }
0xd2: {  	v12 =	vadd.f32 v14, v12  }
0xd3: {  	v13 =	vpop (erf)  }
0xd4: {  	v12 =	vsub.f32 $0.0e+00, v12;
	v14 =	vpop (erf)  }
0xd5: {  	v14 =	vadd.f32 $1.000000000e+00, v14  }
0xd6: {  	v12 =	vmul.f32 $1.442695020e+00, v12  }
0xd7: {  	(erf) = vrcp.f32 v14  }
0xd8: {  	(erf) = vpow2.f32 v12;
	_ =	sdelay $0x7  }
0xd9: {  	v12 =	vpop (erf)  }
0xda: {  	v14 =	vpop (erf)  }
0xdb: {  	v14 =	vadd.f32 $1.000000000e+00, v14;
	_ =	sdelay $0x1  }
0xdc: {  	(erf) = vrcp.f32 v14;
	_ =	sdelay $0x5  }
0xdd: {  	[tilespmem:s2+$0x13D70] =	vst v19  }
0xde: {  	[tilespmem:s2+$0x13D80] =	vst v18  }
0xdf: {  	[tilespmem:s2+$0x13D90] =	vst v13  }
0xe0: {  	p0 =	seq.s32 s1, $0x18;
	[tilespmem:s2+$0x13DA0] =	vst v12;
	v12 =	vpop (erf)  }
0xe1: {  	s7 =	simm.s32 @!p0 $0x50;
	s13 =	simm.s32 @!p0 $0x4E20;
	s6 =	sadd.s32 @!p0 $0x190, s2;
	[tilespmem:s2+$0x13DB0] =	vst v12  }
0xe2: {  	[tilespmem:s13], [sflag:$0x1] =	stream.indirect.gather @!p0 [hbm4b:s4+s7], $0x40, s6, s7, $0xb8;
	[tilespmem:$0x16490] =	vst v63  }
0xe3: {  	s6 =	sadd.s32 @!p0 $0x28A0, s2;
	s13 =	simm.s32 @!p0 $0xB220  }
0xe4: {  	[tilespmem:s13], [sflag:$0x6] =	stream.indirect.gather @!p0 [hbm4b:s5+s7], $0x40, s6, s7, $0xb8;
	[tilespmem:$0x16490] =	vst v63  }
0xe5: {  	s13 =	simm.s32 $0x0  }
0xe6: {  	s7 =	simm.s32 $0x2;
	_ =	swait.ge [sflag:s21], $0x1400;
	v12 =	vadd.s32 s13, v0  }
0xe7: {  	[sflag:s21] =	ssyncset.done $0x0;
	v13 =	vand.u32 $0x3F, v12;
	v12 =	vadd.s32 s7, v0  }
0xe8: {  	[sflag:s21] =	ssyncadd.s32 $0xFFFFEC00;
	v17 =	vand.u32 $0x3F, v12  }
0xe9: {  	v20 =	vor.u32 v6, v13;
	_ =	swait.ge [sflag:s22], $0x1400  }
0xea: {  	v19 =	vor.u32 v7, v13;
	[sflag:s22] =	ssyncset.done $0x0  }
0xeb: {  	[sflag:s22] =	ssyncadd.s32 $0xFFFFEC00  }
0xec: {  	v26 =	vor.u32 v8, v13;
	v30 =	vld.idx.msk [tilespmem:v13+s15+$0x0], $0xffff  }
0xed: {  	v12 =	vld.idx.msk [tilespmem:v17+s15+$0x0], $0xffff  }
0xee: {  	v23 =	vld.idx.msk [tilespmem:v20+s18+$0x0], $0xffff  }
0xef: {  	v16 =	vor.u32 v9, v17;
	v31 =	vld.idx.msk [tilespmem:v19+s19+$0x0], $0xffff  }
0xf0: {  	s8 =	simm.s32 $0x3;
	v21 =	vor.u32 v7, v17;
	v59 =	vld.idx.msk [tilespmem:v19+s18+$0x0], $0xffff  }
0xf1: {  	v14 =	vadd.s32 s8, v0;
	v60 =	vld.idx.msk [tilespmem:v26+s19+$0x0], $0xffff  }
0xf2: {  	v14 =	vand.u32 $0x3F, v14;
	v18 =	vor.u32 v6, v17;
	v26 =	vld.idx.msk [tilespmem:v26+s18+$0x0], $0xffff  }
0xf3: {  	v24 =	vor.u32 v7, v14;
	s13 =	simm.s32 $0x1;
	v20 =	vld.idx.msk [tilespmem:v20+s19+$0x0], $0xffff  }
0xf4: {  	v28 =	vadd.s32 s13, v0;
	v22 =	vld.idx.msk [tilespmem:v16+s19+$0x0], $0xffff  }
0xf5: {  	v28 =	vand.u32 $0x3F, v28;
	v15 =	vld.idx.msk [tilespmem:v21+s19+$0x0], $0xffff  }
0xf6: {  	v62 =	vor.u32 v8, v28;
	v25 =	vld.idx.msk [tilespmem:v16+s18+$0x0], $0xffff  }
0xf7: {  	v27 =	vld.idx.msk [tilespmem:v18+s19+$0x0], $0xffff  }
0xf8: {  	v49 =	vor.u32 v7, v28;
	v16 =	vld.idx.msk [tilespmem:v24+s19+$0x0], $0xffff  }
0xf9: {  	v29 =	vld.idx.msk [tilespmem:v18+s18+$0x0], $0xffff  }
0xfa: {  	v19 =	vor.u32 v10, v13;
	v18 =	vor.u32 v9, v13;
	v13 =	vld.idx.msk [tilespmem:v28+s15+$0x0], $0xffff  }
0xfb: {  	v42 =	vld.idx.msk [tilespmem:v62+s19+$0x0], $0xffff  }
0xfc: {  	v43 =	vld.idx.msk [tilespmem:v62+s18+$0x0], $0xffff  }
0xfd: {  	v52 =	vld.idx.msk [tilespmem:v49+s19+$0x0], $0xffff  }
0xfe: {  	v61 =	vor.u32 v6, v28;
	v53 =	vld.idx.msk [tilespmem:v49+s18+$0x0], $0xffff  }
0xff: {  	v48 =	vld.idx.msk [tilespmem:v19+s19+$0x0], $0xffff  }
0x100: {  	v41 =	vor.u32 v9, v28;
	v50 =	vld.idx.msk [tilespmem:v19+s18+$0x0], $0xffff  }
0x101: {  	v51 =	vor.u32 v8, v17;
	v44 =	vor.u32 v10, v17;
	v63 =	vld.idx.msk [tilespmem:v18+s19+$0x0], $0xffff  }
0x102: {  	v28 =	vor.u32 v10, v28;
	v31 =	vadd.f32 v31, v59;
	v26 =	vadd.f32 v60, v26;
	v18 =	vld.idx.msk [tilespmem:v18+s18+$0x0], $0xffff  }
0x103: {  	v40 =	vld.idx.msk [tilespmem:v61+s19+$0x0], $0xffff;
	v19 =	vimm.f32 $0.0e+00;
	v20 =	vadd.f32 v20, v23;
	v22 =	vadd.f32 v22, v25  }
0x104: {  	v25 =	vld.idx.msk [tilespmem:v61+s18+$0x0], $0xffff;
	v27 =	vadd.f32 v27, v29;
	v34 =	vadd.f32 v52, v53;
	v29 =	vor.u32 v8, v14  }
0x105: {  	v55 =	vld.idx.msk [tilespmem:v41+s19+$0x0], $0xffff;
	v42 =	vadd.f32 v42, v43;
	v17 =	vmax.f32 v22, $0.0e+00;
	v22 =	vadd.f32 v48, v50  }
0x106: {  	v35 =	vld.idx.msk [tilespmem:v51+s19+$0x0], $0xffff;
	v31 =	vmax.f32 v31, $0.0e+00;
	v26 =	vmax.f32 v26, $0.0e+00;
	v20 =	vmax.f32 v20, $0.0e+00  }
0x107: {  	v54 =	vadd.f32 v63, v18;
	v18 =	vmul.f32 v17, v12;
	v17 =	vmax.f32 v22, $0.0e+00;
	v22 =	vld.idx.msk [tilespmem:v41+s18+$0x0], $0xffff  }
0x108: {  	v58 =	vld.idx.msk [tilespmem:v28+s18+$0x0], $0xffff;
	v31 =	vmul.f32 v31, v30;
	v56 =	vmul.f32 v26, v30;
	v27 =	vmax.f32 v27, $0.0e+00  }
0x109: {  	v59 =	vld.idx.msk [tilespmem:v28+s19+$0x0], $0xffff;
	v37 =	vmax.f32 v34, $0.0e+00;
	v42 =	vmax.f32 v42, $0.0e+00;
	v25 =	vadd.f32 v40, v25  }
0x10a: {  	v60 =	vld.idx.msk [tilespmem:v44+s18+$0x0], $0xffff;
	v39 =	vmul.f32 v20, v30;
	v23 =	vmul.f32 v27, v12;
	v32 =	vmax.f32 v54, $0.0e+00  }
0x10b: {  	v44 =	vld.idx.msk [tilespmem:v44+s19+$0x0], $0xffff;
	v25 =	vmax.f32 v25, $0.0e+00;
	v57 =	vmul.f32 v32, v30;
	v32 =	vor.u32 v6, v14  }
0x10c: {  	v38 =	vld.idx.msk [tilespmem:v21+s18+$0x0], $0xffff;
	v26 =	vmul.f32 v25, v13;
	v25 =	vor.u32 v9, v14;
	v33 =	vadd.f32 v55, v22  }
0x10d: {  	v34 =	vld.idx.msk [tilespmem:v51+s18+$0x0], $0xffff;
	v37 =	vmul.f32 v37, v13;
	v28 =	vadd.f32 v56, v19;
	v62 =	vadd.f32 v31, v19  }
0x10e: {  	v27 =	vld.idx.msk [tilespmem:v24+s18+$0x0], $0xffff;
	v40 =	vadd.f32 v59, v58;
	v17 =	vmul.f32 v17, v30;
	v33 =	vmax.f32 v33, $0.0e+00  }
0x10f: {  	v36 =	vld.idx.msk [tilespmem:v29+s18+$0x0], $0xffff;
	v61 =	vadd.f32 v57, v19;
	v22 =	vor.u32 v10, v14;
	v63 =	vmul.f32 v33, v13  }
0x110: {  	v21 =	vadd.f32 v44, v60;
	v30 =	vmax.f32 v40, $0.0e+00;
	v17 =	vadd.f32 v17, v19;
	v31 =	vld.idx.msk [tilespmem:v32+s18+$0x0], $0xffff  }
0x111: {  	s30 =	simm.s32 $0x4;
	v24 =	vld.idx.msk [tilespmem:v25+s18+$0x0], $0xffff;
	v33 =	vadd.f32 v37, v62;
	v37 =	vmul.f32 v42, v13;
	v20 =	vadd.f32 v63, v61  }
.LBB2_5:
0x112: {  	s6 =	sadd.s32 $0x2, s30  }
0x113: {  	v40 =	vadd.s32 s30, v0;
	s7 =	sadd.s32 $0x3, s30;
	v19 =	vadd.f32 v39, v19;
	v37 =	vadd.f32 v37, v28;
	v39 =	vld.idx.msk [tilespmem:v29+s19+$0x0], $0xffff;
	s8 =	smov.u32 s30;
	s13 =	sadd.s32 $0x4, s30  }
0x114: {  	p1 =	slt.u32 s30, $0x3C;
	v34 =	vadd.f32 v35, v34;
	v40 =	vand.u32 $0x3F, v40;
	v28 =	vadd.s32 s6, v0;
	v35 =	vld.idx.msk [tilespmem:v22+s18+$0x0], $0xffff  }
0x115: {  	v16 =	vadd.f32 v16, v27;
	v29 =	vor.u32 v6, v40;
	v41 =	vand.u32 $0x3F, v28;
	v42 =	vld.idx.msk [tilespmem:v22+s19+$0x0], $0xffff  }
0x116: {  	v18 =	vadd.f32 v18, v20;
	v22 =	vor.u32 v8, v41;
	v43 =	vor.u32 v9, v41;
	v44 =	vld.idx.msk [tilespmem:v14+s15+$0x0], $0xffff  }
0x117: {  	v45 =	vor.u32 v7, v40;
	v46 =	vor.u32 v6, v41;
	v15 =	vadd.f32 v15, v38;
	v32 =	vld.idx.msk [tilespmem:v32+s19+$0x0], $0xffff  }
0x118: {  	v20 =	vor.u32 v7, v41;
	v28 =	vor.u32 v10, v41;
	v14 =	vmax.f32 v21, $0.0e+00;
	v25 =	vld.idx.msk [tilespmem:v25+s19+$0x0], $0xffff  }
0x119: {  	v27 =	vadd.s32 s7, v0;
	v38 =	vor.u32 v8, v40;
	v47 =	vmul.f32 v14, v12;
	v21 =	vld.idx.msk [tilespmem:v40+s15+$0x0], $0xffff  }
0x11a: {  	v34 =	vmax.f32 v34, $0.0e+00;
	v14 =	vand.u32 $0x3F, v27;
	v48 =	vmax.f32 v15, $0.0e+00;
	v41 =	vld.idx.msk [tilespmem:v41+s15+$0x0], $0xffff  }
0x11b: {  	v49 =	vor.u32 v9, v40;
	v27 =	vor.u32 v7, v14;
	v36 =	vadd.f32 v39, v36;
	v50 =	vld.idx.msk [tilespmem:v43+s19+$0x0], $0xffff  }
0x11c: {  	v13 =	vmul.f32 v30, v13;
	s6 =	sadd.s32 $0x1, s8;
	v30 =	vmax.f32 v16, $0.0e+00;
	v16 =	vadd.f32 v42, v35;
	v39 =	vld.idx.msk [tilespmem:v29+s18+$0x0], $0xffff  }
0x11d: {  	v35 =	vor.u32 v10, v40;
	v40 =	vadd.s32 s6, v0;
	v42 =	vmul.f32 v48, v12;
	v15 =	vld.idx.msk [tilespmem:v20+s19+$0x0], $0xffff  }
0x11e: {  	v19 =	vadd.f32 v26, v19;
	v26 =	vmax.f32 v36, $0.0e+00;
	v40 =	vand.u32 $0x3F, v40;
	v43 =	vld.idx.msk [tilespmem:v43+s18+$0x0], $0xffff  }
0x11f: {  	v36 =	vor.u32 v6, v40;
	v33 =	vadd.f32 v42, v33;
	v42 =	vmax.f32 v16, $0.0e+00;
	v48 =	vld.idx.msk [tilespmem:v46+s19+$0x0], $0xffff  }
0x120: {  	v13 =	vadd.f32 v13, v17;
	v17 =	vmul.f32 v30, v44;
	v24 =	vadd.f32 v25, v24;
	v16 =	vld.idx.msk [tilespmem:v27+s19+$0x0], $0xffff  }
0x121: {  	v34 =	vmul.f32 v34, v12;
	v31 =	vadd.f32 v32, v31;
	v25 =	vor.u32 v7, v40;
	v30 =	vld.idx.msk [tilespmem:v46+s18+$0x0], $0xffff  }
0x122: {  	v13 =	vadd.f32 v47, v13;
	v42 =	vmul.f32 v42, v44;
	v24 =	vmax.f32 v24, $0.0e+00;
	v12 =	vmovc v41;
	v32 =	vld.idx.msk [tilespmem:v45+s19+$0x0], $0xffff  }
0x123: {  	v33 =	vadd.f32 v17, v33;
	v17 =	vmul.f32 v26, v44;
	v41 =	vld.idx.msk [tilespmem:v45+s18+$0x0], $0xffff;
	v45 =	vor.u32 v8, v40  }
0x124: {  	v19 =	vadd.f32 v23, v19;
	v23 =	vmax.f32 v31, $0.0e+00;
	v24 =	vmul.f32 v24, v44;
	v26 =	vld.idx.msk [tilespmem:v38+s19+$0x0], $0xffff  }
0x125: {  	v34 =	vadd.f32 v34, v37;
	v37 =	vadd.f32 v42, v13;
	v31 =	vld.idx.msk [tilespmem:v38+s18+$0x0], $0xffff;
	v38 =	vor.u32 v9, v40  }
0x126: {  	v23 =	vmul.f32 v23, v44;
	v24 =	vadd.f32 v24, v18;
	v42 =	vadd.f32 v50, v43;
	v13 =	vld.idx.msk [tilespmem:v40+s15+$0x0], $0xffff  }
0x127: {  	v34 =	vadd.f32 v17, v34;
	v40 =	vor.u32 v10, v40;
	v43 =	vld.idx.msk [tilespmem:v49+s19+$0x0], $0xffff  }
0x128: {  	v19 =	vadd.f32 v23, v19;
	v18 =	vmax.f32 v42, $0.0e+00;
	v17 =	vld.idx.msk [tilespmem:v49+s18+$0x0], $0xffff  }
0x129: {  	v18 =	vmul.f32 v18, v12;
	v23 =	vadd.f32 v32, v41;
	v32 =	vld.idx.msk [tilespmem:v35+s19+$0x0], $0xffff  }
0x12a: {  	v35 =	vld.idx.msk [tilespmem:v35+s18+$0x0], $0xffff  }
0x12b: {  	v23 =	vmax.f32 v23, $0.0e+00;
	v26 =	vadd.f32 v26, v31;
	v31 =	vld.idx.msk [tilespmem:v36+s19+$0x0], $0xffff  }
0x12c: {  	v41 =	vmul.f32 v23, v21;
	v42 =	vld.idx.msk [tilespmem:v45+s19+$0x0], $0xffff  }
0x12d: {  	v23 =	vmax.f32 v26, $0.0e+00;
	v44 =	vld.idx.msk [tilespmem:v45+s18+$0x0], $0xffff  }
0x12e: {  	v23 =	vmul.f32 v23, v21;
	v17 =	vadd.f32 v43, v17;
	v26 =	vld.idx.msk [tilespmem:v36+s18+$0x0], $0xffff  }
0x12f: {  	v36 =	vld.idx.msk [tilespmem:v25+s19+$0x0], $0xffff  }
0x130: {  	v17 =	vmax.f32 v17, $0.0e+00;
	v32 =	vadd.f32 v32, v35;
	v25 =	vld.idx.msk [tilespmem:v25+s18+$0x0], $0xffff  }
0x131: {  	v35 =	vmul.f32 v17, v21;
	v43 =	vld.idx.msk [tilespmem:v38+s19+$0x0], $0xffff  }
0x132: {  	v17 =	vmax.f32 v32, $0.0e+00;
	v38 =	vld.idx.msk [tilespmem:v38+s18+$0x0], $0xffff  }
0x133: {  	v17 =	vmul.f32 v17, v21;
	v45 =	vld.idx.msk [tilespmem:v29+s19+$0x0], $0xffff  }
0x134: {  	v26 =	vadd.f32 v31, v26;
	v46 =	vld.idx.msk [tilespmem:v40+s18+$0x0], $0xffff  }
0x135: {  	v30 =	vadd.f32 v48, v30;
	v32 =	vor.u32 v6, v14;
	v17 =	vadd.f32 v17, v37;
	v37 =	vld.idx.msk [tilespmem:v40+s19+$0x0], $0xffff  }
0x136: {  	v29 =	vor.u32 v8, v14;
	v26 =	vmax.f32 v26, $0.0e+00;
	v31 =	vadd.f32 v36, v25;
	v36 =	vld.idx.msk [tilespmem:v28+s18+$0x0], $0xffff  }
0x137: {  	v30 =	vmax.f32 v30, $0.0e+00;
	v25 =	vor.u32 v9, v14;
	v26 =	vmul.f32 v26, v13;
	v40 =	vld.idx.msk [tilespmem:v28+s19+$0x0], $0xffff  }
0x138: {  	v47 =	vadd.f32 v35, v24;
	v28 =	vadd.f32 v23, v34;
	v24 =	vmax.f32 v31, $0.0e+00;
	v34 =	vld.idx.msk [tilespmem:v22+s18+$0x0], $0xffff  }
0x139: {  	v38 =	vadd.f32 v43, v38;
	v23 =	vmul.f32 v30, v12;
	v39 =	vadd.f32 v45, v39;
	v35 =	vld.idx.msk [tilespmem:v22+s19+$0x0], $0xffff  }
.Ltmp3:
0x13a: {  	v30 =	vadd.f32 v41, v33;
	v33 =	vadd.f32 v42, v44;
	v22 =	vor.u32 v10, v14;
	v31 =	vld.idx.msk [tilespmem:v32+s18+$0x0], $0xffff;
	(pc) =	sbr.rel @p1 .LBB2_5-.Ltmp3, $4  }
0x13b: {  	v41 =	vmul.f32 v24, v13;
	v24 =	vmax.f32 v38, $0.0e+00;
	v42 =	vadd.f32 v37, v46;
	v27 =	vld.idx.msk [tilespmem:v27+s18+$0x0], $0xffff  }
0x13c: {  	v38 =	vmax.f32 v33, $0.0e+00;
	v37 =	vmax.f32 v39, $0.0e+00;
	v43 =	vmul.f32 v24, v13;
	v24 =	vld.idx.msk [tilespmem:v25+s18+$0x0], $0xffff  }
0x13d: {  	v33 =	vadd.f32 v41, v30;
	v39 =	vmul.f32 v37, v21;
	v37 =	vmul.f32 v38, v13;
	v38 =	vld.idx.msk [tilespmem:v20+s18+$0x0], $0xffff  }
0x13e: {  	s30 =	smov.u32 s13;
	v30 =	vmax.f32 v42, $0.0e+00;
	v21 =	vadd.f32 v40, v36;
	v20 =	vadd.f32 v43, v47;
	v36 =	vld.idx.msk [tilespmem:v29+s18+$0x0], $0xffff  }
0x13f: {  	_ =	sdelay $0x3  }
0x140: {  	v32 =	vld.idx.msk [tilespmem:v32+s19+$0x0], $0xffff;
	_ =	sdelay $0x2  }
0x141: {  	v14 =	vld.idx.msk [tilespmem:v14+s15+$0x0], $0xffff  }
0x142: {  	v19 =	vadd.f32 v39, v19  }
0x143: {  	v31 =	vadd.f32 v32, v31  }
0x144: {  	v19 =	vadd.f32 v26, v19  }
0x145: {  	v26 =	vmax.f32 v31, $0.0e+00  }
0x146: {  	v19 =	vadd.f32 v23, v19;
	v23 =	vmul.f32 v26, v14  }
0x147: {  	v26 =	vld [tilespmem:s2+$0x116B0]  }
0x148: {  	v19 =	vadd.f32 v23, v19;
	_ =	sdelay $0x1  }
0x149: {  	v19 =	vadd.f32 v19, v11;
	_ =	sdelay $0x1  }
0x14a: {  	v19 =	vadd.f32 v26, v19;
	_ =	sdelay $0x1  }
0x14b: {  	v15 =	vadd.f32 v15, v38;
	v19 =	vsub.f32 $0.0e+00, v19;
	_ =	sdelay $0x1  }
0x14c: {  	v16 =	vadd.f32 v16, v27;
	v15 =	vmax.f32 v15, $0.0e+00;
	v19 =	vmul.f32 $1.442695020e+00, v19  }
0x14d: {  	v15 =	vmul.f32 v15, v12  }
0x14e: {  	v16 =	vmax.f32 v16, $0.0e+00;
	(erf) = vpow2.f32 v19  }
0x14f: {  	v16 =	vmul.f32 v16, v14;
	v15 =	vadd.f32 v15, v33  }
0x150: {  	v19 =	vld [tilespmem:s2+$0x116C0]  }
0x151: {  	v15 =	vadd.f32 v16, v15;
	_ =	sdelay $0x1  }
0x152: {  	v15 =	vadd.f32 v15, v11  }
0x153: {  	v16 =	vld.idx.msk [tilespmem:v29+s19+$0x0], $0xffff  }
0x154: {  	v15 =	vadd.f32 v19, v15;
	_ =	sdelay $0x1  }
0x155: {  	v19 =	vadd.f32 v35, v34;
	v15 =	vsub.f32 $0.0e+00, v15;
	v23 =	vpop (erf)  }
0x156: {  	v23 =	vadd.f32 $1.000000000e+00, v23  }
0x157: {  	v16 =	vadd.f32 v16, v36;
	v19 =	vmax.f32 v19, $0.0e+00;
	v15 =	vmul.f32 $1.442695020e+00, v15  }
0x158: {  	v26 =	vadd.f32 v37, v28;
	v19 =	vmul.f32 v19, v12;
	(erf) = vrcp.f32 v23  }
0x159: {  	v16 =	vmax.f32 v16, $0.0e+00;
	(erf) = vpow2.f32 v15  }
0x15a: {  	v15 =	vmul.f32 v16, v14;
	v16 =	vadd.f32 v19, v26  }
0x15b: {  	v19 =	vld [tilespmem:s2+$0x116D0]  }
0x15c: {  	v15 =	vadd.f32 v15, v16;
	_ =	sdelay $0x1  }
0x15d: {  	v15 =	vadd.f32 v15, v11  }
0x15e: {  	v16 =	vld.idx.msk [tilespmem:v25+s19+$0x0], $0xffff  }
0x15f: {  	v15 =	vadd.f32 v19, v15  }
0x160: {  	v19 =	vpop (erf)  }
0x161: {  	v15 =	vsub.f32 $0.0e+00, v15;
	v23 =	vpop (erf)  }
0x162: {  	v23 =	vadd.f32 $1.000000000e+00, v23  }
0x163: {  	v16 =	vadd.f32 v16, v24;
	v15 =	vmul.f32 $1.442695020e+00, v15  }
0x164: {  	(erf) = vrcp.f32 v23  }
0x165: {  	v16 =	vmax.f32 v16, $0.0e+00;
	(erf) = vpow2.f32 v15  }
0x166: {  	v16 =	vmul.f32 v16, v14;
	v15 =	vadd.f32 v18, v20  }
0x167: {  	v18 =	vld [tilespmem:s2+$0x116E0]  }
0x168: {  	v15 =	vadd.f32 v16, v15;
	_ =	sdelay $0x1  }
0x169: {  	v20 =	vld.idx.msk [tilespmem:v22+s19+$0x0], $0xffff;
	v15 =	vadd.f32 v15, v11  }
0x16a: {  	v16 =	vld.idx.msk [tilespmem:v22+s18+$0x0], $0xffff  }
0x16b: {  	v15 =	vadd.f32 v18, v15  }
0x16c: {  	v18 =	vpop (erf)  }
0x16d: {  	v15 =	vsub.f32 $0.0e+00, v15;
	v22 =	vpop (erf)  }
0x16e: {  	v13 =	vmul.f32 v30, v13;
	v22 =	vadd.f32 $1.000000000e+00, v22  }
0x16f: {  	v21 =	vmax.f32 v21, $0.0e+00;
	v16 =	vadd.f32 v20, v16;
	v15 =	vmul.f32 $1.442695020e+00, v15  }
0x170: {  	v13 =	vadd.f32 v13, v17;
	v12 =	vmul.f32 v21, v12;
	(erf) = vrcp.f32 v22  }
0x171: {  	v16 =	vmax.f32 v16, $0.0e+00;
	(erf) = vpow2.f32 v15  }
0x172: {  	v12 =	vadd.f32 v12, v13;
	v13 =	vmul.f32 v16, v14  }
0x173: {  	v14 =	vld [tilespmem:s2+$0x116F0]  }
0x174: {  	v12 =	vadd.f32 v13, v12;
	_ =	sdelay $0x1  }
0x175: {  	v12 =	vadd.f32 v12, v11;
	_ =	sdelay $0x1  }
0x176: {  	v12 =	vadd.f32 v14, v12  }
0x177: {  	v13 =	vpop (erf)  }
0x178: {  	v12 =	vsub.f32 $0.0e+00, v12;
	v14 =	vpop (erf)  }
0x179: {  	v14 =	vadd.f32 $1.000000000e+00, v14  }
0x17a: {  	v12 =	vmul.f32 $1.442695020e+00, v12  }
0x17b: {  	(erf) = vrcp.f32 v14  }
0x17c: {  	(erf) = vpow2.f32 v12;
	_ =	sdelay $0x7  }
0x17d: {  	v12 =	vpop (erf)  }
0x17e: {  	v14 =	vpop (erf)  }
0x17f: {  	v14 =	vadd.f32 $1.000000000e+00, v14;
	_ =	sdelay $0x1  }
0x180: {  	(erf) = vrcp.f32 v14;
	_ =	sdelay $0x5  }
0x181: {  	[tilespmem:s2+$0x13DC0] =	vst v19  }
0x182: {  	[tilespmem:s2+$0x13DD0] =	vst v18  }
0x183: {  	[tilespmem:s2+$0x13DE0] =	vst v13  }
0x184: {  	[tilespmem:s2+$0x13DF0] =	vst v12;
	v12 =	vpop (erf)  }
0x185: {  	s6 =	sadd.s32 @!p0 $0x1E0, s2;
	s7 =	simm.s32 @!p0 $0x50;
	s8 =	simm.s32 @!p0 $0x6220;
	[tilespmem:s2+$0x13E00] =	vst v12  }
0x186: {  	[tilespmem:s8], [sflag:$0x2] =	stream.indirect.gather @!p0 [hbm4b:s4+s7], $0x40, s6, s7, $0xb8;
	[tilespmem:$0x16490] =	vst v63  }
0x187: {  	s6 =	sadd.s32 @!p0 $0x28F0, s2;
	s8 =	simm.s32 @!p0 $0xC620  }
0x188: {  	[tilespmem:s8], [sflag:$0x7] =	stream.indirect.gather @!p0 [hbm4b:s5+s7], $0x40, s6, s7, $0xb8;
	[tilespmem:$0x16490] =	vst v63  }
0x189: {  	s13 =	simm.s32 $0x2;
	s7 =	simm.s32 $0x0  }
0x18a: {  	v15 =	vadd.s32 s13, v0;
	_ =	swait.ge [sflag:s23], $0x1400;
	v12 =	vadd.s32 s7, v0  }
0x18b: {  	s30 =	simm.s32 $0x3;
	v22 =	vand.u32 $0x3F, v15;
	v13 =	vor.u32 $0x2800, v1;
	[sflag:s23] =	ssyncset.done $0x0;
	v19 =	vand.u32 $0x3F, v12  }
0x18c: {  	v18 =	vadd.s32 s30, v0;
	v27 =	vor.u32 v13, v22;
	[sflag:s23] =	ssyncadd.s32 $0xFFFFEC00  }
0x18d: {  	v18 =	vand.u32 $0x3F, v18;
	v15 =	vor.u32 $0x3400, v1;
	_ =	swait.ge [sflag:s24], $0x1400  }
0x18e: {  	v30 =	vor.u32 v15, v18;
	[sflag:s24] =	ssyncset.done $0x0  }
0x18f: {  	[sflag:s24] =	ssyncadd.s32 $0xFFFFEC00  }
0x190: {  	v14 =	vor.u32 $0x2C00, v1;
	v16 =	vor.u32 v13, v19;
	v23 =	vld.idx.msk [tilespmem:v19+s15+$0x0], $0xffff  }
0x191: {  	v17 =	vor.u32 v14, v19;
	v34 =	vld.idx.msk [tilespmem:v27+s18+$0x0], $0xffff  }
0x192: {  	s8 =	simm.s32 $0x1;
	v27 =	vld.idx.msk [tilespmem:v27+s19+$0x0], $0xffff  }
0x193: {  	v12 =	vadd.s32 s8, v0;
	v58 =	vld.idx.msk [tilespmem:v30+s18+$0x0], $0xffff  }
0x194: {  	v21 =	vand.u32 $0x3F, v12;
	v30 =	vld.idx.msk [tilespmem:v30+s19+$0x0], $0xffff  }
0x195: {  	v45 =	vor.u32 v15, v19;
	v24 =	vld.idx.msk [tilespmem:v16+s19+$0x0], $0xffff  }
0x196: {  	v12 =	vor.u32 v13, v21;
	v28 =	vld.idx.msk [tilespmem:v17+s18+$0x0], $0xffff  }
0x197: {  	v29 =	vld.idx.msk [tilespmem:v16+s18+$0x0], $0xffff  }
0x198: {  	v32 =	vor.u32 v14, v21;
	v31 =	vld.idx.msk [tilespmem:v17+s19+$0x0], $0xffff  }
0x199: {  	v56 =	vor.u32 v15, v21;
	v20 =	vld.idx.msk [tilespmem:v21+s15+$0x0], $0xffff  }
0x19a: {  	v49 =	vld.idx.msk [tilespmem:v45+s19+$0x0], $0xffff  }
0x19b: {  	v16 =	vor.u32 $0x3000, v1;
	v25 =	vld.idx.msk [tilespmem:v12+s19+$0x0], $0xffff  }
0x19c: {  	v26 =	vld.idx.msk [tilespmem:v12+s18+$0x0], $0xffff;
	v55 =	vor.u32 v16, v21  }
0x19d: {  	v17 =	vor.u32 $0x3800, v1;
	v57 =	vor.u32 v16, v22;
	v41 =	vld.idx.msk [tilespmem:v32+s19+$0x0], $0xffff  }
0x19e: {  	v21 =	vor.u32 v17, v21;
	v40 =	vld.idx.msk [tilespmem:v56+s19+$0x0], $0xffff  }
0x19f: {  	v32 =	vld.idx.msk [tilespmem:v32+s18+$0x0], $0xffff  }
0x1a0: {  	v60 =	vor.u32 v16, v19;
	v24 =	vadd.f32 v24, v29;
	v29 =	vld.idx.msk [tilespmem:v56+s18+$0x0], $0xffff  }
0x1a1: {  	v59 =	vld.idx.msk [tilespmem:v55+s19+$0x0], $0xffff  }
0x1a2: {  	v42 =	vld.idx.msk [tilespmem:v57+s19+$0x0], $0xffff  }
0x1a3: {  	v43 =	vld.idx.msk [tilespmem:v21+s19+$0x0], $0xffff  }
0x1a4: {  	v54 =	vor.u32 v14, v22;
	v38 =	vor.u32 v14, v18;
	v44 =	vld.idx.msk [tilespmem:v21+s18+$0x0], $0xffff  }
0x1a5: {  	v61 =	vor.u32 v17, v19;
	v62 =	vor.u32 v17, v22;
	v56 =	vor.u32 v17, v18;
	v46 =	vld.idx.msk [tilespmem:v60+s19+$0x0], $0xffff  }
0x1a6: {  	v19 =	vadd.f32 v25, v26;
	v25 =	vadd.f32 v31, v28;
	v28 =	vld.idx.msk [tilespmem:v55+s18+$0x0], $0xffff;
	v24 =	vmax.f32 v24, $0.0e+00  }
0x1a7: {  	v21 =	vimm.f32 $0.0e+00;
	v31 =	vor.u32 v15, v22;
	v36 =	vld.idx.msk [tilespmem:v57+s18+$0x0], $0xffff;
	v47 =	vmul.f32 v24, v23  }
0x1a8: {  	v19 =	vmax.f32 v19, $0.0e+00;
	v24 =	vmax.f32 v25, $0.0e+00;
	v25 =	vadd.f32 v30, v58;
	v30 =	vld.idx.msk [tilespmem:v60+s18+$0x0], $0xffff  }
0x1a9: {  	v52 =	vld.idx.msk [tilespmem:v45+s18+$0x0], $0xffff;
	v26 =	vor.u32 v16, v18;
	v32 =	vadd.f32 v41, v32;
	v48 =	vmul.f32 v19, v20  }
0x1aa: {  	v12 =	vld.idx.msk [tilespmem:v22+s15+$0x0], $0xffff;
	v63 =	vmul.f32 v24, v23;
	v24 =	vadd.f32 v40, v29;
	v29 =	vor.u32 v13, v18  }
0x1ab: {  	v53 =	vld.idx.msk [tilespmem:v61+s19+$0x0], $0xffff;
	v19 =	vmax.f32 v25, $0.0e+00;
	v25 =	vadd.f32 v43, v44;
	v22 =	vadd.f32 v59, v28  }
0x1ac: {  	v28 =	vld.idx.msk [tilespmem:v61+s18+$0x0], $0xffff;
	v57 =	vadd.f32 v42, v36;
	v37 =	vadd.f32 v63, v21;
	v55 =	vmax.f32 v24, $0.0e+00  }
0x1ad: {  	v39 =	vld.idx.msk [tilespmem:v54+s18+$0x0], $0xffff;
	v24 =	vmax.f32 v25, $0.0e+00;
	v25 =	vadd.f32 v27, v34;
	v27 =	vadd.f32 v46, v30  }
0x1ae: {  	v50 =	vld.idx.msk [tilespmem:v62+s18+$0x0], $0xffff;
	v42 =	vmax.f32 v32, $0.0e+00;
	v30 =	vmax.f32 v22, $0.0e+00;
	v22 =	vmul.f32 v55, v20  }
0x1af: {  	v58 =	vld.idx.msk [tilespmem:v62+s19+$0x0], $0xffff;
	v34 =	vmax.f32 v57, $0.0e+00;
	v59 =	vmul.f32 v30, v20;
	v27 =	vmax.f32 v27, $0.0e+00  }
0x1b0: {  	v41 =	vld.idx.msk [tilespmem:v38+s18+$0x0], $0xffff;
	v30 =	vadd.f32 v47, v21;
	v25 =	vmax.f32 v25, $0.0e+00;
	v60 =	vmul.f32 v27, v23  }
0x1b1: {  	v40 =	vld.idx.msk [tilespmem:v54+s19+$0x0], $0xffff;
	v61 =	vmul.f32 v25, v12;
	v25 =	vadd.f32 v49, v52;
	v28 =	vadd.f32 v53, v28  }
0x1b2: {  	v33 =	vld.idx.msk [tilespmem:v56+s18+$0x0], $0xffff;
	v24 =	vmul.f32 v24, v20;
	v62 =	vadd.f32 v48, v30;
	v36 =	vadd.f32 v60, v21  }
0x1b3: {  	v27 =	vld.idx.msk [tilespmem:v31+s18+$0x0], $0xffff;
	v25 =	vmax.f32 v25, $0.0e+00;
	v63 =	vmax.f32 v28, $0.0e+00;
	v28 =	vmul.f32 v34, v12  }
0x1b4: {  	v32 =	vadd.f32 v58, v50;
	v30 =	vld.idx.msk [tilespmem:v31+s19+$0x0], $0xffff;
	v31 =	vmul.f32 v25, v23;
	v25 =	vmul.f32 v63, v23  }
0x1b5: {  	s13 =	simm.s32 $0x4;
	v35 =	vld.idx.msk [tilespmem:v56+s19+$0x0], $0xffff;
	v23 =	vimm.f32 $0.0e+00;
	v34 =	vadd.f32 v59, v36;
	v36 =	vadd.f32 v61, v62  }
.LBB2_7:
0x1b6: {  	s6 =	sadd.s32 $0x1, s13  }
0x1b7: {  	v43 =	vadd.s32 s13, v0;
	s7 =	sadd.s32 $0x3, s13;
	v21 =	vadd.f32 v25, v21;
	v44 =	vld.idx.msk [tilespmem:v26+s19+$0x0], $0xffff;
	s8 =	smov.u32 s13;
	s30 =	sadd.s32 $0x4, s13  }
0x1b8: {  	p1 =	slt.u32 s13, $0x3C;
	v43 =	vand.u32 $0x3F, v43;
	v25 =	vadd.s32 s6, v0;
	v45 =	vmax.f32 v32, $0.0e+00;
	v32 =	vld.idx.msk [tilespmem:v38+s19+$0x0], $0xffff  }
0x1b9: {  	v20 =	vmul.f32 v42, v20;
	v38 =	vor.u32 v13, v43;
	v46 =	vand.u32 $0x3F, v25;
	v42 =	vld.idx.msk [tilespmem:v29+s18+$0x0], $0xffff  }
0x1ba: {  	s6 =	sadd.s32 $0x2, s8;
	v25 =	vadd.f32 v40, v39;
	v47 =	vor.u32 v13, v46;
	v26 =	vld.idx.msk [tilespmem:v26+s18+$0x0], $0xffff  }
0x1bb: {  	v48 =	vadd.s32 s7, v0;
	v39 =	vor.u32 v14, v43;
	v40 =	vadd.s32 s6, v0;
	v29 =	vld.idx.msk [tilespmem:v29+s19+$0x0], $0xffff  }
0x1bc: {  	v40 =	vand.u32 $0x3F, v40;
	v49 =	vmax.f32 v25, $0.0e+00;
	v50 =	vld.idx.msk [tilespmem:v18+s15+$0x0], $0xffff  }
0x1bd: {  	v51 =	vor.u32 v16, v43;
	v21 =	vadd.f32 v24, v21;
	v52 =	vor.u32 v16, v40;
	v25 =	vld.idx.msk [tilespmem:v43+s15+$0x0], $0xffff  }
0x1be: {  	v53 =	vor.u32 v13, v40;
	v41 =	vadd.f32 v32, v41;
	v24 =	vld.idx.msk [tilespmem:v38+s19+$0x0], $0xffff  }
0x1bf: {  	v54 =	vor.u32 v15, v43;
	v37 =	vadd.f32 v20, v37;
	v32 =	vor.u32 v15, v40;
	v55 =	vld.idx.msk [tilespmem:v47+s19+$0x0], $0xffff  }
0x1c0: {  	v56 =	vor.u32 v16, v46;
	v26 =	vadd.f32 v44, v26;
	v47 =	vld.idx.msk [tilespmem:v47+s18+$0x0], $0xffff  }
0x1c1: {  	v57 =	vor.u32 v17, v46;
	v20 =	vadd.f32 v35, v33;
	v43 =	vor.u32 v17, v43;
	v44 =	vld.idx.msk [tilespmem:v39+s18+$0x0], $0xffff  }
0x1c2: {  	v35 =	vor.u32 v17, v40;
	v18 =	vand.u32 $0x3F, v48;
	v29 =	vadd.f32 v29, v42;
	v33 =	vld.idx.msk [tilespmem:v40+s15+$0x0], $0xffff  }
0x1c3: {  	v48 =	vor.u32 v15, v18;
	v58 =	vmax.f32 v20, $0.0e+00;
	v42 =	vor.u32 v14, v46;
	v38 =	vld.idx.msk [tilespmem:v38+s18+$0x0], $0xffff  }
0x1c4: {  	v27 =	vadd.f32 v30, v27;
	v30 =	vmul.f32 v45, v12;
	v41 =	vmax.f32 v41, $0.0e+00;
	v39 =	vld.idx.msk [tilespmem:v39+s19+$0x0], $0xffff  }
0x1c5: {  	v23 =	vadd.f32 v31, v23;
	v45 =	vor.u32 v15, v46;
	v26 =	vmax.f32 v26, $0.0e+00;
	v20 =	vld.idx.msk [tilespmem:v46+s15+$0x0], $0xffff  }
0x1c6: {  	v27 =	vmax.f32 v27, $0.0e+00;
	v29 =	vmax.f32 v29, $0.0e+00;
	v31 =	vadd.f32 v55, v47;
	v46 =	vld.idx.msk [tilespmem:v53+s18+$0x0], $0xffff  }
0x1c7: {  	v28 =	vadd.f32 v28, v34;
	v27 =	vmul.f32 v27, v12;
	v26 =	vmul.f32 v26, v50;
	v47 =	vld.idx.msk [tilespmem:v53+s19+$0x0], $0xffff  }
0x1c8: {  	v21 =	vadd.f32 v30, v21;
	v12 =	vmul.f32 v49, v12;
	v30 =	vmul.f32 v58, v50;
	v34 =	vld.idx.msk [tilespmem:v48+s18+$0x0], $0xffff  }
0x1c9: {  	v22 =	vadd.f32 v22, v23;
	v23 =	vmul.f32 v29, v50;
	v28 =	vadd.f32 v26, v28;
	v48 =	vld.idx.msk [tilespmem:v48+s19+$0x0], $0xffff  }
0x1ca: {  	v29 =	vadd.f32 v12, v37;
	v21 =	vadd.f32 v30, v21;
	v26 =	vmul.f32 v41, v50;
	v49 =	vld.idx.msk [tilespmem:v42+s19+$0x0], $0xffff  }
0x1cb: {  	v22 =	vadd.f32 v27, v22;
	v19 =	vmul.f32 v19, v50;
	v24 =	vadd.f32 v24, v38;
	v30 =	vld.idx.msk [tilespmem:v56+s19+$0x0], $0xffff  }
0x1cc: {  	v36 =	vadd.f32 v23, v36;
	v37 =	vadd.f32 v26, v29;
	v12 =	vmov v33;
	v27 =	vld.idx.msk [tilespmem:v45+s19+$0x0], $0xffff  }
0x1cd: {  	v23 =	vadd.f32 v19, v22;
	v26 =	vadd.f32 v39, v44;
	v24 =	vmax.f32 v24, $0.0e+00;
	v33 =	vld.idx.msk [tilespmem:v52+s19+$0x0], $0xffff  }
0x1ce: {  	v19 =	vmax.f32 v31, $0.0e+00;
	v41 =	vmul.f32 v24, v25;
	v22 =	vld.idx.msk [tilespmem:v57+s19+$0x0], $0xffff  }
0x1cf: {  	v31 =	vmul.f32 v19, v20;
	v24 =	vmax.f32 v26, $0.0e+00;
	v19 =	vadd.f32 v48, v34;
	v26 =	vld.idx.msk [tilespmem:v57+s18+$0x0], $0xffff  }
0x1d0: {  	v34 =	vmul.f32 v24, v25;
	v24 =	vld.idx.msk [tilespmem:v45+s18+$0x0], $0xffff  }
0x1d1: {  	v39 =	vld.idx.msk [tilespmem:v51+s19+$0x0], $0xffff  }
0x1d2: {  	v38 =	vld.idx.msk [tilespmem:v56+s18+$0x0], $0xffff  }
0x1d3: {  	v44 =	vld.idx.msk [tilespmem:v52+s18+$0x0], $0xffff  }
0x1d4: {  	v45 =	vld.idx.msk [tilespmem:v51+s18+$0x0], $0xffff  }
0x1d5: {  	v48 =	vld.idx.msk [tilespmem:v54+s19+$0x0], $0xffff  }
0x1d6: {  	v29 =	vor.u32 v13, v18;
	v19 =	vmax.f32 v19, $0.0e+00;
	v24 =	vadd.f32 v27, v24;
	v50 =	vld.idx.msk [tilespmem:v54+s18+$0x0], $0xffff  }
0x1d7: {  	v40 =	vor.u32 v14, v40;
	v22 =	vadd.f32 v22, v26;
	v26 =	vor.u32 v16, v18;
	v27 =	vld.idx.msk [tilespmem:v43+s19+$0x0], $0xffff  }
0x1d8: {  	v52 =	vor.u32 v17, v18;
	v30 =	vadd.f32 v30, v38;
	v51 =	vmax.f32 v24, $0.0e+00;
	v43 =	vld.idx.msk [tilespmem:v43+s18+$0x0], $0xffff  }
0x1d9: {  	v46 =	vadd.f32 v47, v46;
	v22 =	vmax.f32 v22, $0.0e+00;
	v38 =	vor.u32 v14, v18;
	v47 =	vld.idx.msk [tilespmem:v35+s18+$0x0], $0xffff  }
0x1da: {  	v24 =	vmul.f32 v22, v20;
	v39 =	vadd.f32 v39, v45;
	v30 =	vmax.f32 v30, $0.0e+00;
	v42 =	vld.idx.msk [tilespmem:v42+s18+$0x0], $0xffff  }
0x1db: {  	v22 =	vmul.f32 v51, v20;
	v33 =	vadd.f32 v33, v44;
	v45 =	vmax.f32 v46, $0.0e+00;
	v35 =	vld.idx.msk [tilespmem:v35+s19+$0x0], $0xffff  }
0x1dc: {  	v46 =	vmul.f32 v30, v20;
	v45 =	vmul.f32 v45, v12;
	v44 =	vmax.f32 v39, $0.0e+00;
	v39 =	vld.idx.msk [tilespmem:v40+s18+$0x0], $0xffff  }
0x1dd: {  	v30 =	vadd.f32 v41, v36;
	v41 =	vadd.f32 v48, v50;
	v36 =	vmul.f32 v44, v25;
	v40 =	vld.idx.msk [tilespmem:v40+s19+$0x0], $0xffff  }
.Ltmp4:
0x1de: {  	v37 =	vadd.f32 v34, v37;
	v33 =	vmax.f32 v33, $0.0e+00;
	v34 =	vadd.f32 v27, v43;
	v27 =	vld.idx.msk [tilespmem:v32+s18+$0x0], $0xffff;
	(pc) =	sbr.rel @p1 .LBB2_7-.Ltmp4, $4  }
0x1df: {  	v44 =	vadd.f32 v31, v30;
	v43 =	vmax.f32 v41, $0.0e+00;
	v36 =	vadd.f32 v36, v28;
	v30 =	vld.idx.msk [tilespmem:v32+s19+$0x0], $0xffff  }
0x1e0: {  	v28 =	vmul.f32 v33, v12;
	v32 =	vmax.f32 v34, $0.0e+00;
	v42 =	vadd.f32 v49, v42;
	v41 =	vld.idx.msk [tilespmem:v38+s18+$0x0], $0xffff  }
0x1e1: {  	v31 =	vmul.f32 v43, v25;
	v25 =	vmul.f32 v32, v25;
	v34 =	vadd.f32 v46, v36;
	v33 =	vld.idx.msk [tilespmem:v52+s18+$0x0], $0xffff  }
0x1e2: {  	s13 =	smov.u32 s30;
	v36 =	vadd.f32 v45, v44;
	v32 =	vadd.f32 v35, v47;
	v42 =	vmax.f32 v42, $0.0e+00;
	v35 =	vld.idx.msk [tilespmem:v52+s19+$0x0], $0xffff  }
0x1e3: {  	_ =	sdelay $0x3  }
0x1e4: {  	v13 =	vld.idx.msk [tilespmem:v29+s18+$0x0], $0xffff  }
0x1e5: {  	v14 =	vld.idx.msk [tilespmem:v29+s19+$0x0], $0xffff;
	_ =	sdelay $0x2  }
0x1e6: {  	v15 =	vld.idx.msk [tilespmem:v18+s15+$0x0], $0xffff;
	_ =	sdelay $0x1  }
0x1e7: {  	v13 =	vadd.f32 v14, v13;
	_ =	sdelay $0x1  }
0x1e8: {  	v13 =	vmax.f32 v13, $0.0e+00  }
0x1e9: {  	v13 =	vmul.f32 v13, v15  }
0x1ea: {  	v14 =	vld [tilespmem:s2+$0x11700]  }
0x1eb: {  	v13 =	vadd.f32 v13, v36;
	_ =	sdelay $0x1  }
0x1ec: {  	v13 =	vadd.f32 v13, v11  }
0x1ed: {  	v16 =	vld.idx.msk [tilespmem:v38+s19+$0x0], $0xffff  }
0x1ee: {  	v13 =	vadd.f32 v14, v13;
	_ =	sdelay $0x1  }
0x1ef: {  	v14 =	vadd.f32 v40, v39;
	v13 =	vsub.f32 $0.0e+00, v13  }
0x1f0: {  	v17 =	vmul.f32 v42, v20  }
0x1f1: {  	v16 =	vadd.f32 v16, v41;
	v14 =	vmax.f32 v14, $0.0e+00;
	v13 =	vmul.f32 $1.442695020e+00, v13  }
0x1f2: {  	v17 =	vadd.f32 v17, v37;
	v14 =	vmul.f32 v14, v12  }
0x1f3: {  	v16 =	vmax.f32 v16, $0.0e+00;
	(erf) = vpow2.f32 v13  }
0x1f4: {  	v13 =	vadd.f32 v14, v17;
	v14 =	vmul.f32 v16, v15  }
0x1f5: {  	v16 =	vld [tilespmem:s2+$0x11710]  }
0x1f6: {  	v13 =	vadd.f32 v14, v13;
	_ =	sdelay $0x1  }
0x1f7: {  	v17 =	vld.idx.msk [tilespmem:v26+s18+$0x0], $0xffff;
	v13 =	vadd.f32 v13, v11  }
0x1f8: {  	v14 =	vld.idx.msk [tilespmem:v26+s19+$0x0], $0xffff  }
0x1f9: {  	v13 =	vadd.f32 v16, v13;
	_ =	sdelay $0x1  }
0x1fa: {  	v13 =	vsub.f32 $0.0e+00, v13;
	v16 =	vpop (erf)  }
0x1fb: {  	v16 =	vadd.f32 $1.000000000e+00, v16  }
0x1fc: {  	v14 =	vadd.f32 v14, v17;
	v13 =	vmul.f32 $1.442695020e+00, v13  }
0x1fd: {  	(erf) = vrcp.f32 v16  }
0x1fe: {  	v14 =	vmax.f32 v14, $0.0e+00;
	(erf) = vpow2.f32 v13  }
0x1ff: {  	v14 =	vmul.f32 v14, v15;
	v13 =	vadd.f32 v28, v34  }
0x200: {  	v16 =	vld [tilespmem:s2+$0x11720]  }
0x201: {  	v13 =	vadd.f32 v14, v13;
	_ =	sdelay $0x1  }
0x202: {  	v13 =	vadd.f32 v13, v11;
	_ =	sdelay $0x1  }
0x203: {  	v13 =	vadd.f32 v16, v13  }
0x204: {  	v14 =	vpop (erf)  }
0x205: {  	v16 =	vadd.f32 v30, v27;
	v13 =	vsub.f32 $0.0e+00, v13;
	v17 =	vpop (erf)  }
0x206: {  	v18 =	vadd.f32 v31, v23;
	v17 =	vadd.f32 $1.000000000e+00, v17  }
0x207: {  	v16 =	vmax.f32 v16, $0.0e+00;
	v13 =	vmul.f32 $1.442695020e+00, v13  }
0x208: {  	v18 =	vadd.f32 v22, v18;
	v16 =	vmul.f32 v16, v12;
	(erf) = vrcp.f32 v17  }
0x209: {  	(erf) = vpow2.f32 v13  }
0x20a: {  	v13 =	vadd.f32 v16, v18;
	v16 =	vmul.f32 v19, v15  }
0x20b: {  	v17 =	vld [tilespmem:s2+$0x11730]  }
0x20c: {  	v13 =	vadd.f32 v16, v13;
	_ =	sdelay $0x1  }
0x20d: {  	v13 =	vadd.f32 v13, v11;
	_ =	sdelay $0x1  }
0x20e: {  	v13 =	vadd.f32 v17, v13  }
0x20f: {  	v16 =	vpop (erf)  }
0x210: {  	v13 =	vsub.f32 $0.0e+00, v13;
	v17 =	vpop (erf)  }
0x211: {  	v18 =	vadd.f32 v25, v21;
	v17 =	vadd.f32 $1.000000000e+00, v17  }
0x212: {  	v20 =	vadd.f32 v35, v33;
	v19 =	vmax.f32 v32, $0.0e+00;
	v13 =	vmul.f32 $1.442695020e+00, v13  }
0x213: {  	v12 =	vmul.f32 v19, v12;
	v18 =	vadd.f32 v24, v18;
	(erf) = vrcp.f32 v17  }
0x214: {  	v17 =	vmax.f32 v20, $0.0e+00;
	(erf) = vpow2.f32 v13  }
0x215: {  	v12 =	vadd.f32 v12, v18;
	v13 =	vmul.f32 v17, v15  }
0x216: {  	v15 =	vld [tilespmem:s2+$0x11740]  }
0x217: {  	v12 =	vadd.f32 v13, v12;
	_ =	sdelay $0x1  }
0x218: {  	v12 =	vadd.f32 v12, v11;
	_ =	sdelay $0x1  }
0x219: {  	v12 =	vadd.f32 v15, v12  }
0x21a: {  	v13 =	vpop (erf)  }
0x21b: {  	v12 =	vsub.f32 $0.0e+00, v12;
	v15 =	vpop (erf)  }
0x21c: {  	v15 =	vadd.f32 $1.000000000e+00, v15  }
0x21d: {  	v12 =	vmul.f32 $1.442695020e+00, v12  }
0x21e: {  	(erf) = vrcp.f32 v15  }
0x21f: {  	(erf) = vpow2.f32 v12;
	_ =	sdelay $0x7  }
0x220: {  	v12 =	vpop (erf)  }
0x221: {  	v15 =	vpop (erf)  }
0x222: {  	v15 =	vadd.f32 $1.000000000e+00, v15;
	_ =	sdelay $0x1  }
0x223: {  	(erf) = vrcp.f32 v15;
	_ =	sdelay $0x5  }
0x224: {  	[tilespmem:s2+$0x13E10] =	vst v14  }
0x225: {  	[tilespmem:s2+$0x13E20] =	vst v16  }
0x226: {  	[tilespmem:s2+$0x13E30] =	vst v13  }
0x227: {  	[tilespmem:s2+$0x13E40] =	vst v12;
	v12 =	vpop (erf)  }
0x228: {  	s6 =	sadd.s32 @!p0 $0x230, s2;
	s7 =	simm.s32 @!p0 $0x50;
	s8 =	simm.s32 @!p0 $0x7620;
	[tilespmem:s2+$0x13E50] =	vst v12  }
0x229: {  	[tilespmem:s8], [sflag:$0x3] =	stream.indirect.gather @!p0 [hbm4b:s4+s7], $0x40, s6, s7, $0xb8;
	[tilespmem:$0x16490] =	vst v63  }
0x22a: {  	s6 =	sadd.s32 @!p0 $0x2940, s2;
	s8 =	simm.s32 @!p0 $0xDA20  }
0x22b: {  	[tilespmem:s8], [sflag:$0x8] =	stream.indirect.gather @!p0 [hbm4b:s5+s7], $0x40, s6, s7, $0xb8;
	[tilespmem:$0x16490] =	vst v63  }
0x22c: {  	s13 =	simm.s32 $0x2;
	s7 =	simm.s32 $0x0  }
0x22d: {  	v15 =	vadd.s32 s13, v0;
	_ =	swait.ge [sflag:s25], $0x1400;
	v12 =	vadd.s32 s7, v0  }
0x22e: {  	s30 =	simm.s32 $0x3;
	v13 =	vor.u32 $0x3C00, v1;
	v22 =	vand.u32 $0x3F, v15;
	[sflag:s25] =	ssyncset.done $0x0;
	v19 =	vand.u32 $0x3F, v12  }
0x22f: {  	v18 =	vadd.s32 s30, v0;
	v27 =	vor.u32 v13, v22;
	[sflag:s25] =	ssyncadd.s32 $0xFFFFEC00  }
0x230: {  	v18 =	vand.u32 $0x3F, v18;
	v15 =	vor.u32 $0x4800, v1;
	_ =	swait.ge [sflag:s26], $0x1400  }
0x231: {  	v30 =	vor.u32 v15, v18;
	[sflag:s26] =	ssyncset.done $0x0  }
0x232: {  	[sflag:s26] =	ssyncadd.s32 $0xFFFFEC00  }
0x233: {  	v14 =	vor.u32 $0x4000, v1;
	v16 =	vor.u32 v13, v19;
	v23 =	vld.idx.msk [tilespmem:v19+s15+$0x0], $0xffff  }
0x234: {  	v17 =	vor.u32 v14, v19;
	v34 =	vld.idx.msk [tilespmem:v27+s18+$0x0], $0xffff  }
0x235: {  	s8 =	simm.s32 $0x1;
	v27 =	vld.idx.msk [tilespmem:v27+s19+$0x0], $0xffff  }
0x236: {  	v12 =	vadd.s32 s8, v0;
	v56 =	vld.idx.msk [tilespmem:v30+s18+$0x0], $0xffff  }
0x237: {  	v21 =	vand.u32 $0x3F, v12;
	v30 =	vld.idx.msk [tilespmem:v30+s19+$0x0], $0xffff  }
0x238: {  	v45 =	vor.u32 v15, v19;
	v24 =	vld.idx.msk [tilespmem:v16+s19+$0x0], $0xffff  }
0x239: {  	v12 =	vor.u32 v13, v21;
	v28 =	vld.idx.msk [tilespmem:v17+s18+$0x0], $0xffff  }
0x23a: {  	v29 =	vld.idx.msk [tilespmem:v16+s18+$0x0], $0xffff  }
0x23b: {  	v32 =	vor.u32 v14, v21;
	v31 =	vld.idx.msk [tilespmem:v17+s19+$0x0], $0xffff  }
0x23c: {  	v54 =	vor.u32 v15, v21;
	v20 =	vld.idx.msk [tilespmem:v21+s15+$0x0], $0xffff  }
0x23d: {  	v49 =	vld.idx.msk [tilespmem:v45+s19+$0x0], $0xffff  }
0x23e: {  	v16 =	vor.u32 $0x4400, v1;
	v25 =	vld.idx.msk [tilespmem:v12+s19+$0x0], $0xffff  }
0x23f: {  	v26 =	vld.idx.msk [tilespmem:v12+s18+$0x0], $0xffff;
	v53 =	vor.u32 v16, v21  }
0x240: {  	v17 =	vor.u32 $0x4C00, v1;
	v55 =	vor.u32 v16, v22;
	v41 =	vld.idx.msk [tilespmem:v32+s19+$0x0], $0xffff  }
0x241: {  	v21 =	vor.u32 v17, v21;
	v59 =	vld.idx.msk [tilespmem:v54+s19+$0x0], $0xffff  }
0x242: {  	v32 =	vld.idx.msk [tilespmem:v32+s18+$0x0], $0xffff  }
0x243: {  	v58 =	vor.u32 v16, v19;
	v24 =	vadd.f32 v24, v29;
	v29 =	vld.idx.msk [tilespmem:v54+s18+$0x0], $0xffff  }
0x244: {  	v57 =	vld.idx.msk [tilespmem:v53+s19+$0x0], $0xffff  }
0x245: {  	v60 =	vld.idx.msk [tilespmem:v55+s19+$0x0], $0xffff  }
0x246: {  	v43 =	vld.idx.msk [tilespmem:v21+s19+$0x0], $0xffff  }
0x247: {  	v38 =	vor.u32 v14, v18;
	v61 =	vor.u32 v17, v19;
	v44 =	vld.idx.msk [tilespmem:v21+s18+$0x0], $0xffff  }
0x248: {  	v62 =	vor.u32 v17, v22;
	v54 =	vor.u32 v14, v22;
	v21 =	vimm.f32 $0.0e+00;
	v46 =	vld.idx.msk [tilespmem:v58+s19+$0x0], $0xffff  }
0x249: {  	v19 =	vadd.f32 v25, v26;
	v25 =	vadd.f32 v31, v28;
	v28 =	vld.idx.msk [tilespmem:v53+s18+$0x0], $0xffff;
	v31 =	vor.u32 v15, v22  }
0x24a: {  	v36 =	vld.idx.msk [tilespmem:v55+s18+$0x0], $0xffff;
	v26 =	vor.u32 v16, v18;
	v32 =	vadd.f32 v41, v32;
	v24 =	vmax.f32 v24, $0.0e+00  }
0x24b: {  	v47 =	vmul.f32 v24, v23;
	v24 =	vmax.f32 v25, $0.0e+00;
	v25 =	vadd.f32 v30, v56;
	v30 =	vld.idx.msk [tilespmem:v58+s18+$0x0], $0xffff  }
0x24c: {  	v52 =	vld.idx.msk [tilespmem:v45+s18+$0x0], $0xffff;
	v19 =	vmax.f32 v19, $0.0e+00;
	v56 =	vor.u32 v17, v18;
	v42 =	vmax.f32 v32, $0.0e+00  }
0x24d: {  	v12 =	vld.idx.msk [tilespmem:v22+s15+$0x0], $0xffff;
	v48 =	vmul.f32 v19, v20;
	v63 =	vmul.f32 v24, v23;
	v24 =	vadd.f32 v59, v29  }
0x24e: {  	v53 =	vld.idx.msk [tilespmem:v61+s19+$0x0], $0xffff;
	v29 =	vor.u32 v13, v18;
	v19 =	vmax.f32 v25, $0.0e+00;
	v25 =	vadd.f32 v43, v44  }
0x24f: {  	v22 =	vadd.f32 v57, v28;
	v28 =	vld.idx.msk [tilespmem:v61+s18+$0x0], $0xffff;
	v57 =	vadd.f32 v60, v36;
	v55 =	vmax.f32 v24, $0.0e+00  }
0x250: {  	v50 =	vld.idx.msk [tilespmem:v62+s18+$0x0], $0xffff;
	v24 =	vmax.f32 v25, $0.0e+00;
	v25 =	vadd.f32 v27, v34;
	v27 =	vadd.f32 v46, v30  }
0x251: {  	v41 =	vld.idx.msk [tilespmem:v38+s18+$0x0], $0xffff;
	v37 =	vadd.f32 v63, v21;
	v30 =	vmax.f32 v22, $0.0e+00;
	v22 =	vmul.f32 v55, v20  }
0x252: {  	v58 =	vld.idx.msk [tilespmem:v62+s19+$0x0], $0xffff;
	v34 =	vmax.f32 v57, $0.0e+00;
	v59 =	vmul.f32 v30, v20;
	v27 =	vmax.f32 v27, $0.0e+00  }
0x253: {  	v39 =	vld.idx.msk [tilespmem:v54+s18+$0x0], $0xffff;
	v30 =	vadd.f32 v47, v21;
	v25 =	vmax.f32 v25, $0.0e+00;
	v60 =	vmul.f32 v27, v23  }
0x254: {  	v40 =	vld.idx.msk [tilespmem:v54+s19+$0x0], $0xffff;
	v61 =	vmul.f32 v25, v12;
	v25 =	vadd.f32 v49, v52;
	v28 =	vadd.f32 v53, v28  }
0x255: {  	v33 =	vld.idx.msk [tilespmem:v56+s18+$0x0], $0xffff;
	v24 =	vmul.f32 v24, v20;
	v62 =	vadd.f32 v48, v30;
	v36 =	vadd.f32 v60, v21  }
0x256: {  	v27 =	vld.idx.msk [tilespmem:v31+s18+$0x0], $0xffff;
	v25 =	vmax.f32 v25, $0.0e+00;
	v63 =	vmax.f32 v28, $0.0e+00;
	v28 =	vmul.f32 v34, v12  }
0x257: {  	v32 =	vadd.f32 v58, v50;
	v30 =	vld.idx.msk [tilespmem:v31+s19+$0x0], $0xffff;
	v31 =	vmul.f32 v25, v23;
	v25 =	vmul.f32 v63, v23  }
0x258: {  	s13 =	simm.s32 $0x4;
	v35 =	vld.idx.msk [tilespmem:v56+s19+$0x0], $0xffff;
	v23 =	vimm.f32 $0.0e+00;
	v34 =	vadd.f32 v59, v36;
	v36 =	vadd.f32 v61, v62  }
.LBB2_9:
0x259: {  	s6 =	sadd.s32 $0x1, s13  }
0x25a: {  	v43 =	vadd.s32 s13, v0;
	s7 =	sadd.s32 $0x3, s13;
	v21 =	vadd.f32 v25, v21;
	v44 =	vld.idx.msk [tilespmem:v26+s19+$0x0], $0xffff;
	s8 =	smov.u32 s13;
	s30 =	sadd.s32 $0x4, s13  }
0x25b: {  	p1 =	slt.u32 s13, $0x3C;
	v43 =	vand.u32 $0x3F, v43;
	v25 =	vadd.s32 s6, v0;
	v45 =	vmax.f32 v32, $0.0e+00;
	v32 =	vld.idx.msk [tilespmem:v38+s19+$0x0], $0xffff  }
0x25c: {  	v20 =	vmul.f32 v42, v20;
	v38 =	vor.u32 v13, v43;
	v46 =	vand.u32 $0x3F, v25;
	v42 =	vld.idx.msk [tilespmem:v29+s18+$0x0], $0xffff  }
0x25d: {  	s6 =	sadd.s32 $0x2, s8;
	v25 =	vadd.f32 v40, v39;
	v47 =	vor.u32 v13, v46;
	v26 =	vld.idx.msk [tilespmem:v26+s18+$0x0], $0xffff  }
0x25e: {  	v48 =	vadd.s32 s7, v0;
	v39 =	vor.u32 v14, v43;
	v40 =	vadd.s32 s6, v0;
	v29 =	vld.idx.msk [tilespmem:v29+s19+$0x0], $0xffff  }
0x25f: {  	v40 =	vand.u32 $0x3F, v40;
	v49 =	vmax.f32 v25, $0.0e+00;
	v50 =	vld.idx.msk [tilespmem:v18+s15+$0x0], $0xffff  }
0x260: {  	v51 =	vor.u32 v16, v43;
	v21 =	vadd.f32 v24, v21;
	v52 =	vor.u32 v16, v40;
	v25 =	vld.idx.msk [tilespmem:v43+s15+$0x0], $0xffff  }
0x261: {  	v53 =	vor.u32 v13, v40;
	v41 =	vadd.f32 v32, v41;
	v24 =	vld.idx.msk [tilespmem:v38+s19+$0x0], $0xffff  }
0x262: {  	v54 =	vor.u32 v15, v43;
	v37 =	vadd.f32 v20, v37;
	v32 =	vor.u32 v15, v40;
	v55 =	vld.idx.msk [tilespmem:v47+s19+$0x0], $0xffff  }
0x263: {  	v56 =	vor.u32 v16, v46;
	v26 =	vadd.f32 v44, v26;
	v47 =	vld.idx.msk [tilespmem:v47+s18+$0x0], $0xffff  }
0x264: {  	v57 =	vor.u32 v17, v46;
	v20 =	vadd.f32 v35, v33;
	v43 =	vor.u32 v17, v43;
	v44 =	vld.idx.msk [tilespmem:v39+s18+$0x0], $0xffff  }
0x265: {  	v35 =	vor.u32 v17, v40;
	v18 =	vand.u32 $0x3F, v48;
	v29 =	vadd.f32 v29, v42;
	v33 =	vld.idx.msk [tilespmem:v40+s15+$0x0], $0xffff  }
0x266: {  	v48 =	vor.u32 v15, v18;
	v58 =	vmax.f32 v20, $0.0e+00;
	v42 =	vor.u32 v14, v46;
	v38 =	vld.idx.msk [tilespmem:v38+s18+$0x0], $0xffff  }
0x267: {  	v27 =	vadd.f32 v30, v27;
	v30 =	vmul.f32 v45, v12;
	v41 =	vmax.f32 v41, $0.0e+00;
	v39 =	vld.idx.msk [tilespmem:v39+s19+$0x0], $0xffff  }
0x268: {  	v23 =	vadd.f32 v31, v23;
	v45 =	vor.u32 v15, v46;
	v26 =	vmax.f32 v26, $0.0e+00;
	v20 =	vld.idx.msk [tilespmem:v46+s15+$0x0], $0xffff  }
0x269: {  	v27 =	vmax.f32 v27, $0.0e+00;
	v29 =	vmax.f32 v29, $0.0e+00;
	v31 =	vadd.f32 v55, v47;
	v46 =	vld.idx.msk [tilespmem:v53+s18+$0x0], $0xffff  }
0x26a: {  	v28 =	vadd.f32 v28, v34;
	v27 =	vmul.f32 v27, v12;
	v26 =	vmul.f32 v26, v50;
	v47 =	vld.idx.msk [tilespmem:v53+s19+$0x0], $0xffff  }
0x26b: {  	v21 =	vadd.f32 v30, v21;
	v12 =	vmul.f32 v49, v12;
	v30 =	vmul.f32 v58, v50;
	v34 =	vld.idx.msk [tilespmem:v48+s18+$0x0], $0xffff  }
0x26c: {  	v22 =	vadd.f32 v22, v23;
	v23 =	vmul.f32 v29, v50;
	v28 =	vadd.f32 v26, v28;
	v48 =	vld.idx.msk [tilespmem:v48+s19+$0x0], $0xffff  }
0x26d: {  	v29 =	vadd.f32 v12, v37;
	v21 =	vadd.f32 v30, v21;
	v26 =	vmul.f32 v41, v50;
	v49 =	vld.idx.msk [tilespmem:v42+s19+$0x0], $0xffff  }
0x26e: {  	v22 =	vadd.f32 v27, v22;
	v19 =	vmul.f32 v19, v50;
	v24 =	vadd.f32 v24, v38;
	v30 =	vld.idx.msk [tilespmem:v56+s19+$0x0], $0xffff  }
0x26f: {  	v36 =	vadd.f32 v23, v36;
	v37 =	vadd.f32 v26, v29;
	v12 =	vmov v33;
	v27 =	vld.idx.msk [tilespmem:v45+s19+$0x0], $0xffff  }
0x270: {  	v23 =	vadd.f32 v19, v22;
	v26 =	vadd.f32 v39, v44;
	v24 =	vmax.f32 v24, $0.0e+00;
	v33 =	vld.idx.msk [tilespmem:v52+s19+$0x0], $0xffff  }
0x271: {  	v19 =	vmax.f32 v31, $0.0e+00;
	v41 =	vmul.f32 v24, v25;
	v22 =	vld.idx.msk [tilespmem:v57+s19+$0x0], $0xffff  }
0x272: {  	v31 =	vmul.f32 v19, v20;
	v24 =	vmax.f32 v26, $0.0e+00;
	v19 =	vadd.f32 v48, v34;
	v26 =	vld.idx.msk [tilespmem:v57+s18+$0x0], $0xffff  }
0x273: {  	v34 =	vmul.f32 v24, v25;
	v24 =	vld.idx.msk [tilespmem:v45+s18+$0x0], $0xffff  }
0x274: {  	v39 =	vld.idx.msk [tilespmem:v51+s19+$0x0], $0xffff  }
0x275: {  	v38 =	vld.idx.msk [tilespmem:v56+s18+$0x0], $0xffff  }
0x276: {  	v44 =	vld.idx.msk [tilespmem:v52+s18+$0x0], $0xffff  }
0x277: {  	v45 =	vld.idx.msk [tilespmem:v51+s18+$0x0], $0xffff  }
0x278: {  	v48 =	vld.idx.msk [tilespmem:v54+s19+$0x0], $0xffff  }
0x279: {  	v29 =	vor.u32 v13, v18;
	v19 =	vmax.f32 v19, $0.0e+00;
	v24 =	vadd.f32 v27, v24;
	v50 =	vld.idx.msk [tilespmem:v54+s18+$0x0], $0xffff  }
0x27a: {  	v40 =	vor.u32 v14, v40;
	v22 =	vadd.f32 v22, v26;
	v26 =	vor.u32 v16, v18;
	v27 =	vld.idx.msk [tilespmem:v43+s19+$0x0], $0xffff  }
0x27b: {  	v52 =	vor.u32 v17, v18;
	v30 =	vadd.f32 v30, v38;
	v51 =	vmax.f32 v24, $0.0e+00;
	v43 =	vld.idx.msk [tilespmem:v43+s18+$0x0], $0xffff  }
0x27c: {  	v46 =	vadd.f32 v47, v46;
	v22 =	vmax.f32 v22, $0.0e+00;
	v38 =	vor.u32 v14, v18;
	v47 =	vld.idx.msk [tilespmem:v35+s18+$0x0], $0xffff  }
0x27d: {  	v24 =	vmul.f32 v22, v20;
	v39 =	vadd.f32 v39, v45;
	v30 =	vmax.f32 v30, $0.0e+00;
	v42 =	vld.idx.msk [tilespmem:v42+s18+$0x0], $0xffff  }
0x27e: {  	v22 =	vmul.f32 v51, v20;
	v33 =	vadd.f32 v33, v44;
	v45 =	vmax.f32 v46, $0.0e+00;
	v35 =	vld.idx.msk [tilespmem:v35+s19+$0x0], $0xffff  }
0x27f: {  	v46 =	vmul.f32 v30, v20;
	v45 =	vmul.f32 v45, v12;
	v44 =	vmax.f32 v39, $0.0e+00;
	v39 =	vld.idx.msk [tilespmem:v40+s18+$0x0], $0xffff  }
0x280: {  	v30 =	vadd.f32 v41, v36;
	v41 =	vadd.f32 v48, v50;
	v36 =	vmul.f32 v44, v25;
	v40 =	vld.idx.msk [tilespmem:v40+s19+$0x0], $0xffff  }
.Ltmp5:
0x281: {  	v37 =	vadd.f32 v34, v37;
	v33 =	vmax.f32 v33, $0.0e+00;
	v34 =	vadd.f32 v27, v43;
	v27 =	vld.idx.msk [tilespmem:v32+s18+$0x0], $0xffff;
	(pc) =	sbr.rel @p1 .LBB2_9-.Ltmp5, $4  }
0x282: {  	v44 =	vadd.f32 v31, v30;
	v43 =	vmax.f32 v41, $0.0e+00;
	v36 =	vadd.f32 v36, v28;
	v30 =	vld.idx.msk [tilespmem:v32+s19+$0x0], $0xffff  }
0x283: {  	v28 =	vmul.f32 v33, v12;
	v32 =	vmax.f32 v34, $0.0e+00;
	v42 =	vadd.f32 v49, v42;
	v41 =	vld.idx.msk [tilespmem:v38+s18+$0x0], $0xffff  }
0x284: {  	v31 =	vmul.f32 v43, v25;
	v25 =	vmul.f32 v32, v25;
	v34 =	vadd.f32 v46, v36;
	v33 =	vld.idx.msk [tilespmem:v52+s18+$0x0], $0xffff  }
0x285: {  	s13 =	smov.u32 s30;
	v36 =	vadd.f32 v45, v44;
	v32 =	vadd.f32 v35, v47;
	v42 =	vmax.f32 v42, $0.0e+00;
	v35 =	vld.idx.msk [tilespmem:v52+s19+$0x0], $0xffff  }
0x286: {  	_ =	sdelay $0x3  }
0x287: {  	v13 =	vld.idx.msk [tilespmem:v29+s18+$0x0], $0xffff  }
0x288: {  	v14 =	vld.idx.msk [tilespmem:v29+s19+$0x0], $0xffff;
	_ =	sdelay $0x2  }
0x289: {  	v15 =	vld.idx.msk [tilespmem:v18+s15+$0x0], $0xffff;
	_ =	sdelay $0x1  }
0x28a: {  	v13 =	vadd.f32 v14, v13;
	_ =	sdelay $0x1  }
0x28b: {  	v13 =	vmax.f32 v13, $0.0e+00  }
0x28c: {  	v13 =	vmul.f32 v13, v15  }
0x28d: {  	v14 =	vld [tilespmem:s2+$0x11750]  }
0x28e: {  	v13 =	vadd.f32 v13, v36;
	_ =	sdelay $0x1  }
0x28f: {  	v13 =	vadd.f32 v13, v11  }
0x290: {  	v16 =	vld.idx.msk [tilespmem:v38+s19+$0x0], $0xffff  }
0x291: {  	v13 =	vadd.f32 v14, v13;
	_ =	sdelay $0x1  }
0x292: {  	v14 =	vadd.f32 v40, v39;
	v13 =	vsub.f32 $0.0e+00, v13  }
0x293: {  	v17 =	vmul.f32 v42, v20  }
0x294: {  	v16 =	vadd.f32 v16, v41;
	v14 =	vmax.f32 v14, $0.0e+00;
	v13 =	vmul.f32 $1.442695020e+00, v13  }
0x295: {  	v17 =	vadd.f32 v17, v37;
	v14 =	vmul.f32 v14, v12  }
0x296: {  	v16 =	vmax.f32 v16, $0.0e+00;
	(erf) = vpow2.f32 v13  }
0x297: {  	v13 =	vadd.f32 v14, v17;
	v14 =	vmul.f32 v16, v15  }
0x298: {  	v16 =	vld [tilespmem:s2+$0x11760]  }
0x299: {  	v13 =	vadd.f32 v14, v13;
	_ =	sdelay $0x1  }
0x29a: {  	v17 =	vld.idx.msk [tilespmem:v26+s18+$0x0], $0xffff;
	v13 =	vadd.f32 v13, v11  }
0x29b: {  	v14 =	vld.idx.msk [tilespmem:v26+s19+$0x0], $0xffff  }
0x29c: {  	v13 =	vadd.f32 v16, v13;
	_ =	sdelay $0x1  }
0x29d: {  	v13 =	vsub.f32 $0.0e+00, v13;
	v16 =	vpop (erf)  }
0x29e: {  	v16 =	vadd.f32 $1.000000000e+00, v16  }
0x29f: {  	v14 =	vadd.f32 v14, v17;
	v13 =	vmul.f32 $1.442695020e+00, v13  }
0x2a0: {  	(erf) = vrcp.f32 v16  }
0x2a1: {  	v14 =	vmax.f32 v14, $0.0e+00;
	(erf) = vpow2.f32 v13  }
0x2a2: {  	v14 =	vmul.f32 v14, v15;
	v13 =	vadd.f32 v28, v34  }
0x2a3: {  	v16 =	vld [tilespmem:s2+$0x11770]  }
0x2a4: {  	v13 =	vadd.f32 v14, v13;
	_ =	sdelay $0x1  }
0x2a5: {  	v13 =	vadd.f32 v13, v11;
	_ =	sdelay $0x1  }
0x2a6: {  	v13 =	vadd.f32 v16, v13  }
0x2a7: {  	v14 =	vpop (erf)  }
0x2a8: {  	v16 =	vadd.f32 v30, v27;
	v13 =	vsub.f32 $0.0e+00, v13;
	v17 =	vpop (erf)  }
0x2a9: {  	v18 =	vadd.f32 v31, v23;
	v17 =	vadd.f32 $1.000000000e+00, v17  }
0x2aa: {  	v16 =	vmax.f32 v16, $0.0e+00;
	v13 =	vmul.f32 $1.442695020e+00, v13  }
0x2ab: {  	v18 =	vadd.f32 v22, v18;
	v16 =	vmul.f32 v16, v12;
	(erf) = vrcp.f32 v17  }
0x2ac: {  	(erf) = vpow2.f32 v13  }
0x2ad: {  	v13 =	vadd.f32 v16, v18;
	v16 =	vmul.f32 v19, v15  }
0x2ae: {  	v17 =	vld [tilespmem:s2+$0x11780]  }
0x2af: {  	v13 =	vadd.f32 v16, v13;
	_ =	sdelay $0x1  }
0x2b0: {  	v13 =	vadd.f32 v13, v11;
	_ =	sdelay $0x1  }
0x2b1: {  	v13 =	vadd.f32 v17, v13  }
0x2b2: {  	v16 =	vpop (erf)  }
0x2b3: {  	v13 =	vsub.f32 $0.0e+00, v13;
	v17 =	vpop (erf)  }
0x2b4: {  	v18 =	vadd.f32 v25, v21;
	v17 =	vadd.f32 $1.000000000e+00, v17  }
0x2b5: {  	v20 =	vadd.f32 v35, v33;
	v19 =	vmax.f32 v32, $0.0e+00;
	v13 =	vmul.f32 $1.442695020e+00, v13  }
0x2b6: {  	v12 =	vmul.f32 v19, v12;
	v18 =	vadd.f32 v24, v18;
	(erf) = vrcp.f32 v17  }
0x2b7: {  	v17 =	vmax.f32 v20, $0.0e+00;
	(erf) = vpow2.f32 v13  }
0x2b8: {  	v12 =	vadd.f32 v12, v18;
	v13 =	vmul.f32 v17, v15  }
0x2b9: {  	v15 =	vld [tilespmem:s2+$0x11790]  }
0x2ba: {  	v12 =	vadd.f32 v13, v12;
	_ =	sdelay $0x1  }
0x2bb: {  	v12 =	vadd.f32 v12, v11;
	_ =	sdelay $0x1  }
0x2bc: {  	v12 =	vadd.f32 v15, v12  }
0x2bd: {  	v13 =	vpop (erf)  }
0x2be: {  	v12 =	vsub.f32 $0.0e+00, v12;
	v15 =	vpop (erf)  }
0x2bf: {  	v15 =	vadd.f32 $1.000000000e+00, v15  }
0x2c0: {  	v12 =	vmul.f32 $1.442695020e+00, v12  }
0x2c1: {  	(erf) = vrcp.f32 v15  }
0x2c2: {  	(erf) = vpow2.f32 v12;
	_ =	sdelay $0x7  }
0x2c3: {  	v12 =	vpop (erf)  }
0x2c4: {  	v15 =	vpop (erf)  }
0x2c5: {  	v15 =	vadd.f32 $1.000000000e+00, v15;
	_ =	sdelay $0x1  }
0x2c6: {  	(erf) = vrcp.f32 v15;
	_ =	sdelay $0x5  }
0x2c7: {  	[tilespmem:s2+$0x13E60] =	vst v14  }
0x2c8: {  	[tilespmem:s2+$0x13E70] =	vst v16  }
0x2c9: {  	[tilespmem:s2+$0x13E80] =	vst v13  }
0x2ca: {  	[tilespmem:s2+$0x13E90] =	vst v12;
	v12 =	vpop (erf)  }
0x2cb: {  	s6 =	sadd.s32 @!p0 $0x280, s2;
	s7 =	simm.s32 @!p0 $0x50;
	s8 =	simm.s32 @!p0 $0x8A20;
	[tilespmem:s2+$0x13EA0] =	vst v12  }
0x2cc: {  	[tilespmem:s8], [sflag:$0x4] =	stream.indirect.gather @!p0 [hbm4b:s4+s7], $0x40, s6, s7, $0xb8;
	[tilespmem:$0x16490] =	vst v63  }
0x2cd: {  	s6 =	sadd.s32 @!p0 $0x2990, s2;
	s8 =	simm.s32 @!p0 $0xEE20  }
0x2ce: {  	[tilespmem:s8], [sflag:$0x9] =	stream.indirect.gather @!p0 [hbm4b:s5+s7], $0x40, s6, s7, $0xb8;
	[tilespmem:$0x16490] =	vst v63  }
0x2cf: {  	s13 =	simm.s32 $0x2;
	s7 =	simm.s32 $0x0  }
0x2d0: {  	v15 =	vadd.s32 s13, v0;
	_ =	swait.ge [sflag:s28], $0x1400;
	v12 =	vadd.s32 s7, v0  }
0x2d1: {  	s30 =	simm.s32 $0x3;
	v13 =	vor.u32 $0x5000, v1;
	v22 =	vand.u32 $0x3F, v15;
	[sflag:s28] =	ssyncset.done $0x0;
	v19 =	vand.u32 $0x3F, v12  }
0x2d2: {  	v18 =	vadd.s32 s30, v0;
	v27 =	vor.u32 v13, v22;
	[sflag:s28] =	ssyncadd.s32 $0xFFFFEC00  }
0x2d3: {  	v18 =	vand.u32 $0x3F, v18;
	v15 =	vor.u32 $0x5C00, v1;
	_ =	swait.ge [sflag:s29], $0x1400  }
0x2d4: {  	v30 =	vor.u32 v15, v18;
	[sflag:s29] =	ssyncset.done $0x0  }
0x2d5: {  	[sflag:s29] =	ssyncadd.s32 $0xFFFFEC00  }
0x2d6: {  	v14 =	vor.u32 $0x5400, v1;
	v16 =	vor.u32 v13, v19;
	v23 =	vld.idx.msk [tilespmem:v19+s15+$0x0], $0xffff  }
0x2d7: {  	v17 =	vor.u32 v14, v19;
	v34 =	vld.idx.msk [tilespmem:v27+s18+$0x0], $0xffff  }
0x2d8: {  	s8 =	simm.s32 $0x1;
	v27 =	vld.idx.msk [tilespmem:v27+s19+$0x0], $0xffff  }
0x2d9: {  	v12 =	vadd.s32 s8, v0;
	v56 =	vld.idx.msk [tilespmem:v30+s18+$0x0], $0xffff  }
0x2da: {  	v21 =	vand.u32 $0x3F, v12;
	v30 =	vld.idx.msk [tilespmem:v30+s19+$0x0], $0xffff  }
0x2db: {  	v45 =	vor.u32 v15, v19;
	v24 =	vld.idx.msk [tilespmem:v16+s19+$0x0], $0xffff  }
0x2dc: {  	v12 =	vor.u32 v13, v21;
	v28 =	vld.idx.msk [tilespmem:v17+s18+$0x0], $0xffff  }
0x2dd: {  	v29 =	vld.idx.msk [tilespmem:v16+s18+$0x0], $0xffff  }
0x2de: {  	v32 =	vor.u32 v14, v21;
	v31 =	vld.idx.msk [tilespmem:v17+s19+$0x0], $0xffff  }
0x2df: {  	v54 =	vor.u32 v15, v21;
	v20 =	vld.idx.msk [tilespmem:v21+s15+$0x0], $0xffff  }
0x2e0: {  	v49 =	vld.idx.msk [tilespmem:v45+s19+$0x0], $0xffff  }
0x2e1: {  	v16 =	vor.u32 $0x5800, v1;
	v25 =	vld.idx.msk [tilespmem:v12+s19+$0x0], $0xffff  }
0x2e2: {  	v26 =	vld.idx.msk [tilespmem:v12+s18+$0x0], $0xffff;
	v53 =	vor.u32 v16, v21  }
0x2e3: {  	v17 =	vor.u32 $0x6000, v1;
	v55 =	vor.u32 v16, v22;
	v41 =	vld.idx.msk [tilespmem:v32+s19+$0x0], $0xffff  }
0x2e4: {  	v21 =	vor.u32 v17, v21;
	v59 =	vld.idx.msk [tilespmem:v54+s19+$0x0], $0xffff  }
0x2e5: {  	v32 =	vld.idx.msk [tilespmem:v32+s18+$0x0], $0xffff  }
0x2e6: {  	v58 =	vor.u32 v16, v19;
	v24 =	vadd.f32 v24, v29;
	v29 =	vld.idx.msk [tilespmem:v54+s18+$0x0], $0xffff  }
0x2e7: {  	v57 =	vld.idx.msk [tilespmem:v53+s19+$0x0], $0xffff  }
0x2e8: {  	v60 =	vld.idx.msk [tilespmem:v55+s19+$0x0], $0xffff  }
0x2e9: {  	v43 =	vld.idx.msk [tilespmem:v21+s19+$0x0], $0xffff  }
0x2ea: {  	v38 =	vor.u32 v14, v18;
	v61 =	vor.u32 v17, v19;
	v44 =	vld.idx.msk [tilespmem:v21+s18+$0x0], $0xffff  }
0x2eb: {  	v62 =	vor.u32 v17, v22;
	v54 =	vor.u32 v14, v22;
	v21 =	vimm.f32 $0.0e+00;
	v46 =	vld.idx.msk [tilespmem:v58+s19+$0x0], $0xffff  }
0x2ec: {  	v19 =	vadd.f32 v25, v26;
	v25 =	vadd.f32 v31, v28;
	v28 =	vld.idx.msk [tilespmem:v53+s18+$0x0], $0xffff;
	v31 =	vor.u32 v15, v22  }
0x2ed: {  	v36 =	vld.idx.msk [tilespmem:v55+s18+$0x0], $0xffff;
	v26 =	vor.u32 v16, v18;
	v32 =	vadd.f32 v41, v32;
	v24 =	vmax.f32 v24, $0.0e+00  }
0x2ee: {  	v47 =	vmul.f32 v24, v23;
	v24 =	vmax.f32 v25, $0.0e+00;
	v25 =	vadd.f32 v30, v56;
	v30 =	vld.idx.msk [tilespmem:v58+s18+$0x0], $0xffff  }
0x2ef: {  	v52 =	vld.idx.msk [tilespmem:v45+s18+$0x0], $0xffff;
	v19 =	vmax.f32 v19, $0.0e+00;
	v56 =	vor.u32 v17, v18;
	v42 =	vmax.f32 v32, $0.0e+00  }
0x2f0: {  	v12 =	vld.idx.msk [tilespmem:v22+s15+$0x0], $0xffff;
	v48 =	vmul.f32 v19, v20;
	v63 =	vmul.f32 v24, v23;
	v24 =	vadd.f32 v59, v29  }
0x2f1: {  	v53 =	vld.idx.msk [tilespmem:v61+s19+$0x0], $0xffff;
	v29 =	vor.u32 v13, v18;
	v19 =	vmax.f32 v25, $0.0e+00;
	v25 =	vadd.f32 v43, v44  }
0x2f2: {  	v22 =	vadd.f32 v57, v28;
	v28 =	vld.idx.msk [tilespmem:v61+s18+$0x0], $0xffff;
	v57 =	vadd.f32 v60, v36;
	v55 =	vmax.f32 v24, $0.0e+00  }
0x2f3: {  	v50 =	vld.idx.msk [tilespmem:v62+s18+$0x0], $0xffff;
	v24 =	vmax.f32 v25, $0.0e+00;
	v25 =	vadd.f32 v27, v34;
	v27 =	vadd.f32 v46, v30  }
0x2f4: {  	v41 =	vld.idx.msk [tilespmem:v38+s18+$0x0], $0xffff;
	v37 =	vadd.f32 v63, v21;
	v30 =	vmax.f32 v22, $0.0e+00;
	v22 =	vmul.f32 v55, v20  }
0x2f5: {  	v58 =	vld.idx.msk [tilespmem:v62+s19+$0x0], $0xffff;
	v34 =	vmax.f32 v57, $0.0e+00;
	v59 =	vmul.f32 v30, v20;
	v27 =	vmax.f32 v27, $0.0e+00  }
0x2f6: {  	v39 =	vld.idx.msk [tilespmem:v54+s18+$0x0], $0xffff;
	v30 =	vadd.f32 v47, v21;
	v25 =	vmax.f32 v25, $0.0e+00;
	v60 =	vmul.f32 v27, v23  }
0x2f7: {  	v40 =	vld.idx.msk [tilespmem:v54+s19+$0x0], $0xffff;
	v61 =	vmul.f32 v25, v12;
	v25 =	vadd.f32 v49, v52;
	v28 =	vadd.f32 v53, v28  }
0x2f8: {  	v33 =	vld.idx.msk [tilespmem:v56+s18+$0x0], $0xffff;
	v24 =	vmul.f32 v24, v20;
	v62 =	vadd.f32 v48, v30;
	v36 =	vadd.f32 v60, v21  }
0x2f9: {  	v27 =	vld.idx.msk [tilespmem:v31+s18+$0x0], $0xffff;
	v25 =	vmax.f32 v25, $0.0e+00;
	v63 =	vmax.f32 v28, $0.0e+00;
	v28 =	vmul.f32 v34, v12  }
0x2fa: {  	v32 =	vadd.f32 v58, v50;
	v30 =	vld.idx.msk [tilespmem:v31+s19+$0x0], $0xffff;
	v31 =	vmul.f32 v25, v23;
	v25 =	vmul.f32 v63, v23  }
0x2fb: {  	s13 =	simm.s32 $0x4;
	v35 =	vld.idx.msk [tilespmem:v56+s19+$0x0], $0xffff;
	v23 =	vimm.f32 $0.0e+00;
	v34 =	vadd.f32 v59, v36;
	v36 =	vadd.f32 v61, v62  }
.LBB2_11:
0x2fc: {  	s6 =	sadd.s32 $0x1, s13  }
0x2fd: {  	v43 =	vadd.s32 s13, v0;
	s7 =	sadd.s32 $0x3, s13;
	v21 =	vadd.f32 v25, v21;
	v44 =	vld.idx.msk [tilespmem:v26+s19+$0x0], $0xffff;
	s8 =	smov.u32 s13;
	s30 =	sadd.s32 $0x4, s13  }
0x2fe: {  	p1 =	slt.u32 s13, $0x3C;
	v43 =	vand.u32 $0x3F, v43;
	v25 =	vadd.s32 s6, v0;
	v45 =	vmax.f32 v32, $0.0e+00;
	v32 =	vld.idx.msk [tilespmem:v38+s19+$0x0], $0xffff  }
0x2ff: {  	v20 =	vmul.f32 v42, v20;
	v38 =	vor.u32 v13, v43;
	v46 =	vand.u32 $0x3F, v25;
	v42 =	vld.idx.msk [tilespmem:v29+s18+$0x0], $0xffff  }
0x300: {  	s6 =	sadd.s32 $0x2, s8;
	v25 =	vadd.f32 v40, v39;
	v47 =	vor.u32 v13, v46;
	v26 =	vld.idx.msk [tilespmem:v26+s18+$0x0], $0xffff  }
0x301: {  	v48 =	vadd.s32 s7, v0;
	v39 =	vor.u32 v14, v43;
	v40 =	vadd.s32 s6, v0;
	v29 =	vld.idx.msk [tilespmem:v29+s19+$0x0], $0xffff  }
0x302: {  	v40 =	vand.u32 $0x3F, v40;
	v49 =	vmax.f32 v25, $0.0e+00;
	v50 =	vld.idx.msk [tilespmem:v18+s15+$0x0], $0xffff  }
0x303: {  	v51 =	vor.u32 v16, v43;
	v21 =	vadd.f32 v24, v21;
	v52 =	vor.u32 v16, v40;
	v25 =	vld.idx.msk [tilespmem:v43+s15+$0x0], $0xffff  }
0x304: {  	v53 =	vor.u32 v13, v40;
	v41 =	vadd.f32 v32, v41;
	v24 =	vld.idx.msk [tilespmem:v38+s19+$0x0], $0xffff  }
0x305: {  	v54 =	vor.u32 v15, v43;
	v37 =	vadd.f32 v20, v37;
	v32 =	vor.u32 v15, v40;
	v55 =	vld.idx.msk [tilespmem:v47+s19+$0x0], $0xffff  }
0x306: {  	v56 =	vor.u32 v16, v46;
	v26 =	vadd.f32 v44, v26;
	v47 =	vld.idx.msk [tilespmem:v47+s18+$0x0], $0xffff  }
0x307: {  	v57 =	vor.u32 v17, v46;
	v20 =	vadd.f32 v35, v33;
	v43 =	vor.u32 v17, v43;
	v44 =	vld.idx.msk [tilespmem:v39+s18+$0x0], $0xffff  }
0x308: {  	v35 =	vor.u32 v17, v40;
	v18 =	vand.u32 $0x3F, v48;
	v29 =	vadd.f32 v29, v42;
	v33 =	vld.idx.msk [tilespmem:v40+s15+$0x0], $0xffff  }
0x309: {  	v48 =	vor.u32 v15, v18;
	v58 =	vmax.f32 v20, $0.0e+00;
	v42 =	vor.u32 v14, v46;
	v38 =	vld.idx.msk [tilespmem:v38+s18+$0x0], $0xffff  }
0x30a: {  	v27 =	vadd.f32 v30, v27;
	v30 =	vmul.f32 v45, v12;
	v41 =	vmax.f32 v41, $0.0e+00;
	v39 =	vld.idx.msk [tilespmem:v39+s19+$0x0], $0xffff  }
0x30b: {  	v23 =	vadd.f32 v31, v23;
	v45 =	vor.u32 v15, v46;
	v26 =	vmax.f32 v26, $0.0e+00;
	v20 =	vld.idx.msk [tilespmem:v46+s15+$0x0], $0xffff  }
0x30c: {  	v27 =	vmax.f32 v27, $0.0e+00;
	v29 =	vmax.f32 v29, $0.0e+00;
	v31 =	vadd.f32 v55, v47;
	v46 =	vld.idx.msk [tilespmem:v53+s18+$0x0], $0xffff  }
0x30d: {  	v28 =	vadd.f32 v28, v34;
	v27 =	vmul.f32 v27, v12;
	v26 =	vmul.f32 v26, v50;
	v47 =	vld.idx.msk [tilespmem:v53+s19+$0x0], $0xffff  }
0x30e: {  	v21 =	vadd.f32 v30, v21;
	v12 =	vmul.f32 v49, v12;
	v30 =	vmul.f32 v58, v50;
	v34 =	vld.idx.msk [tilespmem:v48+s18+$0x0], $0xffff  }
0x30f: {  	v22 =	vadd.f32 v22, v23;
	v23 =	vmul.f32 v29, v50;
	v28 =	vadd.f32 v26, v28;
	v48 =	vld.idx.msk [tilespmem:v48+s19+$0x0], $0xffff  }
0x310: {  	v29 =	vadd.f32 v12, v37;
	v21 =	vadd.f32 v30, v21;
	v26 =	vmul.f32 v41, v50;
	v49 =	vld.idx.msk [tilespmem:v42+s19+$0x0], $0xffff  }
0x311: {  	v22 =	vadd.f32 v27, v22;
	v19 =	vmul.f32 v19, v50;
	v24 =	vadd.f32 v24, v38;
	v30 =	vld.idx.msk [tilespmem:v56+s19+$0x0], $0xffff  }
0x312: {  	v36 =	vadd.f32 v23, v36;
	v37 =	vadd.f32 v26, v29;
	v12 =	vmov v33;
	v27 =	vld.idx.msk [tilespmem:v45+s19+$0x0], $0xffff  }
0x313: {  	v23 =	vadd.f32 v19, v22;
	v26 =	vadd.f32 v39, v44;
	v24 =	vmax.f32 v24, $0.0e+00;
	v33 =	vld.idx.msk [tilespmem:v52+s19+$0x0], $0xffff  }
0x314: {  	v19 =	vmax.f32 v31, $0.0e+00;
	v41 =	vmul.f32 v24, v25;
	v22 =	vld.idx.msk [tilespmem:v57+s19+$0x0], $0xffff  }
0x315: {  	v31 =	vmul.f32 v19, v20;
	v24 =	vmax.f32 v26, $0.0e+00;
	v19 =	vadd.f32 v48, v34;
	v26 =	vld.idx.msk [tilespmem:v57+s18+$0x0], $0xffff  }
0x316: {  	v34 =	vmul.f32 v24, v25;
	v24 =	vld.idx.msk [tilespmem:v45+s18+$0x0], $0xffff  }
0x317: {  	v39 =	vld.idx.msk [tilespmem:v51+s19+$0x0], $0xffff  }
0x318: {  	v38 =	vld.idx.msk [tilespmem:v56+s18+$0x0], $0xffff  }
0x319: {  	v44 =	vld.idx.msk [tilespmem:v52+s18+$0x0], $0xffff  }
0x31a: {  	v45 =	vld.idx.msk [tilespmem:v51+s18+$0x0], $0xffff  }
0x31b: {  	v48 =	vld.idx.msk [tilespmem:v54+s19+$0x0], $0xffff  }
0x31c: {  	v29 =	vor.u32 v13, v18;
	v19 =	vmax.f32 v19, $0.0e+00;
	v24 =	vadd.f32 v27, v24;
	v50 =	vld.idx.msk [tilespmem:v54+s18+$0x0], $0xffff  }
0x31d: {  	v40 =	vor.u32 v14, v40;
	v22 =	vadd.f32 v22, v26;
	v26 =	vor.u32 v16, v18;
	v27 =	vld.idx.msk [tilespmem:v43+s19+$0x0], $0xffff  }
0x31e: {  	v52 =	vor.u32 v17, v18;
	v30 =	vadd.f32 v30, v38;
	v51 =	vmax.f32 v24, $0.0e+00;
	v43 =	vld.idx.msk [tilespmem:v43+s18+$0x0], $0xffff  }
0x31f: {  	v46 =	vadd.f32 v47, v46;
	v22 =	vmax.f32 v22, $0.0e+00;
	v38 =	vor.u32 v14, v18;
	v47 =	vld.idx.msk [tilespmem:v35+s18+$0x0], $0xffff  }
0x320: {  	v24 =	vmul.f32 v22, v20;
	v39 =	vadd.f32 v39, v45;
	v30 =	vmax.f32 v30, $0.0e+00;
	v42 =	vld.idx.msk [tilespmem:v42+s18+$0x0], $0xffff  }
0x321: {  	v22 =	vmul.f32 v51, v20;
	v33 =	vadd.f32 v33, v44;
	v45 =	vmax.f32 v46, $0.0e+00;
	v35 =	vld.idx.msk [tilespmem:v35+s19+$0x0], $0xffff  }
0x322: {  	v46 =	vmul.f32 v30, v20;
	v45 =	vmul.f32 v45, v12;
	v44 =	vmax.f32 v39, $0.0e+00;
	v39 =	vld.idx.msk [tilespmem:v40+s18+$0x0], $0xffff  }
0x323: {  	v30 =	vadd.f32 v41, v36;
	v41 =	vadd.f32 v48, v50;
	v36 =	vmul.f32 v44, v25;
	v40 =	vld.idx.msk [tilespmem:v40+s19+$0x0], $0xffff  }
.Ltmp6:
0x324: {  	v37 =	vadd.f32 v34, v37;
	v33 =	vmax.f32 v33, $0.0e+00;
	v34 =	vadd.f32 v27, v43;
	v27 =	vld.idx.msk [tilespmem:v32+s18+$0x0], $0xffff;
	(pc) =	sbr.rel @p1 .LBB2_11-.Ltmp6, $4  }
0x325: {  	v44 =	vadd.f32 v31, v30;
	v43 =	vmax.f32 v41, $0.0e+00;
	v36 =	vadd.f32 v36, v28;
	v30 =	vld.idx.msk [tilespmem:v32+s19+$0x0], $0xffff  }
0x326: {  	v28 =	vmul.f32 v33, v12;
	v32 =	vmax.f32 v34, $0.0e+00;
	v42 =	vadd.f32 v49, v42;
	v41 =	vld.idx.msk [tilespmem:v38+s18+$0x0], $0xffff  }
0x327: {  	v31 =	vmul.f32 v43, v25;
	v25 =	vmul.f32 v32, v25;
	v34 =	vadd.f32 v46, v36;
	v33 =	vld.idx.msk [tilespmem:v52+s18+$0x0], $0xffff  }
0x328: {  	s13 =	smov.u32 s30;
	v36 =	vadd.f32 v45, v44;
	v32 =	vadd.f32 v35, v47;
	v42 =	vmax.f32 v42, $0.0e+00;
	v35 =	vld.idx.msk [tilespmem:v52+s19+$0x0], $0xffff  }
0x329: {  	_ =	sdelay $0x3  }
0x32a: {  	v13 =	vld.idx.msk [tilespmem:v29+s18+$0x0], $0xffff  }
0x32b: {  	v14 =	vld.idx.msk [tilespmem:v29+s19+$0x0], $0xffff;
	_ =	sdelay $0x2  }
0x32c: {  	v15 =	vld.idx.msk [tilespmem:v18+s15+$0x0], $0xffff;
	_ =	sdelay $0x1  }
0x32d: {  	v13 =	vadd.f32 v14, v13;
	_ =	sdelay $0x1  }
0x32e: {  	v13 =	vmax.f32 v13, $0.0e+00  }
0x32f: {  	v13 =	vmul.f32 v13, v15  }
0x330: {  	v62 =	vld [tilespmem:s2+$0x117A0]  }
0x331: {  	v13 =	vadd.f32 v13, v36;
	_ =	sdelay $0x1  }
0x332: {  	v13 =	vadd.f32 v13, v11  }
0x333: {  	v16 =	vld.idx.msk [tilespmem:v38+s19+$0x0], $0xffff  }
0x334: {  	v13 =	vadd.f32 v62, v13;
	_ =	sdelay $0x1  }
0x335: {  	v63 =	vadd.f32 v40, v39;
	v13 =	vsub.f32 $0.0e+00, v13  }
0x336: {  	v17 =	vmul.f32 v42, v20  }
0x337: {  	v14 =	vmax.f32 v63, $0.0e+00;
	v16 =	vadd.f32 v16, v41;
	v13 =	vmul.f32 $1.442695020e+00, v13  }
0x338: {  	v17 =	vadd.f32 v17, v37;
	v14 =	vmul.f32 v14, v12  }
0x339: {  	v16 =	vmax.f32 v16, $0.0e+00;
	(erf) = vpow2.f32 v13  }
0x33a: {  	v29 =	vadd.f32 v14, v17;
	v36 =	vmul.f32 v16, v15  }
0x33b: {  	v37 =	vld [tilespmem:s2+$0x117B0]  }
0x33c: {  	v13 =	vadd.f32 v36, v29;
	_ =	sdelay $0x1  }
0x33d: {  	v38 =	vld.idx.msk [tilespmem:v26+s19+$0x0], $0xffff;
	v13 =	vadd.f32 v13, v11  }
0x33e: {  	v39 =	vld.idx.msk [tilespmem:v26+s18+$0x0], $0xffff  }
0x33f: {  	v13 =	vadd.f32 v37, v13;
	_ =	sdelay $0x1  }
0x340: {  	v13 =	vsub.f32 $0.0e+00, v13;
	v40 =	vpop (erf)  }
0x341: {  	v16 =	vadd.f32 $1.000000000e+00, v40  }
0x342: {  	v14 =	vadd.f32 v38, v39;
	v13 =	vmul.f32 $1.442695020e+00, v13  }
0x343: {  	(erf) = vrcp.f32 v16  }
0x344: {  	v14 =	vmax.f32 v14, $0.0e+00;
	(erf) = vpow2.f32 v13  }
0x345: {  	v41 =	vadd.f32 v28, v34;
	v14 =	vmul.f32 v14, v15  }
0x346: {  	v42 =	vld [tilespmem:s2+$0x117C0]  }
0x347: {  	v13 =	vadd.f32 v14, v41;
	_ =	sdelay $0x1  }
0x348: {  	v13 =	vadd.f32 v13, v11;
	_ =	sdelay $0x1  }
0x349: {  	v13 =	vadd.f32 v42, v13  }
0x34a: {  	v43 =	vpop (erf)  }
0x34b: {  	v44 =	vadd.f32 v30, v27;
	v13 =	vsub.f32 $0.0e+00, v13;
	v45 =	vpop (erf)  }
0x34c: {  	v46 =	vadd.f32 v31, v23;
	v17 =	vadd.f32 $1.000000000e+00, v45  }
0x34d: {  	v16 =	vmax.f32 v44, $0.0e+00;
	v13 =	vmul.f32 $1.442695020e+00, v13  }
0x34e: {  	v18 =	vadd.f32 v22, v46;
	v16 =	vmul.f32 v16, v12;
	(erf) = vrcp.f32 v17  }
0x34f: {  	(erf) = vpow2.f32 v13  }
0x350: {  	v48 =	vmul.f32 v19, v15;
	v47 =	vadd.f32 v16, v18  }
0x351: {  	v49 =	vld [tilespmem:s2+$0x117D0]  }
0x352: {  	v13 =	vadd.f32 v48, v47;
	_ =	sdelay $0x1  }
0x353: {  	v13 =	vadd.f32 v13, v11;
	_ =	sdelay $0x1  }
0x354: {  	v13 =	vadd.f32 v49, v13  }
0x355: {  	v50 =	vpop (erf)  }
0x356: {  	v13 =	vsub.f32 $0.0e+00, v13;
	v51 =	vpop (erf)  }
0x357: {  	v52 =	vadd.f32 v25, v21;
	v17 =	vadd.f32 $1.000000000e+00, v51  }
0x358: {  	v53 =	vmax.f32 v32, $0.0e+00;
	v54 =	vadd.f32 v35, v33;
	v13 =	vmul.f32 $1.442695020e+00, v13  }
0x359: {  	v55 =	vmul.f32 v53, v12;
	v18 =	vadd.f32 v24, v52;
	(erf) = vrcp.f32 v17  }
0x35a: {  	v56 =	vmax.f32 v54, $0.0e+00;
	(erf) = vpow2.f32 v13  }
0x35b: {  	v57 =	vmul.f32 v56, v15;
	v12 =	vadd.f32 v55, v18  }
0x35c: {  	v58 =	vld [tilespmem:s2+$0x117E0]  }
0x35d: {  	v12 =	vadd.f32 v57, v12;
	_ =	sdelay $0x1  }
0x35e: {  	v12 =	vadd.f32 v12, v11;
	_ =	sdelay $0x1  }
0x35f: {  	v12 =	vadd.f32 v58, v12  }
0x360: {  	v59 =	vpop (erf)  }
0x361: {  	v12 =	vsub.f32 $0.0e+00, v12;
	v60 =	vpop (erf)  }
0x362: {  	v15 =	vadd.f32 $1.000000000e+00, v60  }
0x363: {  	v12 =	vmul.f32 $1.442695020e+00, v12  }
0x364: {  	(erf) = vrcp.f32 v15  }
0x365: {  	(erf) = vpow2.f32 v12;
	_ =	sdelay $0x7  }
0x366: {  	v61 =	vpop (erf)  }
0x367: {  	v62 =	vpop (erf)  }
0x368: {  	v15 =	vadd.f32 $1.000000000e+00, v62;
	_ =	sdelay $0x1  }
0x369: {  	(erf) = vrcp.f32 v15;
	_ =	sdelay $0x5  }
.Ltmp7:
0x36a: {  	[tilespmem:s2+$0x13EB0] =	vst v43;
	(pc) =	sbr.rel @p0 .LBB2_14-.Ltmp7, $4  }
0x36b: {  	[tilespmem:s2+$0x13EC0] =	vst v50  }
0x36c: {  	[tilespmem:s2+$0x13ED0] =	vst v59  }
0x36d: {  	[tilespmem:s2+$0x13EE0] =	vst v61;
	v63 =	vpop (erf)  }
0x36e: {  	[tilespmem:s2+$0x13EF0] =	vst v63  }
.Ltmp8:
0x36f: {  	(pc) =	sbr.rel .LBB2_2-.Ltmp8, $4  }
0x370: {  	s6 =	sadd.s32 $0x2D0, s2  }
0x371: {  	[tilespmem:s0], [sflag:$0x5] =	stream.indirect.gather [hbm4b:s4+s17], $0x40, s6, s17, $0xb8;
	[tilespmem:$0x16490] =	vst v63  }
0x372: {  	s30 =	sadd.s32 $0x29E0, s2;
	s1 =	sadd.s32 $0x1, s1  }
0x373: {  	[tilespmem:s14], [sflag:$0xA] =	stream.indirect.gather [hbm4b:s5+s17], $0x40, s30, s17, $0xb8;
	[tilespmem:$0x16490] =	vst v63  }
.LBB2_15:
0x374: {  	_ =	sfence.sel $0x180000  }
0x375: {  	[bflag:$0x0] =	sbarrier.arrive $0xFFFF  }
0x376: {  	_ =	strace $0x9000004D  }
0x377: {  	s0 =	stileid.u32;
	[bflag:$0x2] =	sbarrier.arrive $0xFFFF  }
0x378: {  	p0 =	sne.s32 s0, $0x0;
	s0 =	rddreg [dreg:$0x2]  }
0x379: {  	s0 =	sadd.s32 @!p0 $0x100000, s0  }
0x37a: {  	[sflag:s0] =	ssyncadd.tile.s32 @!p0 $0x1;
	_ =	shalt  }
.Lfunc_end2:
_tile_overlayer_lowered:
.L_overlay_start_2:
0x37b: {  	(tag) =	ssettag $0x2  }
0x37c: {  	s0 =	rddreg [dreg:$0x0];
	s2 =	stileid.u32  }
0x37d: {  	s1 =	rddreg [dreg:$0x1];
	p0 =	sne.s32 s2, $0x0  }
0x37e: {  	s3 =	rddreg [dreg:$0x2];
	[bflag:$0x3] =	sbarrier.arrive $0xFFFF;
	s2 =	simm.s32 @!p0 $0x1C0B  }
0x37f: {  	[timem:s3], [sflag:s2] =	dma.local @!p0 [hbm:s0], s1  }
0x380: {  	s0 =	simm.s32 @!p0 $0xB  }
0x381: {  	_ =	swait.ge @!p0 [sflag:s0], s1  }
0x382: {  	s1 =	ssub.s32 @!p0 $0x0, s1;
	[sflag:s0] =	ssyncset.done @!p0 $0x0  }
0x383: {  	[sflag:s0] =	ssyncadd.s32 @!p0 s1  }
0x384: {  	[bflag:$0x3] =	sbarrier.arrive $0xFFFF  }
0x385: {  	_ =	shalt  }

// kernel: kernel.8.cloned.1.call-start
scs
__scs_entry_jumppad:
0x0: {  	(pc) =	sbr.rel $0x88, $3  }
0x1: {  	(tag) =	ssettag $0x0;
	lr =	simm.s32 $0x1  }
0x2: {  	[smem:$0x3F98] =	sst lr;
	_ =	strace $0xD0000000  }
0x3: {  	_ = 	snop  }
0x4: {  	_ = 	snop  }
0x5: {  	_ = 	snop  }
0x6: {  	_ = 	snop  }
0x7: {  	_ = 	snop  }
__scs_overlays_trampoline_lowered:
0x8: {  	[smem:$0x3FA7] =	sst s0  }
0x9: {  	[smem:$0x3FA8] =	sst s1  }
0xa: {  	[smem:$0x3FA9] =	sst s2  }
0xb: {  	[smem:$0x3FAA] =	sst s3  }
0xc: {  	[smem:$0x3FAB] =	sst s4  }
0xd: {  	[smem:$0x3FAC] =	sst s5  }
0xe: {  	[smem:$0x3FAD] =	sst s6  }
0xf: {  	[smem:$0x3FAE] =	sst s7  }
0x10: {  	[smem:$0x3FAF] =	sst s8  }
0x11: {  	[smem:$0x3FB0] =	sst s9;
	s0 =	simm.s32 @!p0 $0x0  }
0x12: {  	s1 =	sld [smem:$0x3F96];
	s0 =	simm.s32 @p0 $0x1  }
0x13: {  	[smem:$0x3FB1] =	sst s0;
	s0 =	simm.s32 @!p1 $0x0  }
0x14: {  	s2 =	sld [smem:$0x3F95];
	s0 =	simm.s32 @p1 $0x1  }
0x15: {  	[smem:$0x3FB2] =	sst s0;
	s0 =	simm.s32 @!p2 $0x0  }
0x16: {  	s3 =	sld [smem:$0x3FDB];
	s0 =	simm.s32 @p2 $0x1  }
0x17: {  	s4 =	simm.s32 $0x1BF5;
	[smem:$0x3FB4] =	sst s0  }
0x18: {  	s0 =	sld [smem:$0x3F97];
	_ =	swait.ge [sflag:s4], $0x0  }
0x19: {  	s7 =	sld [smem:$0x3F98]  }
0x1a: {  	s8 =	sadd.s32 $0xFFFFE003, lr  }
0x1b: {  	s9 =	sadd.s32 $0xFFFFFEF7, lr;
	s5 =	simm.s32 $0xFFFFFFFF;
	p2 =	slt.u32 s8, $0xFFFFF086  }
0x1c: {  	p1 =	slt.u32 s9, $0xF7A;
	s5 =	simm.s32 @!p2 $0x0  }
0x1d: {  	s5 =	simm.s32 @p1 $0x1;
	p0 =	seq.s32 s7, s2  }
0x1e: {  	s7 =	smul.u32 @!p0 $0xF7A, s2;
	p2 =	seq.s32 @!p0 s5, $0x0  }
0x1f: {  	s9 =	smul.u32 $0xF7A, s1;
	s8 =	simm.s32 @!p0 $0x1BF5;
	p2 =	por !p2, p0  }
0x20: {  	[sflag:s8] =	ssyncset.s32 @!p0 $0xFFFFF086;
	s6 =	sadd.s32 @!p0 s3, s7;
	s7 =	simm.s32 @!p0 $0x108  }
0x21: {  	s3 =	sadd.s32 s3, s9;
	s6 =	sadd.s32 @!p0 $0x88, s6;
	s7 =	simm.s32 @p2 $0x1082  }
0x22: {  	[simem:s7], [sflag:s8] =	dma.local @!p0 [hbm:s6], $0xF7A  }
0x23: {  	s9 =	sor.u32 $0xD0000000, s2;
	s6 =	simm.s32 $0x108;
	_ =	swait.ge @!p0 [sflag:s8], $0x0  }
0x24: {  	s3 =	sadd.s32 $0x88, s3;
	s6 =	simm.s32 @!p1 $0x1082;
	[sflag:s4] =	ssyncset.s32 $0xFFFFF086  }
0x25: {  	[simem:s6], [sflag:s4] =	dma.local [hbm:s3], $0xF7A  }
0x26: {  	[smem:$0x3F98] =	sst s1;
	(tag) =	ssettag s2;
	_ =	strace s9  }
0x27: {  	s1 =	sld [smem:$0x3FA8]  }
0x28: {  	s2 =	sld [smem:$0x3FA9]  }
0x29: {  	s4 =	sld [smem:$0x3FAB]  }
0x2a: {  	p0 =	seq.s32 s5, $0x0;
	s5 =	sld [smem:$0x3FAC]  }
0x2b: {  	s6 =	sld [smem:$0x3FAD]  }
0x2c: {  	s7 =	sld [smem:$0x3FAE]  }
0x2d: {  	s3 =	simm.s32 $0x108;
	s8 =	sld [smem:$0x3FAF]  }
0x2e: {  	s3 =	simm.s32 @!p0 $0x1082;
	s9 =	sld [smem:$0x3FB0]  }
0x2f: {  	lr =	sadd.s32 s0, s3;
	s0 =	sld [smem:$0x3FA7]  }
0x30: {  	s3 =	sld [smem:$0x3FAA]  }
0x31: {  	[smem:$0x3FB3] =	sst s10  }
0x32: {  	s10 =	sld [smem:$0x3FB1];
	_ =	sdelay $0x3  }
0x33: {  	p0 =	seq.s32 s10, $0x1;
	s10 =	sld [smem:$0x3FB3];
	_ =	sdelay $0x3  }
0x34: {  	[smem:$0x3FB3] =	sst s10  }
0x35: {  	s10 =	sld [smem:$0x3FB2];
	_ =	sdelay $0x3  }
0x36: {  	p1 =	seq.s32 s10, $0x1;
	s10 =	sld [smem:$0x3FB3];
	_ =	sdelay $0x3  }
0x37: {  	[smem:$0x3FB3] =	sst s10  }
0x38: {  	s10 =	sld [smem:$0x3FB4]  }
0x39: {  	_ = 	snop;
	(pc) =	sbr.ind lr, $3  }
0x3a: {  	_ = 	snop  }
0x3b: {  	_ = 	snop  }
0x3c: {  	p2 =	seq.s32 s10, $0x1;
	s10 =	sld [smem:$0x3FB3]  }
0x3d: {  	_ =	shalt  }
0x3e: {  	_ =	shalt  }
0x3f: {  	_ =	shalt  }
0x40: {  	_ =	shalt  }
0x41: {  	_ =	shalt  }
0x42: {  	_ =	shalt  }
0x43: {  	_ =	shalt  }
0x44: {  	_ =	shalt  }
0x45: {  	_ =	shalt  }
0x46: {  	_ =	shalt  }
0x47: {  	_ =	shalt  }
0x48: {  	_ =	shalt  }
0x49: {  	_ =	shalt  }
0x4a: {  	_ =	shalt  }
0x4b: {  	_ =	shalt  }
0x4c: {  	_ =	shalt  }
0x4d: {  	_ =	shalt  }
0x4e: {  	_ =	shalt  }
0x4f: {  	_ =	shalt  }
0x50: {  	_ =	shalt  }
0x51: {  	_ =	shalt  }
0x52: {  	_ =	shalt  }
0x53: {  	_ =	shalt  }
0x54: {  	_ =	shalt  }
0x55: {  	_ =	shalt  }
0x56: {  	_ =	shalt  }
0x57: {  	_ =	shalt  }
0x58: {  	_ =	shalt  }
0x59: {  	_ =	shalt  }
0x5a: {  	_ =	shalt  }
0x5b: {  	_ =	shalt  }
0x5c: {  	_ =	shalt  }
0x5d: {  	_ =	shalt  }
0x5e: {  	_ =	shalt  }
0x5f: {  	_ =	shalt  }
0x60: {  	_ =	shalt  }
0x61: {  	_ =	shalt  }
0x62: {  	_ =	shalt  }
0x63: {  	_ =	shalt  }
0x64: {  	_ =	shalt  }
0x65: {  	_ =	shalt  }
0x66: {  	_ =	shalt  }
0x67: {  	_ =	shalt  }
0x68: {  	_ =	shalt  }
0x69: {  	_ =	shalt  }
0x6a: {  	_ =	shalt  }
0x6b: {  	_ =	shalt  }
0x6c: {  	_ =	shalt  }
0x6d: {  	_ =	shalt  }
0x6e: {  	_ =	shalt  }
0x6f: {  	_ =	shalt  }
0x70: {  	_ =	shalt  }
0x71: {  	_ =	shalt  }
0x72: {  	_ =	shalt  }
0x73: {  	_ =	shalt  }
0x74: {  	_ =	shalt  }
0x75: {  	_ =	shalt  }
0x76: {  	_ =	shalt  }
0x77: {  	_ =	shalt  }
0x78: {  	_ =	shalt  }
0x79: {  	_ =	shalt  }
0x7a: {  	_ =	shalt  }
0x7b: {  	_ =	shalt  }
0x7c: {  	_ =	shalt  }
0x7d: {  	_ =	shalt  }
0x7e: {  	_ =	shalt  }
0x7f: {  	_ =	shalt  }
0x80: {  	_ =	shalt  }
0x81: {  	_ =	shalt  }
0x82: {  	_ =	shalt  }
0x83: {  	_ =	shalt  }
0x84: {  	_ =	shalt  }
0x85: {  	_ =	shalt  }
0x86: {  	_ =	shalt  }
0x87: {  	_ =	shalt  }
.Lfunc_end0:
.L_simem_size_0:
called_computation_lowered:
.L_overlay_start_0:
0x88: {  	s2 =	sld [smem:$0x3FD9]  }
0x89: {  	s3 =	sld [smem:$0x3FFE];
	_ =	sdelay $0x1  }
0x8a: {  	s1 =	srdreg.scid  }
0x8b: {  	s0 =	sand.u32 $0x1, s1  }
0x8c: {  	s17 =	sshll.u32 s0, $0xA;
	s2 =	sadd.s32 s3, s2  }
0x8d: {  	s2 =	sadd.s32 s2, s17  }
0x8e: {  	[smem:$0x3FBF] =	sst s2  }
0x8f: {  	_ = 	snop  }
0x90: {  	s2 =	sld [smem:$0x3FD0];
	(tm) =	ssettm $0x1  }
0x91: {  	s18 =	sld [smem:$0x3FFB];
	_ =	sdelay $0x3  }
0x92: {  	_ =	strace s18  }
0x93: {  	s3 =	sld [smem:$0x3FFC];
	_ =	sdelay $0x3  }
0x94: {  	_ =	strace s3  }
0x95: {  	s3 =	sld [smem:$0x3FFD];
	_ =	sdelay $0x3  }
0x96: {  	_ =	strace s3  }
0x97: {  	_ =	strace $0x8FFFFFFF  }
0x98: {  	s19 =	sld [smem:$0x3FDB];
	_ =	sdelay $0x1  }
0x99: {  	s4 =	simm.s32 $_scs_section_size  }
0x9a: {  	s5 =	simm.s32 $_size__tile_overlayer_lowered;
	s6 =	simm.s32 $_tile_overlayer_lowered  }
0x9b: {  	s22 =	simm.s32 $0x1BFF;
	s21 =	sshll.u32 s6, $0x1;
	s3 =	sadd.s32 s4, s19  }
0x9c: {  	s7 =	simm.s32 $0x0;
	s20 =	sshll.u32 s5, $0x1;
	s5 =	sadd.s32 s21, s3  }
0x9d: {  	[timem:s7], [sflag:s22] =	dma.local [hbm:s5], s20  }
0x9e: {  	_ =	swait.ge [sflag:s22], s20  }
0x9f: {  	s4 =	ssub.s32 $0x0, s20;
	[sflag:s22] =	ssyncset.done $0x0  }
0xa0: {  	[sflag:s22] =	ssyncadd.s32 s4;
	_ =	sdelay $0x1  }
0xa1: {  	s23 =	simm.s32 $0x1B8B  }
0xa2: {  	_ =	swait.ge [sflag:s23], $0x1  }
0xa3: {  	[sflag:s23] =	ssyncset.done $0x0  }
0xa4: {  	s25 =	simm.s32 $0x1B8E;
	s24 =	sld [smem:$0x3FFE];
	[sflag:s23] =	ssyncadd.s32 $0xFFFFFFFF  }
0xa5: {  	s26 =	simm.s32 $execute0_lowered;
	[smem:$0x3FD2] =	sst s25  }
0xa6: {  	s5 =	sshll.u32 s26, $0x1;
	_ =	strace $0x80000046;
	[dreg:$0x1] =	wrdreg $0xFFFFFFFF  }
0xa7: {  	s28 =	simm.s32 $_size_execute0_lowered;
	s3 =	sadd.s32 s3, s5;
	[dreg:$0x0] =	wrdreg $0x0  }
0xa8: {  	s5 =	sshll.u32 s28, $0x1;
	[dreg:$0x2] =	wrdreg s3  }
0xa9: {  	[dreg:$0x3] =	wrdreg s5  }
0xaa: {  	[dreg:$0x4] =	wrdreg $0xC0  }
0xab: {  	_ =	task [dreg:s7], $0x5FFFF  }
0xac: {  	[dreg:$0x1] =	wrdreg $0xFFFFFFFF  }
0xad: {  	[dreg:$0x0] =	wrdreg $0x60  }
0xae: {  	[dreg:$0x2] =	wrdreg s24  }
0xaf: {  	[dreg:$0x3] =	wrdreg s2  }
0xb0: {  	[dreg:$0x4] =	wrdreg $0x9  }
0xb1: {  	_ =	task.clear_ibuf [dreg:s7], $0x5FFFF;
	_ =	strace $0x90000046  }
0xb2: {  	s29 =	simm.s32 $0x9;
	_ =	strace $0x80000048  }
0xb3: {  	_ =	swait.ge [sflag:s29], $0x1  }
0xb4: {  	[sflag:s29] =	ssyncadd.s32 $0xFFFFFFFF  }
0xb5: {  	_ =	strace $0x90000048  }
0xb6: {  	_ =	sfence  }
0xb7: {  	s30 =	sld [smem:$0x0];
	_ =	sdelay $0x2  }
0xb8: {  	s31 =	sshll.u32 s1, $0xD;
	s1 =	sshrl.u32 s1, $0x2  }
0xb9: {  	s3 =	sand.u32 $0x4000, s31;
	s1 =	sadd.s32 s1, s30  }
0xba: {  	s0 =	sor.u32 s3, s0;
	s1 =	sshll.u32 s1, $0x11  }
0xbb: {  	s0 =	sor.u32 s1, s0  }
0xbc: {  	s0 =	sadd.s32 $0x8F2B, s0  }
0xbd: {  	[sflag:s0] =	ssyncadd.remote.s32 $0x1  }
0xbe: {  	_ =	sfence.sel $0xFFFF  }
0xbf: {  	[dreg:$0x0] =	wrdreg $0xFFFFFFFF;
	(pc) =	sbr.abs _section_cstart, $3  }
0xc0: {  	[dreg:$0x1] =	wrdreg $0xFFFFFFFF  }
0xc1: {  	_ =	task.clear_ibuf [dreg:s7], $0x2FFFF;
	_ =	strace $0x9FFFFFFF  }
0xc2: {  	(tm) =	ssettm $0x7FFFFFFF  }
0xc3: {  	_ =	shalt  }
tec
execute0_lowered:
.L_overlay_start_1:
0x0: {  	(tag) =	ssettag $0x1  }
0x1: {  	s1 =	srdreg.scid;
	s0 =	stileid.u32  }
0x2: {  	s4 =	rddreg [dreg:$0x0];
	s5 =	sand.u32 $0x1, s1;
	s3 =	sshll.u32 s0, $0x1  }
0x3: {  	s2 =	rddreg [dreg:$0x1];
	s6 =	sor.u32 s5, s3  }
0x4: {  	s8 =	simm.s32 $0x2710;
	s9 =	simm.s32 $0x0;
	s6 =	smul.u32 $0x4E2, s6  }
0x5: {  	s1 =	rddreg [dreg:$0x2];
	s3 =	simm.s32 $0x0;
	s5 =	ssub.s32 $0x2, s5  }
0x6: {  	[smem:$0x7FF] =	sst s3;
	s7 =	sshrl.u32 s5, $0x1;
	s6 =	sadd.s32 s6, s4  }
0x7: {  	_ =	strace $0x80000047;
	s7 =	ssub.s32 s5, s7;
	s4 =	sadd.s32 $0x2C00, s6  }
0x8: {  	v0 =	vimm.f32 $1.000000000e+00;
	s5 =	sadd.s32 $0x16800, s6;
	s6 =	smax.u32 s7, $0x1;
	s7 =	simm.s32 $0x1  }
.LBB2_1:
0x9: {  	[tilespmem:s3], [sflag:$0x1] =	stream.linear.gather [hbm4b:s4+s3], $0x2710, $0x38;
	[tilespmem:$0x4E20] =	vst v63  }
0xa: {  	_ =	swait.ge [sflag:s7], $0x2710  }
0xb: {  	[sflag:s7] =	ssyncset.done $0x0  }
0xc: {  	[sflag:s7] =	ssyncadd.s32 $0xFFFFD8F0  }
0xd: {  	[tilespmem:s8], [sflag:$0x1] =	stream.linear.gather [hbm4b:s2+s3], $0x2710, $0x38;
	[tilespmem:$0x4E20] =	vst v63  }
0xe: {  	_ =	swait.ge [sflag:s7], $0x2710  }
0xf: {  	[sflag:s7] =	ssyncset.done $0x0  }
0x10: {  	s10 =	simm.s32 $0xFFFFFFFC;
	s11 =	simm.s32 $0x20;
	[sflag:s7] =	ssyncadd.s32 $0xFFFFD8F0  }
.LBB2_2:
0x11: {  	v1 =	vld [tilespmem:s11+$0xFFFFFFE0];
	_ =	sdelay $0x7  }
0x12: {  	[tilespmem:v1+s8+$0x0] =	vst.idx.add.f32.msk $0xffff, v0  }
0x13: {  	v1 =	vld [tilespmem:s11+$0xFFFFFFF0];
	_ =	sdelay $0x7  }
0x14: {  	[tilespmem:v1+s8+$0x0] =	vst.idx.add.f32.msk $0xffff, v0  }
0x15: {  	v1 =	vld [tilespmem:s11+$0x0];
	_ =	sdelay $0x7  }
0x16: {  	[tilespmem:v1+s8+$0x0] =	vst.idx.add.f32.msk $0xffff, v0  }
0x17: {  	v1 =	vld [tilespmem:s11+$0x10];
	_ =	sdelay $0x1  }
0x18: {  	s10 =	sadd.s32 $0x4, s10  }
0x19: {  	p0 =	slt.u32 s10, $0x26C  }
.Ltmp0:
0x1a: {  	_ = 	snop;
	(pc) =	sbr.rel @p0 .LBB2_2-.Ltmp0, $2  }
0x1b: {  	_ =	sdelay $0x2  }
0x1c: {  	s11 =	sadd.s32 $0x40, s11;
	[tilespmem:v1+s8+$0x0] =	vst.idx.add.f32.msk $0xffff, v0  }
0x1d: {  	v1 =	vld [tilespmem:$0x2700];
	_ =	sdelay $0x5  }
0x1e: {  	s9 =	sadd.s32 $0x1, s9  }
0x1f: {  	p0 =	sne.s32 s9, s6  }
.Ltmp1:
0x20: {  	[tilespmem:v1+s8+$0x0] =	vst.idx.add.f32.msk $0xffff, v0;
	(pc) =	sbr.rel @p0 .LBB2_1-.Ltmp1, $4  }
0x21: {  	[hbm4b:s5+s3] =	stream.linear.scatter [tilespmem:s8], [sflag:$0x1], $0x2710, $0x38;
	[tilespmem:$0x4E20] =	vst v63  }
0x22: {  	_ =	swait.ge [sflag:s7], $0x2710  }
0x23: {  	[sflag:s7] =	ssyncset.done $0x0  }
0x24: {  	[sflag:s7] =	ssyncadd.s32 $0xFFFFD8F0  }
0x25: {  	_ =	sfence.sel $0x180000  }
0x26: {  	[bflag:$0x0] =	sbarrier.arrive $0xFFFF  }
0x27: {  	p0 =	sne.s32 s0, $0x0;
	_ =	strace $0x90000047  }
0x28: {  	s0 =	sadd.s32 @!p0 $0x100000, s1;
	[bflag:$0x2] =	sbarrier.arrive $0xFFFF  }
0x29: {  	[sflag:s0] =	ssyncadd.tile.s32 @!p0 $0x1;
	_ =	shalt  }
.Lfunc_end2:
_tile_overlayer_lowered:
.L_overlay_start_2:
0x2a: {  	(tag) =	ssettag $0x2  }
0x2b: {  	s0 =	rddreg [dreg:$0x0];
	s2 =	stileid.u32  }
0x2c: {  	s1 =	rddreg [dreg:$0x1];
	p0 =	sne.s32 s2, $0x0  }
0x2d: {  	s3 =	rddreg [dreg:$0x2];
	[bflag:$0x3] =	sbarrier.arrive $0xFFFF;
	s2 =	simm.s32 @!p0 $0x1C01  }
0x2e: {  	[timem:s3], [sflag:s2] =	dma.local @!p0 [hbm:s0], s1  }
0x2f: {  	s0 =	simm.s32 @!p0 $0x1  }
0x30: {  	_ =	swait.ge @!p0 [sflag:s0], s1  }
0x31: {  	s1 =	ssub.s32 @!p0 $0x0, s1;
	[sflag:s0] =	ssyncset.done @!p0 $0x0  }
0x32: {  	[sflag:s0] =	ssyncadd.s32 @!p0 s1  }
0x33: {  	[bflag:$0x3] =	sbarrier.arrive $0xFFFF  }
0x34: {  	_ =	shalt  }

</sc_bundles>
